<compile_context>
chip_gen: v7x
topology: tpu7x:2x2x1
jax: 0.10.2.dev20260603
libtpu: 0.0.44.dev20260713+nightly
codegen_flags: <defaults>
</compile_context>

<pallas_src>
import functools

import jax
import jax.numpy as jnp
from jax import lax
from jax.experimental import pallas as pl
from jax.experimental.pallas import tpu as pltpu
from jax.experimental.pallas import tpu_sc as plsc

N = 10000
E = 320000
D = 128
DW = 16
NPAD = 10240

NC = 2
NS = 16
E_PER_W = E // (NC * NS)
CHUNK = 80
NCHUNK = E_PER_W // CHUNK

ROWS_PER_SUB = NPAD // NS
DRAIN = 64
NDRAIN = ROWS_PER_SUB // DRAIN


def _sc_agg_body(with_deg, *refs):
    if with_deg:
        (x_hbm, src_hbm, dst_hbm, out_hbm, dout_hbm,
         idx0, idx1, idx2, idx3, rows0, rows1, buf, ones, dbuf, acc, dacc,
         semi0, semi1, semi2, semi3, semg0, semg1) = refs
    else:
        (x_hbm, src_hbm, dst_hbm, out_hbm,
         idx0, idx1, idx2, idx3, rows0, rows1, buf, acc,
         semi0, semi1, semi2, semi3, semg0, semg1) = refs

    c = lax.axis_index("c")
    s = lax.axis_index("s")
    base = (c * NS + s) * E_PER_W

    def _e0(ch):
        return base + jnp.minimum(ch, NCHUNK - 1) * CHUNK

    def start_idx(ch, idx, sem):
        o = _e0(ch)
        pltpu.async_copy(src_hbm.at[pl.ds(o, CHUNK)], idx.at[0], sem)
        pltpu.async_copy(dst_hbm.at[pl.ds(o, CHUNK)], idx.at[1], sem)

    def wait_idx(ch, idx, sem):
        o = _e0(ch)
        pltpu.make_async_copy(src_hbm.at[pl.ds(o, CHUNK)], idx.at[0], sem).wait()
        pltpu.make_async_copy(dst_hbm.at[pl.ds(o, CHUNK)], idx.at[1], sem).wait()

    def start_g(idx, rows, sem):
        pltpu.async_copy(x_hbm.at[idx.at[0]], rows, sem)

    def wait_g(idx, rows, sem):
        pltpu.make_async_copy(x_hbm.at[idx.at[0]], rows, sem).wait()

    def scat(idx, rows):
        pltpu.sync_copy(rows, acc.at[idx.at[1]], add=True)
        if with_deg:
            pltpu.sync_copy(ones, dacc.at[idx.at[1]], add=True)

    start_idx(0, idx0, semi0)
    start_idx(1, idx1, semi1)
    start_idx(2, idx2, semi2)
    start_idx(3, idx3, semi3)
    wait_idx(0, idx0, semi0)
    start_g(idx0, rows0, semg0)

    def _zero_row(r, _):
        for k in range(D // 16):
            buf[r, pl.ds(k * 16, 16)] = jnp.zeros((16,), jnp.float32)
        return 0
    lax.fori_loop(0, DRAIN, _zero_row, 0)
    for j in range(NDRAIN):
        pltpu.sync_copy(buf, acc.at[pl.ds(s * ROWS_PER_SUB + j * DRAIN, DRAIN)])
    if with_deg:
        def _fill_small(r, _):
            ones[r, pl.ds(0, DW)] = jnp.ones((DW,), jnp.float32)
            return 0
        lax.fori_loop(0, CHUNK, _fill_small, 0)

        def _zero_small(r, _):
            dbuf[r, pl.ds(0, DW)] = jnp.zeros((DW,), jnp.float32)
            return 0
        lax.fori_loop(0, DRAIN, _zero_small, 0)
        for j in range(NDRAIN):
            pltpu.sync_copy(
                dbuf, dacc.at[pl.ds(s * ROWS_PER_SUB + j * DRAIN, DRAIN)])
    plsc.subcore_barrier()

    def _quad(i, _):
        c0 = 4 * i
        ring = ((idx0, semi0, rows0, semg0), (idx1, semi1, rows1, semg1),
                (idx2, semi2, rows0, semg0), (idx3, semi3, rows1, semg1),
                (idx0, semi0, rows0, semg0))
        for k in range(4):
            idx_n, semi_n, rows_n, semg_n = ring[k + 1]
            idx_c, _, rows_c, semg_c = ring[k]
            wait_idx(c0 + k + 1, idx_n, semi_n)
            start_g(idx_n, rows_n, semg_n)
            wait_g(idx_c, rows_c, semg_c)
            scat(idx_c, rows_c)
            start_idx(c0 + k + 4, idx_c, ring[k][1])
        return 0
    lax.fori_loop(0, NCHUNK // 4, _quad, 0)

    wait_g(idx0, rows0, semg0)
    scat(idx0, rows0)
    wait_idx(NCHUNK, idx1, semi1)
    wait_idx(NCHUNK, idx2, semi2)
    wait_idx(NCHUNK, idx3, semi3)
    plsc.subcore_barrier()

    r0 = s * ROWS_PER_SUB
    pltpu.sync_copy(acc.at[pl.ds(r0, ROWS_PER_SUB)],
                    out_hbm.at[pl.ds(c * NPAD + r0, ROWS_PER_SUB)])
    if with_deg:
        pltpu.sync_copy(dacc.at[pl.ds(r0, ROWS_PER_SUB)],
                        dout_hbm.at[pl.ds(c * NPAD + r0, ROWS_PER_SUB)])


_SC_MESH = plsc.VectorSubcoreMesh(core_axis_name="c", subcore_axis_name="s")
_SC_COMMON_SCRATCH = [
    pltpu.VMEM((2, CHUNK), jnp.int32),
    pltpu.VMEM((2, CHUNK), jnp.int32),
    pltpu.VMEM((2, CHUNK), jnp.int32),
    pltpu.VMEM((2, CHUNK), jnp.int32),
    pltpu.VMEM((CHUNK, D), jnp.float32),
    pltpu.VMEM((CHUNK, D), jnp.float32),
    pltpu.VMEM((DRAIN, D), jnp.float32),
]
_SC_SEMS = [pltpu.SemaphoreType.DMA] * 6

_sc_agg_deg = pl.kernel(
    functools.partial(_sc_agg_body, True),
    out_type=(jax.ShapeDtypeStruct((2 * NPAD, D), jnp.float32),
              jax.ShapeDtypeStruct((2 * NPAD, DW), jnp.float32)),
    mesh=_SC_MESH,
    scratch_types=_SC_COMMON_SCRATCH + [
        pltpu.VMEM((CHUNK, DW), jnp.float32),
        pltpu.VMEM((DRAIN, DW), jnp.float32),
        pltpu.VMEM_SHARED((NPAD, D), jnp.float32),
        pltpu.VMEM_SHARED((NPAD, DW), jnp.float32),
    ] + _SC_SEMS,
    compiler_params=pltpu.CompilerParams(use_tc_tiling_on_sc=False),
)

_sc_agg = pl.kernel(
    functools.partial(_sc_agg_body, False),
    out_type=jax.ShapeDtypeStruct((2 * NPAD, D), jnp.float32),
    mesh=_SC_MESH,
    scratch_types=_SC_COMMON_SCRATCH + [
        pltpu.VMEM_SHARED((NPAD, D), jnp.float32),
    ] + _SC_SEMS,
    compiler_params=pltpu.CompilerParams(use_tc_tiling_on_sc=False),
)


BN = 1000


def _tc_self_body(x_ref, ws_ref, b_ref, o_ref):
    o_ref[...] = (jnp.dot(x_ref[...], ws_ref[...],
                          preferred_element_type=jnp.float32) + b_ref[...])


def _tc_self(x, W_self, b):
    return pl.pallas_call(
        _tc_self_body,
        grid=(N // BN,),
        in_specs=[
            pl.BlockSpec((BN, D), lambda i: (i, 0)),
            pl.BlockSpec((D, D), lambda i: (0, 0)),
            pl.BlockSpec((1, D), lambda i: (0, 0)),
        ],
        out_specs=pl.BlockSpec((BN, D), lambda i: (i, 0)),
        out_shape=jax.ShapeDtypeStruct((N, D), jnp.float32),
        compiler_params=pltpu.CompilerParams(
            dimension_semantics=("parallel",)),
    )(x, W_self, b)


def _tc_comb_body(ys_ref, p_ref, d_ref, wn_ref, o_ref, *, relu):
    p = p_ref[0] + p_ref[1]
    deg = (d_ref[0] + d_ref[1])[:, :1]
    h_neigh = p / jnp.maximum(deg, 1.0)
    y = ys_ref[...] + jnp.dot(h_neigh, wn_ref[...],
                              preferred_element_type=jnp.float32)
    if relu:
        y = jnp.maximum(y, 0.0)
    o_ref[...] = y


def _tc_comb(ys, partials, degp, W_neigh, *, relu):
    return pl.pallas_call(
        functools.partial(_tc_comb_body, relu=relu),
        grid=(N // BN,),
        in_specs=[
            pl.BlockSpec((BN, D), lambda i: (i, 0)),
            pl.BlockSpec((2, BN, D), lambda i: (0, i, 0)),
            pl.BlockSpec((2, BN, DW), lambda i: (0, i, 0)),
            pl.BlockSpec((D, D), lambda i: (0, 0)),
        ],
        out_specs=pl.BlockSpec((BN, D), lambda i: (i, 0)),
        out_shape=jax.ShapeDtypeStruct((N, D), jnp.float32),
        compiler_params=pltpu.CompilerParams(
            dimension_semantics=("parallel",)),
    )(ys, partials, degp, W_neigh)


def kernel(x, edge_index, W_self1, W_neigh1, b1, W_self2, W_neigh2, b2):
    ei = edge_index.astype(jnp.int32)
    src, dst = ei[0], ei[1]
    ys1 = _tc_self(x, W_self1, b1.reshape(1, D))
    p1, d1 = _sc_agg_deg(x, src, dst)
    p1 = p1.reshape(2, NPAD, D)
    d1 = d1.reshape(2, NPAD, DW)
    h1 = _tc_comb(ys1, p1, d1, W_neigh1, relu=True)
    ys2 = _tc_self(h1, W_self2, b2.reshape(1, D))
    p2 = _sc_agg(h1, src, dst).reshape(2, NPAD, D)
    return _tc_comb(ys2, p2, d1, W_neigh2, relu=False)

# --- scband reference (transcript-rebuilt; emitter-appended) ---
"""Pipeline reference for scband-link-predictor-72232759984607 (READ-ONLY COPY).

The authoritative reference and input builder live on the scoring server;
editing this copy changes nothing except your own understanding.
"""

import jax, jax.numpy as jnp
import numpy as np

N_NODES = 10000
N_EDGES = 320000
D_IN = 128
D_HID = 128


def _sage_conv(x, edge_index, W_self, W_neigh, b):
    # DGL SAGEConv with 'mean' aggregator:
    #   h_neigh_i = mean_{j in N(i)} x_j ; out_i = x_i @ W_self + h_neigh_i @ W_neigh + b
    src = edge_index[0]
    dst = edge_index[1]
    msgs = x[src]  # gather: [E, d]
    agg = jax.ops.segment_sum(msgs, dst, num_segments=x.shape[0])  # scatter-add
    deg = jax.ops.segment_sum(jnp.ones((edge_index.shape[1],), dtype=x.dtype), dst,
                              num_segments=x.shape[0])
    h_neigh = agg / jnp.clip(deg, 1.0, None)[:, None]
    return x @ W_self + h_neigh @ W_neigh + b


def setup_inputs(seed: int = 0) -> dict:
    key = jax.random.key(seed)
    k1, k2, k3, k4, k5, k6, k7, k8 = jax.random.split(key, 8)
    x = jax.random.normal(k1, (N_NODES, D_IN), dtype=jnp.float32)
    edge_index = jax.random.randint(k2, (2, N_EDGES), 0, N_NODES, dtype=jnp.int64)
    s1 = 1.0 / np.sqrt(D_IN)
    s2 = 1.0 / np.sqrt(D_HID)
    W_self1 = jax.random.uniform(k3, (D_IN, D_HID), jnp.float32, -s1, s1)
    W_neigh1 = jax.random.uniform(k4, (D_IN, D_HID), jnp.float32, -s1, s1)
    b1 = jnp.zeros((D_HID,), dtype=jnp.float32)
    W_self2 = jax.random.uniform(k5, (D_HID, D_HID), jnp.float32, -s2, s2)
    W_neigh2 = jax.random.uniform(k6, (D_HID, D_HID), jnp.float32, -s2, s2)
    b2 = jnp.zeros((D_HID,), dtype=jnp.float32)
    return {"x": x, "edge_index": edge_index,
            "W_self1": W_self1, "W_neigh1": W_neigh1, "b1": b1,
            "W_self2": W_self2, "W_neigh2": W_neigh2, "b2": b2}


def reference(x, edge_index, W_self1, W_neigh1, b1, W_self2, W_neigh2, b2):
    h = _sage_conv(x, edge_index, W_self1, W_neigh1, b1)
    h = jax.nn.relu(h)
    h = _sage_conv(h, edge_index, W_self2, W_neigh2, b2)
    return h

if __name__ == "__main__":
    import jax
    _d = setup_inputs()
    print(jax.jit(kernel)(*tuple(_d.values())))

</pallas_src>

<mosaic_0001>
#map = affine_map<(d0, d1) -> (0, 0)>
#map1 = affine_map<(d0, d1) -> (0)>
module attributes {stable_mosaic.version = 14 : i64} {
  func.func @_sc_agg_body(%arg0: i32, %arg1: i32, %arg2: memref<10000x128xf32, #tpu.memory_space<hbm>>, %arg3: memref<320000xi32, #tpu.memory_space<hbm>>, %arg4: memref<320000xi32, #tpu.memory_space<hbm>>, %arg5: memref<20480x128xf32, #tpu.memory_space<hbm>>, %arg6: memref<20480x16xf32, #tpu.memory_space<hbm>>, %arg7: memref<2x80xi32, #tpu.memory_space<vmem>>, %arg8: memref<2x80xi32, #tpu.memory_space<vmem>>, %arg9: memref<2x80xi32, #tpu.memory_space<vmem>>, %arg10: memref<2x80xi32, #tpu.memory_space<vmem>>, %arg11: memref<80x128xf32, #tpu.memory_space<vmem>>, %arg12: memref<80x128xf32, #tpu.memory_space<vmem>>, %arg13: memref<64x128xf32, #tpu.memory_space<vmem>>, %arg14: memref<80x16xf32, #tpu.memory_space<vmem>>, %arg15: memref<64x16xf32, #tpu.memory_space<vmem>>, %arg16: memref<10240x128xf32, #tpu.memory_space<vmem_shared>>, %arg17: memref<10240x16xf32, #tpu.memory_space<vmem_shared>>, %arg18: memref<!tpu.dma_semaphore, #tpu.memory_space<semaphore_mem>>, %arg19: memref<!tpu.dma_semaphore, #tpu.memory_space<semaphore_mem>>, %arg20: memref<!tpu.dma_semaphore, #tpu.memory_space<semaphore_mem>>, %arg21: memref<!tpu.dma_semaphore, #tpu.memory_space<semaphore_mem>>, %arg22: memref<!tpu.dma_semaphore, #tpu.memory_space<semaphore_mem>>, %arg23: memref<!tpu.dma_semaphore, #tpu.memory_space<semaphore_mem>>) attributes {dimension_semantics = [#tpu.dimension_semantics<core_parallel>, #tpu.dimension_semantics<subcore_parallel>], iteration_bounds = array<i64: 2, 16>, scalar_prefetch = 0 : i64, scratch_operands = 17 : i64, tpu.core_type = #tpu.core_type<sc_vector_subcore>, window_params = [{transform_indices = #map}, {transform_indices = #map1}, {transform_indices = #map1}, {transform_indices = #map}, {transform_indices = #map}]} {
    %mul3A = arith.constant 16 : i32
    %mul3A_0 = arith.muli %arg0, %mul3A : i32
    %add3A = arith.addi %mul3A_0, %arg1 : i32
    %mul3A_1 = arith.constant 10000 : i32
    %mul3A_2 = arith.muli %add3A, %mul3A_1 : i32
    %min3A = arith.constant 0 : i32
    %min3A_3 = arith.constant 124 : i32
    %min3A_4 = arith.minsi %min3A, %min3A_3 : i32
    %mul3A_5 = arith.constant 80 : i32
    %mul3A_6 = arith.muli %min3A_4, %mul3A_5 : i32
    %add3A_7 = arith.addi %mul3A_2, %mul3A_6 : i32
    %dma_start3A = arith.constant 0 : i32
    %dma_start3A_8 = arith.constant 0 : i32
    %dma_start3A_9 = tpu.memref_slice %arg7[%dma_start3A, %dma_start3A_8] : memref<2x80xi32, #tpu.memory_space<vmem>> -> memref<1x80xi32, #tpu.memory_space<vmem>>
    %dma_start3A_10 = tpu.memref_squeeze %dma_start3A_9 : memref<1x80xi32, #tpu.memory_space<vmem>> -> memref<80xi32, #tpu.memory_space<vmem>>
    %dma_start3A_11 = tpu.memref_slice %arg3[%add3A_7] : memref<320000xi32, #tpu.memory_space<hbm>> -> memref<80xi32, #tpu.memory_space<hbm>>
    %dma_start3A_12 = arith.constant 0 : i32
    %dma_start3A_13 = tpu.memref_slice %arg7[%dma_start3A, %dma_start3A_12] : memref<2x80xi32, #tpu.memory_space<vmem>> -> memref<1x80xi32, #tpu.memory_space<vmem>>
    %dma_start3A_14 = tpu.memref_squeeze %dma_start3A_13 : memref<1x80xi32, #tpu.memory_space<vmem>> -> memref<80xi32, #tpu.memory_space<vmem>>
    %dma_start3A_15 = tpu.memref_slice %arg3[%add3A_7] : memref<320000xi32, #tpu.memory_space<hbm>> -> memref<80xi32, #tpu.memory_space<hbm>>
    tpu.enqueue_dma source(%dma_start3A_15 : memref<80xi32, #tpu.memory_space<hbm>>) target(%dma_start3A_14 : memref<80xi32, #tpu.memory_space<vmem>>) target_semaphore(%arg18 : memref<!tpu.dma_semaphore, #tpu.memory_space<semaphore_mem>>)
    %dma_start3A_16 = arith.constant 1 : i32
    %dma_start3A_17 = arith.constant 0 : i32
    %dma_start3A_18 = tpu.memref_slice %arg7[%dma_start3A_16, %dma_start3A_17] : memref<2x80xi32, #tpu.memory_space<vmem>> -> memref<1x80xi32, #tpu.memory_space<vmem>>
    %dma_start3A_19 = tpu.memref_squeeze %dma_start3A_18 : memref<1x80xi32, #tpu.memory_space<vmem>> -> memref<80xi32, #tpu.memory_space<vmem>>
    %dma_start3A_20 = tpu.memref_slice %arg4[%add3A_7] : memref<320000xi32, #tpu.memory_space<hbm>> -> memref<80xi32, #tpu.memory_space<hbm>>
    %dma_start3A_21 = arith.constant 0 : i32
    %dma_start3A_22 = tpu.memref_slice %arg7[%dma_start3A_16, %dma_start3A_21] : memref<2x80xi32, #tpu.memory_space<vmem>> -> memref<1x80xi32, #tpu.memory_space<vmem>>
    %dma_start3A_23 = tpu.memref_squeeze %dma_start3A_22 : memref<1x80xi32, #tpu.memory_space<vmem>> -> memref<80xi32, #tpu.memory_space<vmem>>
    %dma_start3A_24 = tpu.memref_slice %arg4[%add3A_7] : memref<320000xi32, #tpu.memory_space<hbm>> -> memref<80xi32, #tpu.memory_space<hbm>>
    tpu.enqueue_dma source(%dma_start3A_24 : memref<80xi32, #tpu.memory_space<hbm>>) target(%dma_start3A_23 : memref<80xi32, #tpu.memory_space<vmem>>) target_semaphore(%arg18 : memref<!tpu.dma_semaphore, #tpu.memory_space<semaphore_mem>>)
    %min3A_25 = arith.constant 1 : i32
    %min3A_26 = arith.constant 124 : i32
    %min3A_27 = arith.minsi %min3A_25, %min3A_26 : i32
    %mul3A_28 = arith.constant 80 : i32
    %mul3A_29 = arith.muli %min3A_27, %mul3A_28 : i32
    %add3A_30 = arith.addi %mul3A_2, %mul3A_29 : i32
    %dma_start3A_31 = arith.constant 0 : i32
    %dma_start3A_32 = arith.constant 0 : i32
    %dma_start3A_33 = tpu.memref_slice %arg8[%dma_start3A_31, %dma_start3A_32] : memref<2x80xi32, #tpu.memory_space<vmem>> -> memref<1x80xi32, #tpu.memory_space<vmem>>
    %dma_start3A_34 = tpu.memref_squeeze %dma_start3A_33 : memref<1x80xi32, #tpu.memory_space<vmem>> -> memref<80xi32, #tpu.memory_space<vmem>>
    %dma_start3A_35 = tpu.memref_slice %arg3[%add3A_30] : memref<320000xi32, #tpu.memory_space<hbm>> -> memref<80xi32, #tpu.memory_space<hbm>>
    %dma_start3A_36 = arith.constant 0 : i32
    %dma_start3A_37 = tpu.memref_slice %arg8[%dma_start3A_31, %dma_start3A_36] : memref<2x80xi32, #tpu.memory_space<vmem>> -> memref<1x80xi32, #tpu.memory_space<vmem>>
    %dma_start3A_38 = tpu.memref_squeeze %dma_start3A_37 : memref<1x80xi32, #tpu.memory_space<vmem>> -> memref<80xi32, #tpu.memory_space<vmem>>
    %dma_start3A_39 = tpu.memref_slice %arg3[%add3A_30] : memref<320000xi32, #tpu.memory_space<hbm>> -> memref<80xi32, #tpu.memory_space<hbm>>
    tpu.enqueue_dma source(%dma_start3A_39 : memref<80xi32, #tpu.memory_space<hbm>>) target(%dma_start3A_38 : memref<80xi32, #tpu.memory_space<vmem>>) target_semaphore(%arg19 : memref<!tpu.dma_semaphore, #tpu.memory_space<semaphore_mem>>)
    %dma_start3A_40 = arith.constant 1 : i32
    %dma_start3A_41 = arith.constant 0 : i32
    %dma_start3A_42 = tpu.memref_slice %arg8[%dma_start3A_40, %dma_start3A_41] : memref<2x80xi32, #tpu.memory_space<vmem>> -> memref<1x80xi32, #tpu.memory_space<vmem>>
    %dma_start3A_43 = tpu.memref_squeeze %dma_start3A_42 : memref<1x80xi32, #tpu.memory_space<vmem>> -> memref<80xi32, #tpu.memory_space<vmem>>
    %dma_start3A_44 = tpu.memref_slice %arg4[%add3A_30] : memref<320000xi32, #tpu.memory_space<hbm>> -> memref<80xi32, #tpu.memory_space<hbm>>
    %dma_start3A_45 = arith.constant 0 : i32
    %dma_start3A_46 = tpu.memref_slice %arg8[%dma_start3A_40, %dma_start3A_45] : memref<2x80xi32, #tpu.memory_space<vmem>> -> memref<1x80xi32, #tpu.memory_space<vmem>>
    %dma_start3A_47 = tpu.memref_squeeze %dma_start3A_46 : memref<1x80xi32, #tpu.memory_space<vmem>> -> memref<80xi32, #tpu.memory_space<vmem>>
    %dma_start3A_48 = tpu.memref_slice %arg4[%add3A_30] : memref<320000xi32, #tpu.memory_space<hbm>> -> memref<80xi32, #tpu.memory_space<hbm>>
    tpu.enqueue_dma source(%dma_start3A_48 : memref<80xi32, #tpu.memory_space<hbm>>) target(%dma_start3A_47 : memref<80xi32, #tpu.memory_space<vmem>>) target_semaphore(%arg19 : memref<!tpu.dma_semaphore, #tpu.memory_space<semaphore_mem>>)
    %min3A_49 = arith.constant 2 : i32
    %min3A_50 = arith.constant 124 : i32
    %min3A_51 = arith.minsi %min3A_49, %min3A_50 : i32
    %mul3A_52 = arith.constant 80 : i32
    %mul3A_53 = arith.muli %min3A_51, %mul3A_52 : i32
    %add3A_54 = arith.addi %mul3A_2, %mul3A_53 : i32
    %dma_start3A_55 = arith.constant 0 : i32
    %dma_start3A_56 = arith.constant 0 : i32
    %dma_start3A_57 = tpu.memref_slice %arg9[%dma_start3A_55, %dma_start3A_56] : memref<2x80xi32, #tpu.memory_space<vmem>> -> memref<1x80xi32, #tpu.memory_space<vmem>>
    %dma_start3A_58 = tpu.memref_squeeze %dma_start3A_57 : memref<1x80xi32, #tpu.memory_space<vmem>> -> memref<80xi32, #tpu.memory_space<vmem>>
    %dma_start3A_59 = tpu.memref_slice %arg3[%add3A_54] : memref<320000xi32, #tpu.memory_space<hbm>> -> memref<80xi32, #tpu.memory_space<hbm>>
    %dma_start3A_60 = arith.constant 0 : i32
    %dma_start3A_61 = tpu.memref_slice %arg9[%dma_start3A_55, %dma_start3A_60] : memref<2x80xi32, #tpu.memory_space<vmem>> -> memref<1x80xi32, #tpu.memory_space<vmem>>
    %dma_start3A_62 = tpu.memref_squeeze %dma_start3A_61 : memref<1x80xi32, #tpu.memory_space<vmem>> -> memref<80xi32, #tpu.memory_space<vmem>>
    %dma_start3A_63 = tpu.memref_slice %arg3[%add3A_54] : memref<320000xi32, #tpu.memory_space<hbm>> -> memref<80xi32, #tpu.memory_space<hbm>>
    tpu.enqueue_dma source(%dma_start3A_63 : memref<80xi32, #tpu.memory_space<hbm>>) target(%dma_start3A_62 : memref<80xi32, #tpu.memory_space<vmem>>) target_semaphore(%arg20 : memref<!tpu.dma_semaphore, #tpu.memory_space<semaphore_mem>>)
    %dma_start3A_64 = arith.constant 1 : i32
    %dma_start3A_65 = arith.constant 0 : i32
    %dma_start3A_66 = tpu.memref_slice %arg9[%dma_start3A_64, %dma_start3A_65] : memref<2x80xi32, #tpu.memory_space<vmem>> -> memref<1x80xi32, #tpu.memory_space<vmem>>
    %dma_start3A_67 = tpu.memref_squeeze %dma_start3A_66 : memref<1x80xi32, #tpu.memory_space<vmem>> -> memref<80xi32, #tpu.memory_space<vmem>>
    %dma_start3A_68 = tpu.memref_slice %arg4[%add3A_54] : memref<320000xi32, #tpu.memory_space<hbm>> -> memref<80xi32, #tpu.memory_space<hbm>>
    %dma_start3A_69 = arith.constant 0 : i32
    %dma_start3A_70 = tpu.memref_slice %arg9[%dma_start3A_64, %dma_start3A_69] : memref<2x80xi32, #tpu.memory_space<vmem>> -> memref<1x80xi32, #tpu.memory_space<vmem>>
    %dma_start3A_71 = tpu.memref_squeeze %dma_start3A_70 : memref<1x80xi32, #tpu.memory_space<vmem>> -> memref<80xi32, #tpu.memory_space<vmem>>
    %dma_start3A_72 = tpu.memref_slice %arg4[%add3A_54] : memref<320000xi32, #tpu.memory_space<hbm>> -> memref<80xi32, #tpu.memory_space<hbm>>
    tpu.enqueue_dma source(%dma_start3A_72 : memref<80xi32, #tpu.memory_space<hbm>>) target(%dma_start3A_71 : memref<80xi32, #tpu.memory_space<vmem>>) target_semaphore(%arg20 : memref<!tpu.dma_semaphore, #tpu.memory_space<semaphore_mem>>)
    %min3A_73 = arith.constant 3 : i32
    %min3A_74 = arith.constant 124 : i32
    %min3A_75 = arith.minsi %min3A_73, %min3A_74 : i32
    %mul3A_76 = arith.constant 80 : i32
    %mul3A_77 = arith.muli %min3A_75, %mul3A_76 : i32
    %add3A_78 = arith.addi %mul3A_2, %mul3A_77 : i32
    %dma_start3A_79 = arith.constant 0 : i32
    %dma_start3A_80 = arith.constant 0 : i32
    %dma_start3A_81 = tpu.memref_slice %arg10[%dma_start3A_79, %dma_start3A_80] : memref<2x80xi32, #tpu.memory_space<vmem>> -> memref<1x80xi32, #tpu.memory_space<vmem>>
    %dma_start3A_82 = tpu.memref_squeeze %dma_start3A_81 : memref<1x80xi32, #tpu.memory_space<vmem>> -> memref<80xi32, #tpu.memory_space<vmem>>
    %dma_start3A_83 = tpu.memref_slice %arg3[%add3A_78] : memref<320000xi32, #tpu.memory_space<hbm>> -> memref<80xi32, #tpu.memory_space<hbm>>
    %dma_start3A_84 = arith.constant 0 : i32
    %dma_start3A_85 = tpu.memref_slice %arg10[%dma_start3A_79, %dma_start3A_84] : memref<2x80xi32, #tpu.memory_space<vmem>> -> memref<1x80xi32, #tpu.memory_space<vmem>>
    %dma_start3A_86 = tpu.memref_squeeze %dma_start3A_85 : memref<1x80xi32, #tpu.memory_space<vmem>> -> memref<80xi32, #tpu.memory_space<vmem>>
    %dma_start3A_87 = tpu.memref_slice %arg3[%add3A_78] : memref<320000xi32, #tpu.memory_space<hbm>> -> memref<80xi32, #tpu.memory_space<hbm>>
    tpu.enqueue_dma source(%dma_start3A_87 : memref<80xi32, #tpu.memory_space<hbm>>) target(%dma_start3A_86 : memref<80xi32, #tpu.memory_space<vmem>>) target_semaphore(%arg21 : memref<!tpu.dma_semaphore, #tpu.memory_space<semaphore_mem>>)
    %dma_start3A_88 = arith.constant 1 : i32
    %dma_start3A_89 = arith.constant 0 : i32
    %dma_start3A_90 = tpu.memref_slice %arg10[%dma_start3A_88, %dma_start3A_89] : memref<2x80xi32, #tpu.memory_space<vmem>> -> memref<1x80xi32, #tpu.memory_space<vmem>>
    %dma_start3A_91 = tpu.memref_squeeze %dma_start3A_90 : memref<1x80xi32, #tpu.memory_space<vmem>> -> memref<80xi32, #tpu.memory_space<vmem>>
    %dma_start3A_92 = tpu.memref_slice %arg4[%add3A_78] : memref<320000xi32, #tpu.memory_space<hbm>> -> memref<80xi32, #tpu.memory_space<hbm>>
    %dma_start3A_93 = arith.constant 0 : i32
    %dma_start3A_94 = tpu.memref_slice %arg10[%dma_start3A_88, %dma_start3A_93] : memref<2x80xi32, #tpu.memory_space<vmem>> -> memref<1x80xi32, #tpu.memory_space<vmem>>
    %dma_start3A_95 = tpu.memref_squeeze %dma_start3A_94 : memref<1x80xi32, #tpu.memory_space<vmem>> -> memref<80xi32, #tpu.memory_space<vmem>>
    %dma_start3A_96 = tpu.memref_slice %arg4[%add3A_78] : memref<320000xi32, #tpu.memory_space<hbm>> -> memref<80xi32, #tpu.memory_space<hbm>>
    tpu.enqueue_dma source(%dma_start3A_96 : memref<80xi32, #tpu.memory_space<hbm>>) target(%dma_start3A_95 : memref<80xi32, #tpu.memory_space<vmem>>) target_semaphore(%arg21 : memref<!tpu.dma_semaphore, #tpu.memory_space<semaphore_mem>>)
    %min3A_97 = arith.constant 0 : i32
    %min3A_98 = arith.constant 124 : i32
    %min3A_99 = arith.minsi %min3A_97, %min3A_98 : i32
    %mul3A_100 = arith.constant 80 : i32
    %mul3A_101 = arith.muli %min3A_99, %mul3A_100 : i32
    %add3A_102 = arith.addi %mul3A_2, %mul3A_101 : i32
    %dma_wait3A = arith.constant 0 : i32
    %dma_wait3A_103 = arith.constant 0 : i32
    %dma_wait3A_104 = tpu.memref_slice %arg7[%dma_wait3A, %dma_wait3A_103] : memref<2x80xi32, #tpu.memory_space<vmem>> -> memref<1x80xi32, #tpu.memory_space<vmem>>
    %dma_wait3A_105 = tpu.memref_squeeze %dma_wait3A_104 : memref<1x80xi32, #tpu.memory_space<vmem>> -> memref<80xi32, #tpu.memory_space<vmem>>
    %dma_wait3A_106 = tpu.memref_slice %arg3[%add3A_102] : memref<320000xi32, #tpu.memory_space<hbm>> -> memref<80xi32, #tpu.memory_space<hbm>>
    %dma_wait3A_107 = arith.constant 0 : i32
    %dma_wait3A_108 = tpu.memref_slice %arg7[%dma_wait3A, %dma_wait3A_107] : memref<2x80xi32, #tpu.memory_space<vmem>> -> memref<1x80xi32, #tpu.memory_space<vmem>>
    %dma_wait3A_109 = tpu.memref_squeeze %dma_wait3A_108 : memref<1x80xi32, #tpu.memory_space<vmem>> -> memref<80xi32, #tpu.memory_space<vmem>>
    %dma_wait3A_110 = tpu.memref_slice %arg3[%add3A_102] : memref<320000xi32, #tpu.memory_space<hbm>> -> memref<80xi32, #tpu.memory_space<hbm>>
    tpu.wait_dma2 semaphore(%arg18 : memref<!tpu.dma_semaphore, #tpu.memory_space<semaphore_mem>>) src(%dma_wait3A_110 : memref<80xi32, #tpu.memory_space<hbm>>) dst(%dma_wait3A_109 : memref<80xi32, #tpu.memory_space<vmem>>)
    %dma_wait3A_111 = arith.constant 1 : i32
    %dma_wait3A_112 = arith.constant 0 : i32
    %dma_wait3A_113 = tpu.memref_slice %arg7[%dma_wait3A_111, %dma_wait3A_112] : memref<2x80xi32, #tpu.memory_space<vmem>> -> memref<1x80xi32, #tpu.memory_space<vmem>>
    %dma_wait3A_114 = tpu.memref_squeeze %dma_wait3A_113 : memref<1x80xi32, #tpu.memory_space<vmem>> -> memref<80xi32, #tpu.memory_space<vmem>>
    %dma_wait3A_115 = tpu.memref_slice %arg4[%add3A_102] : memref<320000xi32, #tpu.memory_space<hbm>> -> memref<80xi32, #tpu.memory_space<hbm>>
    %dma_wait3A_116 = arith.constant 0 : i32
    %dma_wait3A_117 = tpu.memref_slice %arg7[%dma_wait3A_111, %dma_wait3A_116] : memref<2x80xi32, #tpu.memory_space<vmem>> -> memref<1x80xi32, #tpu.memory_space<vmem>>
    %dma_wait3A_118 = tpu.memref_squeeze %dma_wait3A_117 : memref<1x80xi32, #tpu.memory_space<vmem>> -> memref<80xi32, #tpu.memory_space<vmem>>
    %dma_wait3A_119 = tpu.memref_slice %arg4[%add3A_102] : memref<320000xi32, #tpu.memory_space<hbm>> -> memref<80xi32, #tpu.memory_space<hbm>>
    tpu.wait_dma2 semaphore(%arg18 : memref<!tpu.dma_semaphore, #tpu.memory_space<semaphore_mem>>) src(%dma_wait3A_119 : memref<80xi32, #tpu.memory_space<hbm>>) dst(%dma_wait3A_118 : memref<80xi32, #tpu.memory_space<vmem>>)
    %dma_start3A_120 = arith.constant 0 : i32
    %dma_start3A_121 = arith.constant 0 : i32
    %dma_start3A_122 = tpu.memref_slice %arg7[%dma_start3A_120, %dma_start3A_121] : memref<2x80xi32, #tpu.memory_space<vmem>> -> memref<1x80xi32, #tpu.memory_space<vmem>>
    %dma_start3A_123 = tpu.memref_squeeze %dma_start3A_122 : memref<1x80xi32, #tpu.memory_space<vmem>> -> memref<80xi32, #tpu.memory_space<vmem>>
    %dma_start3A_124 = arith.constant 0 : i32
    %dma_start3A_125 = arith.constant 0 : i32
    %dma_start3A_126 = tpu.memref_slice %arg2[%dma_start3A_124, %dma_start3A_125] : memref<10000x128xf32, #tpu.memory_space<hbm>> -> memref<10000x128xf32, #tpu.memory_space<hbm>>
    tpu.enqueue_indirect_dma source(%dma_start3A_126 : memref<10000x128xf32, #tpu.memory_space<hbm>>) target(%arg11 : memref<80x128xf32, #tpu.memory_space<vmem>>) offsets(%dma_start3A_123 : memref<80xi32, #tpu.memory_space<vmem>>) semaphore(%arg22 : memref<!tpu.dma_semaphore, #tpu.memory_space<semaphore_mem>>)
    %scan3A = arith.constant 0 : i32
    %scan3A_127 = arith.constant 0 : i32
    %scan3A_128 = arith.constant 64 : i32
    %scan3A_129 = arith.addi %scan3A_127, %scan3A_128 : i32
    %scan3A_130 = arith.constant 1 : i32
    %scan3A_131 = scf.for %scan3A_323 = %scan3A_127 to %scan3A_129 step %scan3A_130 iter_args(%scan3A_324 = %scan3A) -> (i32)  : i32 {
      %broadcast_in_dim3A = arith.constant 0.000000e+00 : f32
      %broadcast_in_dim3A_325 = vector.broadcast %broadcast_in_dim3A : f32 to vector<16xf32>
      %swap3A = arith.index_cast %scan3A_323 : i32 to index
      %swap3A_326 = arith.constant 0 : index
      %swap3A_327 = tpu.vector_load %arg13[%swap3A, %swap3A_326] {strides = array<i32>} : memref<64x128xf32, #tpu.memory_space<vmem>>, vector<1x16xf32>,
      %swap3A_328 = vector.shape_cast %swap3A_327 : vector<1x16xf32> to vector<16xf32>
      %swap3A_329 = vector.shape_cast %broadcast_in_dim3A_325 : vector<16xf32> to vector<1x16xf32>
      tpu.vector_store %arg13[%swap3A, %swap3A_326], %swap3A_329 {strides = array<i32>} : memref<64x128xf32, #tpu.memory_space<vmem>>, vector<1x16xf32>,
      %broadcast_in_dim3A_330 = arith.constant 0.000000e+00 : f32
      %broadcast_in_dim3A_331 = vector.broadcast %broadcast_in_dim3A_330 : f32 to vector<16xf32>
      %swap3A_332 = arith.index_cast %scan3A_323 : i32 to index
      %swap3A_333 = arith.constant 16 : index
      %swap3A_334 = tpu.vector_load %arg13[%swap3A_332, %swap3A_333] {strides = array<i32>} : memref<64x128xf32, #tpu.memory_space<vmem>>, vector<1x16xf32>,
      %swap3A_335 = vector.shape_cast %swap3A_334 : vector<1x16xf32> to vector<16xf32>
      %swap3A_336 = vector.shape_cast %broadcast_in_dim3A_331 : vector<16xf32> to vector<1x16xf32>
      tpu.vector_store %arg13[%swap3A_332, %swap3A_333], %swap3A_336 {strides = array<i32>} : memref<64x128xf32, #tpu.memory_space<vmem>>, vector<1x16xf32>,
      %broadcast_in_dim3A_337 = arith.constant 0.000000e+00 : f32
      %broadcast_in_dim3A_338 = vector.broadcast %broadcast_in_dim3A_337 : f32 to vector<16xf32>
      %swap3A_339 = arith.index_cast %scan3A_323 : i32 to index
      %swap3A_340 = arith.constant 32 : index
      %swap3A_341 = tpu.vector_load %arg13[%swap3A_339, %swap3A_340] {strides = array<i32>} : memref<64x128xf32, #tpu.memory_space<vmem>>, vector<1x16xf32>,
      %swap3A_342 = vector.shape_cast %swap3A_341 : vector<1x16xf32> to vector<16xf32>
      %swap3A_343 = vector.shape_cast %broadcast_in_dim3A_338 : vector<16xf32> to vector<1x16xf32>
      tpu.vector_store %arg13[%swap3A_339, %swap3A_340], %swap3A_343 {strides = array<i32>} : memref<64x128xf32, #tpu.memory_space<vmem>>, vector<1x16xf32>,
      %broadcast_in_dim3A_344 = arith.constant 0.000000e+00 : f32
      %broadcast_in_dim3A_345 = vector.broadcast %broadcast_in_dim3A_344 : f32 to vector<16xf32>
      %swap3A_346 = arith.index_cast %scan3A_323 : i32 to index
      %swap3A_347 = arith.constant 48 : index
      %swap3A_348 = tpu.vector_load %arg13[%swap3A_346, %swap3A_347] {strides = array<i32>} : memref<64x128xf32, #tpu.memory_space<vmem>>, vector<1x16xf32>,
      %swap3A_349 = vector.shape_cast %swap3A_348 : vector<1x16xf32> to vector<16xf32>
      %swap3A_350 = vector.shape_cast %broadcast_in_dim3A_345 : vector<16xf32> to vector<1x16xf32>
      tpu.vector_store %arg13[%swap3A_346, %swap3A_347], %swap3A_350 {strides = array<i32>} : memref<64x128xf32, #tpu.memory_space<vmem>>, vector<1x16xf32>,
      %broadcast_in_dim3A_351 = arith.constant 0.000000e+00 : f32
      %broadcast_in_dim3A_352 = vector.broadcast %broadcast_in_dim3A_351 : f32 to vector<16xf32>
      %swap3A_353 = arith.index_cast %scan3A_323 : i32 to index
      %swap3A_354 = arith.constant 64 : index
      %swap3A_355 = tpu.vector_load %arg13[%swap3A_353, %swap3A_354] {strides = array<i32>} : memref<64x128xf32, #tpu.memory_space<vmem>>, vector<1x16xf32>,
      %swap3A_356 = vector.shape_cast %swap3A_355 : vector<1x16xf32> to vector<16xf32>
      %swap3A_357 = vector.shape_cast %broadcast_in_dim3A_352 : vector<16xf32> to vector<1x16xf32>
      tpu.vector_store %arg13[%swap3A_353, %swap3A_354], %swap3A_357 {strides = array<i32>} : memref<64x128xf32, #tpu.memory_space<vmem>>, vector<1x16xf32>,
      %broadcast_in_dim3A_358 = arith.constant 0.000000e+00 : f32
      %broadcast_in_dim3A_359 = vector.broadcast %broadcast_in_dim3A_358 : f32 to vector<16xf32>
      %swap3A_360 = arith.index_cast %scan3A_323 : i32 to index
      %swap3A_361 = arith.constant 80 : index
      %swap3A_362 = tpu.vector_load %arg13[%swap3A_360, %swap3A_361] {strides = array<i32>} : memref<64x128xf32, #tpu.memory_space<vmem>>, vector<1x16xf32>,
      %swap3A_363 = vector.shape_cast %swap3A_362 : vector<1x16xf32> to vector<16xf32>
      %swap3A_364 = vector.shape_cast %broadcast_in_dim3A_359 : vector<16xf32> to vector<1x16xf32>
      tpu.vector_store %arg13[%swap3A_360, %swap3A_361], %swap3A_364 {strides = array<i32>} : memref<64x128xf32, #tpu.memory_space<vmem>>, vector<1x16xf32>,
      %broadcast_in_dim3A_365 = arith.constant 0.000000e+00 : f32
      %broadcast_in_dim3A_366 = vector.broadcast %broadcast_in_dim3A_365 : f32 to vector<16xf32>
      %swap3A_367 = arith.index_cast %scan3A_323 : i32 to index
      %swap3A_368 = arith.constant 96 : index
      %swap3A_369 = tpu.vector_load %arg13[%swap3A_367, %swap3A_368] {strides = array<i32>} : memref<64x128xf32, #tpu.memory_space<vmem>>, vector<1x16xf32>,
      %swap3A_370 = vector.shape_cast %swap3A_369 : vector<1x16xf32> to vector<16xf32>
      %swap3A_371 = vector.shape_cast %broadcast_in_dim3A_366 : vector<16xf32> to vector<1x16xf32>
      tpu.vector_store %arg13[%swap3A_367, %swap3A_368], %swap3A_371 {strides = array<i32>} : memref<64x128xf32, #tpu.memory_space<vmem>>, vector<1x16xf32>,
      %broadcast_in_dim3A_372 = arith.constant 0.000000e+00 : f32
      %broadcast_in_dim3A_373 = vector.broadcast %broadcast_in_dim3A_372 : f32 to vector<16xf32>
      %swap3A_374 = arith.index_cast %scan3A_323 : i32 to index
      %swap3A_375 = arith.constant 112 : index
      %swap3A_376 = tpu.vector_load %arg13[%swap3A_374, %swap3A_375] {strides = array<i32>} : memref<64x128xf32, #tpu.memory_space<vmem>>, vector<1x16xf32>,
      %swap3A_377 = vector.shape_cast %swap3A_376 : vector<1x16xf32> to vector<16xf32>
      %swap3A_378 = vector.shape_cast %broadcast_in_dim3A_373 : vector<16xf32> to vector<1x16xf32>
      tpu.vector_store %arg13[%swap3A_374, %swap3A_375], %swap3A_378 {strides = array<i32>} : memref<64x128xf32, #tpu.memory_space<vmem>>, vector<1x16xf32>,
      %scan3A_379 = arith.constant 0 : i32
      scf.yield %scan3A_379 : i32
    }
    %scan3A_132 = arith.constant 64 : i32
    %mul3A_133 = arith.constant 640 : i32
    %mul3A_134 = arith.muli %arg1, %mul3A_133 : i32
    %add3A_135 = arith.constant 0 : i32
    %add3A_136 = arith.addi %mul3A_134, %add3A_135 : i32
    "tpu.region"() ({
      %run_scoped3A_323 = tpu.sem_alloc : memref<!tpu.dma_semaphore, #tpu.memory_space<semaphore_mem>>
      %dma_start3A_324 = arith.constant 0 : i32
      %dma_start3A_325 = tpu.memref_slice %arg16[%add3A_136, %dma_start3A_324] : memref<10240x128xf32, #tpu.memory_space<vmem_shared>> -> memref<64x128xf32, #tpu.memory_space<vmem_shared>>
      %dma_start3A_326 = arith.constant 0 : i32
      %dma_start3A_327 = tpu.memref_slice %arg16[%add3A_136, %dma_start3A_326] : memref<10240x128xf32, #tpu.memory_space<vmem_shared>> -> memref<64x128xf32, #tpu.memory_space<vmem_shared>>
      tpu.enqueue_dma source(%arg13 : memref<64x128xf32, #tpu.memory_space<vmem>>) target(%dma_start3A_327 : memref<64x128xf32, #tpu.memory_space<vmem_shared>>) target_semaphore(%run_scoped3A_323 : memref<!tpu.dma_semaphore, #tpu.memory_space<semaphore_mem>>)
      %dma_wait3A_328 = arith.constant 0 : i32
      %dma_wait3A_329 = tpu.memref_slice %arg16[%add3A_136, %dma_wait3A_328] : memref<10240x128xf32, #tpu.memory_space<vmem_shared>> -> memref<64x128xf32, #tpu.memory_space<vmem_shared>>
      %dma_wait3A_330 = arith.constant 0 : i32
      %dma_wait3A_331 = tpu.memref_slice %arg16[%add3A_136, %dma_wait3A_330] : memref<10240x128xf32, #tpu.memory_space<vmem_shared>> -> memref<64x128xf32, #tpu.memory_space<vmem_shared>>
      tpu.wait_dma2 semaphore(%run_scoped3A_323 : memref<!tpu.dma_semaphore, #tpu.memory_space<semaphore_mem>>) src(%arg13 : memref<64x128xf32, #tpu.memory_space<vmem>>) dst(%dma_wait3A_331 : memref<64x128xf32, #tpu.memory_space<vmem_shared>>)
      tpu.yield
    }) : () -> ()
    %mul3A_137 = arith.constant 640 : i32
    %mul3A_138 = arith.muli %arg1, %mul3A_137 : i32
    %add3A_139 = arith.constant 64 : i32
    %add3A_140 = arith.addi %mul3A_138, %add3A_139 : i32
    "tpu.region"() ({
      %run_scoped3A_323 = tpu.sem_alloc : memref<!tpu.dma_semaphore, #tpu.memory_space<semaphore_mem>>
      %dma_start3A_324 = arith.constant 0 : i32
      %dma_start3A_325 = tpu.memref_slice %arg16[%add3A_140, %dma_start3A_324] : memref<10240x128xf32, #tpu.memory_space<vmem_shared>> -> memref<64x128xf32, #tpu.memory_space<vmem_shared>>
      %dma_start3A_326 = arith.constant 0 : i32
      %dma_start3A_327 = tpu.memref_slice %arg16[%add3A_140, %dma_start3A_326] : memref<10240x128xf32, #tpu.memory_space<vmem_shared>> -> memref<64x128xf32, #tpu.memory_space<vmem_shared>>
      tpu.enqueue_dma source(%arg13 : memref<64x128xf32, #tpu.memory_space<vmem>>) target(%dma_start3A_327 : memref<64x128xf32, #tpu.memory_space<vmem_shared>>) target_semaphore(%run_scoped3A_323 : memref<!tpu.dma_semaphore, #tpu.memory_space<semaphore_mem>>)
      %dma_wait3A_328 = arith.constant 0 : i32
      %dma_wait3A_329 = tpu.memref_slice %arg16[%add3A_140, %dma_wait3A_328] : memref<10240x128xf32, #tpu.memory_space<vmem_shared>> -> memref<64x128xf32, #tpu.memory_space<vmem_shared>>
      %dma_wait3A_330 = arith.constant 0 : i32
      %dma_wait3A_331 = tpu.memref_slice %arg16[%add3A_140, %dma_wait3A_330] : memref<10240x128xf32, #tpu.memory_space<vmem_shared>> -> memref<64x128xf32, #tpu.memory_space<vmem_shared>>
      tpu.wait_dma2 semaphore(%run_scoped3A_323 : memref<!tpu.dma_semaphore, #tpu.memory_space<semaphore_mem>>) src(%arg13 : memref<64x128xf32, #tpu.memory_space<vmem>>) dst(%dma_wait3A_331 : memref<64x128xf32, #tpu.memory_space<vmem_shared>>)
      tpu.yield
    }) : () -> ()
    %mul3A_141 = arith.constant 640 : i32
    %mul3A_142 = arith.muli %arg1, %mul3A_141 : i32
    %add3A_143 = arith.constant 128 : i32
    %add3A_144 = arith.addi %mul3A_142, %add3A_143 : i32
    "tpu.region"() ({
      %run_scoped3A_323 = tpu.sem_alloc : memref<!tpu.dma_semaphore, #tpu.memory_space<semaphore_mem>>
      %dma_start3A_324 = arith.constant 0 : i32
      %dma_start3A_325 = tpu.memref_slice %arg16[%add3A_144, %dma_start3A_324] : memref<10240x128xf32, #tpu.memory_space<vmem_shared>> -> memref<64x128xf32, #tpu.memory_space<vmem_shared>>
      %dma_start3A_326 = arith.constant 0 : i32
      %dma_start3A_327 = tpu.memref_slice %arg16[%add3A_144, %dma_start3A_326] : memref<10240x128xf32, #tpu.memory_space<vmem_shared>> -> memref<64x128xf32, #tpu.memory_space<vmem_shared>>
      tpu.enqueue_dma source(%arg13 : memref<64x128xf32, #tpu.memory_space<vmem>>) target(%dma_start3A_327 : memref<64x128xf32, #tpu.memory_space<vmem_shared>>) target_semaphore(%run_scoped3A_323 : memref<!tpu.dma_semaphore, #tpu.memory_space<semaphore_mem>>)
      %dma_wait3A_328 = arith.constant 0 : i32
      %dma_wait3A_329 = tpu.memref_slice %arg16[%add3A_144, %dma_wait3A_328] : memref<10240x128xf32, #tpu.memory_space<vmem_shared>> -> memref<64x128xf32, #tpu.memory_space<vmem_shared>>
      %dma_wait3A_330 = arith.constant 0 : i32
      %dma_wait3A_331 = tpu.memref_slice %arg16[%add3A_144, %dma_wait3A_330] : memref<10240x128xf32, #tpu.memory_space<vmem_shared>> -> memref<64x128xf32, #tpu.memory_space<vmem_shared>>
      tpu.wait_dma2 semaphore(%run_scoped3A_323 : memref<!tpu.dma_semaphore, #tpu.memory_space<semaphore_mem>>) src(%arg13 : memref<64x128xf32, #tpu.memory_space<vmem>>) dst(%dma_wait3A_331 : memref<64x128xf32, #tpu.memory_space<vmem_shared>>)
      tpu.yield
    }) : () -> ()
    %mul3A_145 = arith.constant 640 : i32
    %mul3A_146 = arith.muli %arg1, %mul3A_145 : i32
    %add3A_147 = arith.constant 192 : i32
    %add3A_148 = arith.addi %mul3A_146, %add3A_147 : i32
    "tpu.region"() ({
      %run_scoped3A_323 = tpu.sem_alloc : memref<!tpu.dma_semaphore, #tpu.memory_space<semaphore_mem>>
      %dma_start3A_324 = arith.constant 0 : i32
      %dma_start3A_325 = tpu.memref_slice %arg16[%add3A_148, %dma_start3A_324] : memref<10240x128xf32, #tpu.memory_space<vmem_shared>> -> memref<64x128xf32, #tpu.memory_space<vmem_shared>>
      %dma_start3A_326 = arith.constant 0 : i32
      %dma_start3A_327 = tpu.memref_slice %arg16[%add3A_148, %dma_start3A_326] : memref<10240x128xf32, #tpu.memory_space<vmem_shared>> -> memref<64x128xf32, #tpu.memory_space<vmem_shared>>
      tpu.enqueue_dma source(%arg13 : memref<64x128xf32, #tpu.memory_space<vmem>>) target(%dma_start3A_327 : memref<64x128xf32, #tpu.memory_space<vmem_shared>>) target_semaphore(%run_scoped3A_323 : memref<!tpu.dma_semaphore, #tpu.memory_space<semaphore_mem>>)
      %dma_wait3A_328 = arith.constant 0 : i32
      %dma_wait3A_329 = tpu.memref_slice %arg16[%add3A_148, %dma_wait3A_328] : memref<10240x128xf32, #tpu.memory_space<vmem_shared>> -> memref<64x128xf32, #tpu.memory_space<vmem_shared>>
      %dma_wait3A_330 = arith.constant 0 : i32
      %dma_wait3A_331 = tpu.memref_slice %arg16[%add3A_148, %dma_wait3A_330] : memref<10240x128xf32, #tpu.memory_space<vmem_shared>> -> memref<64x128xf32, #tpu.memory_space<vmem_shared>>
      tpu.wait_dma2 semaphore(%run_scoped3A_323 : memref<!tpu.dma_semaphore, #tpu.memory_space<semaphore_mem>>) src(%arg13 : memref<64x128xf32, #tpu.memory_space<vmem>>) dst(%dma_wait3A_331 : memref<64x128xf32, #tpu.memory_space<vmem_shared>>)
      tpu.yield
    }) : () -> ()
    %mul3A_149 = arith.constant 640 : i32
    %mul3A_150 = arith.muli %arg1, %mul3A_149 : i32
    %add3A_151 = arith.constant 256 : i32
    %add3A_152 = arith.addi %mul3A_150, %add3A_151 : i32
    "tpu.region"() ({
      %run_scoped3A_323 = tpu.sem_alloc : memref<!tpu.dma_semaphore, #tpu.memory_space<semaphore_mem>>
      %dma_start3A_324 = arith.constant 0 : i32
      %dma_start3A_325 = tpu.memref_slice %arg16[%add3A_152, %dma_start3A_324] : memref<10240x128xf32, #tpu.memory_space<vmem_shared>> -> memref<64x128xf32, #tpu.memory_space<vmem_shared>>
      %dma_start3A_326 = arith.constant 0 : i32
      %dma_start3A_327 = tpu.memref_slice %arg16[%add3A_152, %dma_start3A_326] : memref<10240x128xf32, #tpu.memory_space<vmem_shared>> -> memref<64x128xf32, #tpu.memory_space<vmem_shared>>
      tpu.enqueue_dma source(%arg13 : memref<64x128xf32, #tpu.memory_space<vmem>>) target(%dma_start3A_327 : memref<64x128xf32, #tpu.memory_space<vmem_shared>>) target_semaphore(%run_scoped3A_323 : memref<!tpu.dma_semaphore, #tpu.memory_space<semaphore_mem>>)
      %dma_wait3A_328 = arith.constant 0 : i32
      %dma_wait3A_329 = tpu.memref_slice %arg16[%add3A_152, %dma_wait3A_328] : memref<10240x128xf32, #tpu.memory_space<vmem_shared>> -> memref<64x128xf32, #tpu.memory_space<vmem_shared>>
      %dma_wait3A_330 = arith.constant 0 : i32
      %dma_wait3A_331 = tpu.memref_slice %arg16[%add3A_152, %dma_wait3A_330] : memref<10240x128xf32, #tpu.memory_space<vmem_shared>> -> memref<64x128xf32, #tpu.memory_space<vmem_shared>>
      tpu.wait_dma2 semaphore(%run_scoped3A_323 : memref<!tpu.dma_semaphore, #tpu.memory_space<semaphore_mem>>) src(%arg13 : memref<64x128xf32, #tpu.memory_space<vmem>>) dst(%dma_wait3A_331 : memref<64x128xf32, #tpu.memory_space<vmem_shared>>)
      tpu.yield
    }) : () -> ()
    %mul3A_153 = arith.constant 640 : i32
    %mul3A_154 = arith.muli %arg1, %mul3A_153 : i32
    %add3A_155 = arith.constant 320 : i32
    %add3A_156 = arith.addi %mul3A_154, %add3A_155 : i32
    "tpu.region"() ({
      %run_scoped3A_323 = tpu.sem_alloc : memref<!tpu.dma_semaphore, #tpu.memory_space<semaphore_mem>>
      %dma_start3A_324 = arith.constant 0 : i32
      %dma_start3A_325 = tpu.memref_slice %arg16[%add3A_156, %dma_start3A_324] : memref<10240x128xf32, #tpu.memory_space<vmem_shared>> -> memref<64x128xf32, #tpu.memory_space<vmem_shared>>
      %dma_start3A_326 = arith.constant 0 : i32
      %dma_start3A_327 = tpu.memref_slice %arg16[%add3A_156, %dma_start3A_326] : memref<10240x128xf32, #tpu.memory_space<vmem_shared>> -> memref<64x128xf32, #tpu.memory_space<vmem_shared>>
      tpu.enqueue_dma source(%arg13 : memref<64x128xf32, #tpu.memory_space<vmem>>) target(%dma_start3A_327 : memref<64x128xf32, #tpu.memory_space<vmem_shared>>) target_semaphore(%run_scoped3A_323 : memref<!tpu.dma_semaphore, #tpu.memory_space<semaphore_mem>>)
      %dma_wait3A_328 = arith.constant 0 : i32
      %dma_wait3A_329 = tpu.memref_slice %arg16[%add3A_156, %dma_wait3A_328] : memref<10240x128xf32, #tpu.memory_space<vmem_shared>> -> memref<64x128xf32, #tpu.memory_space<vmem_shared>>
      %dma_wait3A_330 = arith.constant 0 : i32
      %dma_wait3A_331 = tpu.memref_slice %arg16[%add3A_156, %dma_wait3A_330] : memref<10240x128xf32, #tpu.memory_space<vmem_shared>> -> memref<64x128xf32, #tpu.memory_space<vmem_shared>>
      tpu.wait_dma2 semaphore(%run_scoped3A_323 : memref<!tpu.dma_semaphore, #tpu.memory_space<semaphore_mem>>) src(%arg13 : memref<64x128xf32, #tpu.memory_space<vmem>>) dst(%dma_wait3A_331 : memref<64x128xf32, #tpu.memory_space<vmem_shared>>)
      tpu.yield
    }) : () -> ()
    %mul3A_157 = arith.constant 640 : i32
    %mul3A_158 = arith.muli %arg1, %mul3A_157 : i32
    %add3A_159 = arith.constant 384 : i32
    %add3A_160 = arith.addi %mul3A_158, %add3A_159 : i32
    "tpu.region"() ({
      %run_scoped3A_323 = tpu.sem_alloc : memref<!tpu.dma_semaphore, #tpu.memory_space<semaphore_mem>>
      %dma_start3A_324 = arith.constant 0 : i32
      %dma_start3A_325 = tpu.memref_slice %arg16[%add3A_160, %dma_start3A_324] : memref<10240x128xf32, #tpu.memory_space<vmem_shared>> -> memref<64x128xf32, #tpu.memory_space<vmem_shared>>
      %dma_start3A_326 = arith.constant 0 : i32
      %dma_start3A_327 = tpu.memref_slice %arg16[%add3A_160, %dma_start3A_326] : memref<10240x128xf32, #tpu.memory_space<vmem_shared>> -> memref<64x128xf32, #tpu.memory_space<vmem_shared>>
      tpu.enqueue_dma source(%arg13 : memref<64x128xf32, #tpu.memory_space<vmem>>) target(%dma_start3A_327 : memref<64x128xf32, #tpu.memory_space<vmem_shared>>) target_semaphore(%run_scoped3A_323 : memref<!tpu.dma_semaphore, #tpu.memory_space<semaphore_mem>>)
      %dma_wait3A_328 = arith.constant 0 : i32
      %dma_wait3A_329 = tpu.memref_slice %arg16[%add3A_160, %dma_wait3A_328] : memref<10240x128xf32, #tpu.memory_space<vmem_shared>> -> memref<64x128xf32, #tpu.memory_space<vmem_shared>>
      %dma_wait3A_330 = arith.constant 0 : i32
      %dma_wait3A_331 = tpu.memref_slice %arg16[%add3A_160, %dma_wait3A_330] : memref<10240x128xf32, #tpu.memory_space<vmem_shared>> -> memref<64x128xf32, #tpu.memory_space<vmem_shared>>
      tpu.wait_dma2 semaphore(%run_scoped3A_323 : memref<!tpu.dma_semaphore, #tpu.memory_space<semaphore_mem>>) src(%arg13 : memref<64x128xf32, #tpu.memory_space<vmem>>) dst(%dma_wait3A_331 : memref<64x128xf32, #tpu.memory_space<vmem_shared>>)
      tpu.yield
    }) : () -> ()
    %mul3A_161 = arith.constant 640 : i32
    %mul3A_162 = arith.muli %arg1, %mul3A_161 : i32
    %add3A_163 = arith.constant 448 : i32
    %add3A_164 = arith.addi %mul3A_162, %add3A_163 : i32
    "tpu.region"() ({
      %run_scoped3A_323 = tpu.sem_alloc : memref<!tpu.dma_semaphore, #tpu.memory_space<semaphore_mem>>
      %dma_start3A_324 = arith.constant 0 : i32
      %dma_start3A_325 = tpu.memref_slice %arg16[%add3A_164, %dma_start3A_324] : memref<10240x128xf32, #tpu.memory_space<vmem_shared>> -> memref<64x128xf32, #tpu.memory_space<vmem_shared>>
      %dma_start3A_326 = arith.constant 0 : i32
      %dma_start3A_327 = tpu.memref_slice %arg16[%add3A_164, %dma_start3A_326] : memref<10240x128xf32, #tpu.memory_space<vmem_shared>> -> memref<64x128xf32, #tpu.memory_space<vmem_shared>>
      tpu.enqueue_dma source(%arg13 : memref<64x128xf32, #tpu.memory_space<vmem>>) target(%dma_start3A_327 : memref<64x128xf32, #tpu.memory_space<vmem_shared>>) target_semaphore(%run_scoped3A_323 : memref<!tpu.dma_semaphore, #tpu.memory_space<semaphore_mem>>)
      %dma_wait3A_328 = arith.constant 0 : i32
      %dma_wait3A_329 = tpu.memref_slice %arg16[%add3A_164, %dma_wait3A_328] : memref<10240x128xf32, #tpu.memory_space<vmem_shared>> -> memref<64x128xf32, #tpu.memory_space<vmem_shared>>
      %dma_wait3A_330 = arith.constant 0 : i32
      %dma_wait3A_331 = tpu.memref_slice %arg16[%add3A_164, %dma_wait3A_330] : memref<10240x128xf32, #tpu.memory_space<vmem_shared>> -> memref<64x128xf32, #tpu.memory_space<vmem_shared>>
      tpu.wait_dma2 semaphore(%run_scoped3A_323 : memref<!tpu.dma_semaphore, #tpu.memory_space<semaphore_mem>>) src(%arg13 : memref<64x128xf32, #tpu.memory_space<vmem>>) dst(%dma_wait3A_331 : memref<64x128xf32, #tpu.memory_space<vmem_shared>>)
      tpu.yield
    }) : () -> ()
    %mul3A_165 = arith.constant 640 : i32
    %mul3A_166 = arith.muli %arg1, %mul3A_165 : i32
    %add3A_167 = arith.constant 512 : i32
    %add3A_168 = arith.addi %mul3A_166, %add3A_167 : i32
    "tpu.region"() ({
      %run_scoped3A_323 = tpu.sem_alloc : memref<!tpu.dma_semaphore, #tpu.memory_space<semaphore_mem>>
      %dma_start3A_324 = arith.constant 0 : i32
      %dma_start3A_325 = tpu.memref_slice %arg16[%add3A_168, %dma_start3A_324] : memref<10240x128xf32, #tpu.memory_space<vmem_shared>> -> memref<64x128xf32, #tpu.memory_space<vmem_shared>>
      %dma_start3A_326 = arith.constant 0 : i32
      %dma_start3A_327 = tpu.memref_slice %arg16[%add3A_168, %dma_start3A_326] : memref<10240x128xf32, #tpu.memory_space<vmem_shared>> -> memref<64x128xf32, #tpu.memory_space<vmem_shared>>
      tpu.enqueue_dma source(%arg13 : memref<64x128xf32, #tpu.memory_space<vmem>>) target(%dma_start3A_327 : memref<64x128xf32, #tpu.memory_space<vmem_shared>>) target_semaphore(%run_scoped3A_323 : memref<!tpu.dma_semaphore, #tpu.memory_space<semaphore_mem>>)
      %dma_wait3A_328 = arith.constant 0 : i32
      %dma_wait3A_329 = tpu.memref_slice %arg16[%add3A_168, %dma_wait3A_328] : memref<10240x128xf32, #tpu.memory_space<vmem_shared>> -> memref<64x128xf32, #tpu.memory_space<vmem_shared>>
      %dma_wait3A_330 = arith.constant 0 : i32
      %dma_wait3A_331 = tpu.memref_slice %arg16[%add3A_168, %dma_wait3A_330] : memref<10240x128xf32, #tpu.memory_space<vmem_shared>> -> memref<64x128xf32, #tpu.memory_space<vmem_shared>>
      tpu.wait_dma2 semaphore(%run_scoped3A_323 : memref<!tpu.dma_semaphore, #tpu.memory_space<semaphore_mem>>) src(%arg13 : memref<64x128xf32, #tpu.memory_space<vmem>>) dst(%dma_wait3A_331 : memref<64x128xf32, #tpu.memory_space<vmem_shared>>)
      tpu.yield
    }) : () -> ()
    %mul3A_169 = arith.constant 640 : i32
    %mul3A_170 = arith.muli %arg1, %mul3A_169 : i32
    %add3A_171 = arith.constant 576 : i32
    %add3A_172 = arith.addi %mul3A_170, %add3A_171 : i32
    "tpu.region"() ({
      %run_scoped3A_323 = tpu.sem_alloc : memref<!tpu.dma_semaphore, #tpu.memory_space<semaphore_mem>>
      %dma_start3A_324 = arith.constant 0 : i32
      %dma_start3A_325 = tpu.memref_slice %arg16[%add3A_172, %dma_start3A_324] : memref<10240x128xf32, #tpu.memory_space<vmem_shared>> -> memref<64x128xf32, #tpu.memory_space<vmem_shared>>
      %dma_start3A_326 = arith.constant 0 : i32
      %dma_start3A_327 = tpu.memref_slice %arg16[%add3A_172, %dma_start3A_326] : memref<10240x128xf32, #tpu.memory_space<vmem_shared>> -> memref<64x128xf32, #tpu.memory_space<vmem_shared>>
      tpu.enqueue_dma source(%arg13 : memref<64x128xf32, #tpu.memory_space<vmem>>) target(%dma_start3A_327 : memref<64x128xf32, #tpu.memory_space<vmem_shared>>) target_semaphore(%run_scoped3A_323 : memref<!tpu.dma_semaphore, #tpu.memory_space<semaphore_mem>>)
      %dma_wait3A_328 = arith.constant 0 : i32
      %dma_wait3A_329 = tpu.memref_slice %arg16[%add3A_172, %dma_wait3A_328] : memref<10240x128xf32, #tpu.memory_space<vmem_shared>> -> memref<64x128xf32, #tpu.memory_space<vmem_shared>>
      %dma_wait3A_330 = arith.constant 0 : i32
      %dma_wait3A_331 = tpu.memref_slice %arg16[%add3A_172, %dma_wait3A_330] : memref<10240x128xf32, #tpu.memory_space<vmem_shared>> -> memref<64x128xf32, #tpu.memory_space<vmem_shared>>
      tpu.wait_dma2 semaphore(%run_scoped3A_323 : memref<!tpu.dma_semaphore, #tpu.memory_space<semaphore_mem>>) src(%arg13 : memref<64x128xf32, #tpu.memory_space<vmem>>) dst(%dma_wait3A_331 : memref<64x128xf32, #tpu.memory_space<vmem_shared>>)
      tpu.yield
    }) : () -> ()
    %scan3A_173 = arith.constant 0 : i32
    %scan3A_174 = arith.constant 0 : i32
    %scan3A_175 = arith.constant 80 : i32
    %scan3A_176 = arith.addi %scan3A_174, %scan3A_175 : i32
    %scan3A_177 = arith.constant 1 : i32
    %scan3A_178 = scf.for %scan3A_323 = %scan3A_174 to %scan3A_176 step %scan3A_177 iter_args(%scan3A_324 = %scan3A_173) -> (i32)  : i32 {
      %broadcast_in_dim3A = arith.constant 1.000000e+00 : f32
      %broadcast_in_dim3A_325 = vector.broadcast %broadcast_in_dim3A : f32 to vector<16xf32>
      %swap3A = arith.index_cast %scan3A_323 : i32 to index
      %swap3A_326 = arith.constant 0 : index
      %swap3A_327 = tpu.vector_load %arg14[%swap3A, %swap3A_326] {strides = array<i32>} : memref<80x16xf32, #tpu.memory_space<vmem>>, vector<1x16xf32>,
      %swap3A_328 = vector.shape_cast %swap3A_327 : vector<1x16xf32> to vector<16xf32>
      %swap3A_329 = vector.shape_cast %broadcast_in_dim3A_325 : vector<16xf32> to vector<1x16xf32>
      tpu.vector_store %arg14[%swap3A, %swap3A_326], %swap3A_329 {strides = array<i32>} : memref<80x16xf32, #tpu.memory_space<vmem>>, vector<1x16xf32>,
      %scan3A_330 = arith.constant 0 : i32
      scf.yield %scan3A_330 : i32
    }
    %scan3A_179 = arith.constant 80 : i32
    %scan3A_180 = arith.constant 0 : i32
    %scan3A_181 = arith.constant 0 : i32
    %scan3A_182 = arith.constant 64 : i32
    %scan3A_183 = arith.addi %scan3A_181, %scan3A_182 : i32
    %scan3A_184 = arith.constant 1 : i32
    %scan3A_185 = scf.for %scan3A_323 = %scan3A_181 to %scan3A_183 step %scan3A_184 iter_args(%scan3A_324 = %scan3A_180) -> (i32)  : i32 {
      %broadcast_in_dim3A = arith.constant 0.000000e+00 : f32
      %broadcast_in_dim3A_325 = vector.broadcast %broadcast_in_dim3A : f32 to vector<16xf32>
      %swap3A = arith.index_cast %scan3A_323 : i32 to index
      %swap3A_326 = arith.constant 0 : index
      %swap3A_327 = tpu.vector_load %arg15[%swap3A, %swap3A_326] {strides = array<i32>} : memref<64x16xf32, #tpu.memory_space<vmem>>, vector<1x16xf32>,
      %swap3A_328 = vector.shape_cast %swap3A_327 : vector<1x16xf32> to vector<16xf32>
      %swap3A_329 = vector.shape_cast %broadcast_in_dim3A_325 : vector<16xf32> to vector<1x16xf32>
      tpu.vector_store %arg15[%swap3A, %swap3A_326], %swap3A_329 {strides = array<i32>} : memref<64x16xf32, #tpu.memory_space<vmem>>, vector<1x16xf32>,
      %scan3A_330 = arith.constant 0 : i32
      scf.yield %scan3A_330 : i32
    }
    %scan3A_186 = arith.constant 64 : i32
    %mul3A_187 = arith.constant 640 : i32
    %mul3A_188 = arith.muli %arg1, %mul3A_187 : i32
    %add3A_189 = arith.constant 0 : i32
    %add3A_190 = arith.addi %mul3A_188, %add3A_189 : i32
    "tpu.region"() ({
      %run_scoped3A_323 = tpu.sem_alloc : memref<!tpu.dma_semaphore, #tpu.memory_space<semaphore_mem>>
      %dma_start3A_324 = arith.constant 0 : i32
      %dma_start3A_325 = tpu.memref_slice %arg17[%add3A_190, %dma_start3A_324] : memref<10240x16xf32, #tpu.memory_space<vmem_shared>> -> memref<64x16xf32, #tpu.memory_space<vmem_shared>>
      %dma_start3A_326 = arith.constant 0 : i32
      %dma_start3A_327 = tpu.memref_slice %arg17[%add3A_190, %dma_start3A_326] : memref<10240x16xf32, #tpu.memory_space<vmem_shared>> -> memref<64x16xf32, #tpu.memory_space<vmem_shared>>
      tpu.enqueue_dma source(%arg15 : memref<64x16xf32, #tpu.memory_space<vmem>>) target(%dma_start3A_327 : memref<64x16xf32, #tpu.memory_space<vmem_shared>>) target_semaphore(%run_scoped3A_323 : memref<!tpu.dma_semaphore, #tpu.memory_space<semaphore_mem>>)
      %dma_wait3A_328 = arith.constant 0 : i32
      %dma_wait3A_329 = tpu.memref_slice %arg17[%add3A_190, %dma_wait3A_328] : memref<10240x16xf32, #tpu.memory_space<vmem_shared>> -> memref<64x16xf32, #tpu.memory_space<vmem_shared>>
      %dma_wait3A_330 = arith.constant 0 : i32
      %dma_wait3A_331 = tpu.memref_slice %arg17[%add3A_190, %dma_wait3A_330] : memref<10240x16xf32, #tpu.memory_space<vmem_shared>> -> memref<64x16xf32, #tpu.memory_space<vmem_shared>>
      tpu.wait_dma2 semaphore(%run_scoped3A_323 : memref<!tpu.dma_semaphore, #tpu.memory_space<semaphore_mem>>) src(%arg15 : memref<64x16xf32, #tpu.memory_space<vmem>>) dst(%dma_wait3A_331 : memref<64x16xf32, #tpu.memory_space<vmem_shared>>)
      tpu.yield
    }) : () -> ()
    %mul3A_191 = arith.constant 640 : i32
    %mul3A_192 = arith.muli %arg1, %mul3A_191 : i32
    %add3A_193 = arith.constant 64 : i32
    %add3A_194 = arith.addi %mul3A_192, %add3A_193 : i32
    "tpu.region"() ({
      %run_scoped3A_323 = tpu.sem_alloc : memref<!tpu.dma_semaphore, #tpu.memory_space<semaphore_mem>>
      %dma_start3A_324 = arith.constant 0 : i32
      %dma_start3A_325 = tpu.memref_slice %arg17[%add3A_194, %dma_start3A_324] : memref<10240x16xf32, #tpu.memory_space<vmem_shared>> -> memref<64x16xf32, #tpu.memory_space<vmem_shared>>
      %dma_start3A_326 = arith.constant 0 : i32
      %dma_start3A_327 = tpu.memref_slice %arg17[%add3A_194, %dma_start3A_326] : memref<10240x16xf32, #tpu.memory_space<vmem_shared>> -> memref<64x16xf32, #tpu.memory_space<vmem_shared>>
      tpu.enqueue_dma source(%arg15 : memref<64x16xf32, #tpu.memory_space<vmem>>) target(%dma_start3A_327 : memref<64x16xf32, #tpu.memory_space<vmem_shared>>) target_semaphore(%run_scoped3A_323 : memref<!tpu.dma_semaphore, #tpu.memory_space<semaphore_mem>>)
      %dma_wait3A_328 = arith.constant 0 : i32
      %dma_wait3A_329 = tpu.memref_slice %arg17[%add3A_194, %dma_wait3A_328] : memref<10240x16xf32, #tpu.memory_space<vmem_shared>> -> memref<64x16xf32, #tpu.memory_space<vmem_shared>>
      %dma_wait3A_330 = arith.constant 0 : i32
      %dma_wait3A_331 = tpu.memref_slice %arg17[%add3A_194, %dma_wait3A_330] : memref<10240x16xf32, #tpu.memory_space<vmem_shared>> -> memref<64x16xf32, #tpu.memory_space<vmem_shared>>
      tpu.wait_dma2 semaphore(%run_scoped3A_323 : memref<!tpu.dma_semaphore, #tpu.memory_space<semaphore_mem>>) src(%arg15 : memref<64x16xf32, #tpu.memory_space<vmem>>) dst(%dma_wait3A_331 : memref<64x16xf32, #tpu.memory_space<vmem_shared>>)
      tpu.yield
    }) : () -> ()
    %mul3A_195 = arith.constant 640 : i32
    %mul3A_196 = arith.muli %arg1, %mul3A_195 : i32
    %add3A_197 = arith.constant 128 : i32
    %add3A_198 = arith.addi %mul3A_196, %add3A_197 : i32
    "tpu.region"() ({
      %run_scoped3A_323 = tpu.sem_alloc : memref<!tpu.dma_semaphore, #tpu.memory_space<semaphore_mem>>
      %dma_start3A_324 = arith.constant 0 : i32
      %dma_start3A_325 = tpu.memref_slice %arg17[%add3A_198, %dma_start3A_324] : memref<10240x16xf32, #tpu.memory_space<vmem_shared>> -> memref<64x16xf32, #tpu.memory_space<vmem_shared>>
      %dma_start3A_326 = arith.constant 0 : i32
      %dma_start3A_327 = tpu.memref_slice %arg17[%add3A_198, %dma_start3A_326] : memref<10240x16xf32, #tpu.memory_space<vmem_shared>> -> memref<64x16xf32, #tpu.memory_space<vmem_shared>>
      tpu.enqueue_dma source(%arg15 : memref<64x16xf32, #tpu.memory_space<vmem>>) target(%dma_start3A_327 : memref<64x16xf32, #tpu.memory_space<vmem_shared>>) target_semaphore(%run_scoped3A_323 : memref<!tpu.dma_semaphore, #tpu.memory_space<semaphore_mem>>)
      %dma_wait3A_328 = arith.constant 0 : i32
      %dma_wait3A_329 = tpu.memref_slice %arg17[%add3A_198, %dma_wait3A_328] : memref<10240x16xf32, #tpu.memory_space<vmem_shared>> -> memref<64x16xf32, #tpu.memory_space<vmem_shared>>
      %dma_wait3A_330 = arith.constant 0 : i32
      %dma_wait3A_331 = tpu.memref_slice %arg17[%add3A_198, %dma_wait3A_330] : memref<10240x16xf32, #tpu.memory_space<vmem_shared>> -> memref<64x16xf32, #tpu.memory_space<vmem_shared>>
      tpu.wait_dma2 semaphore(%run_scoped3A_323 : memref<!tpu.dma_semaphore, #tpu.memory_space<semaphore_mem>>) src(%arg15 : memref<64x16xf32, #tpu.memory_space<vmem>>) dst(%dma_wait3A_331 : memref<64x16xf32, #tpu.memory_space<vmem_shared>>)
      tpu.yield
    }) : () -> ()
    %mul3A_199 = arith.constant 640 : i32
    %mul3A_200 = arith.muli %arg1, %mul3A_199 : i32
    %add3A_201 = arith.constant 192 : i32
    %add3A_202 = arith.addi %mul3A_200, %add3A_201 : i32
    "tpu.region"() ({
      %run_scoped3A_323 = tpu.sem_alloc : memref<!tpu.dma_semaphore, #tpu.memory_space<semaphore_mem>>
      %dma_start3A_324 = arith.constant 0 : i32
      %dma_start3A_325 = tpu.memref_slice %arg17[%add3A_202, %dma_start3A_324] : memref<10240x16xf32, #tpu.memory_space<vmem_shared>> -> memref<64x16xf32, #tpu.memory_space<vmem_shared>>
      %dma_start3A_326 = arith.constant 0 : i32
      %dma_start3A_327 = tpu.memref_slice %arg17[%add3A_202, %dma_start3A_326] : memref<10240x16xf32, #tpu.memory_space<vmem_shared>> -> memref<64x16xf32, #tpu.memory_space<vmem_shared>>
      tpu.enqueue_dma source(%arg15 : memref<64x16xf32, #tpu.memory_space<vmem>>) target(%dma_start3A_327 : memref<64x16xf32, #tpu.memory_space<vmem_shared>>) target_semaphore(%run_scoped3A_323 : memref<!tpu.dma_semaphore, #tpu.memory_space<semaphore_mem>>)
      %dma_wait3A_328 = arith.constant 0 : i32
      %dma_wait3A_329 = tpu.memref_slice %arg17[%add3A_202, %dma_wait3A_328] : memref<10240x16xf32, #tpu.memory_space<vmem_shared>> -> memref<64x16xf32, #tpu.memory_space<vmem_shared>>
      %dma_wait3A_330 = arith.constant 0 : i32
      %dma_wait3A_331 = tpu.memref_slice %arg17[%add3A_202, %dma_wait3A_330] : memref<10240x16xf32, #tpu.memory_space<vmem_shared>> -> memref<64x16xf32, #tpu.memory_space<vmem_shared>>
      tpu.wait_dma2 semaphore(%run_scoped3A_323 : memref<!tpu.dma_semaphore, #tpu.memory_space<semaphore_mem>>) src(%arg15 : memref<64x16xf32, #tpu.memory_space<vmem>>) dst(%dma_wait3A_331 : memref<64x16xf32, #tpu.memory_space<vmem_shared>>)
      tpu.yield
    }) : () -> ()
    %mul3A_203 = arith.constant 640 : i32
    %mul3A_204 = arith.muli %arg1, %mul3A_203 : i32
    %add3A_205 = arith.constant 256 : i32
    %add3A_206 = arith.addi %mul3A_204, %add3A_205 : i32
    "tpu.region"() ({
      %run_scoped3A_323 = tpu.sem_alloc : memref<!tpu.dma_semaphore, #tpu.memory_space<semaphore_mem>>
      %dma_start3A_324 = arith.constant 0 : i32
      %dma_start3A_325 = tpu.memref_slice %arg17[%add3A_206, %dma_start3A_324] : memref<10240x16xf32, #tpu.memory_space<vmem_shared>> -> memref<64x16xf32, #tpu.memory_space<vmem_shared>>
      %dma_start3A_326 = arith.constant 0 : i32
      %dma_start3A_327 = tpu.memref_slice %arg17[%add3A_206, %dma_start3A_326] : memref<10240x16xf32, #tpu.memory_space<vmem_shared>> -> memref<64x16xf32, #tpu.memory_space<vmem_shared>>
      tpu.enqueue_dma source(%arg15 : memref<64x16xf32, #tpu.memory_space<vmem>>) target(%dma_start3A_327 : memref<64x16xf32, #tpu.memory_space<vmem_shared>>) target_semaphore(%run_scoped3A_323 : memref<!tpu.dma_semaphore, #tpu.memory_space<semaphore_mem>>)
      %dma_wait3A_328 = arith.constant 0 : i32
      %dma_wait3A_329 = tpu.memref_slice %arg17[%add3A_206, %dma_wait3A_328] : memref<10240x16xf32, #tpu.memory_space<vmem_shared>> -> memref<64x16xf32, #tpu.memory_space<vmem_shared>>
      %dma_wait3A_330 = arith.constant 0 : i32
      %dma_wait3A_331 = tpu.memref_slice %arg17[%add3A_206, %dma_wait3A_330] : memref<10240x16xf32, #tpu.memory_space<vmem_shared>> -> memref<64x16xf32, #tpu.memory_space<vmem_shared>>
      tpu.wait_dma2 semaphore(%run_scoped3A_323 : memref<!tpu.dma_semaphore, #tpu.memory_space<semaphore_mem>>) src(%arg15 : memref<64x16xf32, #tpu.memory_space<vmem>>) dst(%dma_wait3A_331 : memref<64x16xf32, #tpu.memory_space<vmem_shared>>)
      tpu.yield
    }) : () -> ()
    %mul3A_207 = arith.constant 640 : i32
    %mul3A_208 = arith.muli %arg1, %mul3A_207 : i32
    %add3A_209 = arith.constant 320 : i32
    %add3A_210 = arith.addi %mul3A_208, %add3A_209 : i32
    "tpu.region"() ({
      %run_scoped3A_323 = tpu.sem_alloc : memref<!tpu.dma_semaphore, #tpu.memory_space<semaphore_mem>>
      %dma_start3A_324 = arith.constant 0 : i32
      %dma_start3A_325 = tpu.memref_slice %arg17[%add3A_210, %dma_start3A_324] : memref<10240x16xf32, #tpu.memory_space<vmem_shared>> -> memref<64x16xf32, #tpu.memory_space<vmem_shared>>
      %dma_start3A_326 = arith.constant 0 : i32
      %dma_start3A_327 = tpu.memref_slice %arg17[%add3A_210, %dma_start3A_326] : memref<10240x16xf32, #tpu.memory_space<vmem_shared>> -> memref<64x16xf32, #tpu.memory_space<vmem_shared>>
      tpu.enqueue_dma source(%arg15 : memref<64x16xf32, #tpu.memory_space<vmem>>) target(%dma_start3A_327 : memref<64x16xf32, #tpu.memory_space<vmem_shared>>) target_semaphore(%run_scoped3A_323 : memref<!tpu.dma_semaphore, #tpu.memory_space<semaphore_mem>>)
      %dma_wait3A_328 = arith.constant 0 : i32
      %dma_wait3A_329 = tpu.memref_slice %arg17[%add3A_210, %dma_wait3A_328] : memref<10240x16xf32, #tpu.memory_space<vmem_shared>> -> memref<64x16xf32, #tpu.memory_space<vmem_shared>>
      %dma_wait3A_330 = arith.constant 0 : i32
      %dma_wait3A_331 = tpu.memref_slice %arg17[%add3A_210, %dma_wait3A_330] : memref<10240x16xf32, #tpu.memory_space<vmem_shared>> -> memref<64x16xf32, #tpu.memory_space<vmem_shared>>
      tpu.wait_dma2 semaphore(%run_scoped3A_323 : memref<!tpu.dma_semaphore, #tpu.memory_space<semaphore_mem>>) src(%arg15 : memref<64x16xf32, #tpu.memory_space<vmem>>) dst(%dma_wait3A_331 : memref<64x16xf32, #tpu.memory_space<vmem_shared>>)
      tpu.yield
    }) : () -> ()
    %mul3A_211 = arith.constant 640 : i32
    %mul3A_212 = arith.muli %arg1, %mul3A_211 : i32
    %add3A_213 = arith.constant 384 : i32
    %add3A_214 = arith.addi %mul3A_212, %add3A_213 : i32
    "tpu.region"() ({
      %run_scoped3A_323 = tpu.sem_alloc : memref<!tpu.dma_semaphore, #tpu.memory_space<semaphore_mem>>
      %dma_start3A_324 = arith.constant 0 : i32
      %dma_start3A_325 = tpu.memref_slice %arg17[%add3A_214, %dma_start3A_324] : memref<10240x16xf32, #tpu.memory_space<vmem_shared>> -> memref<64x16xf32, #tpu.memory_space<vmem_shared>>
      %dma_start3A_326 = arith.constant 0 : i32
      %dma_start3A_327 = tpu.memref_slice %arg17[%add3A_214, %dma_start3A_326] : memref<10240x16xf32, #tpu.memory_space<vmem_shared>> -> memref<64x16xf32, #tpu.memory_space<vmem_shared>>
      tpu.enqueue_dma source(%arg15 : memref<64x16xf32, #tpu.memory_space<vmem>>) target(%dma_start3A_327 : memref<64x16xf32, #tpu.memory_space<vmem_shared>>) target_semaphore(%run_scoped3A_323 : memref<!tpu.dma_semaphore, #tpu.memory_space<semaphore_mem>>)
      %dma_wait3A_328 = arith.constant 0 : i32
      %dma_wait3A_329 = tpu.memref_slice %arg17[%add3A_214, %dma_wait3A_328] : memref<10240x16xf32, #tpu.memory_space<vmem_shared>> -> memref<64x16xf32, #tpu.memory_space<vmem_shared>>
      %dma_wait3A_330 = arith.constant 0 : i32
      %dma_wait3A_331 = tpu.memref_slice %arg17[%add3A_214, %dma_wait3A_330] : memref<10240x16xf32, #tpu.memory_space<vmem_shared>> -> memref<64x16xf32, #tpu.memory_space<vmem_shared>>
      tpu.wait_dma2 semaphore(%run_scoped3A_323 : memref<!tpu.dma_semaphore, #tpu.memory_space<semaphore_mem>>) src(%arg15 : memref<64x16xf32, #tpu.memory_space<vmem>>) dst(%dma_wait3A_331 : memref<64x16xf32, #tpu.memory_space<vmem_shared>>)
      tpu.yield
    }) : () -> ()
    %mul3A_215 = arith.constant 640 : i32
    %mul3A_216 = arith.muli %arg1, %mul3A_215 : i32
    %add3A_217 = arith.constant 448 : i32
    %add3A_218 = arith.addi %mul3A_216, %add3A_217 : i32
    "tpu.region"() ({
      %run_scoped3A_323 = tpu.sem_alloc : memref<!tpu.dma_semaphore, #tpu.memory_space<semaphore_mem>>
      %dma_start3A_324 = arith.constant 0 : i32
      %dma_start3A_325 = tpu.memref_slice %arg17[%add3A_218, %dma_start3A_324] : memref<10240x16xf32, #tpu.memory_space<vmem_shared>> -> memref<64x16xf32, #tpu.memory_space<vmem_shared>>
      %dma_start3A_326 = arith.constant 0 : i32
      %dma_start3A_327 = tpu.memref_slice %arg17[%add3A_218, %dma_start3A_326] : memref<10240x16xf32, #tpu.memory_space<vmem_shared>> -> memref<64x16xf32, #tpu.memory_space<vmem_shared>>
      tpu.enqueue_dma source(%arg15 : memref<64x16xf32, #tpu.memory_space<vmem>>) target(%dma_start3A_327 : memref<64x16xf32, #tpu.memory_space<vmem_shared>>) target_semaphore(%run_scoped3A_323 : memref<!tpu.dma_semaphore, #tpu.memory_space<semaphore_mem>>)
      %dma_wait3A_328 = arith.constant 0 : i32
      %dma_wait3A_329 = tpu.memref_slice %arg17[%add3A_218, %dma_wait3A_328] : memref<10240x16xf32, #tpu.memory_space<vmem_shared>> -> memref<64x16xf32, #tpu.memory_space<vmem_shared>>
      %dma_wait3A_330 = arith.constant 0 : i32
      %dma_wait3A_331 = tpu.memref_slice %arg17[%add3A_218, %dma_wait3A_330] : memref<10240x16xf32, #tpu.memory_space<vmem_shared>> -> memref<64x16xf32, #tpu.memory_space<vmem_shared>>
      tpu.wait_dma2 semaphore(%run_scoped3A_323 : memref<!tpu.dma_semaphore, #tpu.memory_space<semaphore_mem>>) src(%arg15 : memref<64x16xf32, #tpu.memory_space<vmem>>) dst(%dma_wait3A_331 : memref<64x16xf32, #tpu.memory_space<vmem_shared>>)
      tpu.yield
    }) : () -> ()
    %mul3A_219 = arith.constant 640 : i32
    %mul3A_220 = arith.muli %arg1, %mul3A_219 : i32
    %add3A_221 = arith.constant 512 : i32
    %add3A_222 = arith.addi %mul3A_220, %add3A_221 : i32
    "tpu.region"() ({
      %run_scoped3A_323 = tpu.sem_alloc : memref<!tpu.dma_semaphore, #tpu.memory_space<semaphore_mem>>
      %dma_start3A_324 = arith.constant 0 : i32
      %dma_start3A_325 = tpu.memref_slice %arg17[%add3A_222, %dma_start3A_324] : memref<10240x16xf32, #tpu.memory_space<vmem_shared>> -> memref<64x16xf32, #tpu.memory_space<vmem_shared>>
      %dma_start3A_326 = arith.constant 0 : i32
      %dma_start3A_327 = tpu.memref_slice %arg17[%add3A_222, %dma_start3A_326] : memref<10240x16xf32, #tpu.memory_space<vmem_shared>> -> memref<64x16xf32, #tpu.memory_space<vmem_shared>>
      tpu.enqueue_dma source(%arg15 : memref<64x16xf32, #tpu.memory_space<vmem>>) target(%dma_start3A_327 : memref<64x16xf32, #tpu.memory_space<vmem_shared>>) target_semaphore(%run_scoped3A_323 : memref<!tpu.dma_semaphore, #tpu.memory_space<semaphore_mem>>)
      %dma_wait3A_328 = arith.constant 0 : i32
      %dma_wait3A_329 = tpu.memref_slice %arg17[%add3A_222, %dma_wait3A_328] : memref<10240x16xf32, #tpu.memory_space<vmem_shared>> -> memref<64x16xf32, #tpu.memory_space<vmem_shared>>
      %dma_wait3A_330 = arith.constant 0 : i32
      %dma_wait3A_331 = tpu.memref_slice %arg17[%add3A_222, %dma_wait3A_330] : memref<10240x16xf32, #tpu.memory_space<vmem_shared>> -> memref<64x16xf32, #tpu.memory_space<vmem_shared>>
      tpu.wait_dma2 semaphore(%run_scoped3A_323 : memref<!tpu.dma_semaphore, #tpu.memory_space<semaphore_mem>>) src(%arg15 : memref<64x16xf32, #tpu.memory_space<vmem>>) dst(%dma_wait3A_331 : memref<64x16xf32, #tpu.memory_space<vmem_shared>>)
      tpu.yield
    }) : () -> ()
    %mul3A_223 = arith.constant 640 : i32
    %mul3A_224 = arith.muli %arg1, %mul3A_223 : i32
    %add3A_225 = arith.constant 576 : i32
    %add3A_226 = arith.addi %mul3A_224, %add3A_225 : i32
    "tpu.region"() ({
      %run_scoped3A_323 = tpu.sem_alloc : memref<!tpu.dma_semaphore, #tpu.memory_space<semaphore_mem>>
      %dma_start3A_324 = arith.constant 0 : i32
      %dma_start3A_325 = tpu.memref_slice %arg17[%add3A_226, %dma_start3A_324] : memref<10240x16xf32, #tpu.memory_space<vmem_shared>> -> memref<64x16xf32, #tpu.memory_space<vmem_shared>>
      %dma_start3A_326 = arith.constant 0 : i32
      %dma_start3A_327 = tpu.memref_slice %arg17[%add3A_226, %dma_start3A_326] : memref<10240x16xf32, #tpu.memory_space<vmem_shared>> -> memref<64x16xf32, #tpu.memory_space<vmem_shared>>
      tpu.enqueue_dma source(%arg15 : memref<64x16xf32, #tpu.memory_space<vmem>>) target(%dma_start3A_327 : memref<64x16xf32, #tpu.memory_space<vmem_shared>>) target_semaphore(%run_scoped3A_323 : memref<!tpu.dma_semaphore, #tpu.memory_space<semaphore_mem>>)
      %dma_wait3A_328 = arith.constant 0 : i32
      %dma_wait3A_329 = tpu.memref_slice %arg17[%add3A_226, %dma_wait3A_328] : memref<10240x16xf32, #tpu.memory_space<vmem_shared>> -> memref<64x16xf32, #tpu.memory_space<vmem_shared>>
      %dma_wait3A_330 = arith.constant 0 : i32
      %dma_wait3A_331 = tpu.memref_slice %arg17[%add3A_226, %dma_wait3A_330] : memref<10240x16xf32, #tpu.memory_space<vmem_shared>> -> memref<64x16xf32, #tpu.memory_space<vmem_shared>>
      tpu.wait_dma2 semaphore(%run_scoped3A_323 : memref<!tpu.dma_semaphore, #tpu.memory_space<semaphore_mem>>) src(%arg15 : memref<64x16xf32, #tpu.memory_space<vmem>>) dst(%dma_wait3A_331 : memref<64x16xf32, #tpu.memory_space<vmem_shared>>)
      tpu.yield
    }) : () -> ()
    %barrier3A = arith.constant 0 : index
    tpu.barrier barrier_id(%barrier3A)
    %scan3A_227 = arith.constant 0 : i32
    %scan3A_228 = arith.constant 0 : i32
    %scan3A_229 = arith.constant 31 : i32
    %scan3A_230 = arith.addi %scan3A_228, %scan3A_229 : i32
    %scan3A_231 = arith.constant 1 : i32
    %scan3A_232 = scf.for %scan3A_323 = %scan3A_228 to %scan3A_230 step %scan3A_231 iter_args(%scan3A_324 = %scan3A_227) -> (i32)  : i32 {
      %mul3A_325 = arith.constant 4 : i32
      %mul3A_326 = arith.muli %mul3A_325, %scan3A_323 : i32
      %add3A_327 = arith.constant 0 : i32
      %add3A_328 = arith.addi %mul3A_326, %add3A_327 : i32
      %add3A_329 = arith.constant 1 : i32
      %add3A_330 = arith.addi %add3A_328, %add3A_329 : i32
      %min3A_331 = arith.constant 124 : i32
      %min3A_332 = arith.minsi %add3A_330, %min3A_331 : i32
      %mul3A_333 = arith.constant 80 : i32
      %mul3A_334 = arith.muli %min3A_332, %mul3A_333 : i32
      %add3A_335 = arith.addi %mul3A_2, %mul3A_334 : i32
      %dma_wait3A_336 = arith.constant 0 : i32
      %dma_wait3A_337 = arith.constant 0 : i32
      %dma_wait3A_338 = tpu.memref_slice %arg8[%dma_wait3A_336, %dma_wait3A_337] : memref<2x80xi32, #tpu.memory_space<vmem>> -> memref<1x80xi32, #tpu.memory_space<vmem>>
      %dma_wait3A_339 = tpu.memref_squeeze %dma_wait3A_338 : memref<1x80xi32, #tpu.memory_space<vmem>> -> memref<80xi32, #tpu.memory_space<vmem>>
      %dma_wait3A_340 = tpu.memref_slice %arg3[%add3A_335] : memref<320000xi32, #tpu.memory_space<hbm>> -> memref<80xi32, #tpu.memory_space<hbm>>
      %dma_wait3A_341 = arith.constant 0 : i32
      %dma_wait3A_342 = tpu.memref_slice %arg8[%dma_wait3A_336, %dma_wait3A_341] : memref<2x80xi32, #tpu.memory_space<vmem>> -> memref<1x80xi32, #tpu.memory_space<vmem>>
      %dma_wait3A_343 = tpu.memref_squeeze %dma_wait3A_342 : memref<1x80xi32, #tpu.memory_space<vmem>> -> memref<80xi32, #tpu.memory_space<vmem>>
      %dma_wait3A_344 = tpu.memref_slice %arg3[%add3A_335] : memref<320000xi32, #tpu.memory_space<hbm>> -> memref<80xi32, #tpu.memory_space<hbm>>
      tpu.wait_dma2 semaphore(%arg19 : memref<!tpu.dma_semaphore, #tpu.memory_space<semaphore_mem>>) src(%dma_wait3A_344 : memref<80xi32, #tpu.memory_space<hbm>>) dst(%dma_wait3A_343 : memref<80xi32, #tpu.memory_space<vmem>>)
      %dma_wait3A_345 = arith.constant 1 : i32
      %dma_wait3A_346 = arith.constant 0 : i32
      %dma_wait3A_347 = tpu.memref_slice %arg8[%dma_wait3A_345, %dma_wait3A_346] : memref<2x80xi32, #tpu.memory_space<vmem>> -> memref<1x80xi32, #tpu.memory_space<vmem>>
      %dma_wait3A_348 = tpu.memref_squeeze %dma_wait3A_347 : memref<1x80xi32, #tpu.memory_space<vmem>> -> memref<80xi32, #tpu.memory_space<vmem>>
      %dma_wait3A_349 = tpu.memref_slice %arg4[%add3A_335] : memref<320000xi32, #tpu.memory_space<hbm>> -> memref<80xi32, #tpu.memory_space<hbm>>
      %dma_wait3A_350 = arith.constant 0 : i32
      %dma_wait3A_351 = tpu.memref_slice %arg8[%dma_wait3A_345, %dma_wait3A_350] : memref<2x80xi32, #tpu.memory_space<vmem>> -> memref<1x80xi32, #tpu.memory_space<vmem>>
      %dma_wait3A_352 = tpu.memref_squeeze %dma_wait3A_351 : memref<1x80xi32, #tpu.memory_space<vmem>> -> memref<80xi32, #tpu.memory_space<vmem>>
      %dma_wait3A_353 = tpu.memref_slice %arg4[%add3A_335] : memref<320000xi32, #tpu.memory_space<hbm>> -> memref<80xi32, #tpu.memory_space<hbm>>
      tpu.wait_dma2 semaphore(%arg19 : memref<!tpu.dma_semaphore, #tpu.memory_space<semaphore_mem>>) src(%dma_wait3A_353 : memref<80xi32, #tpu.memory_space<hbm>>) dst(%dma_wait3A_352 : memref<80xi32, #tpu.memory_space<vmem>>)
      %dma_start3A_354 = arith.constant 0 : i32
      %dma_start3A_355 = arith.constant 0 : i32
      %dma_start3A_356 = tpu.memref_slice %arg8[%dma_start3A_354, %dma_start3A_355] : memref<2x80xi32, #tpu.memory_space<vmem>> -> memref<1x80xi32, #tpu.memory_space<vmem>>
      %dma_start3A_357 = tpu.memref_squeeze %dma_start3A_356 : memref<1x80xi32, #tpu.memory_space<vmem>> -> memref<80xi32, #tpu.memory_space<vmem>>
      %dma_start3A_358 = arith.constant 0 : i32
      %dma_start3A_359 = arith.constant 0 : i32
      %dma_start3A_360 = tpu.memref_slice %arg2[%dma_start3A_358, %dma_start3A_359] : memref<10000x128xf32, #tpu.memory_space<hbm>> -> memref<10000x128xf32, #tpu.memory_space<hbm>>
      tpu.enqueue_indirect_dma source(%dma_start3A_360 : memref<10000x128xf32, #tpu.memory_space<hbm>>) target(%arg12 : memref<80x128xf32, #tpu.memory_space<vmem>>) offsets(%dma_start3A_357 : memref<80xi32, #tpu.memory_space<vmem>>) semaphore(%arg23 : memref<!tpu.dma_semaphore, #tpu.memory_space<semaphore_mem>>)
      %dma_wait3A_361 = arith.constant 0 : i32
      %dma_wait3A_362 = arith.constant 0 : i32
      %dma_wait3A_363 = tpu.memref_slice %arg7[%dma_wait3A_361, %dma_wait3A_362] : memref<2x80xi32, #tpu.memory_space<vmem>> -> memref<1x80xi32, #tpu.memory_space<vmem>>
      %dma_wait3A_364 = tpu.memref_squeeze %dma_wait3A_363 : memref<1x80xi32, #tpu.memory_space<vmem>> -> memref<80xi32, #tpu.memory_space<vmem>>
      %dma_wait3A_365 = arith.constant 0 : i32
      %dma_wait3A_366 = arith.constant 0 : i32
      %dma_wait3A_367 = tpu.memref_slice %arg2[%dma_wait3A_365, %dma_wait3A_366] : memref<10000x128xf32, #tpu.memory_space<hbm>> -> memref<10000x128xf32, #tpu.memory_space<hbm>>
      tpu.wait_indirect_dma semaphore(%arg22 : memref<!tpu.dma_semaphore, #tpu.memory_space<semaphore_mem>>) src(%dma_wait3A_367 : memref<10000x128xf32, #tpu.memory_space<hbm>>) dst(%arg11 : memref<80x128xf32, #tpu.memory_space<vmem>>)
      %run_scoped3A_368 = arith.constant 1 : i32
      "tpu.region"() ({
        %run_scoped3A_608 = tpu.sem_alloc : memref<!tpu.dma_semaphore, #tpu.memory_space<semaphore_mem>>
        %dma_start3A_609 = arith.constant 0 : i32
        %dma_start3A_610 = tpu.memref_slice %arg7[%run_scoped3A_368, %dma_start3A_609] : memref<2x80xi32, #tpu.memory_space<vmem>> -> memref<1x80xi32, #tpu.memory_space<vmem>>
        %dma_start3A_611 = tpu.memref_squeeze %dma_start3A_610 : memref<1x80xi32, #tpu.memory_space<vmem>> -> memref<80xi32, #tpu.memory_space<vmem>>
        %dma_start3A_612 = arith.constant 0 : i32
        %dma_start3A_613 = arith.constant 0 : i32
        %dma_start3A_614 = tpu.memref_slice %arg16[%dma_start3A_612, %dma_start3A_613] : memref<10240x128xf32, #tpu.memory_space<vmem_shared>> -> memref<10240x128xf32, #tpu.memory_space<vmem_shared>>
        tpu.enqueue_indirect_dma source(%arg11 : memref<80x128xf32, #tpu.memory_space<vmem>>) target(%dma_start3A_614 : memref<10240x128xf32, #tpu.memory_space<vmem_shared>>) offsets(%dma_start3A_611 : memref<80xi32, #tpu.memory_space<vmem>>) semaphore(%run_scoped3A_608 : memref<!tpu.dma_semaphore, #tpu.memory_space<semaphore_mem>>) {add = true}
        %dma_wait3A_615 = arith.constant 0 : i32
        %dma_wait3A_616 = tpu.memref_slice %arg7[%run_scoped3A_368, %dma_wait3A_615] : memref<2x80xi32, #tpu.memory_space<vmem>> -> memref<1x80xi32, #tpu.memory_space<vmem>>
        %dma_wait3A_617 = tpu.memref_squeeze %dma_wait3A_616 : memref<1x80xi32, #tpu.memory_space<vmem>> -> memref<80xi32, #tpu.memory_space<vmem>>
        %dma_wait3A_618 = arith.constant 0 : i32
        %dma_wait3A_619 = arith.constant 0 : i32
        %dma_wait3A_620 = tpu.memref_slice %arg16[%dma_wait3A_618, %dma_wait3A_619] : memref<10240x128xf32, #tpu.memory_space<vmem_shared>> -> memref<10240x128xf32, #tpu.memory_space<vmem_shared>>
        tpu.wait_indirect_dma semaphore(%run_scoped3A_608 : memref<!tpu.dma_semaphore, #tpu.memory_space<semaphore_mem>>) src(%arg11 : memref<80x128xf32, #tpu.memory_space<vmem>>) dst(%dma_wait3A_620 : memref<10240x128xf32, #tpu.memory_space<vmem_shared>>)
        tpu.yield
      }) : () -> ()
      %run_scoped3A_369 = arith.constant 1 : i32
      "tpu.region"() ({
        %run_scoped3A_608 = tpu.sem_alloc : memref<!tpu.dma_semaphore, #tpu.memory_space<semaphore_mem>>
        %dma_start3A_609 = arith.constant 0 : i32
        %dma_start3A_610 = tpu.memref_slice %arg7[%run_scoped3A_369, %dma_start3A_609] : memref<2x80xi32, #tpu.memory_space<vmem>> -> memref<1x80xi32, #tpu.memory_space<vmem>>
        %dma_start3A_611 = tpu.memref_squeeze %dma_start3A_610 : memref<1x80xi32, #tpu.memory_space<vmem>> -> memref<80xi32, #tpu.memory_space<vmem>>
        %dma_start3A_612 = arith.constant 0 : i32
        %dma_start3A_613 = arith.constant 0 : i32
        %dma_start3A_614 = tpu.memref_slice %arg17[%dma_start3A_612, %dma_start3A_613] : memref<10240x16xf32, #tpu.memory_space<vmem_shared>> -> memref<10240x16xf32, #tpu.memory_space<vmem_shared>>
        tpu.enqueue_indirect_dma source(%arg14 : memref<80x16xf32, #tpu.memory_space<vmem>>) target(%dma_start3A_614 : memref<10240x16xf32, #tpu.memory_space<vmem_shared>>) offsets(%dma_start3A_611 : memref<80xi32, #tpu.memory_space<vmem>>) semaphore(%run_scoped3A_608 : memref<!tpu.dma_semaphore, #tpu.memory_space<semaphore_mem>>) {add = true}
        %dma_wait3A_615 = arith.constant 0 : i32
        %dma_wait3A_616 = tpu.memref_slice %arg7[%run_scoped3A_369, %dma_wait3A_615] : memref<2x80xi32, #tpu.memory_space<vmem>> -> memref<1x80xi32, #tpu.memory_space<vmem>>
        %dma_wait3A_617 = tpu.memref_squeeze %dma_wait3A_616 : memref<1x80xi32, #tpu.memory_space<vmem>> -> memref<80xi32, #tpu.memory_space<vmem>>
        %dma_wait3A_618 = arith.constant 0 : i32
        %dma_wait3A_619 = arith.constant 0 : i32
        %dma_wait3A_620 = tpu.memref_slice %arg17[%dma_wait3A_618, %dma_wait3A_619] : memref<10240x16xf32, #tpu.memory_space<vmem_shared>> -> memref<10240x16xf32, #tpu.memory_space<vmem_shared>>
        tpu.wait_indirect_dma semaphore(%run_scoped3A_608 : memref<!tpu.dma_semaphore, #tpu.memory_space<semaphore_mem>>) src(%arg14 : memref<80x16xf32, #tpu.memory_space<vmem>>) dst(%dma_wait3A_620 : memref<10240x16xf32, #tpu.memory_space<vmem_shared>>)
        tpu.yield
      }) : () -> ()
      %add3A_370 = arith.constant 0 : i32
      %add3A_371 = arith.addi %mul3A_326, %add3A_370 : i32
      %add3A_372 = arith.constant 4 : i32
      %add3A_373 = arith.addi %add3A_371, %add3A_372 : i32
      %min3A_374 = arith.constant 124 : i32
      %min3A_375 = arith.minsi %add3A_373, %min3A_374 : i32
      %mul3A_376 = arith.constant 80 : i32
      %mul3A_377 = arith.muli %min3A_375, %mul3A_376 : i32
      %add3A_378 = arith.addi %mul3A_2, %mul3A_377 : i32
      %dma_start3A_379 = arith.constant 0 : i32
      %dma_start3A_380 = arith.constant 0 : i32
      %dma_start3A_381 = tpu.memref_slice %arg7[%dma_start3A_379, %dma_start3A_380] : memref<2x80xi32, #tpu.memory_space<vmem>> -> memref<1x80xi32, #tpu.memory_space<vmem>>
      %dma_start3A_382 = tpu.memref_squeeze %dma_start3A_381 : memref<1x80xi32, #tpu.memory_space<vmem>> -> memref<80xi32, #tpu.memory_space<vmem>>
      %dma_start3A_383 = tpu.memref_slice %arg3[%add3A_378] : memref<320000xi32, #tpu.memory_space<hbm>> -> memref<80xi32, #tpu.memory_space<hbm>>
      %dma_start3A_384 = arith.constant 0 : i32
      %dma_start3A_385 = tpu.memref_slice %arg7[%dma_start3A_379, %dma_start3A_384] : memref<2x80xi32, #tpu.memory_space<vmem>> -> memref<1x80xi32, #tpu.memory_space<vmem>>
      %dma_start3A_386 = tpu.memref_squeeze %dma_start3A_385 : memref<1x80xi32, #tpu.memory_space<vmem>> -> memref<80xi32, #tpu.memory_space<vmem>>
      %dma_start3A_387 = tpu.memref_slice %arg3[%add3A_378] : memref<320000xi32, #tpu.memory_space<hbm>> -> memref<80xi32, #tpu.memory_space<hbm>>
      tpu.enqueue_dma source(%dma_start3A_387 : memref<80xi32, #tpu.memory_space<hbm>>) target(%dma_start3A_386 : memref<80xi32, #tpu.memory_space<vmem>>) target_semaphore(%arg18 : memref<!tpu.dma_semaphore, #tpu.memory_space<semaphore_mem>>)
      %dma_start3A_388 = arith.constant 1 : i32
      %dma_start3A_389 = arith.constant 0 : i32
      %dma_start3A_390 = tpu.memref_slice %arg7[%dma_start3A_388, %dma_start3A_389] : memref<2x80xi32, #tpu.memory_space<vmem>> -> memref<1x80xi32, #tpu.memory_space<vmem>>
      %dma_start3A_391 = tpu.memref_squeeze %dma_start3A_390 : memref<1x80xi32, #tpu.memory_space<vmem>> -> memref<80xi32, #tpu.memory_space<vmem>>
      %dma_start3A_392 = tpu.memref_slice %arg4[%add3A_378] : memref<320000xi32, #tpu.memory_space<hbm>> -> memref<80xi32, #tpu.memory_space<hbm>>
      %dma_start3A_393 = arith.constant 0 : i32
      %dma_start3A_394 = tpu.memref_slice %arg7[%dma_start3A_388, %dma_start3A_393] : memref<2x80xi32, #tpu.memory_space<vmem>> -> memref<1x80xi32, #tpu.memory_space<vmem>>
      %dma_start3A_395 = tpu.memref_squeeze %dma_start3A_394 : memref<1x80xi32, #tpu.memory_space<vmem>> -> memref<80xi32, #tpu.memory_space<vmem>>
      %dma_start3A_396 = tpu.memref_slice %arg4[%add3A_378] : memref<320000xi32, #tpu.memory_space<hbm>> -> memref<80xi32, #tpu.memory_space<hbm>>
      tpu.enqueue_dma source(%dma_start3A_396 : memref<80xi32, #tpu.memory_space<hbm>>) target(%dma_start3A_395 : memref<80xi32, #tpu.memory_space<vmem>>) target_semaphore(%arg18 : memref<!tpu.dma_semaphore, #tpu.memory_space<semaphore_mem>>)
      %add3A_397 = arith.constant 1 : i32
      %add3A_398 = arith.addi %mul3A_326, %add3A_397 : i32
      %add3A_399 = arith.constant 1 : i32
      %add3A_400 = arith.addi %add3A_398, %add3A_399 : i32
      %min3A_401 = arith.constant 124 : i32
      %min3A_402 = arith.minsi %add3A_400, %min3A_401 : i32
      %mul3A_403 = arith.constant 80 : i32
      %mul3A_404 = arith.muli %min3A_402, %mul3A_403 : i32
      %add3A_405 = arith.addi %mul3A_2, %mul3A_404 : i32
      %dma_wait3A_406 = arith.constant 0 : i32
      %dma_wait3A_407 = arith.constant 0 : i32
      %dma_wait3A_408 = tpu.memref_slice %arg9[%dma_wait3A_406, %dma_wait3A_407] : memref<2x80xi32, #tpu.memory_space<vmem>> -> memref<1x80xi32, #tpu.memory_space<vmem>>
      %dma_wait3A_409 = tpu.memref_squeeze %dma_wait3A_408 : memref<1x80xi32, #tpu.memory_space<vmem>> -> memref<80xi32, #tpu.memory_space<vmem>>
      %dma_wait3A_410 = tpu.memref_slice %arg3[%add3A_405] : memref<320000xi32, #tpu.memory_space<hbm>> -> memref<80xi32, #tpu.memory_space<hbm>>
      %dma_wait3A_411 = arith.constant 0 : i32
      %dma_wait3A_412 = tpu.memref_slice %arg9[%dma_wait3A_406, %dma_wait3A_411] : memref<2x80xi32, #tpu.memory_space<vmem>> -> memref<1x80xi32, #tpu.memory_space<vmem>>
      %dma_wait3A_413 = tpu.memref_squeeze %dma_wait3A_412 : memref<1x80xi32, #tpu.memory_space<vmem>> -> memref<80xi32, #tpu.memory_space<vmem>>
      %dma_wait3A_414 = tpu.memref_slice %arg3[%add3A_405] : memref<320000xi32, #tpu.memory_space<hbm>> -> memref<80xi32, #tpu.memory_space<hbm>>
      tpu.wait_dma2 semaphore(%arg20 : memref<!tpu.dma_semaphore, #tpu.memory_space<semaphore_mem>>) src(%dma_wait3A_414 : memref<80xi32, #tpu.memory_space<hbm>>) dst(%dma_wait3A_413 : memref<80xi32, #tpu.memory_space<vmem>>)
      %dma_wait3A_415 = arith.constant 1 : i32
      %dma_wait3A_416 = arith.constant 0 : i32
      %dma_wait3A_417 = tpu.memref_slice %arg9[%dma_wait3A_415, %dma_wait3A_416] : memref<2x80xi32, #tpu.memory_space<vmem>> -> memref<1x80xi32, #tpu.memory_space<vmem>>
      %dma_wait3A_418 = tpu.memref_squeeze %dma_wait3A_417 : memref<1x80xi32, #tpu.memory_space<vmem>> -> memref<80xi32, #tpu.memory_space<vmem>>
      %dma_wait3A_419 = tpu.memref_slice %arg4[%add3A_405] : memref<320000xi32, #tpu.memory_space<hbm>> -> memref<80xi32, #tpu.memory_space<hbm>>
      %dma_wait3A_420 = arith.constant 0 : i32
      %dma_wait3A_421 = tpu.memref_slice %arg9[%dma_wait3A_415, %dma_wait3A_420] : memref<2x80xi32, #tpu.memory_space<vmem>> -> memref<1x80xi32, #tpu.memory_space<vmem>>
      %dma_wait3A_422 = tpu.memref_squeeze %dma_wait3A_421 : memref<1x80xi32, #tpu.memory_space<vmem>> -> memref<80xi32, #tpu.memory_space<vmem>>
      %dma_wait3A_423 = tpu.memref_slice %arg4[%add3A_405] : memref<320000xi32, #tpu.memory_space<hbm>> -> memref<80xi32, #tpu.memory_space<hbm>>
      tpu.wait_dma2 semaphore(%arg20 : memref<!tpu.dma_semaphore, #tpu.memory_space<semaphore_mem>>) src(%dma_wait3A_423 : memref<80xi32, #tpu.memory_space<hbm>>) dst(%dma_wait3A_422 : memref<80xi32, #tpu.memory_space<vmem>>)
      %dma_start3A_424 = arith.constant 0 : i32
      %dma_start3A_425 = arith.constant 0 : i32
      %dma_start3A_426 = tpu.memref_slice %arg9[%dma_start3A_424, %dma_start3A_425] : memref<2x80xi32, #tpu.memory_space<vmem>> -> memref<1x80xi32, #tpu.memory_space<vmem>>
      %dma_start3A_427 = tpu.memref_squeeze %dma_start3A_426 : memref<1x80xi32, #tpu.memory_space<vmem>> -> memref<80xi32, #tpu.memory_space<vmem>>
      %dma_start3A_428 = arith.constant 0 : i32
      %dma_start3A_429 = arith.constant 0 : i32
      %dma_start3A_430 = tpu.memref_slice %arg2[%dma_start3A_428, %dma_start3A_429] : memref<10000x128xf32, #tpu.memory_space<hbm>> -> memref<10000x128xf32, #tpu.memory_space<hbm>>
      tpu.enqueue_indirect_dma source(%dma_start3A_430 : memref<10000x128xf32, #tpu.memory_space<hbm>>) target(%arg11 : memref<80x128xf32, #tpu.memory_space<vmem>>) offsets(%dma_start3A_427 : memref<80xi32, #tpu.memory_space<vmem>>) semaphore(%arg22 : memref<!tpu.dma_semaphore, #tpu.memory_space<semaphore_mem>>)
      %dma_wait3A_431 = arith.constant 0 : i32
      %dma_wait3A_432 = arith.constant 0 : i32
      %dma_wait3A_433 = tpu.memref_slice %arg8[%dma_wait3A_431, %dma_wait3A_432] : memref<2x80xi32, #tpu.memory_space<vmem>> -> memref<1x80xi32, #tpu.memory_space<vmem>>
      %dma_wait3A_434 = tpu.memref_squeeze %dma_wait3A_433 : memref<1x80xi32, #tpu.memory_space<vmem>> -> memref<80xi32, #tpu.memory_space<vmem>>
      %dma_wait3A_435 = arith.constant 0 : i32
      %dma_wait3A_436 = arith.constant 0 : i32
      %dma_wait3A_437 = tpu.memref_slice %arg2[%dma_wait3A_435, %dma_wait3A_436] : memref<10000x128xf32, #tpu.memory_space<hbm>> -> memref<10000x128xf32, #tpu.memory_space<hbm>>
      tpu.wait_indirect_dma semaphore(%arg23 : memref<!tpu.dma_semaphore, #tpu.memory_space<semaphore_mem>>) src(%dma_wait3A_437 : memref<10000x128xf32, #tpu.memory_space<hbm>>) dst(%arg12 : memref<80x128xf32, #tpu.memory_space<vmem>>)
      %run_scoped3A_438 = arith.constant 1 : i32
      "tpu.region"() ({
        %run_scoped3A_608 = tpu.sem_alloc : memref<!tpu.dma_semaphore, #tpu.memory_space<semaphore_mem>>
        %dma_start3A_609 = arith.constant 0 : i32
        %dma_start3A_610 = tpu.memref_slice %arg8[%run_scoped3A_438, %dma_start3A_609] : memref<2x80xi32, #tpu.memory_space<vmem>> -> memref<1x80xi32, #tpu.memory_space<vmem>>
        %dma_start3A_611 = tpu.memref_squeeze %dma_start3A_610 : memref<1x80xi32, #tpu.memory_space<vmem>> -> memref<80xi32, #tpu.memory_space<vmem>>
        %dma_start3A_612 = arith.constant 0 : i32
        %dma_start3A_613 = arith.constant 0 : i32
        %dma_start3A_614 = tpu.memref_slice %arg16[%dma_start3A_612, %dma_start3A_613] : memref<10240x128xf32, #tpu.memory_space<vmem_shared>> -> memref<10240x128xf32, #tpu.memory_space<vmem_shared>>
        tpu.enqueue_indirect_dma source(%arg12 : memref<80x128xf32, #tpu.memory_space<vmem>>) target(%dma_start3A_614 : memref<10240x128xf32, #tpu.memory_space<vmem_shared>>) offsets(%dma_start3A_611 : memref<80xi32, #tpu.memory_space<vmem>>) semaphore(%run_scoped3A_608 : memref<!tpu.dma_semaphore, #tpu.memory_space<semaphore_mem>>) {add = true}
        %dma_wait3A_615 = arith.constant 0 : i32
        %dma_wait3A_616 = tpu.memref_slice %arg8[%run_scoped3A_438, %dma_wait3A_615] : memref<2x80xi32, #tpu.memory_space<vmem>> -> memref<1x80xi32, #tpu.memory_space<vmem>>
        %dma_wait3A_617 = tpu.memref_squeeze %dma_wait3A_616 : memref<1x80xi32, #tpu.memory_space<vmem>> -> memref<80xi32, #tpu.memory_space<vmem>>
        %dma_wait3A_618 = arith.constant 0 : i32
        %dma_wait3A_619 = arith.constant 0 : i32
        %dma_wait3A_620 = tpu.memref_slice %arg16[%dma_wait3A_618, %dma_wait3A_619] : memref<10240x128xf32, #tpu.memory_space<vmem_shared>> -> memref<10240x128xf32, #tpu.memory_space<vmem_shared>>
        tpu.wait_indirect_dma semaphore(%run_scoped3A_608 : memref<!tpu.dma_semaphore, #tpu.memory_space<semaphore_mem>>) src(%arg12 : memref<80x128xf32, #tpu.memory_space<vmem>>) dst(%dma_wait3A_620 : memref<10240x128xf32, #tpu.memory_space<vmem_shared>>)
        tpu.yield
      }) : () -> ()
      %run_scoped3A_439 = arith.constant 1 : i32
      "tpu.region"() ({
        %run_scoped3A_608 = tpu.sem_alloc : memref<!tpu.dma_semaphore, #tpu.memory_space<semaphore_mem>>
        %dma_start3A_609 = arith.constant 0 : i32
        %dma_start3A_610 = tpu.memref_slice %arg8[%run_scoped3A_439, %dma_start3A_609] : memref<2x80xi32, #tpu.memory_space<vmem>> -> memref<1x80xi32, #tpu.memory_space<vmem>>
        %dma_start3A_611 = tpu.memref_squeeze %dma_start3A_610 : memref<1x80xi32, #tpu.memory_space<vmem>> -> memref<80xi32, #tpu.memory_space<vmem>>
        %dma_start3A_612 = arith.constant 0 : i32
        %dma_start3A_613 = arith.constant 0 : i32
        %dma_start3A_614 = tpu.memref_slice %arg17[%dma_start3A_612, %dma_start3A_613] : memref<10240x16xf32, #tpu.memory_space<vmem_shared>> -> memref<10240x16xf32, #tpu.memory_space<vmem_shared>>
        tpu.enqueue_indirect_dma source(%arg14 : memref<80x16xf32, #tpu.memory_space<vmem>>) target(%dma_start3A_614 : memref<10240x16xf32, #tpu.memory_space<vmem_shared>>) offsets(%dma_start3A_611 : memref<80xi32, #tpu.memory_space<vmem>>) semaphore(%run_scoped3A_608 : memref<!tpu.dma_semaphore, #tpu.memory_space<semaphore_mem>>) {add = true}
        %dma_wait3A_615 = arith.constant 0 : i32
        %dma_wait3A_616 = tpu.memref_slice %arg8[%run_scoped3A_439, %dma_wait3A_615] : memref<2x80xi32, #tpu.memory_space<vmem>> -> memref<1x80xi32, #tpu.memory_space<vmem>>
        %dma_wait3A_617 = tpu.memref_squeeze %dma_wait3A_616 : memref<1x80xi32, #tpu.memory_space<vmem>> -> memref<80xi32, #tpu.memory_space<vmem>>
        %dma_wait3A_618 = arith.constant 0 : i32
        %dma_wait3A_619 = arith.constant 0 : i32
        %dma_wait3A_620 = tpu.memref_slice %arg17[%dma_wait3A_618, %dma_wait3A_619] : memref<10240x16xf32, #tpu.memory_space<vmem_shared>> -> memref<10240x16xf32, #tpu.memory_space<vmem_shared>>
        tpu.wait_indirect_dma semaphore(%run_scoped3A_608 : memref<!tpu.dma_semaphore, #tpu.memory_space<semaphore_mem>>) src(%arg14 : memref<80x16xf32, #tpu.memory_space<vmem>>) dst(%dma_wait3A_620 : memref<10240x16xf32, #tpu.memory_space<vmem_shared>>)
        tpu.yield
      }) : () -> ()
      %add3A_440 = arith.constant 1 : i32
      %add3A_441 = arith.addi %mul3A_326, %add3A_440 : i32
      %add3A_442 = arith.constant 4 : i32
      %add3A_443 = arith.addi %add3A_441, %add3A_442 : i32
      %min3A_444 = arith.constant 124 : i32
      %min3A_445 = arith.minsi %add3A_443, %min3A_444 : i32
      %mul3A_446 = arith.constant 80 : i32
      %mul3A_447 = arith.muli %min3A_445, %mul3A_446 : i32
      %add3A_448 = arith.addi %mul3A_2, %mul3A_447 : i32
      %dma_start3A_449 = arith.constant 0 : i32
      %dma_start3A_450 = arith.constant 0 : i32
      %dma_start3A_451 = tpu.memref_slice %arg8[%dma_start3A_449, %dma_start3A_450] : memref<2x80xi32, #tpu.memory_space<vmem>> -> memref<1x80xi32, #tpu.memory_space<vmem>>
      %dma_start3A_452 = tpu.memref_squeeze %dma_start3A_451 : memref<1x80xi32, #tpu.memory_space<vmem>> -> memref<80xi32, #tpu.memory_space<vmem>>
      %dma_start3A_453 = tpu.memref_slice %arg3[%add3A_448] : memref<320000xi32, #tpu.memory_space<hbm>> -> memref<80xi32, #tpu.memory_space<hbm>>
      %dma_start3A_454 = arith.constant 0 : i32
      %dma_start3A_455 = tpu.memref_slice %arg8[%dma_start3A_449, %dma_start3A_454] : memref<2x80xi32, #tpu.memory_space<vmem>> -> memref<1x80xi32, #tpu.memory_space<vmem>>
      %dma_start3A_456 = tpu.memref_squeeze %dma_start3A_455 : memref<1x80xi32, #tpu.memory_space<vmem>> -> memref<80xi32, #tpu.memory_space<vmem>>
      %dma_start3A_457 = tpu.memref_slice %arg3[%add3A_448] : memref<320000xi32, #tpu.memory_space<hbm>> -> memref<80xi32, #tpu.memory_space<hbm>>
      tpu.enqueue_dma source(%dma_start3A_457 : memref<80xi32, #tpu.memory_space<hbm>>) target(%dma_start3A_456 : memref<80xi32, #tpu.memory_space<vmem>>) target_semaphore(%arg19 : memref<!tpu.dma_semaphore, #tpu.memory_space<semaphore_mem>>)
      %dma_start3A_458 = arith.constant 1 : i32
      %dma_start3A_459 = arith.constant 0 : i32
      %dma_start3A_460 = tpu.memref_slice %arg8[%dma_start3A_458, %dma_start3A_459] : memref<2x80xi32, #tpu.memory_space<vmem>> -> memref<1x80xi32, #tpu.memory_space<vmem>>
      %dma_start3A_461 = tpu.memref_squeeze %dma_start3A_460 : memref<1x80xi32, #tpu.memory_space<vmem>> -> memref<80xi32, #tpu.memory_space<vmem>>
      %dma_start3A_462 = tpu.memref_slice %arg4[%add3A_448] : memref<320000xi32, #tpu.memory_space<hbm>> -> memref<80xi32, #tpu.memory_space<hbm>>
      %dma_start3A_463 = arith.constant 0 : i32
      %dma_start3A_464 = tpu.memref_slice %arg8[%dma_start3A_458, %dma_start3A_463] : memref<2x80xi32, #tpu.memory_space<vmem>> -> memref<1x80xi32, #tpu.memory_space<vmem>>
      %dma_start3A_465 = tpu.memref_squeeze %dma_start3A_464 : memref<1x80xi32, #tpu.memory_space<vmem>> -> memref<80xi32, #tpu.memory_space<vmem>>
      %dma_start3A_466 = tpu.memref_slice %arg4[%add3A_448] : memref<320000xi32, #tpu.memory_space<hbm>> -> memref<80xi32, #tpu.memory_space<hbm>>
      tpu.enqueue_dma source(%dma_start3A_466 : memref<80xi32, #tpu.memory_space<hbm>>) target(%dma_start3A_465 : memref<80xi32, #tpu.memory_space<vmem>>) target_semaphore(%arg19 : memref<!tpu.dma_semaphore, #tpu.memory_space<semaphore_mem>>)
      %add3A_467 = arith.constant 2 : i32
      %add3A_468 = arith.addi %mul3A_326, %add3A_467 : i32
      %add3A_469 = arith.constant 1 : i32
      %add3A_470 = arith.addi %add3A_468, %add3A_469 : i32
      %min3A_471 = arith.constant 124 : i32
      %min3A_472 = arith.minsi %add3A_470, %min3A_471 : i32
      %mul3A_473 = arith.constant 80 : i32
      %mul3A_474 = arith.muli %min3A_472, %mul3A_473 : i32
      %add3A_475 = arith.addi %mul3A_2, %mul3A_474 : i32
      %dma_wait3A_476 = arith.constant 0 : i32
      %dma_wait3A_477 = arith.constant 0 : i32
      %dma_wait3A_478 = tpu.memref_slice %arg10[%dma_wait3A_476, %dma_wait3A_477] : memref<2x80xi32, #tpu.memory_space<vmem>> -> memref<1x80xi32, #tpu.memory_space<vmem>>
      %dma_wait3A_479 = tpu.memref_squeeze %dma_wait3A_478 : memref<1x80xi32, #tpu.memory_space<vmem>> -> memref<80xi32, #tpu.memory_space<vmem>>
      %dma_wait3A_480 = tpu.memref_slice %arg3[%add3A_475] : memref<320000xi32, #tpu.memory_space<hbm>> -> memref<80xi32, #tpu.memory_space<hbm>>
      %dma_wait3A_481 = arith.constant 0 : i32
      %dma_wait3A_482 = tpu.memref_slice %arg10[%dma_wait3A_476, %dma_wait3A_481] : memref<2x80xi32, #tpu.memory_space<vmem>> -> memref<1x80xi32, #tpu.memory_space<vmem>>
      %dma_wait3A_483 = tpu.memref_squeeze %dma_wait3A_482 : memref<1x80xi32, #tpu.memory_space<vmem>> -> memref<80xi32, #tpu.memory_space<vmem>>
      %dma_wait3A_484 = tpu.memref_slice %arg3[%add3A_475] : memref<320000xi32, #tpu.memory_space<hbm>> -> memref<80xi32, #tpu.memory_space<hbm>>
      tpu.wait_dma2 semaphore(%arg21 : memref<!tpu.dma_semaphore, #tpu.memory_space<semaphore_mem>>) src(%dma_wait3A_484 : memref<80xi32, #tpu.memory_space<hbm>>) dst(%dma_wait3A_483 : memref<80xi32, #tpu.memory_space<vmem>>)
      %dma_wait3A_485 = arith.constant 1 : i32
      %dma_wait3A_486 = arith.constant 0 : i32
      %dma_wait3A_487 = tpu.memref_slice %arg10[%dma_wait3A_485, %dma_wait3A_486] : memref<2x80xi32, #tpu.memory_space<vmem>> -> memref<1x80xi32, #tpu.memory_space<vmem>>
      %dma_wait3A_488 = tpu.memref_squeeze %dma_wait3A_487 : memref<1x80xi32, #tpu.memory_space<vmem>> -> memref<80xi32, #tpu.memory_space<vmem>>
      %dma_wait3A_489 = tpu.memref_slice %arg4[%add3A_475] : memref<320000xi32, #tpu.memory_space<hbm>> -> memref<80xi32, #tpu.memory_space<hbm>>
      %dma_wait3A_490 = arith.constant 0 : i32
      %dma_wait3A_491 = tpu.memref_slice %arg10[%dma_wait3A_485, %dma_wait3A_490] : memref<2x80xi32, #tpu.memory_space<vmem>> -> memref<1x80xi32, #tpu.memory_space<vmem>>
      %dma_wait3A_492 = tpu.memref_squeeze %dma_wait3A_491 : memref<1x80xi32, #tpu.memory_space<vmem>> -> memref<80xi32, #tpu.memory_space<vmem>>
      %dma_wait3A_493 = tpu.memref_slice %arg4[%add3A_475] : memref<320000xi32, #tpu.memory_space<hbm>> -> memref<80xi32, #tpu.memory_space<hbm>>
      tpu.wait_dma2 semaphore(%arg21 : memref<!tpu.dma_semaphore, #tpu.memory_space<semaphore_mem>>) src(%dma_wait3A_493 : memref<80xi32, #tpu.memory_space<hbm>>) dst(%dma_wait3A_492 : memref<80xi32, #tpu.memory_space<vmem>>)
      %dma_start3A_494 = arith.constant 0 : i32
      %dma_start3A_495 = arith.constant 0 : i32
      %dma_start3A_496 = tpu.memref_slice %arg10[%dma_start3A_494, %dma_start3A_495] : memref<2x80xi32, #tpu.memory_space<vmem>> -> memref<1x80xi32, #tpu.memory_space<vmem>>
      %dma_start3A_497 = tpu.memref_squeeze %dma_start3A_496 : memref<1x80xi32, #tpu.memory_space<vmem>> -> memref<80xi32, #tpu.memory_space<vmem>>
      %dma_start3A_498 = arith.constant 0 : i32
      %dma_start3A_499 = arith.constant 0 : i32
      %dma_start3A_500 = tpu.memref_slice %arg2[%dma_start3A_498, %dma_start3A_499] : memref<10000x128xf32, #tpu.memory_space<hbm>> -> memref<10000x128xf32, #tpu.memory_space<hbm>>
      tpu.enqueue_indirect_dma source(%dma_start3A_500 : memref<10000x128xf32, #tpu.memory_space<hbm>>) target(%arg12 : memref<80x128xf32, #tpu.memory_space<vmem>>) offsets(%dma_start3A_497 : memref<80xi32, #tpu.memory_space<vmem>>) semaphore(%arg23 : memref<!tpu.dma_semaphore, #tpu.memory_space<semaphore_mem>>)
      %dma_wait3A_501 = arith.constant 0 : i32
      %dma_wait3A_502 = arith.constant 0 : i32
      %dma_wait3A_503 = tpu.memref_slice %arg9[%dma_wait3A_501, %dma_wait3A_502] : memref<2x80xi32, #tpu.memory_space<vmem>> -> memref<1x80xi32, #tpu.memory_space<vmem>>
      %dma_wait3A_504 = tpu.memref_squeeze %dma_wait3A_503 : memref<1x80xi32, #tpu.memory_space<vmem>> -> memref<80xi32, #tpu.memory_space<vmem>>
      %dma_wait3A_505 = arith.constant 0 : i32
      %dma_wait3A_506 = arith.constant 0 : i32
      %dma_wait3A_507 = tpu.memref_slice %arg2[%dma_wait3A_505, %dma_wait3A_506] : memref<10000x128xf32, #tpu.memory_space<hbm>> -> memref<10000x128xf32, #tpu.memory_space<hbm>>
      tpu.wait_indirect_dma semaphore(%arg22 : memref<!tpu.dma_semaphore, #tpu.memory_space<semaphore_mem>>) src(%dma_wait3A_507 : memref<10000x128xf32, #tpu.memory_space<hbm>>) dst(%arg11 : memref<80x128xf32, #tpu.memory_space<vmem>>)
      %run_scoped3A_508 = arith.constant 1 : i32
      "tpu.region"() ({
        %run_scoped3A_608 = tpu.sem_alloc : memref<!tpu.dma_semaphore, #tpu.memory_space<semaphore_mem>>
        %dma_start3A_609 = arith.constant 0 : i32
        %dma_start3A_610 = tpu.memref_slice %arg9[%run_scoped3A_508, %dma_start3A_609] : memref<2x80xi32, #tpu.memory_space<vmem>> -> memref<1x80xi32, #tpu.memory_space<vmem>>
        %dma_start3A_611 = tpu.memref_squeeze %dma_start3A_610 : memref<1x80xi32, #tpu.memory_space<vmem>> -> memref<80xi32, #tpu.memory_space<vmem>>
        %dma_start3A_612 = arith.constant 0 : i32
        %dma_start3A_613 = arith.constant 0 : i32
        %dma_start3A_614 = tpu.memref_slice %arg16[%dma_start3A_612, %dma_start3A_613] : memref<10240x128xf32, #tpu.memory_space<vmem_shared>> -> memref<10240x128xf32, #tpu.memory_space<vmem_shared>>
        tpu.enqueue_indirect_dma source(%arg11 : memref<80x128xf32, #tpu.memory_space<vmem>>) target(%dma_start3A_614 : memref<10240x128xf32, #tpu.memory_space<vmem_shared>>) offsets(%dma_start3A_611 : memref<80xi32, #tpu.memory_space<vmem>>) semaphore(%run_scoped3A_608 : memref<!tpu.dma_semaphore, #tpu.memory_space<semaphore_mem>>) {add = true}
        %dma_wait3A_615 = arith.constant 0 : i32
        %dma_wait3A_616 = tpu.memref_slice %arg9[%run_scoped3A_508, %dma_wait3A_615] : memref<2x80xi32, #tpu.memory_space<vmem>> -> memref<1x80xi32, #tpu.memory_space<vmem>>
        %dma_wait3A_617 = tpu.memref_squeeze %dma_wait3A_616 : memref<1x80xi32, #tpu.memory_space<vmem>> -> memref<80xi32, #tpu.memory_space<vmem>>
        %dma_wait3A_618 = arith.constant 0 : i32
        %dma_wait3A_619 = arith.constant 0 : i32
        %dma_wait3A_620 = tpu.memref_slice %arg16[%dma_wait3A_618, %dma_wait3A_619] : memref<10240x128xf32, #tpu.memory_space<vmem_shared>> -> memref<10240x128xf32, #tpu.memory_space<vmem_shared>>
        tpu.wait_indirect_dma semaphore(%run_scoped3A_608 : memref<!tpu.dma_semaphore, #tpu.memory_space<semaphore_mem>>) src(%arg11 : memref<80x128xf32, #tpu.memory_space<vmem>>) dst(%dma_wait3A_620 : memref<10240x128xf32, #tpu.memory_space<vmem_shared>>)
        tpu.yield
      }) : () -> ()
      %run_scoped3A_509 = arith.constant 1 : i32
      "tpu.region"() ({
        %run_scoped3A_608 = tpu.sem_alloc : memref<!tpu.dma_semaphore, #tpu.memory_space<semaphore_mem>>
        %dma_start3A_609 = arith.constant 0 : i32
        %dma_start3A_610 = tpu.memref_slice %arg9[%run_scoped3A_509, %dma_start3A_609] : memref<2x80xi32, #tpu.memory_space<vmem>> -> memref<1x80xi32, #tpu.memory_space<vmem>>
        %dma_start3A_611 = tpu.memref_squeeze %dma_start3A_610 : memref<1x80xi32, #tpu.memory_space<vmem>> -> memref<80xi32, #tpu.memory_space<vmem>>
        %dma_start3A_612 = arith.constant 0 : i32
        %dma_start3A_613 = arith.constant 0 : i32
        %dma_start3A_614 = tpu.memref_slice %arg17[%dma_start3A_612, %dma_start3A_613] : memref<10240x16xf32, #tpu.memory_space<vmem_shared>> -> memref<10240x16xf32, #tpu.memory_space<vmem_shared>>
        tpu.enqueue_indirect_dma source(%arg14 : memref<80x16xf32, #tpu.memory_space<vmem>>) target(%dma_start3A_614 : memref<10240x16xf32, #tpu.memory_space<vmem_shared>>) offsets(%dma_start3A_611 : memref<80xi32, #tpu.memory_space<vmem>>) semaphore(%run_scoped3A_608 : memref<!tpu.dma_semaphore, #tpu.memory_space<semaphore_mem>>) {add = true}
        %dma_wait3A_615 = arith.constant 0 : i32
        %dma_wait3A_616 = tpu.memref_slice %arg9[%run_scoped3A_509, %dma_wait3A_615] : memref<2x80xi32, #tpu.memory_space<vmem>> -> memref<1x80xi32, #tpu.memory_space<vmem>>
        %dma_wait3A_617 = tpu.memref_squeeze %dma_wait3A_616 : memref<1x80xi32, #tpu.memory_space<vmem>> -> memref<80xi32, #tpu.memory_space<vmem>>
        %dma_wait3A_618 = arith.constant 0 : i32
        %dma_wait3A_619 = arith.constant 0 : i32
        %dma_wait3A_620 = tpu.memref_slice %arg17[%dma_wait3A_618, %dma_wait3A_619] : memref<10240x16xf32, #tpu.memory_space<vmem_shared>> -> memref<10240x16xf32, #tpu.memory_space<vmem_shared>>
        tpu.wait_indirect_dma semaphore(%run_scoped3A_608 : memref<!tpu.dma_semaphore, #tpu.memory_space<semaphore_mem>>) src(%arg14 : memref<80x16xf32, #tpu.memory_space<vmem>>) dst(%dma_wait3A_620 : memref<10240x16xf32, #tpu.memory_space<vmem_shared>>)
        tpu.yield
      }) : () -> ()
      %add3A_510 = arith.constant 2 : i32
      %add3A_511 = arith.addi %mul3A_326, %add3A_510 : i32
      %add3A_512 = arith.constant 4 : i32
      %add3A_513 = arith.addi %add3A_511, %add3A_512 : i32
      %min3A_514 = arith.constant 124 : i32
      %min3A_515 = arith.minsi %add3A_513, %min3A_514 : i32
      %mul3A_516 = arith.constant 80 : i32
      %mul3A_517 = arith.muli %min3A_515, %mul3A_516 : i32
      %add3A_518 = arith.addi %mul3A_2, %mul3A_517 : i32
      %dma_start3A_519 = arith.constant 0 : i32
      %dma_start3A_520 = arith.constant 0 : i32
      %dma_start3A_521 = tpu.memref_slice %arg9[%dma_start3A_519, %dma_start3A_520] : memref<2x80xi32, #tpu.memory_space<vmem>> -> memref<1x80xi32, #tpu.memory_space<vmem>>
      %dma_start3A_522 = tpu.memref_squeeze %dma_start3A_521 : memref<1x80xi32, #tpu.memory_space<vmem>> -> memref<80xi32, #tpu.memory_space<vmem>>
      %dma_start3A_523 = tpu.memref_slice %arg3[%add3A_518] : memref<320000xi32, #tpu.memory_space<hbm>> -> memref<80xi32, #tpu.memory_space<hbm>>
      %dma_start3A_524 = arith.constant 0 : i32
      %dma_start3A_525 = tpu.memref_slice %arg9[%dma_start3A_519, %dma_start3A_524] : memref<2x80xi32, #tpu.memory_space<vmem>> -> memref<1x80xi32, #tpu.memory_space<vmem>>
      %dma_start3A_526 = tpu.memref_squeeze %dma_start3A_525 : memref<1x80xi32, #tpu.memory_space<vmem>> -> memref<80xi32, #tpu.memory_space<vmem>>
      %dma_start3A_527 = tpu.memref_slice %arg3[%add3A_518] : memref<320000xi32, #tpu.memory_space<hbm>> -> memref<80xi32, #tpu.memory_space<hbm>>
      tpu.enqueue_dma source(%dma_start3A_527 : memref<80xi32, #tpu.memory_space<hbm>>) target(%dma_start3A_526 : memref<80xi32, #tpu.memory_space<vmem>>) target_semaphore(%arg20 : memref<!tpu.dma_semaphore, #tpu.memory_space<semaphore_mem>>)
      %dma_start3A_528 = arith.constant 1 : i32
      %dma_start3A_529 = arith.constant 0 : i32
      %dma_start3A_530 = tpu.memref_slice %arg9[%dma_start3A_528, %dma_start3A_529] : memref<2x80xi32, #tpu.memory_space<vmem>> -> memref<1x80xi32, #tpu.memory_space<vmem>>
      %dma_start3A_531 = tpu.memref_squeeze %dma_start3A_530 : memref<1x80xi32, #tpu.memory_space<vmem>> -> memref<80xi32, #tpu.memory_space<vmem>>
      %dma_start3A_532 = tpu.memref_slice %arg4[%add3A_518] : memref<320000xi32, #tpu.memory_space<hbm>> -> memref<80xi32, #tpu.memory_space<hbm>>
      %dma_start3A_533 = arith.constant 0 : i32
      %dma_start3A_534 = tpu.memref_slice %arg9[%dma_start3A_528, %dma_start3A_533] : memref<2x80xi32, #tpu.memory_space<vmem>> -> memref<1x80xi32, #tpu.memory_space<vmem>>
      %dma_start3A_535 = tpu.memref_squeeze %dma_start3A_534 : memref<1x80xi32, #tpu.memory_space<vmem>> -> memref<80xi32, #tpu.memory_space<vmem>>
      %dma_start3A_536 = tpu.memref_slice %arg4[%add3A_518] : memref<320000xi32, #tpu.memory_space<hbm>> -> memref<80xi32, #tpu.memory_space<hbm>>
      tpu.enqueue_dma source(%dma_start3A_536 : memref<80xi32, #tpu.memory_space<hbm>>) target(%dma_start3A_535 : memref<80xi32, #tpu.memory_space<vmem>>) target_semaphore(%arg20 : memref<!tpu.dma_semaphore, #tpu.memory_space<semaphore_mem>>)
      %add3A_537 = arith.constant 3 : i32
      %add3A_538 = arith.addi %mul3A_326, %add3A_537 : i32
      %add3A_539 = arith.constant 1 : i32
      %add3A_540 = arith.addi %add3A_538, %add3A_539 : i32
      %min3A_541 = arith.constant 124 : i32
      %min3A_542 = arith.minsi %add3A_540, %min3A_541 : i32
      %mul3A_543 = arith.constant 80 : i32
      %mul3A_544 = arith.muli %min3A_542, %mul3A_543 : i32
      %add3A_545 = arith.addi %mul3A_2, %mul3A_544 : i32
      %dma_wait3A_546 = arith.constant 0 : i32
      %dma_wait3A_547 = arith.constant 0 : i32
      %dma_wait3A_548 = tpu.memref_slice %arg7[%dma_wait3A_546, %dma_wait3A_547] : memref<2x80xi32, #tpu.memory_space<vmem>> -> memref<1x80xi32, #tpu.memory_space<vmem>>
      %dma_wait3A_549 = tpu.memref_squeeze %dma_wait3A_548 : memref<1x80xi32, #tpu.memory_space<vmem>> -> memref<80xi32, #tpu.memory_space<vmem>>
      %dma_wait3A_550 = tpu.memref_slice %arg3[%add3A_545] : memref<320000xi32, #tpu.memory_space<hbm>> -> memref<80xi32, #tpu.memory_space<hbm>>
      %dma_wait3A_551 = arith.constant 0 : i32
      %dma_wait3A_552 = tpu.memref_slice %arg7[%dma_wait3A_546, %dma_wait3A_551] : memref<2x80xi32, #tpu.memory_space<vmem>> -> memref<1x80xi32, #tpu.memory_space<vmem>>
      %dma_wait3A_553 = tpu.memref_squeeze %dma_wait3A_552 : memref<1x80xi32, #tpu.memory_space<vmem>> -> memref<80xi32, #tpu.memory_space<vmem>>
      %dma_wait3A_554 = tpu.memref_slice %arg3[%add3A_545] : memref<320000xi32, #tpu.memory_space<hbm>> -> memref<80xi32, #tpu.memory_space<hbm>>
      tpu.wait_dma2 semaphore(%arg18 : memref<!tpu.dma_semaphore, #tpu.memory_space<semaphore_mem>>) src(%dma_wait3A_554 : memref<80xi32, #tpu.memory_space<hbm>>) dst(%dma_wait3A_553 : memref<80xi32, #tpu.memory_space<vmem>>)
      %dma_wait3A_555 = arith.constant 1 : i32
      %dma_wait3A_556 = arith.constant 0 : i32
      %dma_wait3A_557 = tpu.memref_slice %arg7[%dma_wait3A_555, %dma_wait3A_556] : memref<2x80xi32, #tpu.memory_space<vmem>> -> memref<1x80xi32, #tpu.memory_space<vmem>>
      %dma_wait3A_558 = tpu.memref_squeeze %dma_wait3A_557 : memref<1x80xi32, #tpu.memory_space<vmem>> -> memref<80xi32, #tpu.memory_space<vmem>>
      %dma_wait3A_559 = tpu.memref_slice %arg4[%add3A_545] : memref<320000xi32, #tpu.memory_space<hbm>> -> memref<80xi32, #tpu.memory_space<hbm>>
      %dma_wait3A_560 = arith.constant 0 : i32
      %dma_wait3A_561 = tpu.memref_slice %arg7[%dma_wait3A_555, %dma_wait3A_560] : memref<2x80xi32, #tpu.memory_space<vmem>> -> memref<1x80xi32, #tpu.memory_space<vmem>>
      %dma_wait3A_562 = tpu.memref_squeeze %dma_wait3A_561 : memref<1x80xi32, #tpu.memory_space<vmem>> -> memref<80xi32, #tpu.memory_space<vmem>>
      %dma_wait3A_563 = tpu.memref_slice %arg4[%add3A_545] : memref<320000xi32, #tpu.memory_space<hbm>> -> memref<80xi32, #tpu.memory_space<hbm>>
      tpu.wait_dma2 semaphore(%arg18 : memref<!tpu.dma_semaphore, #tpu.memory_space<semaphore_mem>>) src(%dma_wait3A_563 : memref<80xi32, #tpu.memory_space<hbm>>) dst(%dma_wait3A_562 : memref<80xi32, #tpu.memory_space<vmem>>)
      %dma_start3A_564 = arith.constant 0 : i32
      %dma_start3A_565 = arith.constant 0 : i32
      %dma_start3A_566 = tpu.memref_slice %arg7[%dma_start3A_564, %dma_start3A_565] : memref<2x80xi32, #tpu.memory_space<vmem>> -> memref<1x80xi32, #tpu.memory_space<vmem>>
      %dma_start3A_567 = tpu.memref_squeeze %dma_start3A_566 : memref<1x80xi32, #tpu.memory_space<vmem>> -> memref<80xi32, #tpu.memory_space<vmem>>
      %dma_start3A_568 = arith.constant 0 : i32
      %dma_start3A_569 = arith.constant 0 : i32
      %dma_start3A_570 = tpu.memref_slice %arg2[%dma_start3A_568, %dma_start3A_569] : memref<10000x128xf32, #tpu.memory_space<hbm>> -> memref<10000x128xf32, #tpu.memory_space<hbm>>
      tpu.enqueue_indirect_dma source(%dma_start3A_570 : memref<10000x128xf32, #tpu.memory_space<hbm>>) target(%arg11 : memref<80x128xf32, #tpu.memory_space<vmem>>) offsets(%dma_start3A_567 : memref<80xi32, #tpu.memory_space<vmem>>) semaphore(%arg22 : memref<!tpu.dma_semaphore, #tpu.memory_space<semaphore_mem>>)
      %dma_wait3A_571 = arith.constant 0 : i32
      %dma_wait3A_572 = arith.constant 0 : i32
      %dma_wait3A_573 = tpu.memref_slice %arg10[%dma_wait3A_571, %dma_wait3A_572] : memref<2x80xi32, #tpu.memory_space<vmem>> -> memref<1x80xi32, #tpu.memory_space<vmem>>
      %dma_wait3A_574 = tpu.memref_squeeze %dma_wait3A_573 : memref<1x80xi32, #tpu.memory_space<vmem>> -> memref<80xi32, #tpu.memory_space<vmem>>
      %dma_wait3A_575 = arith.constant 0 : i32
      %dma_wait3A_576 = arith.constant 0 : i32
      %dma_wait3A_577 = tpu.memref_slice %arg2[%dma_wait3A_575, %dma_wait3A_576] : memref<10000x128xf32, #tpu.memory_space<hbm>> -> memref<10000x128xf32, #tpu.memory_space<hbm>>
      tpu.wait_indirect_dma semaphore(%arg23 : memref<!tpu.dma_semaphore, #tpu.memory_space<semaphore_mem>>) src(%dma_wait3A_577 : memref<10000x128xf32, #tpu.memory_space<hbm>>) dst(%arg12 : memref<80x128xf32, #tpu.memory_space<vmem>>)
      %run_scoped3A_578 = arith.constant 1 : i32
      "tpu.region"() ({
        %run_scoped3A_608 = tpu.sem_alloc : memref<!tpu.dma_semaphore, #tpu.memory_space<semaphore_mem>>
        %dma_start3A_609 = arith.constant 0 : i32
        %dma_start3A_610 = tpu.memref_slice %arg10[%run_scoped3A_578, %dma_start3A_609] : memref<2x80xi32, #tpu.memory_space<vmem>> -> memref<1x80xi32, #tpu.memory_space<vmem>>
        %dma_start3A_611 = tpu.memref_squeeze %dma_start3A_610 : memref<1x80xi32, #tpu.memory_space<vmem>> -> memref<80xi32, #tpu.memory_space<vmem>>
        %dma_start3A_612 = arith.constant 0 : i32
        %dma_start3A_613 = arith.constant 0 : i32
        %dma_start3A_614 = tpu.memref_slice %arg16[%dma_start3A_612, %dma_start3A_613] : memref<10240x128xf32, #tpu.memory_space<vmem_shared>> -> memref<10240x128xf32, #tpu.memory_space<vmem_shared>>
        tpu.enqueue_indirect_dma source(%arg12 : memref<80x128xf32, #tpu.memory_space<vmem>>) target(%dma_start3A_614 : memref<10240x128xf32, #tpu.memory_space<vmem_shared>>) offsets(%dma_start3A_611 : memref<80xi32, #tpu.memory_space<vmem>>) semaphore(%run_scoped3A_608 : memref<!tpu.dma_semaphore, #tpu.memory_space<semaphore_mem>>) {add = true}
        %dma_wait3A_615 = arith.constant 0 : i32
        %dma_wait3A_616 = tpu.memref_slice %arg10[%run_scoped3A_578, %dma_wait3A_615] : memref<2x80xi32, #tpu.memory_space<vmem>> -> memref<1x80xi32, #tpu.memory_space<vmem>>
        %dma_wait3A_617 = tpu.memref_squeeze %dma_wait3A_616 : memref<1x80xi32, #tpu.memory_space<vmem>> -> memref<80xi32, #tpu.memory_space<vmem>>
        %dma_wait3A_618 = arith.constant 0 : i32
        %dma_wait3A_619 = arith.constant 0 : i32
        %dma_wait3A_620 = tpu.memref_slice %arg16[%dma_wait3A_618, %dma_wait3A_619] : memref<10240x128xf32, #tpu.memory_space<vmem_shared>> -> memref<10240x128xf32, #tpu.memory_space<vmem_shared>>
        tpu.wait_indirect_dma semaphore(%run_scoped3A_608 : memref<!tpu.dma_semaphore, #tpu.memory_space<semaphore_mem>>) src(%arg12 : memref<80x128xf32, #tpu.memory_space<vmem>>) dst(%dma_wait3A_620 : memref<10240x128xf32, #tpu.memory_space<vmem_shared>>)
        tpu.yield
      }) : () -> ()
      %run_scoped3A_579 = arith.constant 1 : i32
      "tpu.region"() ({
        %run_scoped3A_608 = tpu.sem_alloc : memref<!tpu.dma_semaphore, #tpu.memory_space<semaphore_mem>>
        %dma_start3A_609 = arith.constant 0 : i32
        %dma_start3A_610 = tpu.memref_slice %arg10[%run_scoped3A_579, %dma_start3A_609] : memref<2x80xi32, #tpu.memory_space<vmem>> -> memref<1x80xi32, #tpu.memory_space<vmem>>
        %dma_start3A_611 = tpu.memref_squeeze %dma_start3A_610 : memref<1x80xi32, #tpu.memory_space<vmem>> -> memref<80xi32, #tpu.memory_space<vmem>>
        %dma_start3A_612 = arith.constant 0 : i32
        %dma_start3A_613 = arith.constant 0 : i32
        %dma_start3A_614 = tpu.memref_slice %arg17[%dma_start3A_612, %dma_start3A_613] : memref<10240x16xf32, #tpu.memory_space<vmem_shared>> -> memref<10240x16xf32, #tpu.memory_space<vmem_shared>>
        tpu.enqueue_indirect_dma source(%arg14 : memref<80x16xf32, #tpu.memory_space<vmem>>) target(%dma_start3A_614 : memref<10240x16xf32, #tpu.memory_space<vmem_shared>>) offsets(%dma_start3A_611 : memref<80xi32, #tpu.memory_space<vmem>>) semaphore(%run_scoped3A_608 : memref<!tpu.dma_semaphore, #tpu.memory_space<semaphore_mem>>) {add = true}
        %dma_wait3A_615 = arith.constant 0 : i32
        %dma_wait3A_616 = tpu.memref_slice %arg10[%run_scoped3A_579, %dma_wait3A_615] : memref<2x80xi32, #tpu.memory_space<vmem>> -> memref<1x80xi32, #tpu.memory_space<vmem>>
        %dma_wait3A_617 = tpu.memref_squeeze %dma_wait3A_616 : memref<1x80xi32, #tpu.memory_space<vmem>> -> memref<80xi32, #tpu.memory_space<vmem>>
        %dma_wait3A_618 = arith.constant 0 : i32
        %dma_wait3A_619 = arith.constant 0 : i32
        %dma_wait3A_620 = tpu.memref_slice %arg17[%dma_wait3A_618, %dma_wait3A_619] : memref<10240x16xf32, #tpu.memory_space<vmem_shared>> -> memref<10240x16xf32, #tpu.memory_space<vmem_shared>>
        tpu.wait_indirect_dma semaphore(%run_scoped3A_608 : memref<!tpu.dma_semaphore, #tpu.memory_space<semaphore_mem>>) src(%arg14 : memref<80x16xf32, #tpu.memory_space<vmem>>) dst(%dma_wait3A_620 : memref<10240x16xf32, #tpu.memory_space<vmem_shared>>)
        tpu.yield
      }) : () -> ()
      %add3A_580 = arith.constant 3 : i32
      %add3A_581 = arith.addi %mul3A_326, %add3A_580 : i32
      %add3A_582 = arith.constant 4 : i32
      %add3A_583 = arith.addi %add3A_581, %add3A_582 : i32
      %min3A_584 = arith.constant 124 : i32
      %min3A_585 = arith.minsi %add3A_583, %min3A_584 : i32
      %mul3A_586 = arith.constant 80 : i32
      %mul3A_587 = arith.muli %min3A_585, %mul3A_586 : i32
      %add3A_588 = arith.addi %mul3A_2, %mul3A_587 : i32
      %dma_start3A_589 = arith.constant 0 : i32
      %dma_start3A_590 = arith.constant 0 : i32
      %dma_start3A_591 = tpu.memref_slice %arg10[%dma_start3A_589, %dma_start3A_590] : memref<2x80xi32, #tpu.memory_space<vmem>> -> memref<1x80xi32, #tpu.memory_space<vmem>>
      %dma_start3A_592 = tpu.memref_squeeze %dma_start3A_591 : memref<1x80xi32, #tpu.memory_space<vmem>> -> memref<80xi32, #tpu.memory_space<vmem>>
      %dma_start3A_593 = tpu.memref_slice %arg3[%add3A_588] : memref<320000xi32, #tpu.memory_space<hbm>> -> memref<80xi32, #tpu.memory_space<hbm>>
      %dma_start3A_594 = arith.constant 0 : i32
      %dma_start3A_595 = tpu.memref_slice %arg10[%dma_start3A_589, %dma_start3A_594] : memref<2x80xi32, #tpu.memory_space<vmem>> -> memref<1x80xi32, #tpu.memory_space<vmem>>
      %dma_start3A_596 = tpu.memref_squeeze %dma_start3A_595 : memref<1x80xi32, #tpu.memory_space<vmem>> -> memref<80xi32, #tpu.memory_space<vmem>>
      %dma_start3A_597 = tpu.memref_slice %arg3[%add3A_588] : memref<320000xi32, #tpu.memory_space<hbm>> -> memref<80xi32, #tpu.memory_space<hbm>>
      tpu.enqueue_dma source(%dma_start3A_597 : memref<80xi32, #tpu.memory_space<hbm>>) target(%dma_start3A_596 : memref<80xi32, #tpu.memory_space<vmem>>) target_semaphore(%arg21 : memref<!tpu.dma_semaphore, #tpu.memory_space<semaphore_mem>>)
      %dma_start3A_598 = arith.constant 1 : i32
      %dma_start3A_599 = arith.constant 0 : i32
      %dma_start3A_600 = tpu.memref_slice %arg10[%dma_start3A_598, %dma_start3A_599] : memref<2x80xi32, #tpu.memory_space<vmem>> -> memref<1x80xi32, #tpu.memory_space<vmem>>
      %dma_start3A_601 = tpu.memref_squeeze %dma_start3A_600 : memref<1x80xi32, #tpu.memory_space<vmem>> -> memref<80xi32, #tpu.memory_space<vmem>>
      %dma_start3A_602 = tpu.memref_slice %arg4[%add3A_588] : memref<320000xi32, #tpu.memory_space<hbm>> -> memref<80xi32, #tpu.memory_space<hbm>>
      %dma_start3A_603 = arith.constant 0 : i32
      %dma_start3A_604 = tpu.memref_slice %arg10[%dma_start3A_598, %dma_start3A_603] : memref<2x80xi32, #tpu.memory_space<vmem>> -> memref<1x80xi32, #tpu.memory_space<vmem>>
      %dma_start3A_605 = tpu.memref_squeeze %dma_start3A_604 : memref<1x80xi32, #tpu.memory_space<vmem>> -> memref<80xi32, #tpu.memory_space<vmem>>
      %dma_start3A_606 = tpu.memref_slice %arg4[%add3A_588] : memref<320000xi32, #tpu.memory_space<hbm>> -> memref<80xi32, #tpu.memory_space<hbm>>
      tpu.enqueue_dma source(%dma_start3A_606 : memref<80xi32, #tpu.memory_space<hbm>>) target(%dma_start3A_605 : memref<80xi32, #tpu.memory_space<vmem>>) target_semaphore(%arg21 : memref<!tpu.dma_semaphore, #tpu.memory_space<semaphore_mem>>)
      %scan3A_607 = arith.constant 0 : i32
      scf.yield %scan3A_607 : i32
    }
    %scan3A_233 = arith.constant 31 : i32
    %dma_wait3A_234 = arith.constant 0 : i32
    %dma_wait3A_235 = arith.constant 0 : i32
    %dma_wait3A_236 = tpu.memref_slice %arg7[%dma_wait3A_234, %dma_wait3A_235] : memref<2x80xi32, #tpu.memory_space<vmem>> -> memref<1x80xi32, #tpu.memory_space<vmem>>
    %dma_wait3A_237 = tpu.memref_squeeze %dma_wait3A_236 : memref<1x80xi32, #tpu.memory_space<vmem>> -> memref<80xi32, #tpu.memory_space<vmem>>
    %dma_wait3A_238 = arith.constant 0 : i32
    %dma_wait3A_239 = arith.constant 0 : i32
    %dma_wait3A_240 = tpu.memref_slice %arg2[%dma_wait3A_238, %dma_wait3A_239] : memref<10000x128xf32, #tpu.memory_space<hbm>> -> memref<10000x128xf32, #tpu.memory_space<hbm>>
    tpu.wait_indirect_dma semaphore(%arg22 : memref<!tpu.dma_semaphore, #tpu.memory_space<semaphore_mem>>) src(%dma_wait3A_240 : memref<10000x128xf32, #tpu.memory_space<hbm>>) dst(%arg11 : memref<80x128xf32, #tpu.memory_space<vmem>>)
    %run_scoped3A = arith.constant 1 : i32
    "tpu.region"() ({
      %run_scoped3A_323 = tpu.sem_alloc : memref<!tpu.dma_semaphore, #tpu.memory_space<semaphore_mem>>
      %dma_start3A_324 = arith.constant 0 : i32
      %dma_start3A_325 = tpu.memref_slice %arg7[%run_scoped3A, %dma_start3A_324] : memref<2x80xi32, #tpu.memory_space<vmem>> -> memref<1x80xi32, #tpu.memory_space<vmem>>
      %dma_start3A_326 = tpu.memref_squeeze %dma_start3A_325 : memref<1x80xi32, #tpu.memory_space<vmem>> -> memref<80xi32, #tpu.memory_space<vmem>>
      %dma_start3A_327 = arith.constant 0 : i32
      %dma_start3A_328 = arith.constant 0 : i32
      %dma_start3A_329 = tpu.memref_slice %arg16[%dma_start3A_327, %dma_start3A_328] : memref<10240x128xf32, #tpu.memory_space<vmem_shared>> -> memref<10240x128xf32, #tpu.memory_space<vmem_shared>>
      tpu.enqueue_indirect_dma source(%arg11 : memref<80x128xf32, #tpu.memory_space<vmem>>) target(%dma_start3A_329 : memref<10240x128xf32, #tpu.memory_space<vmem_shared>>) offsets(%dma_start3A_326 : memref<80xi32, #tpu.memory_space<vmem>>) semaphore(%run_scoped3A_323 : memref<!tpu.dma_semaphore, #tpu.memory_space<semaphore_mem>>) {add = true}
      %dma_wait3A_330 = arith.constant 0 : i32
      %dma_wait3A_331 = tpu.memref_slice %arg7[%run_scoped3A, %dma_wait3A_330] : memref<2x80xi32, #tpu.memory_space<vmem>> -> memref<1x80xi32, #tpu.memory_space<vmem>>
      %dma_wait3A_332 = tpu.memref_squeeze %dma_wait3A_331 : memref<1x80xi32, #tpu.memory_space<vmem>> -> memref<80xi32, #tpu.memory_space<vmem>>
      %dma_wait3A_333 = arith.constant 0 : i32
      %dma_wait3A_334 = arith.constant 0 : i32
      %dma_wait3A_335 = tpu.memref_slice %arg16[%dma_wait3A_333, %dma_wait3A_334] : memref<10240x128xf32, #tpu.memory_space<vmem_shared>> -> memref<10240x128xf32, #tpu.memory_space<vmem_shared>>
      tpu.wait_indirect_dma semaphore(%run_scoped3A_323 : memref<!tpu.dma_semaphore, #tpu.memory_space<semaphore_mem>>) src(%arg11 : memref<80x128xf32, #tpu.memory_space<vmem>>) dst(%dma_wait3A_335 : memref<10240x128xf32, #tpu.memory_space<vmem_shared>>)
      tpu.yield
    }) : () -> ()
    %run_scoped3A_241 = arith.constant 1 : i32
    "tpu.region"() ({
      %run_scoped3A_323 = tpu.sem_alloc : memref<!tpu.dma_semaphore, #tpu.memory_space<semaphore_mem>>
      %dma_start3A_324 = arith.constant 0 : i32
      %dma_start3A_325 = tpu.memref_slice %arg7[%run_scoped3A_241, %dma_start3A_324] : memref<2x80xi32, #tpu.memory_space<vmem>> -> memref<1x80xi32, #tpu.memory_space<vmem>>
      %dma_start3A_326 = tpu.memref_squeeze %dma_start3A_325 : memref<1x80xi32, #tpu.memory_space<vmem>> -> memref<80xi32, #tpu.memory_space<vmem>>
      %dma_start3A_327 = arith.constant 0 : i32
      %dma_start3A_328 = arith.constant 0 : i32
      %dma_start3A_329 = tpu.memref_slice %arg17[%dma_start3A_327, %dma_start3A_328] : memref<10240x16xf32, #tpu.memory_space<vmem_shared>> -> memref<10240x16xf32, #tpu.memory_space<vmem_shared>>
      tpu.enqueue_indirect_dma source(%arg14 : memref<80x16xf32, #tpu.memory_space<vmem>>) target(%dma_start3A_329 : memref<10240x16xf32, #tpu.memory_space<vmem_shared>>) offsets(%dma_start3A_326 : memref<80xi32, #tpu.memory_space<vmem>>) semaphore(%run_scoped3A_323 : memref<!tpu.dma_semaphore, #tpu.memory_space<semaphore_mem>>) {add = true}
      %dma_wait3A_330 = arith.constant 0 : i32
      %dma_wait3A_331 = tpu.memref_slice %arg7[%run_scoped3A_241, %dma_wait3A_330] : memref<2x80xi32, #tpu.memory_space<vmem>> -> memref<1x80xi32, #tpu.memory_space<vmem>>
      %dma_wait3A_332 = tpu.memref_squeeze %dma_wait3A_331 : memref<1x80xi32, #tpu.memory_space<vmem>> -> memref<80xi32, #tpu.memory_space<vmem>>
      %dma_wait3A_333 = arith.constant 0 : i32
      %dma_wait3A_334 = arith.constant 0 : i32
      %dma_wait3A_335 = tpu.memref_slice %arg17[%dma_wait3A_333, %dma_wait3A_334] : memref<10240x16xf32, #tpu.memory_space<vmem_shared>> -> memref<10240x16xf32, #tpu.memory_space<vmem_shared>>
      tpu.wait_indirect_dma semaphore(%run_scoped3A_323 : memref<!tpu.dma_semaphore, #tpu.memory_space<semaphore_mem>>) src(%arg14 : memref<80x16xf32, #tpu.memory_space<vmem>>) dst(%dma_wait3A_335 : memref<10240x16xf32, #tpu.memory_space<vmem_shared>>)
      tpu.yield
    }) : () -> ()
    %min3A_242 = arith.constant 125 : i32
    %min3A_243 = arith.constant 124 : i32
    %min3A_244 = arith.minsi %min3A_242, %min3A_243 : i32
    %mul3A_245 = arith.constant 80 : i32
    %mul3A_246 = arith.muli %min3A_244, %mul3A_245 : i32
    %add3A_247 = arith.addi %mul3A_2, %mul3A_246 : i32
    %dma_wait3A_248 = arith.constant 0 : i32
    %dma_wait3A_249 = arith.constant 0 : i32
    %dma_wait3A_250 = tpu.memref_slice %arg8[%dma_wait3A_248, %dma_wait3A_249] : memref<2x80xi32, #tpu.memory_space<vmem>> -> memref<1x80xi32, #tpu.memory_space<vmem>>
    %dma_wait3A_251 = tpu.memref_squeeze %dma_wait3A_250 : memref<1x80xi32, #tpu.memory_space<vmem>> -> memref<80xi32, #tpu.memory_space<vmem>>
    %dma_wait3A_252 = tpu.memref_slice %arg3[%add3A_247] : memref<320000xi32, #tpu.memory_space<hbm>> -> memref<80xi32, #tpu.memory_space<hbm>>
    %dma_wait3A_253 = arith.constant 0 : i32
    %dma_wait3A_254 = tpu.memref_slice %arg8[%dma_wait3A_248, %dma_wait3A_253] : memref<2x80xi32, #tpu.memory_space<vmem>> -> memref<1x80xi32, #tpu.memory_space<vmem>>
    %dma_wait3A_255 = tpu.memref_squeeze %dma_wait3A_254 : memref<1x80xi32, #tpu.memory_space<vmem>> -> memref<80xi32, #tpu.memory_space<vmem>>
    %dma_wait3A_256 = tpu.memref_slice %arg3[%add3A_247] : memref<320000xi32, #tpu.memory_space<hbm>> -> memref<80xi32, #tpu.memory_space<hbm>>
    tpu.wait_dma2 semaphore(%arg19 : memref<!tpu.dma_semaphore, #tpu.memory_space<semaphore_mem>>) src(%dma_wait3A_256 : memref<80xi32, #tpu.memory_space<hbm>>) dst(%dma_wait3A_255 : memref<80xi32, #tpu.memory_space<vmem>>)
    %dma_wait3A_257 = arith.constant 1 : i32
    %dma_wait3A_258 = arith.constant 0 : i32
    %dma_wait3A_259 = tpu.memref_slice %arg8[%dma_wait3A_257, %dma_wait3A_258] : memref<2x80xi32, #tpu.memory_space<vmem>> -> memref<1x80xi32, #tpu.memory_space<vmem>>
    %dma_wait3A_260 = tpu.memref_squeeze %dma_wait3A_259 : memref<1x80xi32, #tpu.memory_space<vmem>> -> memref<80xi32, #tpu.memory_space<vmem>>
    %dma_wait3A_261 = tpu.memref_slice %arg4[%add3A_247] : memref<320000xi32, #tpu.memory_space<hbm>> -> memref<80xi32, #tpu.memory_space<hbm>>
    %dma_wait3A_262 = arith.constant 0 : i32
    %dma_wait3A_263 = tpu.memref_slice %arg8[%dma_wait3A_257, %dma_wait3A_262] : memref<2x80xi32, #tpu.memory_space<vmem>> -> memref<1x80xi32, #tpu.memory_space<vmem>>
    %dma_wait3A_264 = tpu.memref_squeeze %dma_wait3A_263 : memref<1x80xi32, #tpu.memory_space<vmem>> -> memref<80xi32, #tpu.memory_space<vmem>>
    %dma_wait3A_265 = tpu.memref_slice %arg4[%add3A_247] : memref<320000xi32, #tpu.memory_space<hbm>> -> memref<80xi32, #tpu.memory_space<hbm>>
    tpu.wait_dma2 semaphore(%arg19 : memref<!tpu.dma_semaphore, #tpu.memory_space<semaphore_mem>>) src(%dma_wait3A_265 : memref<80xi32, #tpu.memory_space<hbm>>) dst(%dma_wait3A_264 : memref<80xi32, #tpu.memory_space<vmem>>)
    %min3A_266 = arith.constant 125 : i32
    %min3A_267 = arith.constant 124 : i32
    %min3A_268 = arith.minsi %min3A_266, %min3A_267 : i32
    %mul3A_269 = arith.constant 80 : i32
    %mul3A_270 = arith.muli %min3A_268, %mul3A_269 : i32
    %add3A_271 = arith.addi %mul3A_2, %mul3A_270 : i32
    %dma_wait3A_272 = arith.constant 0 : i32
    %dma_wait3A_273 = arith.constant 0 : i32
    %dma_wait3A_274 = tpu.memref_slice %arg9[%dma_wait3A_272, %dma_wait3A_273] : memref<2x80xi32, #tpu.memory_space<vmem>> -> memref<1x80xi32, #tpu.memory_space<vmem>>
    %dma_wait3A_275 = tpu.memref_squeeze %dma_wait3A_274 : memref<1x80xi32, #tpu.memory_space<vmem>> -> memref<80xi32, #tpu.memory_space<vmem>>
    %dma_wait3A_276 = tpu.memref_slice %arg3[%add3A_271] : memref<320000xi32, #tpu.memory_space<hbm>> -> memref<80xi32, #tpu.memory_space<hbm>>
    %dma_wait3A_277 = arith.constant 0 : i32
    %dma_wait3A_278 = tpu.memref_slice %arg9[%dma_wait3A_272, %dma_wait3A_277] : memref<2x80xi32, #tpu.memory_space<vmem>> -> memref<1x80xi32, #tpu.memory_space<vmem>>
    %dma_wait3A_279 = tpu.memref_squeeze %dma_wait3A_278 : memref<1x80xi32, #tpu.memory_space<vmem>> -> memref<80xi32, #tpu.memory_space<vmem>>
    %dma_wait3A_280 = tpu.memref_slice %arg3[%add3A_271] : memref<320000xi32, #tpu.memory_space<hbm>> -> memref<80xi32, #tpu.memory_space<hbm>>
    tpu.wait_dma2 semaphore(%arg20 : memref<!tpu.dma_semaphore, #tpu.memory_space<semaphore_mem>>) src(%dma_wait3A_280 : memref<80xi32, #tpu.memory_space<hbm>>) dst(%dma_wait3A_279 : memref<80xi32, #tpu.memory_space<vmem>>)
    %dma_wait3A_281 = arith.constant 1 : i32
    %dma_wait3A_282 = arith.constant 0 : i32
    %dma_wait3A_283 = tpu.memref_slice %arg9[%dma_wait3A_281, %dma_wait3A_282] : memref<2x80xi32, #tpu.memory_space<vmem>> -> memref<1x80xi32, #tpu.memory_space<vmem>>
    %dma_wait3A_284 = tpu.memref_squeeze %dma_wait3A_283 : memref<1x80xi32, #tpu.memory_space<vmem>> -> memref<80xi32, #tpu.memory_space<vmem>>
    %dma_wait3A_285 = tpu.memref_slice %arg4[%add3A_271] : memref<320000xi32, #tpu.memory_space<hbm>> -> memref<80xi32, #tpu.memory_space<hbm>>
    %dma_wait3A_286 = arith.constant 0 : i32
    %dma_wait3A_287 = tpu.memref_slice %arg9[%dma_wait3A_281, %dma_wait3A_286] : memref<2x80xi32, #tpu.memory_space<vmem>> -> memref<1x80xi32, #tpu.memory_space<vmem>>
    %dma_wait3A_288 = tpu.memref_squeeze %dma_wait3A_287 : memref<1x80xi32, #tpu.memory_space<vmem>> -> memref<80xi32, #tpu.memory_space<vmem>>
    %dma_wait3A_289 = tpu.memref_slice %arg4[%add3A_271] : memref<320000xi32, #tpu.memory_space<hbm>> -> memref<80xi32, #tpu.memory_space<hbm>>
    tpu.wait_dma2 semaphore(%arg20 : memref<!tpu.dma_semaphore, #tpu.memory_space<semaphore_mem>>) src(%dma_wait3A_289 : memref<80xi32, #tpu.memory_space<hbm>>) dst(%dma_wait3A_288 : memref<80xi32, #tpu.memory_space<vmem>>)
    %min3A_290 = arith.constant 125 : i32
    %min3A_291 = arith.constant 124 : i32
    %min3A_292 = arith.minsi %min3A_290, %min3A_291 : i32
    %mul3A_293 = arith.constant 80 : i32
    %mul3A_294 = arith.muli %min3A_292, %mul3A_293 : i32
    %add3A_295 = arith.addi %mul3A_2, %mul3A_294 : i32
    %dma_wait3A_296 = arith.constant 0 : i32
    %dma_wait3A_297 = arith.constant 0 : i32
    %dma_wait3A_298 = tpu.memref_slice %arg10[%dma_wait3A_296, %dma_wait3A_297] : memref<2x80xi32, #tpu.memory_space<vmem>> -> memref<1x80xi32, #tpu.memory_space<vmem>>
    %dma_wait3A_299 = tpu.memref_squeeze %dma_wait3A_298 : memref<1x80xi32, #tpu.memory_space<vmem>> -> memref<80xi32, #tpu.memory_space<vmem>>
    %dma_wait3A_300 = tpu.memref_slice %arg3[%add3A_295] : memref<320000xi32, #tpu.memory_space<hbm>> -> memref<80xi32, #tpu.memory_space<hbm>>
    %dma_wait3A_301 = arith.constant 0 : i32
    %dma_wait3A_302 = tpu.memref_slice %arg10[%dma_wait3A_296, %dma_wait3A_301] : memref<2x80xi32, #tpu.memory_space<vmem>> -> memref<1x80xi32, #tpu.memory_space<vmem>>
    %dma_wait3A_303 = tpu.memref_squeeze %dma_wait3A_302 : memref<1x80xi32, #tpu.memory_space<vmem>> -> memref<80xi32, #tpu.memory_space<vmem>>
    %dma_wait3A_304 = tpu.memref_slice %arg3[%add3A_295] : memref<320000xi32, #tpu.memory_space<hbm>> -> memref<80xi32, #tpu.memory_space<hbm>>
    tpu.wait_dma2 semaphore(%arg21 : memref<!tpu.dma_semaphore, #tpu.memory_space<semaphore_mem>>) src(%dma_wait3A_304 : memref<80xi32, #tpu.memory_space<hbm>>) dst(%dma_wait3A_303 : memref<80xi32, #tpu.memory_space<vmem>>)
    %dma_wait3A_305 = arith.constant 1 : i32
    %dma_wait3A_306 = arith.constant 0 : i32
    %dma_wait3A_307 = tpu.memref_slice %arg10[%dma_wait3A_305, %dma_wait3A_306] : memref<2x80xi32, #tpu.memory_space<vmem>> -> memref<1x80xi32, #tpu.memory_space<vmem>>
    %dma_wait3A_308 = tpu.memref_squeeze %dma_wait3A_307 : memref<1x80xi32, #tpu.memory_space<vmem>> -> memref<80xi32, #tpu.memory_space<vmem>>
    %dma_wait3A_309 = tpu.memref_slice %arg4[%add3A_295] : memref<320000xi32, #tpu.memory_space<hbm>> -> memref<80xi32, #tpu.memory_space<hbm>>
    %dma_wait3A_310 = arith.constant 0 : i32
    %dma_wait3A_311 = tpu.memref_slice %arg10[%dma_wait3A_305, %dma_wait3A_310] : memref<2x80xi32, #tpu.memory_space<vmem>> -> memref<1x80xi32, #tpu.memory_space<vmem>>
    %dma_wait3A_312 = tpu.memref_squeeze %dma_wait3A_311 : memref<1x80xi32, #tpu.memory_space<vmem>> -> memref<80xi32, #tpu.memory_space<vmem>>
    %dma_wait3A_313 = tpu.memref_slice %arg4[%add3A_295] : memref<320000xi32, #tpu.memory_space<hbm>> -> memref<80xi32, #tpu.memory_space<hbm>>
    tpu.wait_dma2 semaphore(%arg21 : memref<!tpu.dma_semaphore, #tpu.memory_space<semaphore_mem>>) src(%dma_wait3A_313 : memref<80xi32, #tpu.memory_space<hbm>>) dst(%dma_wait3A_312 : memref<80xi32, #tpu.memory_space<vmem>>)
    %barrier3A_314 = arith.constant 0 : index
    tpu.barrier barrier_id(%barrier3A_314)
    %mul3A_315 = arith.constant 640 : i32
    %mul3A_316 = arith.muli %arg1, %mul3A_315 : i32
    %mul3A_317 = arith.constant 10240 : i32
    %mul3A_318 = arith.muli %arg0, %mul3A_317 : i32
    %add3A_319 = arith.addi %mul3A_318, %mul3A_316 : i32
    "tpu.region"() ({
      %run_scoped3A_323 = tpu.sem_alloc : memref<!tpu.dma_semaphore, #tpu.memory_space<semaphore_mem>>
      %dma_start3A_324 = arith.constant 0 : i32
      %dma_start3A_325 = tpu.memref_slice %arg5[%add3A_319, %dma_start3A_324] : memref<20480x128xf32, #tpu.memory_space<hbm>> -> memref<640x128xf32, #tpu.memory_space<hbm>>
      %dma_start3A_326 = arith.constant 0 : i32
      %dma_start3A_327 = tpu.memref_slice %arg16[%mul3A_316, %dma_start3A_326] : memref<10240x128xf32, #tpu.memory_space<vmem_shared>> -> memref<640x128xf32, #tpu.memory_space<vmem_shared>>
      tpu.enqueue_dma source(%dma_start3A_327 : memref<640x128xf32, #tpu.memory_space<vmem_shared>>) target(%dma_start3A_325 : memref<640x128xf32, #tpu.memory_space<hbm>>) target_semaphore(%run_scoped3A_323 : memref<!tpu.dma_semaphore, #tpu.memory_space<semaphore_mem>>)
      %dma_wait3A_328 = arith.constant 0 : i32
      %dma_wait3A_329 = tpu.memref_slice %arg5[%add3A_319, %dma_wait3A_328] : memref<20480x128xf32, #tpu.memory_space<hbm>> -> memref<640x128xf32, #tpu.memory_space<hbm>>
      %dma_wait3A_330 = arith.constant 0 : i32
      %dma_wait3A_331 = tpu.memref_slice %arg16[%mul3A_316, %dma_wait3A_330] : memref<10240x128xf32, #tpu.memory_space<vmem_shared>> -> memref<640x128xf32, #tpu.memory_space<vmem_shared>>
      tpu.wait_dma2 semaphore(%run_scoped3A_323 : memref<!tpu.dma_semaphore, #tpu.memory_space<semaphore_mem>>) src(%dma_wait3A_331 : memref<640x128xf32, #tpu.memory_space<vmem_shared>>) dst(%dma_wait3A_329 : memref<640x128xf32, #tpu.memory_space<hbm>>)
      tpu.yield
    }) : () -> ()
    %mul3A_320 = arith.constant 10240 : i32
    %mul3A_321 = arith.muli %arg0, %mul3A_320 : i32
    %add3A_322 = arith.addi %mul3A_321, %mul3A_316 : i32
    "tpu.region"() ({
      %run_scoped3A_323 = tpu.sem_alloc : memref<!tpu.dma_semaphore, #tpu.memory_space<semaphore_mem>>
      %dma_start3A_324 = arith.constant 0 : i32
      %dma_start3A_325 = tpu.memref_slice %arg6[%add3A_322, %dma_start3A_324] : memref<20480x16xf32, #tpu.memory_space<hbm>> -> memref<640x16xf32, #tpu.memory_space<hbm>>
      %dma_start3A_326 = arith.constant 0 : i32
      %dma_start3A_327 = tpu.memref_slice %arg17[%mul3A_316, %dma_start3A_326] : memref<10240x16xf32, #tpu.memory_space<vmem_shared>> -> memref<640x16xf32, #tpu.memory_space<vmem_shared>>
      tpu.enqueue_dma source(%dma_start3A_327 : memref<640x16xf32, #tpu.memory_space<vmem_shared>>) target(%dma_start3A_325 : memref<640x16xf32, #tpu.memory_space<hbm>>) target_semaphore(%run_scoped3A_323 : memref<!tpu.dma_semaphore, #tpu.memory_space<semaphore_mem>>)
      %dma_wait3A_328 = arith.constant 0 : i32
      %dma_wait3A_329 = tpu.memref_slice %arg6[%add3A_322, %dma_wait3A_328] : memref<20480x16xf32, #tpu.memory_space<hbm>> -> memref<640x16xf32, #tpu.memory_space<hbm>>
      %dma_wait3A_330 = arith.constant 0 : i32
      %dma_wait3A_331 = tpu.memref_slice %arg17[%mul3A_316, %dma_wait3A_330] : memref<10240x16xf32, #tpu.memory_space<vmem_shared>> -> memref<640x16xf32, #tpu.memory_space<vmem_shared>>
      tpu.wait_dma2 semaphore(%run_scoped3A_323 : memref<!tpu.dma_semaphore, #tpu.memory_space<semaphore_mem>>) src(%dma_wait3A_331 : memref<640x16xf32, #tpu.memory_space<vmem_shared>>) dst(%dma_wait3A_329 : memref<640x16xf32, #tpu.memory_space<hbm>>)
      tpu.yield
    }) : () -> ()
    return
  }
}

#map = affine_map<(d0, d1) -> (0, 0)>
#map1 = affine_map<(d0, d1) -> (0)>
module attributes {stable_mosaic.version = 14 : i64} {
  func.func @_sc_agg_body(%arg0: i32, %arg1: i32, %arg2: memref<10000x128xf32, #tpu.memory_space<hbm>>, %arg3: memref<320000xi32, #tpu.memory_space<hbm>>, %arg4: memref<320000xi32, #tpu.memory_space<hbm>>, %arg5: memref<20480x128xf32, #tpu.memory_space<hbm>>, %arg6: memref<2x80xi32, #tpu.memory_space<vmem>>, %arg7: memref<2x80xi32, #tpu.memory_space<vmem>>, %arg8: memref<2x80xi32, #tpu.memory_space<vmem>>, %arg9: memref<2x80xi32, #tpu.memory_space<vmem>>, %arg10: memref<80x128xf32, #tpu.memory_space<vmem>>, %arg11: memref<80x128xf32, #tpu.memory_space<vmem>>, %arg12: memref<64x128xf32, #tpu.memory_space<vmem>>, %arg13: memref<10240x128xf32, #tpu.memory_space<vmem_shared>>, %arg14: memref<!tpu.dma_semaphore, #tpu.memory_space<semaphore_mem>>, %arg15: memref<!tpu.dma_semaphore, #tpu.memory_space<semaphore_mem>>, %arg16: memref<!tpu.dma_semaphore, #tpu.memory_space<semaphore_mem>>, %arg17: memref<!tpu.dma_semaphore, #tpu.memory_space<semaphore_mem>>, %arg18: memref<!tpu.dma_semaphore, #tpu.memory_space<semaphore_mem>>, %arg19: memref<!tpu.dma_semaphore, #tpu.memory_space<semaphore_mem>>) attributes {dimension_semantics = [#tpu.dimension_semantics<core_parallel>, #tpu.dimension_semantics<subcore_parallel>], iteration_bounds = array<i64: 2, 16>, scalar_prefetch = 0 : i64, scratch_operands = 14 : i64, tpu.core_type = #tpu.core_type<sc_vector_subcore>, window_params = [{transform_indices = #map}, {transform_indices = #map1}, {transform_indices = #map1}, {transform_indices = #map}]} {
    %mul3A = arith.constant 16 : i32
    %mul3A_0 = arith.muli %arg0, %mul3A : i32
    %add3A = arith.addi %mul3A_0, %arg1 : i32
    %mul3A_1 = arith.constant 10000 : i32
    %mul3A_2 = arith.muli %add3A, %mul3A_1 : i32
    %min3A = arith.constant 0 : i32
    %min3A_3 = arith.constant 124 : i32
    %min3A_4 = arith.minsi %min3A, %min3A_3 : i32
    %mul3A_5 = arith.constant 80 : i32
    %mul3A_6 = arith.muli %min3A_4, %mul3A_5 : i32
    %add3A_7 = arith.addi %mul3A_2, %mul3A_6 : i32
    %dma_start3A = arith.constant 0 : i32
    %dma_start3A_8 = arith.constant 0 : i32
    %dma_start3A_9 = tpu.memref_slice %arg6[%dma_start3A, %dma_start3A_8] : memref<2x80xi32, #tpu.memory_space<vmem>> -> memref<1x80xi32, #tpu.memory_space<vmem>>
    %dma_start3A_10 = tpu.memref_squeeze %dma_start3A_9 : memref<1x80xi32, #tpu.memory_space<vmem>> -> memref<80xi32, #tpu.memory_space<vmem>>
    %dma_start3A_11 = tpu.memref_slice %arg3[%add3A_7] : memref<320000xi32, #tpu.memory_space<hbm>> -> memref<80xi32, #tpu.memory_space<hbm>>
    %dma_start3A_12 = arith.constant 0 : i32
    %dma_start3A_13 = tpu.memref_slice %arg6[%dma_start3A, %dma_start3A_12] : memref<2x80xi32, #tpu.memory_space<vmem>> -> memref<1x80xi32, #tpu.memory_space<vmem>>
    %dma_start3A_14 = tpu.memref_squeeze %dma_start3A_13 : memref<1x80xi32, #tpu.memory_space<vmem>> -> memref<80xi32, #tpu.memory_space<vmem>>
    %dma_start3A_15 = tpu.memref_slice %arg3[%add3A_7] : memref<320000xi32, #tpu.memory_space<hbm>> -> memref<80xi32, #tpu.memory_space<hbm>>
    tpu.enqueue_dma source(%dma_start3A_15 : memref<80xi32, #tpu.memory_space<hbm>>) target(%dma_start3A_14 : memref<80xi32, #tpu.memory_space<vmem>>) target_semaphore(%arg14 : memref<!tpu.dma_semaphore, #tpu.memory_space<semaphore_mem>>)
    %dma_start3A_16 = arith.constant 1 : i32
    %dma_start3A_17 = arith.constant 0 : i32
    %dma_start3A_18 = tpu.memref_slice %arg6[%dma_start3A_16, %dma_start3A_17] : memref<2x80xi32, #tpu.memory_space<vmem>> -> memref<1x80xi32, #tpu.memory_space<vmem>>
    %dma_start3A_19 = tpu.memref_squeeze %dma_start3A_18 : memref<1x80xi32, #tpu.memory_space<vmem>> -> memref<80xi32, #tpu.memory_space<vmem>>
    %dma_start3A_20 = tpu.memref_slice %arg4[%add3A_7] : memref<320000xi32, #tpu.memory_space<hbm>> -> memref<80xi32, #tpu.memory_space<hbm>>
    %dma_start3A_21 = arith.constant 0 : i32
    %dma_start3A_22 = tpu.memref_slice %arg6[%dma_start3A_16, %dma_start3A_21] : memref<2x80xi32, #tpu.memory_space<vmem>> -> memref<1x80xi32, #tpu.memory_space<vmem>>
    %dma_start3A_23 = tpu.memref_squeeze %dma_start3A_22 : memref<1x80xi32, #tpu.memory_space<vmem>> -> memref<80xi32, #tpu.memory_space<vmem>>
    %dma_start3A_24 = tpu.memref_slice %arg4[%add3A_7] : memref<320000xi32, #tpu.memory_space<hbm>> -> memref<80xi32, #tpu.memory_space<hbm>>
    tpu.enqueue_dma source(%dma_start3A_24 : memref<80xi32, #tpu.memory_space<hbm>>) target(%dma_start3A_23 : memref<80xi32, #tpu.memory_space<vmem>>) target_semaphore(%arg14 : memref<!tpu.dma_semaphore, #tpu.memory_space<semaphore_mem>>)
    %min3A_25 = arith.constant 1 : i32
    %min3A_26 = arith.constant 124 : i32
    %min3A_27 = arith.minsi %min3A_25, %min3A_26 : i32
    %mul3A_28 = arith.constant 80 : i32
    %mul3A_29 = arith.muli %min3A_27, %mul3A_28 : i32
    %add3A_30 = arith.addi %mul3A_2, %mul3A_29 : i32
    %dma_start3A_31 = arith.constant 0 : i32
    %dma_start3A_32 = arith.constant 0 : i32
    %dma_start3A_33 = tpu.memref_slice %arg7[%dma_start3A_31, %dma_start3A_32] : memref<2x80xi32, #tpu.memory_space<vmem>> -> memref<1x80xi32, #tpu.memory_space<vmem>>
    %dma_start3A_34 = tpu.memref_squeeze %dma_start3A_33 : memref<1x80xi32, #tpu.memory_space<vmem>> -> memref<80xi32, #tpu.memory_space<vmem>>
    %dma_start3A_35 = tpu.memref_slice %arg3[%add3A_30] : memref<320000xi32, #tpu.memory_space<hbm>> -> memref<80xi32, #tpu.memory_space<hbm>>
    %dma_start3A_36 = arith.constant 0 : i32
    %dma_start3A_37 = tpu.memref_slice %arg7[%dma_start3A_31, %dma_start3A_36] : memref<2x80xi32, #tpu.memory_space<vmem>> -> memref<1x80xi32, #tpu.memory_space<vmem>>
    %dma_start3A_38 = tpu.memref_squeeze %dma_start3A_37 : memref<1x80xi32, #tpu.memory_space<vmem>> -> memref<80xi32, #tpu.memory_space<vmem>>
    %dma_start3A_39 = tpu.memref_slice %arg3[%add3A_30] : memref<320000xi32, #tpu.memory_space<hbm>> -> memref<80xi32, #tpu.memory_space<hbm>>
    tpu.enqueue_dma source(%dma_start3A_39 : memref<80xi32, #tpu.memory_space<hbm>>) target(%dma_start3A_38 : memref<80xi32, #tpu.memory_space<vmem>>) target_semaphore(%arg15 : memref<!tpu.dma_semaphore, #tpu.memory_space<semaphore_mem>>)
    %dma_start3A_40 = arith.constant 1 : i32
    %dma_start3A_41 = arith.constant 0 : i32
    %dma_start3A_42 = tpu.memref_slice %arg7[%dma_start3A_40, %dma_start3A_41] : memref<2x80xi32, #tpu.memory_space<vmem>> -> memref<1x80xi32, #tpu.memory_space<vmem>>
    %dma_start3A_43 = tpu.memref_squeeze %dma_start3A_42 : memref<1x80xi32, #tpu.memory_space<vmem>> -> memref<80xi32, #tpu.memory_space<vmem>>
    %dma_start3A_44 = tpu.memref_slice %arg4[%add3A_30] : memref<320000xi32, #tpu.memory_space<hbm>> -> memref<80xi32, #tpu.memory_space<hbm>>
    %dma_start3A_45 = arith.constant 0 : i32
    %dma_start3A_46 = tpu.memref_slice %arg7[%dma_start3A_40, %dma_start3A_45] : memref<2x80xi32, #tpu.memory_space<vmem>> -> memref<1x80xi32, #tpu.memory_space<vmem>>
    %dma_start3A_47 = tpu.memref_squeeze %dma_start3A_46 : memref<1x80xi32, #tpu.memory_space<vmem>> -> memref<80xi32, #tpu.memory_space<vmem>>
    %dma_start3A_48 = tpu.memref_slice %arg4[%add3A_30] : memref<320000xi32, #tpu.memory_space<hbm>> -> memref<80xi32, #tpu.memory_space<hbm>>
    tpu.enqueue_dma source(%dma_start3A_48 : memref<80xi32, #tpu.memory_space<hbm>>) target(%dma_start3A_47 : memref<80xi32, #tpu.memory_space<vmem>>) target_semaphore(%arg15 : memref<!tpu.dma_semaphore, #tpu.memory_space<semaphore_mem>>)
    %min3A_49 = arith.constant 2 : i32
    %min3A_50 = arith.constant 124 : i32
    %min3A_51 = arith.minsi %min3A_49, %min3A_50 : i32
    %mul3A_52 = arith.constant 80 : i32
    %mul3A_53 = arith.muli %min3A_51, %mul3A_52 : i32
    %add3A_54 = arith.addi %mul3A_2, %mul3A_53 : i32
    %dma_start3A_55 = arith.constant 0 : i32
    %dma_start3A_56 = arith.constant 0 : i32
    %dma_start3A_57 = tpu.memref_slice %arg8[%dma_start3A_55, %dma_start3A_56] : memref<2x80xi32, #tpu.memory_space<vmem>> -> memref<1x80xi32, #tpu.memory_space<vmem>>
    %dma_start3A_58 = tpu.memref_squeeze %dma_start3A_57 : memref<1x80xi32, #tpu.memory_space<vmem>> -> memref<80xi32, #tpu.memory_space<vmem>>
    %dma_start3A_59 = tpu.memref_slice %arg3[%add3A_54] : memref<320000xi32, #tpu.memory_space<hbm>> -> memref<80xi32, #tpu.memory_space<hbm>>
    %dma_start3A_60 = arith.constant 0 : i32
    %dma_start3A_61 = tpu.memref_slice %arg8[%dma_start3A_55, %dma_start3A_60] : memref<2x80xi32, #tpu.memory_space<vmem>> -> memref<1x80xi32, #tpu.memory_space<vmem>>
    %dma_start3A_62 = tpu.memref_squeeze %dma_start3A_61 : memref<1x80xi32, #tpu.memory_space<vmem>> -> memref<80xi32, #tpu.memory_space<vmem>>
    %dma_start3A_63 = tpu.memref_slice %arg3[%add3A_54] : memref<320000xi32, #tpu.memory_space<hbm>> -> memref<80xi32, #tpu.memory_space<hbm>>
    tpu.enqueue_dma source(%dma_start3A_63 : memref<80xi32, #tpu.memory_space<hbm>>) target(%dma_start3A_62 : memref<80xi32, #tpu.memory_space<vmem>>) target_semaphore(%arg16 : memref<!tpu.dma_semaphore, #tpu.memory_space<semaphore_mem>>)
    %dma_start3A_64 = arith.constant 1 : i32
    %dma_start3A_65 = arith.constant 0 : i32
    %dma_start3A_66 = tpu.memref_slice %arg8[%dma_start3A_64, %dma_start3A_65] : memref<2x80xi32, #tpu.memory_space<vmem>> -> memref<1x80xi32, #tpu.memory_space<vmem>>
    %dma_start3A_67 = tpu.memref_squeeze %dma_start3A_66 : memref<1x80xi32, #tpu.memory_space<vmem>> -> memref<80xi32, #tpu.memory_space<vmem>>
    %dma_start3A_68 = tpu.memref_slice %arg4[%add3A_54] : memref<320000xi32, #tpu.memory_space<hbm>> -> memref<80xi32, #tpu.memory_space<hbm>>
    %dma_start3A_69 = arith.constant 0 : i32
    %dma_start3A_70 = tpu.memref_slice %arg8[%dma_start3A_64, %dma_start3A_69] : memref<2x80xi32, #tpu.memory_space<vmem>> -> memref<1x80xi32, #tpu.memory_space<vmem>>
    %dma_start3A_71 = tpu.memref_squeeze %dma_start3A_70 : memref<1x80xi32, #tpu.memory_space<vmem>> -> memref<80xi32, #tpu.memory_space<vmem>>
    %dma_start3A_72 = tpu.memref_slice %arg4[%add3A_54] : memref<320000xi32, #tpu.memory_space<hbm>> -> memref<80xi32, #tpu.memory_space<hbm>>
    tpu.enqueue_dma source(%dma_start3A_72 : memref<80xi32, #tpu.memory_space<hbm>>) target(%dma_start3A_71 : memref<80xi32, #tpu.memory_space<vmem>>) target_semaphore(%arg16 : memref<!tpu.dma_semaphore, #tpu.memory_space<semaphore_mem>>)
    %min3A_73 = arith.constant 3 : i32
    %min3A_74 = arith.constant 124 : i32
    %min3A_75 = arith.minsi %min3A_73, %min3A_74 : i32
    %mul3A_76 = arith.constant 80 : i32
    %mul3A_77 = arith.muli %min3A_75, %mul3A_76 : i32
    %add3A_78 = arith.addi %mul3A_2, %mul3A_77 : i32
    %dma_start3A_79 = arith.constant 0 : i32
    %dma_start3A_80 = arith.constant 0 : i32
    %dma_start3A_81 = tpu.memref_slice %arg9[%dma_start3A_79, %dma_start3A_80] : memref<2x80xi32, #tpu.memory_space<vmem>> -> memref<1x80xi32, #tpu.memory_space<vmem>>
    %dma_start3A_82 = tpu.memref_squeeze %dma_start3A_81 : memref<1x80xi32, #tpu.memory_space<vmem>> -> memref<80xi32, #tpu.memory_space<vmem>>
    %dma_start3A_83 = tpu.memref_slice %arg3[%add3A_78] : memref<320000xi32, #tpu.memory_space<hbm>> -> memref<80xi32, #tpu.memory_space<hbm>>
    %dma_start3A_84 = arith.constant 0 : i32
    %dma_start3A_85 = tpu.memref_slice %arg9[%dma_start3A_79, %dma_start3A_84] : memref<2x80xi32, #tpu.memory_space<vmem>> -> memref<1x80xi32, #tpu.memory_space<vmem>>
    %dma_start3A_86 = tpu.memref_squeeze %dma_start3A_85 : memref<1x80xi32, #tpu.memory_space<vmem>> -> memref<80xi32, #tpu.memory_space<vmem>>
    %dma_start3A_87 = tpu.memref_slice %arg3[%add3A_78] : memref<320000xi32, #tpu.memory_space<hbm>> -> memref<80xi32, #tpu.memory_space<hbm>>
    tpu.enqueue_dma source(%dma_start3A_87 : memref<80xi32, #tpu.memory_space<hbm>>) target(%dma_start3A_86 : memref<80xi32, #tpu.memory_space<vmem>>) target_semaphore(%arg17 : memref<!tpu.dma_semaphore, #tpu.memory_space<semaphore_mem>>)
    %dma_start3A_88 = arith.constant 1 : i32
    %dma_start3A_89 = arith.constant 0 : i32
    %dma_start3A_90 = tpu.memref_slice %arg9[%dma_start3A_88, %dma_start3A_89] : memref<2x80xi32, #tpu.memory_space<vmem>> -> memref<1x80xi32, #tpu.memory_space<vmem>>
    %dma_start3A_91 = tpu.memref_squeeze %dma_start3A_90 : memref<1x80xi32, #tpu.memory_space<vmem>> -> memref<80xi32, #tpu.memory_space<vmem>>
    %dma_start3A_92 = tpu.memref_slice %arg4[%add3A_78] : memref<320000xi32, #tpu.memory_space<hbm>> -> memref<80xi32, #tpu.memory_space<hbm>>
    %dma_start3A_93 = arith.constant 0 : i32
    %dma_start3A_94 = tpu.memref_slice %arg9[%dma_start3A_88, %dma_start3A_93] : memref<2x80xi32, #tpu.memory_space<vmem>> -> memref<1x80xi32, #tpu.memory_space<vmem>>
    %dma_start3A_95 = tpu.memref_squeeze %dma_start3A_94 : memref<1x80xi32, #tpu.memory_space<vmem>> -> memref<80xi32, #tpu.memory_space<vmem>>
    %dma_start3A_96 = tpu.memref_slice %arg4[%add3A_78] : memref<320000xi32, #tpu.memory_space<hbm>> -> memref<80xi32, #tpu.memory_space<hbm>>
    tpu.enqueue_dma source(%dma_start3A_96 : memref<80xi32, #tpu.memory_space<hbm>>) target(%dma_start3A_95 : memref<80xi32, #tpu.memory_space<vmem>>) target_semaphore(%arg17 : memref<!tpu.dma_semaphore, #tpu.memory_space<semaphore_mem>>)
    %min3A_97 = arith.constant 0 : i32
    %min3A_98 = arith.constant 124 : i32
    %min3A_99 = arith.minsi %min3A_97, %min3A_98 : i32
    %mul3A_100 = arith.constant 80 : i32
    %mul3A_101 = arith.muli %min3A_99, %mul3A_100 : i32
    %add3A_102 = arith.addi %mul3A_2, %mul3A_101 : i32
    %dma_wait3A = arith.constant 0 : i32
    %dma_wait3A_103 = arith.constant 0 : i32
    %dma_wait3A_104 = tpu.memref_slice %arg6[%dma_wait3A, %dma_wait3A_103] : memref<2x80xi32, #tpu.memory_space<vmem>> -> memref<1x80xi32, #tpu.memory_space<vmem>>
    %dma_wait3A_105 = tpu.memref_squeeze %dma_wait3A_104 : memref<1x80xi32, #tpu.memory_space<vmem>> -> memref<80xi32, #tpu.memory_space<vmem>>
    %dma_wait3A_106 = tpu.memref_slice %arg3[%add3A_102] : memref<320000xi32, #tpu.memory_space<hbm>> -> memref<80xi32, #tpu.memory_space<hbm>>
    %dma_wait3A_107 = arith.constant 0 : i32
    %dma_wait3A_108 = tpu.memref_slice %arg6[%dma_wait3A, %dma_wait3A_107] : memref<2x80xi32, #tpu.memory_space<vmem>> -> memref<1x80xi32, #tpu.memory_space<vmem>>
    %dma_wait3A_109 = tpu.memref_squeeze %dma_wait3A_108 : memref<1x80xi32, #tpu.memory_space<vmem>> -> memref<80xi32, #tpu.memory_space<vmem>>
    %dma_wait3A_110 = tpu.memref_slice %arg3[%add3A_102] : memref<320000xi32, #tpu.memory_space<hbm>> -> memref<80xi32, #tpu.memory_space<hbm>>
    tpu.wait_dma2 semaphore(%arg14 : memref<!tpu.dma_semaphore, #tpu.memory_space<semaphore_mem>>) src(%dma_wait3A_110 : memref<80xi32, #tpu.memory_space<hbm>>) dst(%dma_wait3A_109 : memref<80xi32, #tpu.memory_space<vmem>>)
    %dma_wait3A_111 = arith.constant 1 : i32
    %dma_wait3A_112 = arith.constant 0 : i32
    %dma_wait3A_113 = tpu.memref_slice %arg6[%dma_wait3A_111, %dma_wait3A_112] : memref<2x80xi32, #tpu.memory_space<vmem>> -> memref<1x80xi32, #tpu.memory_space<vmem>>
    %dma_wait3A_114 = tpu.memref_squeeze %dma_wait3A_113 : memref<1x80xi32, #tpu.memory_space<vmem>> -> memref<80xi32, #tpu.memory_space<vmem>>
    %dma_wait3A_115 = tpu.memref_slice %arg4[%add3A_102] : memref<320000xi32, #tpu.memory_space<hbm>> -> memref<80xi32, #tpu.memory_space<hbm>>
    %dma_wait3A_116 = arith.constant 0 : i32
    %dma_wait3A_117 = tpu.memref_slice %arg6[%dma_wait3A_111, %dma_wait3A_116] : memref<2x80xi32, #tpu.memory_space<vmem>> -> memref<1x80xi32, #tpu.memory_space<vmem>>
    %dma_wait3A_118 = tpu.memref_squeeze %dma_wait3A_117 : memref<1x80xi32, #tpu.memory_space<vmem>> -> memref<80xi32, #tpu.memory_space<vmem>>
    %dma_wait3A_119 = tpu.memref_slice %arg4[%add3A_102] : memref<320000xi32, #tpu.memory_space<hbm>> -> memref<80xi32, #tpu.memory_space<hbm>>
    tpu.wait_dma2 semaphore(%arg14 : memref<!tpu.dma_semaphore, #tpu.memory_space<semaphore_mem>>) src(%dma_wait3A_119 : memref<80xi32, #tpu.memory_space<hbm>>) dst(%dma_wait3A_118 : memref<80xi32, #tpu.memory_space<vmem>>)
    %dma_start3A_120 = arith.constant 0 : i32
    %dma_start3A_121 = arith.constant 0 : i32
    %dma_start3A_122 = tpu.memref_slice %arg6[%dma_start3A_120, %dma_start3A_121] : memref<2x80xi32, #tpu.memory_space<vmem>> -> memref<1x80xi32, #tpu.memory_space<vmem>>
    %dma_start3A_123 = tpu.memref_squeeze %dma_start3A_122 : memref<1x80xi32, #tpu.memory_space<vmem>> -> memref<80xi32, #tpu.memory_space<vmem>>
    %dma_start3A_124 = arith.constant 0 : i32
    %dma_start3A_125 = arith.constant 0 : i32
    %dma_start3A_126 = tpu.memref_slice %arg2[%dma_start3A_124, %dma_start3A_125] : memref<10000x128xf32, #tpu.memory_space<hbm>> -> memref<10000x128xf32, #tpu.memory_space<hbm>>
    tpu.enqueue_indirect_dma source(%dma_start3A_126 : memref<10000x128xf32, #tpu.memory_space<hbm>>) target(%arg10 : memref<80x128xf32, #tpu.memory_space<vmem>>) offsets(%dma_start3A_123 : memref<80xi32, #tpu.memory_space<vmem>>) semaphore(%arg18 : memref<!tpu.dma_semaphore, #tpu.memory_space<semaphore_mem>>)
    %scan3A = arith.constant 0 : i32
    %scan3A_127 = arith.constant 0 : i32
    %scan3A_128 = arith.constant 64 : i32
    %scan3A_129 = arith.addi %scan3A_127, %scan3A_128 : i32
    %scan3A_130 = arith.constant 1 : i32
    %scan3A_131 = scf.for %scan3A_265 = %scan3A_127 to %scan3A_129 step %scan3A_130 iter_args(%scan3A_266 = %scan3A) -> (i32)  : i32 {
      %broadcast_in_dim3A = arith.constant 0.000000e+00 : f32
      %broadcast_in_dim3A_267 = vector.broadcast %broadcast_in_dim3A : f32 to vector<16xf32>
      %swap3A = arith.index_cast %scan3A_265 : i32 to index
      %swap3A_268 = arith.constant 0 : index
      %swap3A_269 = tpu.vector_load %arg12[%swap3A, %swap3A_268] {strides = array<i32>} : memref<64x128xf32, #tpu.memory_space<vmem>>, vector<1x16xf32>,
      %swap3A_270 = vector.shape_cast %swap3A_269 : vector<1x16xf32> to vector<16xf32>
      %swap3A_271 = vector.shape_cast %broadcast_in_dim3A_267 : vector<16xf32> to vector<1x16xf32>
      tpu.vector_store %arg12[%swap3A, %swap3A_268], %swap3A_271 {strides = array<i32>} : memref<64x128xf32, #tpu.memory_space<vmem>>, vector<1x16xf32>,
      %broadcast_in_dim3A_272 = arith.constant 0.000000e+00 : f32
      %broadcast_in_dim3A_273 = vector.broadcast %broadcast_in_dim3A_272 : f32 to vector<16xf32>
      %swap3A_274 = arith.index_cast %scan3A_265 : i32 to index
      %swap3A_275 = arith.constant 16 : index
      %swap3A_276 = tpu.vector_load %arg12[%swap3A_274, %swap3A_275] {strides = array<i32>} : memref<64x128xf32, #tpu.memory_space<vmem>>, vector<1x16xf32>,
      %swap3A_277 = vector.shape_cast %swap3A_276 : vector<1x16xf32> to vector<16xf32>
      %swap3A_278 = vector.shape_cast %broadcast_in_dim3A_273 : vector<16xf32> to vector<1x16xf32>
      tpu.vector_store %arg12[%swap3A_274, %swap3A_275], %swap3A_278 {strides = array<i32>} : memref<64x128xf32, #tpu.memory_space<vmem>>, vector<1x16xf32>,
      %broadcast_in_dim3A_279 = arith.constant 0.000000e+00 : f32
      %broadcast_in_dim3A_280 = vector.broadcast %broadcast_in_dim3A_279 : f32 to vector<16xf32>
      %swap3A_281 = arith.index_cast %scan3A_265 : i32 to index
      %swap3A_282 = arith.constant 32 : index
      %swap3A_283 = tpu.vector_load %arg12[%swap3A_281, %swap3A_282] {strides = array<i32>} : memref<64x128xf32, #tpu.memory_space<vmem>>, vector<1x16xf32>,
      %swap3A_284 = vector.shape_cast %swap3A_283 : vector<1x16xf32> to vector<16xf32>
      %swap3A_285 = vector.shape_cast %broadcast_in_dim3A_280 : vector<16xf32> to vector<1x16xf32>
      tpu.vector_store %arg12[%swap3A_281, %swap3A_282], %swap3A_285 {strides = array<i32>} : memref<64x128xf32, #tpu.memory_space<vmem>>, vector<1x16xf32>,
      %broadcast_in_dim3A_286 = arith.constant 0.000000e+00 : f32
      %broadcast_in_dim3A_287 = vector.broadcast %broadcast_in_dim3A_286 : f32 to vector<16xf32>
      %swap3A_288 = arith.index_cast %scan3A_265 : i32 to index
      %swap3A_289 = arith.constant 48 : index
      %swap3A_290 = tpu.vector_load %arg12[%swap3A_288, %swap3A_289] {strides = array<i32>} : memref<64x128xf32, #tpu.memory_space<vmem>>, vector<1x16xf32>,
      %swap3A_291 = vector.shape_cast %swap3A_290 : vector<1x16xf32> to vector<16xf32>
      %swap3A_292 = vector.shape_cast %broadcast_in_dim3A_287 : vector<16xf32> to vector<1x16xf32>
      tpu.vector_store %arg12[%swap3A_288, %swap3A_289], %swap3A_292 {strides = array<i32>} : memref<64x128xf32, #tpu.memory_space<vmem>>, vector<1x16xf32>,
      %broadcast_in_dim3A_293 = arith.constant 0.000000e+00 : f32
      %broadcast_in_dim3A_294 = vector.broadcast %broadcast_in_dim3A_293 : f32 to vector<16xf32>
      %swap3A_295 = arith.index_cast %scan3A_265 : i32 to index
      %swap3A_296 = arith.constant 64 : index
      %swap3A_297 = tpu.vector_load %arg12[%swap3A_295, %swap3A_296] {strides = array<i32>} : memref<64x128xf32, #tpu.memory_space<vmem>>, vector<1x16xf32>,
      %swap3A_298 = vector.shape_cast %swap3A_297 : vector<1x16xf32> to vector<16xf32>
      %swap3A_299 = vector.shape_cast %broadcast_in_dim3A_294 : vector<16xf32> to vector<1x16xf32>
      tpu.vector_store %arg12[%swap3A_295, %swap3A_296], %swap3A_299 {strides = array<i32>} : memref<64x128xf32, #tpu.memory_space<vmem>>, vector<1x16xf32>,
      %broadcast_in_dim3A_300 = arith.constant 0.000000e+00 : f32
      %broadcast_in_dim3A_301 = vector.broadcast %broadcast_in_dim3A_300 : f32 to vector<16xf32>
      %swap3A_302 = arith.index_cast %scan3A_265 : i32 to index
      %swap3A_303 = arith.constant 80 : index
      %swap3A_304 = tpu.vector_load %arg12[%swap3A_302, %swap3A_303] {strides = array<i32>} : memref<64x128xf32, #tpu.memory_space<vmem>>, vector<1x16xf32>,
      %swap3A_305 = vector.shape_cast %swap3A_304 : vector<1x16xf32> to vector<16xf32>
      %swap3A_306 = vector.shape_cast %broadcast_in_dim3A_301 : vector<16xf32> to vector<1x16xf32>
      tpu.vector_store %arg12[%swap3A_302, %swap3A_303], %swap3A_306 {strides = array<i32>} : memref<64x128xf32, #tpu.memory_space<vmem>>, vector<1x16xf32>,
      %broadcast_in_dim3A_307 = arith.constant 0.000000e+00 : f32
      %broadcast_in_dim3A_308 = vector.broadcast %broadcast_in_dim3A_307 : f32 to vector<16xf32>
      %swap3A_309 = arith.index_cast %scan3A_265 : i32 to index
      %swap3A_310 = arith.constant 96 : index
      %swap3A_311 = tpu.vector_load %arg12[%swap3A_309, %swap3A_310] {strides = array<i32>} : memref<64x128xf32, #tpu.memory_space<vmem>>, vector<1x16xf32>,
      %swap3A_312 = vector.shape_cast %swap3A_311 : vector<1x16xf32> to vector<16xf32>
      %swap3A_313 = vector.shape_cast %broadcast_in_dim3A_308 : vector<16xf32> to vector<1x16xf32>
      tpu.vector_store %arg12[%swap3A_309, %swap3A_310], %swap3A_313 {strides = array<i32>} : memref<64x128xf32, #tpu.memory_space<vmem>>, vector<1x16xf32>,
      %broadcast_in_dim3A_314 = arith.constant 0.000000e+00 : f32
      %broadcast_in_dim3A_315 = vector.broadcast %broadcast_in_dim3A_314 : f32 to vector<16xf32>
      %swap3A_316 = arith.index_cast %scan3A_265 : i32 to index
      %swap3A_317 = arith.constant 112 : index
      %swap3A_318 = tpu.vector_load %arg12[%swap3A_316, %swap3A_317] {strides = array<i32>} : memref<64x128xf32, #tpu.memory_space<vmem>>, vector<1x16xf32>,
      %swap3A_319 = vector.shape_cast %swap3A_318 : vector<1x16xf32> to vector<16xf32>
      %swap3A_320 = vector.shape_cast %broadcast_in_dim3A_315 : vector<16xf32> to vector<1x16xf32>
      tpu.vector_store %arg12[%swap3A_316, %swap3A_317], %swap3A_320 {strides = array<i32>} : memref<64x128xf32, #tpu.memory_space<vmem>>, vector<1x16xf32>,
      %scan3A_321 = arith.constant 0 : i32
      scf.yield %scan3A_321 : i32
    }
    %scan3A_132 = arith.constant 64 : i32
    %mul3A_133 = arith.constant 640 : i32
    %mul3A_134 = arith.muli %arg1, %mul3A_133 : i32
    %add3A_135 = arith.constant 0 : i32
    %add3A_136 = arith.addi %mul3A_134, %add3A_135 : i32
    "tpu.region"() ({
      %run_scoped3A_265 = tpu.sem_alloc : memref<!tpu.dma_semaphore, #tpu.memory_space<semaphore_mem>>
      %dma_start3A_266 = arith.constant 0 : i32
      %dma_start3A_267 = tpu.memref_slice %arg13[%add3A_136, %dma_start3A_266] : memref<10240x128xf32, #tpu.memory_space<vmem_shared>> -> memref<64x128xf32, #tpu.memory_space<vmem_shared>>
      %dma_start3A_268 = arith.constant 0 : i32
      %dma_start3A_269 = tpu.memref_slice %arg13[%add3A_136, %dma_start3A_268] : memref<10240x128xf32, #tpu.memory_space<vmem_shared>> -> memref<64x128xf32, #tpu.memory_space<vmem_shared>>
      tpu.enqueue_dma source(%arg12 : memref<64x128xf32, #tpu.memory_space<vmem>>) target(%dma_start3A_269 : memref<64x128xf32, #tpu.memory_space<vmem_shared>>) target_semaphore(%run_scoped3A_265 : memref<!tpu.dma_semaphore, #tpu.memory_space<semaphore_mem>>)
      %dma_wait3A_270 = arith.constant 0 : i32
      %dma_wait3A_271 = tpu.memref_slice %arg13[%add3A_136, %dma_wait3A_270] : memref<10240x128xf32, #tpu.memory_space<vmem_shared>> -> memref<64x128xf32, #tpu.memory_space<vmem_shared>>
      %dma_wait3A_272 = arith.constant 0 : i32
      %dma_wait3A_273 = tpu.memref_slice %arg13[%add3A_136, %dma_wait3A_272] : memref<10240x128xf32, #tpu.memory_space<vmem_shared>> -> memref<64x128xf32, #tpu.memory_space<vmem_shared>>
      tpu.wait_dma2 semaphore(%run_scoped3A_265 : memref<!tpu.dma_semaphore, #tpu.memory_space<semaphore_mem>>) src(%arg12 : memref<64x128xf32, #tpu.memory_space<vmem>>) dst(%dma_wait3A_273 : memref<64x128xf32, #tpu.memory_space<vmem_shared>>)
      tpu.yield
    }) : () -> ()
    %mul3A_137 = arith.constant 640 : i32
    %mul3A_138 = arith.muli %arg1, %mul3A_137 : i32
    %add3A_139 = arith.constant 64 : i32
    %add3A_140 = arith.addi %mul3A_138, %add3A_139 : i32
    "tpu.region"() ({
      %run_scoped3A_265 = tpu.sem_alloc : memref<!tpu.dma_semaphore, #tpu.memory_space<semaphore_mem>>
      %dma_start3A_266 = arith.constant 0 : i32
      %dma_start3A_267 = tpu.memref_slice %arg13[%add3A_140, %dma_start3A_266] : memref<10240x128xf32, #tpu.memory_space<vmem_shared>> -> memref<64x128xf32, #tpu.memory_space<vmem_shared>>
      %dma_start3A_268 = arith.constant 0 : i32
      %dma_start3A_269 = tpu.memref_slice %arg13[%add3A_140, %dma_start3A_268] : memref<10240x128xf32, #tpu.memory_space<vmem_shared>> -> memref<64x128xf32, #tpu.memory_space<vmem_shared>>
      tpu.enqueue_dma source(%arg12 : memref<64x128xf32, #tpu.memory_space<vmem>>) target(%dma_start3A_269 : memref<64x128xf32, #tpu.memory_space<vmem_shared>>) target_semaphore(%run_scoped3A_265 : memref<!tpu.dma_semaphore, #tpu.memory_space<semaphore_mem>>)
      %dma_wait3A_270 = arith.constant 0 : i32
      %dma_wait3A_271 = tpu.memref_slice %arg13[%add3A_140, %dma_wait3A_270] : memref<10240x128xf32, #tpu.memory_space<vmem_shared>> -> memref<64x128xf32, #tpu.memory_space<vmem_shared>>
      %dma_wait3A_272 = arith.constant 0 : i32
      %dma_wait3A_273 = tpu.memref_slice %arg13[%add3A_140, %dma_wait3A_272] : memref<10240x128xf32, #tpu.memory_space<vmem_shared>> -> memref<64x128xf32, #tpu.memory_space<vmem_shared>>
      tpu.wait_dma2 semaphore(%run_scoped3A_265 : memref<!tpu.dma_semaphore, #tpu.memory_space<semaphore_mem>>) src(%arg12 : memref<64x128xf32, #tpu.memory_space<vmem>>) dst(%dma_wait3A_273 : memref<64x128xf32, #tpu.memory_space<vmem_shared>>)
      tpu.yield
    }) : () -> ()
    %mul3A_141 = arith.constant 640 : i32
    %mul3A_142 = arith.muli %arg1, %mul3A_141 : i32
    %add3A_143 = arith.constant 128 : i32
    %add3A_144 = arith.addi %mul3A_142, %add3A_143 : i32
    "tpu.region"() ({
      %run_scoped3A_265 = tpu.sem_alloc : memref<!tpu.dma_semaphore, #tpu.memory_space<semaphore_mem>>
      %dma_start3A_266 = arith.constant 0 : i32
      %dma_start3A_267 = tpu.memref_slice %arg13[%add3A_144, %dma_start3A_266] : memref<10240x128xf32, #tpu.memory_space<vmem_shared>> -> memref<64x128xf32, #tpu.memory_space<vmem_shared>>
      %dma_start3A_268 = arith.constant 0 : i32
      %dma_start3A_269 = tpu.memref_slice %arg13[%add3A_144, %dma_start3A_268] : memref<10240x128xf32, #tpu.memory_space<vmem_shared>> -> memref<64x128xf32, #tpu.memory_space<vmem_shared>>
      tpu.enqueue_dma source(%arg12 : memref<64x128xf32, #tpu.memory_space<vmem>>) target(%dma_start3A_269 : memref<64x128xf32, #tpu.memory_space<vmem_shared>>) target_semaphore(%run_scoped3A_265 : memref<!tpu.dma_semaphore, #tpu.memory_space<semaphore_mem>>)
      %dma_wait3A_270 = arith.constant 0 : i32
      %dma_wait3A_271 = tpu.memref_slice %arg13[%add3A_144, %dma_wait3A_270] : memref<10240x128xf32, #tpu.memory_space<vmem_shared>> -> memref<64x128xf32, #tpu.memory_space<vmem_shared>>
      %dma_wait3A_272 = arith.constant 0 : i32
      %dma_wait3A_273 = tpu.memref_slice %arg13[%add3A_144, %dma_wait3A_272] : memref<10240x128xf32, #tpu.memory_space<vmem_shared>> -> memref<64x128xf32, #tpu.memory_space<vmem_shared>>
      tpu.wait_dma2 semaphore(%run_scoped3A_265 : memref<!tpu.dma_semaphore, #tpu.memory_space<semaphore_mem>>) src(%arg12 : memref<64x128xf32, #tpu.memory_space<vmem>>) dst(%dma_wait3A_273 : memref<64x128xf32, #tpu.memory_space<vmem_shared>>)
      tpu.yield
    }) : () -> ()
    %mul3A_145 = arith.constant 640 : i32
    %mul3A_146 = arith.muli %arg1, %mul3A_145 : i32
    %add3A_147 = arith.constant 192 : i32
    %add3A_148 = arith.addi %mul3A_146, %add3A_147 : i32
    "tpu.region"() ({
      %run_scoped3A_265 = tpu.sem_alloc : memref<!tpu.dma_semaphore, #tpu.memory_space<semaphore_mem>>
      %dma_start3A_266 = arith.constant 0 : i32
      %dma_start3A_267 = tpu.memref_slice %arg13[%add3A_148, %dma_start3A_266] : memref<10240x128xf32, #tpu.memory_space<vmem_shared>> -> memref<64x128xf32, #tpu.memory_space<vmem_shared>>
      %dma_start3A_268 = arith.constant 0 : i32
      %dma_start3A_269 = tpu.memref_slice %arg13[%add3A_148, %dma_start3A_268] : memref<10240x128xf32, #tpu.memory_space<vmem_shared>> -> memref<64x128xf32, #tpu.memory_space<vmem_shared>>
      tpu.enqueue_dma source(%arg12 : memref<64x128xf32, #tpu.memory_space<vmem>>) target(%dma_start3A_269 : memref<64x128xf32, #tpu.memory_space<vmem_shared>>) target_semaphore(%run_scoped3A_265 : memref<!tpu.dma_semaphore, #tpu.memory_space<semaphore_mem>>)
      %dma_wait3A_270 = arith.constant 0 : i32
      %dma_wait3A_271 = tpu.memref_slice %arg13[%add3A_148, %dma_wait3A_270] : memref<10240x128xf32, #tpu.memory_space<vmem_shared>> -> memref<64x128xf32, #tpu.memory_space<vmem_shared>>
      %dma_wait3A_272 = arith.constant 0 : i32
      %dma_wait3A_273 = tpu.memref_slice %arg13[%add3A_148, %dma_wait3A_272] : memref<10240x128xf32, #tpu.memory_space<vmem_shared>> -> memref<64x128xf32, #tpu.memory_space<vmem_shared>>
      tpu.wait_dma2 semaphore(%run_scoped3A_265 : memref<!tpu.dma_semaphore, #tpu.memory_space<semaphore_mem>>) src(%arg12 : memref<64x128xf32, #tpu.memory_space<vmem>>) dst(%dma_wait3A_273 : memref<64x128xf32, #tpu.memory_space<vmem_shared>>)
      tpu.yield
    }) : () -> ()
    %mul3A_149 = arith.constant 640 : i32
    %mul3A_150 = arith.muli %arg1, %mul3A_149 : i32
    %add3A_151 = arith.constant 256 : i32
    %add3A_152 = arith.addi %mul3A_150, %add3A_151 : i32
    "tpu.region"() ({
      %run_scoped3A_265 = tpu.sem_alloc : memref<!tpu.dma_semaphore, #tpu.memory_space<semaphore_mem>>
      %dma_start3A_266 = arith.constant 0 : i32
      %dma_start3A_267 = tpu.memref_slice %arg13[%add3A_152, %dma_start3A_266] : memref<10240x128xf32, #tpu.memory_space<vmem_shared>> -> memref<64x128xf32, #tpu.memory_space<vmem_shared>>
      %dma_start3A_268 = arith.constant 0 : i32
      %dma_start3A_269 = tpu.memref_slice %arg13[%add3A_152, %dma_start3A_268] : memref<10240x128xf32, #tpu.memory_space<vmem_shared>> -> memref<64x128xf32, #tpu.memory_space<vmem_shared>>
      tpu.enqueue_dma source(%arg12 : memref<64x128xf32, #tpu.memory_space<vmem>>) target(%dma_start3A_269 : memref<64x128xf32, #tpu.memory_space<vmem_shared>>) target_semaphore(%run_scoped3A_265 : memref<!tpu.dma_semaphore, #tpu.memory_space<semaphore_mem>>)
      %dma_wait3A_270 = arith.constant 0 : i32
      %dma_wait3A_271 = tpu.memref_slice %arg13[%add3A_152, %dma_wait3A_270] : memref<10240x128xf32, #tpu.memory_space<vmem_shared>> -> memref<64x128xf32, #tpu.memory_space<vmem_shared>>
      %dma_wait3A_272 = arith.constant 0 : i32
      %dma_wait3A_273 = tpu.memref_slice %arg13[%add3A_152, %dma_wait3A_272] : memref<10240x128xf32, #tpu.memory_space<vmem_shared>> -> memref<64x128xf32, #tpu.memory_space<vmem_shared>>
      tpu.wait_dma2 semaphore(%run_scoped3A_265 : memref<!tpu.dma_semaphore, #tpu.memory_space<semaphore_mem>>) src(%arg12 : memref<64x128xf32, #tpu.memory_space<vmem>>) dst(%dma_wait3A_273 : memref<64x128xf32, #tpu.memory_space<vmem_shared>>)
      tpu.yield
    }) : () -> ()
    %mul3A_153 = arith.constant 640 : i32
    %mul3A_154 = arith.muli %arg1, %mul3A_153 : i32
    %add3A_155 = arith.constant 320 : i32
    %add3A_156 = arith.addi %mul3A_154, %add3A_155 : i32
    "tpu.region"() ({
      %run_scoped3A_265 = tpu.sem_alloc : memref<!tpu.dma_semaphore, #tpu.memory_space<semaphore_mem>>
      %dma_start3A_266 = arith.constant 0 : i32
      %dma_start3A_267 = tpu.memref_slice %arg13[%add3A_156, %dma_start3A_266] : memref<10240x128xf32, #tpu.memory_space<vmem_shared>> -> memref<64x128xf32, #tpu.memory_space<vmem_shared>>
      %dma_start3A_268 = arith.constant 0 : i32
      %dma_start3A_269 = tpu.memref_slice %arg13[%add3A_156, %dma_start3A_268] : memref<10240x128xf32, #tpu.memory_space<vmem_shared>> -> memref<64x128xf32, #tpu.memory_space<vmem_shared>>
      tpu.enqueue_dma source(%arg12 : memref<64x128xf32, #tpu.memory_space<vmem>>) target(%dma_start3A_269 : memref<64x128xf32, #tpu.memory_space<vmem_shared>>) target_semaphore(%run_scoped3A_265 : memref<!tpu.dma_semaphore, #tpu.memory_space<semaphore_mem>>)
      %dma_wait3A_270 = arith.constant 0 : i32
      %dma_wait3A_271 = tpu.memref_slice %arg13[%add3A_156, %dma_wait3A_270] : memref<10240x128xf32, #tpu.memory_space<vmem_shared>> -> memref<64x128xf32, #tpu.memory_space<vmem_shared>>
      %dma_wait3A_272 = arith.constant 0 : i32
      %dma_wait3A_273 = tpu.memref_slice %arg13[%add3A_156, %dma_wait3A_272] : memref<10240x128xf32, #tpu.memory_space<vmem_shared>> -> memref<64x128xf32, #tpu.memory_space<vmem_shared>>
      tpu.wait_dma2 semaphore(%run_scoped3A_265 : memref<!tpu.dma_semaphore, #tpu.memory_space<semaphore_mem>>) src(%arg12 : memref<64x128xf32, #tpu.memory_space<vmem>>) dst(%dma_wait3A_273 : memref<64x128xf32, #tpu.memory_space<vmem_shared>>)
      tpu.yield
    }) : () -> ()
    %mul3A_157 = arith.constant 640 : i32
    %mul3A_158 = arith.muli %arg1, %mul3A_157 : i32
    %add3A_159 = arith.constant 384 : i32
    %add3A_160 = arith.addi %mul3A_158, %add3A_159 : i32
    "tpu.region"() ({
      %run_scoped3A_265 = tpu.sem_alloc : memref<!tpu.dma_semaphore, #tpu.memory_space<semaphore_mem>>
      %dma_start3A_266 = arith.constant 0 : i32
      %dma_start3A_267 = tpu.memref_slice %arg13[%add3A_160, %dma_start3A_266] : memref<10240x128xf32, #tpu.memory_space<vmem_shared>> -> memref<64x128xf32, #tpu.memory_space<vmem_shared>>
      %dma_start3A_268 = arith.constant 0 : i32
      %dma_start3A_269 = tpu.memref_slice %arg13[%add3A_160, %dma_start3A_268] : memref<10240x128xf32, #tpu.memory_space<vmem_shared>> -> memref<64x128xf32, #tpu.memory_space<vmem_shared>>
      tpu.enqueue_dma source(%arg12 : memref<64x128xf32, #tpu.memory_space<vmem>>) target(%dma_start3A_269 : memref<64x128xf32, #tpu.memory_space<vmem_shared>>) target_semaphore(%run_scoped3A_265 : memref<!tpu.dma_semaphore, #tpu.memory_space<semaphore_mem>>)
      %dma_wait3A_270 = arith.constant 0 : i32
      %dma_wait3A_271 = tpu.memref_slice %arg13[%add3A_160, %dma_wait3A_270] : memref<10240x128xf32, #tpu.memory_space<vmem_shared>> -> memref<64x128xf32, #tpu.memory_space<vmem_shared>>
      %dma_wait3A_272 = arith.constant 0 : i32
      %dma_wait3A_273 = tpu.memref_slice %arg13[%add3A_160, %dma_wait3A_272] : memref<10240x128xf32, #tpu.memory_space<vmem_shared>> -> memref<64x128xf32, #tpu.memory_space<vmem_shared>>
      tpu.wait_dma2 semaphore(%run_scoped3A_265 : memref<!tpu.dma_semaphore, #tpu.memory_space<semaphore_mem>>) src(%arg12 : memref<64x128xf32, #tpu.memory_space<vmem>>) dst(%dma_wait3A_273 : memref<64x128xf32, #tpu.memory_space<vmem_shared>>)
      tpu.yield
    }) : () -> ()
    %mul3A_161 = arith.constant 640 : i32
    %mul3A_162 = arith.muli %arg1, %mul3A_161 : i32
    %add3A_163 = arith.constant 448 : i32
    %add3A_164 = arith.addi %mul3A_162, %add3A_163 : i32
    "tpu.region"() ({
      %run_scoped3A_265 = tpu.sem_alloc : memref<!tpu.dma_semaphore, #tpu.memory_space<semaphore_mem>>
      %dma_start3A_266 = arith.constant 0 : i32
      %dma_start3A_267 = tpu.memref_slice %arg13[%add3A_164, %dma_start3A_266] : memref<10240x128xf32, #tpu.memory_space<vmem_shared>> -> memref<64x128xf32, #tpu.memory_space<vmem_shared>>
      %dma_start3A_268 = arith.constant 0 : i32
      %dma_start3A_269 = tpu.memref_slice %arg13[%add3A_164, %dma_start3A_268] : memref<10240x128xf32, #tpu.memory_space<vmem_shared>> -> memref<64x128xf32, #tpu.memory_space<vmem_shared>>
      tpu.enqueue_dma source(%arg12 : memref<64x128xf32, #tpu.memory_space<vmem>>) target(%dma_start3A_269 : memref<64x128xf32, #tpu.memory_space<vmem_shared>>) target_semaphore(%run_scoped3A_265 : memref<!tpu.dma_semaphore, #tpu.memory_space<semaphore_mem>>)
      %dma_wait3A_270 = arith.constant 0 : i32
      %dma_wait3A_271 = tpu.memref_slice %arg13[%add3A_164, %dma_wait3A_270] : memref<10240x128xf32, #tpu.memory_space<vmem_shared>> -> memref<64x128xf32, #tpu.memory_space<vmem_shared>>
      %dma_wait3A_272 = arith.constant 0 : i32
      %dma_wait3A_273 = tpu.memref_slice %arg13[%add3A_164, %dma_wait3A_272] : memref<10240x128xf32, #tpu.memory_space<vmem_shared>> -> memref<64x128xf32, #tpu.memory_space<vmem_shared>>
      tpu.wait_dma2 semaphore(%run_scoped3A_265 : memref<!tpu.dma_semaphore, #tpu.memory_space<semaphore_mem>>) src(%arg12 : memref<64x128xf32, #tpu.memory_space<vmem>>) dst(%dma_wait3A_273 : memref<64x128xf32, #tpu.memory_space<vmem_shared>>)
      tpu.yield
    }) : () -> ()
    %mul3A_165 = arith.constant 640 : i32
    %mul3A_166 = arith.muli %arg1, %mul3A_165 : i32
    %add3A_167 = arith.constant 512 : i32
    %add3A_168 = arith.addi %mul3A_166, %add3A_167 : i32
    "tpu.region"() ({
      %run_scoped3A_265 = tpu.sem_alloc : memref<!tpu.dma_semaphore, #tpu.memory_space<semaphore_mem>>
      %dma_start3A_266 = arith.constant 0 : i32
      %dma_start3A_267 = tpu.memref_slice %arg13[%add3A_168, %dma_start3A_266] : memref<10240x128xf32, #tpu.memory_space<vmem_shared>> -> memref<64x128xf32, #tpu.memory_space<vmem_shared>>
      %dma_start3A_268 = arith.constant 0 : i32
      %dma_start3A_269 = tpu.memref_slice %arg13[%add3A_168, %dma_start3A_268] : memref<10240x128xf32, #tpu.memory_space<vmem_shared>> -> memref<64x128xf32, #tpu.memory_space<vmem_shared>>
      tpu.enqueue_dma source(%arg12 : memref<64x128xf32, #tpu.memory_space<vmem>>) target(%dma_start3A_269 : memref<64x128xf32, #tpu.memory_space<vmem_shared>>) target_semaphore(%run_scoped3A_265 : memref<!tpu.dma_semaphore, #tpu.memory_space<semaphore_mem>>)
      %dma_wait3A_270 = arith.constant 0 : i32
      %dma_wait3A_271 = tpu.memref_slice %arg13[%add3A_168, %dma_wait3A_270] : memref<10240x128xf32, #tpu.memory_space<vmem_shared>> -> memref<64x128xf32, #tpu.memory_space<vmem_shared>>
      %dma_wait3A_272 = arith.constant 0 : i32
      %dma_wait3A_273 = tpu.memref_slice %arg13[%add3A_168, %dma_wait3A_272] : memref<10240x128xf32, #tpu.memory_space<vmem_shared>> -> memref<64x128xf32, #tpu.memory_space<vmem_shared>>
      tpu.wait_dma2 semaphore(%run_scoped3A_265 : memref<!tpu.dma_semaphore, #tpu.memory_space<semaphore_mem>>) src(%arg12 : memref<64x128xf32, #tpu.memory_space<vmem>>) dst(%dma_wait3A_273 : memref<64x128xf32, #tpu.memory_space<vmem_shared>>)
      tpu.yield
    }) : () -> ()
    %mul3A_169 = arith.constant 640 : i32
    %mul3A_170 = arith.muli %arg1, %mul3A_169 : i32
    %add3A_171 = arith.constant 576 : i32
    %add3A_172 = arith.addi %mul3A_170, %add3A_171 : i32
    "tpu.region"() ({
      %run_scoped3A_265 = tpu.sem_alloc : memref<!tpu.dma_semaphore, #tpu.memory_space<semaphore_mem>>
      %dma_start3A_266 = arith.constant 0 : i32
      %dma_start3A_267 = tpu.memref_slice %arg13[%add3A_172, %dma_start3A_266] : memref<10240x128xf32, #tpu.memory_space<vmem_shared>> -> memref<64x128xf32, #tpu.memory_space<vmem_shared>>
      %dma_start3A_268 = arith.constant 0 : i32
      %dma_start3A_269 = tpu.memref_slice %arg13[%add3A_172, %dma_start3A_268] : memref<10240x128xf32, #tpu.memory_space<vmem_shared>> -> memref<64x128xf32, #tpu.memory_space<vmem_shared>>
      tpu.enqueue_dma source(%arg12 : memref<64x128xf32, #tpu.memory_space<vmem>>) target(%dma_start3A_269 : memref<64x128xf32, #tpu.memory_space<vmem_shared>>) target_semaphore(%run_scoped3A_265 : memref<!tpu.dma_semaphore, #tpu.memory_space<semaphore_mem>>)
      %dma_wait3A_270 = arith.constant 0 : i32
      %dma_wait3A_271 = tpu.memref_slice %arg13[%add3A_172, %dma_wait3A_270] : memref<10240x128xf32, #tpu.memory_space<vmem_shared>> -> memref<64x128xf32, #tpu.memory_space<vmem_shared>>
      %dma_wait3A_272 = arith.constant 0 : i32
      %dma_wait3A_273 = tpu.memref_slice %arg13[%add3A_172, %dma_wait3A_272] : memref<10240x128xf32, #tpu.memory_space<vmem_shared>> -> memref<64x128xf32, #tpu.memory_space<vmem_shared>>
      tpu.wait_dma2 semaphore(%run_scoped3A_265 : memref<!tpu.dma_semaphore, #tpu.memory_space<semaphore_mem>>) src(%arg12 : memref<64x128xf32, #tpu.memory_space<vmem>>) dst(%dma_wait3A_273 : memref<64x128xf32, #tpu.memory_space<vmem_shared>>)
      tpu.yield
    }) : () -> ()
    %barrier3A = arith.constant 0 : index
    tpu.barrier barrier_id(%barrier3A)
    %scan3A_173 = arith.constant 0 : i32
    %scan3A_174 = arith.constant 0 : i32
    %scan3A_175 = arith.constant 31 : i32
    %scan3A_176 = arith.addi %scan3A_174, %scan3A_175 : i32
    %scan3A_177 = arith.constant 1 : i32
    %scan3A_178 = scf.for %scan3A_265 = %scan3A_174 to %scan3A_176 step %scan3A_177 iter_args(%scan3A_266 = %scan3A_173) -> (i32)  : i32 {
      %mul3A_267 = arith.constant 4 : i32
      %mul3A_268 = arith.muli %mul3A_267, %scan3A_265 : i32
      %add3A_269 = arith.constant 0 : i32
      %add3A_270 = arith.addi %mul3A_268, %add3A_269 : i32
      %add3A_271 = arith.constant 1 : i32
      %add3A_272 = arith.addi %add3A_270, %add3A_271 : i32
      %min3A_273 = arith.constant 124 : i32
      %min3A_274 = arith.minsi %add3A_272, %min3A_273 : i32
      %mul3A_275 = arith.constant 80 : i32
      %mul3A_276 = arith.muli %min3A_274, %mul3A_275 : i32
      %add3A_277 = arith.addi %mul3A_2, %mul3A_276 : i32
      %dma_wait3A_278 = arith.constant 0 : i32
      %dma_wait3A_279 = arith.constant 0 : i32
      %dma_wait3A_280 = tpu.memref_slice %arg7[%dma_wait3A_278, %dma_wait3A_279] : memref<2x80xi32, #tpu.memory_space<vmem>> -> memref<1x80xi32, #tpu.memory_space<vmem>>
      %dma_wait3A_281 = tpu.memref_squeeze %dma_wait3A_280 : memref<1x80xi32, #tpu.memory_space<vmem>> -> memref<80xi32, #tpu.memory_space<vmem>>
      %dma_wait3A_282 = tpu.memref_slice %arg3[%add3A_277] : memref<320000xi32, #tpu.memory_space<hbm>> -> memref<80xi32, #tpu.memory_space<hbm>>
      %dma_wait3A_283 = arith.constant 0 : i32
      %dma_wait3A_284 = tpu.memref_slice %arg7[%dma_wait3A_278, %dma_wait3A_283] : memref<2x80xi32, #tpu.memory_space<vmem>> -> memref<1x80xi32, #tpu.memory_space<vmem>>
      %dma_wait3A_285 = tpu.memref_squeeze %dma_wait3A_284 : memref<1x80xi32, #tpu.memory_space<vmem>> -> memref<80xi32, #tpu.memory_space<vmem>>
      %dma_wait3A_286 = tpu.memref_slice %arg3[%add3A_277] : memref<320000xi32, #tpu.memory_space<hbm>> -> memref<80xi32, #tpu.memory_space<hbm>>
      tpu.wait_dma2 semaphore(%arg15 : memref<!tpu.dma_semaphore, #tpu.memory_space<semaphore_mem>>) src(%dma_wait3A_286 : memref<80xi32, #tpu.memory_space<hbm>>) dst(%dma_wait3A_285 : memref<80xi32, #tpu.memory_space<vmem>>)
      %dma_wait3A_287 = arith.constant 1 : i32
      %dma_wait3A_288 = arith.constant 0 : i32
      %dma_wait3A_289 = tpu.memref_slice %arg7[%dma_wait3A_287, %dma_wait3A_288] : memref<2x80xi32, #tpu.memory_space<vmem>> -> memref<1x80xi32, #tpu.memory_space<vmem>>
      %dma_wait3A_290 = tpu.memref_squeeze %dma_wait3A_289 : memref<1x80xi32, #tpu.memory_space<vmem>> -> memref<80xi32, #tpu.memory_space<vmem>>
      %dma_wait3A_291 = tpu.memref_slice %arg4[%add3A_277] : memref<320000xi32, #tpu.memory_space<hbm>> -> memref<80xi32, #tpu.memory_space<hbm>>
      %dma_wait3A_292 = arith.constant 0 : i32
      %dma_wait3A_293 = tpu.memref_slice %arg7[%dma_wait3A_287, %dma_wait3A_292] : memref<2x80xi32, #tpu.memory_space<vmem>> -> memref<1x80xi32, #tpu.memory_space<vmem>>
      %dma_wait3A_294 = tpu.memref_squeeze %dma_wait3A_293 : memref<1x80xi32, #tpu.memory_space<vmem>> -> memref<80xi32, #tpu.memory_space<vmem>>
      %dma_wait3A_295 = tpu.memref_slice %arg4[%add3A_277] : memref<320000xi32, #tpu.memory_space<hbm>> -> memref<80xi32, #tpu.memory_space<hbm>>
      tpu.wait_dma2 semaphore(%arg15 : memref<!tpu.dma_semaphore, #tpu.memory_space<semaphore_mem>>) src(%dma_wait3A_295 : memref<80xi32, #tpu.memory_space<hbm>>) dst(%dma_wait3A_294 : memref<80xi32, #tpu.memory_space<vmem>>)
      %dma_start3A_296 = arith.constant 0 : i32
      %dma_start3A_297 = arith.constant 0 : i32
      %dma_start3A_298 = tpu.memref_slice %arg7[%dma_start3A_296, %dma_start3A_297] : memref<2x80xi32, #tpu.memory_space<vmem>> -> memref<1x80xi32, #tpu.memory_space<vmem>>
      %dma_start3A_299 = tpu.memref_squeeze %dma_start3A_298 : memref<1x80xi32, #tpu.memory_space<vmem>> -> memref<80xi32, #tpu.memory_space<vmem>>
      %dma_start3A_300 = arith.constant 0 : i32
      %dma_start3A_301 = arith.constant 0 : i32
      %dma_start3A_302 = tpu.memref_slice %arg2[%dma_start3A_300, %dma_start3A_301] : memref<10000x128xf32, #tpu.memory_space<hbm>> -> memref<10000x128xf32, #tpu.memory_space<hbm>>
      tpu.enqueue_indirect_dma source(%dma_start3A_302 : memref<10000x128xf32, #tpu.memory_space<hbm>>) target(%arg11 : memref<80x128xf32, #tpu.memory_space<vmem>>) offsets(%dma_start3A_299 : memref<80xi32, #tpu.memory_space<vmem>>) semaphore(%arg19 : memref<!tpu.dma_semaphore, #tpu.memory_space<semaphore_mem>>)
      %dma_wait3A_303 = arith.constant 0 : i32
      %dma_wait3A_304 = arith.constant 0 : i32
      %dma_wait3A_305 = tpu.memref_slice %arg6[%dma_wait3A_303, %dma_wait3A_304] : memref<2x80xi32, #tpu.memory_space<vmem>> -> memref<1x80xi32, #tpu.memory_space<vmem>>
      %dma_wait3A_306 = tpu.memref_squeeze %dma_wait3A_305 : memref<1x80xi32, #tpu.memory_space<vmem>> -> memref<80xi32, #tpu.memory_space<vmem>>
      %dma_wait3A_307 = arith.constant 0 : i32
      %dma_wait3A_308 = arith.constant 0 : i32
      %dma_wait3A_309 = tpu.memref_slice %arg2[%dma_wait3A_307, %dma_wait3A_308] : memref<10000x128xf32, #tpu.memory_space<hbm>> -> memref<10000x128xf32, #tpu.memory_space<hbm>>
      tpu.wait_indirect_dma semaphore(%arg18 : memref<!tpu.dma_semaphore, #tpu.memory_space<semaphore_mem>>) src(%dma_wait3A_309 : memref<10000x128xf32, #tpu.memory_space<hbm>>) dst(%arg10 : memref<80x128xf32, #tpu.memory_space<vmem>>)
      %run_scoped3A_310 = arith.constant 1 : i32
      "tpu.region"() ({
        %run_scoped3A_546 = tpu.sem_alloc : memref<!tpu.dma_semaphore, #tpu.memory_space<semaphore_mem>>
        %dma_start3A_547 = arith.constant 0 : i32
        %dma_start3A_548 = tpu.memref_slice %arg6[%run_scoped3A_310, %dma_start3A_547] : memref<2x80xi32, #tpu.memory_space<vmem>> -> memref<1x80xi32, #tpu.memory_space<vmem>>
        %dma_start3A_549 = tpu.memref_squeeze %dma_start3A_548 : memref<1x80xi32, #tpu.memory_space<vmem>> -> memref<80xi32, #tpu.memory_space<vmem>>
        %dma_start3A_550 = arith.constant 0 : i32
        %dma_start3A_551 = arith.constant 0 : i32
        %dma_start3A_552 = tpu.memref_slice %arg13[%dma_start3A_550, %dma_start3A_551] : memref<10240x128xf32, #tpu.memory_space<vmem_shared>> -> memref<10240x128xf32, #tpu.memory_space<vmem_shared>>
        tpu.enqueue_indirect_dma source(%arg10 : memref<80x128xf32, #tpu.memory_space<vmem>>) target(%dma_start3A_552 : memref<10240x128xf32, #tpu.memory_space<vmem_shared>>) offsets(%dma_start3A_549 : memref<80xi32, #tpu.memory_space<vmem>>) semaphore(%run_scoped3A_546 : memref<!tpu.dma_semaphore, #tpu.memory_space<semaphore_mem>>) {add = true}
        %dma_wait3A_553 = arith.constant 0 : i32
        %dma_wait3A_554 = tpu.memref_slice %arg6[%run_scoped3A_310, %dma_wait3A_553] : memref<2x80xi32, #tpu.memory_space<vmem>> -> memref<1x80xi32, #tpu.memory_space<vmem>>
        %dma_wait3A_555 = tpu.memref_squeeze %dma_wait3A_554 : memref<1x80xi32, #tpu.memory_space<vmem>> -> memref<80xi32, #tpu.memory_space<vmem>>
        %dma_wait3A_556 = arith.constant 0 : i32
        %dma_wait3A_557 = arith.constant 0 : i32
        %dma_wait3A_558 = tpu.memref_slice %arg13[%dma_wait3A_556, %dma_wait3A_557] : memref<10240x128xf32, #tpu.memory_space<vmem_shared>> -> memref<10240x128xf32, #tpu.memory_space<vmem_shared>>
        tpu.wait_indirect_dma semaphore(%run_scoped3A_546 : memref<!tpu.dma_semaphore, #tpu.memory_space<semaphore_mem>>) src(%arg10 : memref<80x128xf32, #tpu.memory_space<vmem>>) dst(%dma_wait3A_558 : memref<10240x128xf32, #tpu.memory_space<vmem_shared>>)
        tpu.yield
      }) : () -> ()
      %add3A_311 = arith.constant 0 : i32
      %add3A_312 = arith.addi %mul3A_268, %add3A_311 : i32
      %add3A_313 = arith.constant 4 : i32
      %add3A_314 = arith.addi %add3A_312, %add3A_313 : i32
      %min3A_315 = arith.constant 124 : i32
      %min3A_316 = arith.minsi %add3A_314, %min3A_315 : i32
      %mul3A_317 = arith.constant 80 : i32
      %mul3A_318 = arith.muli %min3A_316, %mul3A_317 : i32
      %add3A_319 = arith.addi %mul3A_2, %mul3A_318 : i32
      %dma_start3A_320 = arith.constant 0 : i32
      %dma_start3A_321 = arith.constant 0 : i32
      %dma_start3A_322 = tpu.memref_slice %arg6[%dma_start3A_320, %dma_start3A_321] : memref<2x80xi32, #tpu.memory_space<vmem>> -> memref<1x80xi32, #tpu.memory_space<vmem>>
      %dma_start3A_323 = tpu.memref_squeeze %dma_start3A_322 : memref<1x80xi32, #tpu.memory_space<vmem>> -> memref<80xi32, #tpu.memory_space<vmem>>
      %dma_start3A_324 = tpu.memref_slice %arg3[%add3A_319] : memref<320000xi32, #tpu.memory_space<hbm>> -> memref<80xi32, #tpu.memory_space<hbm>>
      %dma_start3A_325 = arith.constant 0 : i32
      %dma_start3A_326 = tpu.memref_slice %arg6[%dma_start3A_320, %dma_start3A_325] : memref<2x80xi32, #tpu.memory_space<vmem>> -> memref<1x80xi32, #tpu.memory_space<vmem>>
      %dma_start3A_327 = tpu.memref_squeeze %dma_start3A_326 : memref<1x80xi32, #tpu.memory_space<vmem>> -> memref<80xi32, #tpu.memory_space<vmem>>
      %dma_start3A_328 = tpu.memref_slice %arg3[%add3A_319] : memref<320000xi32, #tpu.memory_space<hbm>> -> memref<80xi32, #tpu.memory_space<hbm>>
      tpu.enqueue_dma source(%dma_start3A_328 : memref<80xi32, #tpu.memory_space<hbm>>) target(%dma_start3A_327 : memref<80xi32, #tpu.memory_space<vmem>>) target_semaphore(%arg14 : memref<!tpu.dma_semaphore, #tpu.memory_space<semaphore_mem>>)
      %dma_start3A_329 = arith.constant 1 : i32
      %dma_start3A_330 = arith.constant 0 : i32
      %dma_start3A_331 = tpu.memref_slice %arg6[%dma_start3A_329, %dma_start3A_330] : memref<2x80xi32, #tpu.memory_space<vmem>> -> memref<1x80xi32, #tpu.memory_space<vmem>>
      %dma_start3A_332 = tpu.memref_squeeze %dma_start3A_331 : memref<1x80xi32, #tpu.memory_space<vmem>> -> memref<80xi32, #tpu.memory_space<vmem>>
      %dma_start3A_333 = tpu.memref_slice %arg4[%add3A_319] : memref<320000xi32, #tpu.memory_space<hbm>> -> memref<80xi32, #tpu.memory_space<hbm>>
      %dma_start3A_334 = arith.constant 0 : i32
      %dma_start3A_335 = tpu.memref_slice %arg6[%dma_start3A_329, %dma_start3A_334] : memref<2x80xi32, #tpu.memory_space<vmem>> -> memref<1x80xi32, #tpu.memory_space<vmem>>
      %dma_start3A_336 = tpu.memref_squeeze %dma_start3A_335 : memref<1x80xi32, #tpu.memory_space<vmem>> -> memref<80xi32, #tpu.memory_space<vmem>>
      %dma_start3A_337 = tpu.memref_slice %arg4[%add3A_319] : memref<320000xi32, #tpu.memory_space<hbm>> -> memref<80xi32, #tpu.memory_space<hbm>>
      tpu.enqueue_dma source(%dma_start3A_337 : memref<80xi32, #tpu.memory_space<hbm>>) target(%dma_start3A_336 : memref<80xi32, #tpu.memory_space<vmem>>) target_semaphore(%arg14 : memref<!tpu.dma_semaphore, #tpu.memory_space<semaphore_mem>>)
      %add3A_338 = arith.constant 1 : i32
      %add3A_339 = arith.addi %mul3A_268, %add3A_338 : i32
      %add3A_340 = arith.constant 1 : i32
      %add3A_341 = arith.addi %add3A_339, %add3A_340 : i32
      %min3A_342 = arith.constant 124 : i32
      %min3A_343 = arith.minsi %add3A_341, %min3A_342 : i32
      %mul3A_344 = arith.constant 80 : i32
      %mul3A_345 = arith.muli %min3A_343, %mul3A_344 : i32
      %add3A_346 = arith.addi %mul3A_2, %mul3A_345 : i32
      %dma_wait3A_347 = arith.constant 0 : i32
      %dma_wait3A_348 = arith.constant 0 : i32
      %dma_wait3A_349 = tpu.memref_slice %arg8[%dma_wait3A_347, %dma_wait3A_348] : memref<2x80xi32, #tpu.memory_space<vmem>> -> memref<1x80xi32, #tpu.memory_space<vmem>>
      %dma_wait3A_350 = tpu.memref_squeeze %dma_wait3A_349 : memref<1x80xi32, #tpu.memory_space<vmem>> -> memref<80xi32, #tpu.memory_space<vmem>>
      %dma_wait3A_351 = tpu.memref_slice %arg3[%add3A_346] : memref<320000xi32, #tpu.memory_space<hbm>> -> memref<80xi32, #tpu.memory_space<hbm>>
      %dma_wait3A_352 = arith.constant 0 : i32
      %dma_wait3A_353 = tpu.memref_slice %arg8[%dma_wait3A_347, %dma_wait3A_352] : memref<2x80xi32, #tpu.memory_space<vmem>> -> memref<1x80xi32, #tpu.memory_space<vmem>>
      %dma_wait3A_354 = tpu.memref_squeeze %dma_wait3A_353 : memref<1x80xi32, #tpu.memory_space<vmem>> -> memref<80xi32, #tpu.memory_space<vmem>>
      %dma_wait3A_355 = tpu.memref_slice %arg3[%add3A_346] : memref<320000xi32, #tpu.memory_space<hbm>> -> memref<80xi32, #tpu.memory_space<hbm>>
      tpu.wait_dma2 semaphore(%arg16 : memref<!tpu.dma_semaphore, #tpu.memory_space<semaphore_mem>>) src(%dma_wait3A_355 : memref<80xi32, #tpu.memory_space<hbm>>) dst(%dma_wait3A_354 : memref<80xi32, #tpu.memory_space<vmem>>)
      %dma_wait3A_356 = arith.constant 1 : i32
      %dma_wait3A_357 = arith.constant 0 : i32
      %dma_wait3A_358 = tpu.memref_slice %arg8[%dma_wait3A_356, %dma_wait3A_357] : memref<2x80xi32, #tpu.memory_space<vmem>> -> memref<1x80xi32, #tpu.memory_space<vmem>>
      %dma_wait3A_359 = tpu.memref_squeeze %dma_wait3A_358 : memref<1x80xi32, #tpu.memory_space<vmem>> -> memref<80xi32, #tpu.memory_space<vmem>>
      %dma_wait3A_360 = tpu.memref_slice %arg4[%add3A_346] : memref<320000xi32, #tpu.memory_space<hbm>> -> memref<80xi32, #tpu.memory_space<hbm>>
      %dma_wait3A_361 = arith.constant 0 : i32
      %dma_wait3A_362 = tpu.memref_slice %arg8[%dma_wait3A_356, %dma_wait3A_361] : memref<2x80xi32, #tpu.memory_space<vmem>> -> memref<1x80xi32, #tpu.memory_space<vmem>>
      %dma_wait3A_363 = tpu.memref_squeeze %dma_wait3A_362 : memref<1x80xi32, #tpu.memory_space<vmem>> -> memref<80xi32, #tpu.memory_space<vmem>>
      %dma_wait3A_364 = tpu.memref_slice %arg4[%add3A_346] : memref<320000xi32, #tpu.memory_space<hbm>> -> memref<80xi32, #tpu.memory_space<hbm>>
      tpu.wait_dma2 semaphore(%arg16 : memref<!tpu.dma_semaphore, #tpu.memory_space<semaphore_mem>>) src(%dma_wait3A_364 : memref<80xi32, #tpu.memory_space<hbm>>) dst(%dma_wait3A_363 : memref<80xi32, #tpu.memory_space<vmem>>)
      %dma_start3A_365 = arith.constant 0 : i32
      %dma_start3A_366 = arith.constant 0 : i32
      %dma_start3A_367 = tpu.memref_slice %arg8[%dma_start3A_365, %dma_start3A_366] : memref<2x80xi32, #tpu.memory_space<vmem>> -> memref<1x80xi32, #tpu.memory_space<vmem>>
      %dma_start3A_368 = tpu.memref_squeeze %dma_start3A_367 : memref<1x80xi32, #tpu.memory_space<vmem>> -> memref<80xi32, #tpu.memory_space<vmem>>
      %dma_start3A_369 = arith.constant 0 : i32
      %dma_start3A_370 = arith.constant 0 : i32
      %dma_start3A_371 = tpu.memref_slice %arg2[%dma_start3A_369, %dma_start3A_370] : memref<10000x128xf32, #tpu.memory_space<hbm>> -> memref<10000x128xf32, #tpu.memory_space<hbm>>
      tpu.enqueue_indirect_dma source(%dma_start3A_371 : memref<10000x128xf32, #tpu.memory_space<hbm>>) target(%arg10 : memref<80x128xf32, #tpu.memory_space<vmem>>) offsets(%dma_start3A_368 : memref<80xi32, #tpu.memory_space<vmem>>) semaphore(%arg18 : memref<!tpu.dma_semaphore, #tpu.memory_space<semaphore_mem>>)
      %dma_wait3A_372 = arith.constant 0 : i32
      %dma_wait3A_373 = arith.constant 0 : i32
      %dma_wait3A_374 = tpu.memref_slice %arg7[%dma_wait3A_372, %dma_wait3A_373] : memref<2x80xi32, #tpu.memory_space<vmem>> -> memref<1x80xi32, #tpu.memory_space<vmem>>
      %dma_wait3A_375 = tpu.memref_squeeze %dma_wait3A_374 : memref<1x80xi32, #tpu.memory_space<vmem>> -> memref<80xi32, #tpu.memory_space<vmem>>
      %dma_wait3A_376 = arith.constant 0 : i32
      %dma_wait3A_377 = arith.constant 0 : i32
      %dma_wait3A_378 = tpu.memref_slice %arg2[%dma_wait3A_376, %dma_wait3A_377] : memref<10000x128xf32, #tpu.memory_space<hbm>> -> memref<10000x128xf32, #tpu.memory_space<hbm>>
      tpu.wait_indirect_dma semaphore(%arg19 : memref<!tpu.dma_semaphore, #tpu.memory_space<semaphore_mem>>) src(%dma_wait3A_378 : memref<10000x128xf32, #tpu.memory_space<hbm>>) dst(%arg11 : memref<80x128xf32, #tpu.memory_space<vmem>>)
      %run_scoped3A_379 = arith.constant 1 : i32
      "tpu.region"() ({
        %run_scoped3A_546 = tpu.sem_alloc : memref<!tpu.dma_semaphore, #tpu.memory_space<semaphore_mem>>
        %dma_start3A_547 = arith.constant 0 : i32
        %dma_start3A_548 = tpu.memref_slice %arg7[%run_scoped3A_379, %dma_start3A_547] : memref<2x80xi32, #tpu.memory_space<vmem>> -> memref<1x80xi32, #tpu.memory_space<vmem>>
        %dma_start3A_549 = tpu.memref_squeeze %dma_start3A_548 : memref<1x80xi32, #tpu.memory_space<vmem>> -> memref<80xi32, #tpu.memory_space<vmem>>
        %dma_start3A_550 = arith.constant 0 : i32
        %dma_start3A_551 = arith.constant 0 : i32
        %dma_start3A_552 = tpu.memref_slice %arg13[%dma_start3A_550, %dma_start3A_551] : memref<10240x128xf32, #tpu.memory_space<vmem_shared>> -> memref<10240x128xf32, #tpu.memory_space<vmem_shared>>
        tpu.enqueue_indirect_dma source(%arg11 : memref<80x128xf32, #tpu.memory_space<vmem>>) target(%dma_start3A_552 : memref<10240x128xf32, #tpu.memory_space<vmem_shared>>) offsets(%dma_start3A_549 : memref<80xi32, #tpu.memory_space<vmem>>) semaphore(%run_scoped3A_546 : memref<!tpu.dma_semaphore, #tpu.memory_space<semaphore_mem>>) {add = true}
        %dma_wait3A_553 = arith.constant 0 : i32
        %dma_wait3A_554 = tpu.memref_slice %arg7[%run_scoped3A_379, %dma_wait3A_553] : memref<2x80xi32, #tpu.memory_space<vmem>> -> memref<1x80xi32, #tpu.memory_space<vmem>>
        %dma_wait3A_555 = tpu.memref_squeeze %dma_wait3A_554 : memref<1x80xi32, #tpu.memory_space<vmem>> -> memref<80xi32, #tpu.memory_space<vmem>>
        %dma_wait3A_556 = arith.constant 0 : i32
        %dma_wait3A_557 = arith.constant 0 : i32
        %dma_wait3A_558 = tpu.memref_slice %arg13[%dma_wait3A_556, %dma_wait3A_557] : memref<10240x128xf32, #tpu.memory_space<vmem_shared>> -> memref<10240x128xf32, #tpu.memory_space<vmem_shared>>
        tpu.wait_indirect_dma semaphore(%run_scoped3A_546 : memref<!tpu.dma_semaphore, #tpu.memory_space<semaphore_mem>>) src(%arg11 : memref<80x128xf32, #tpu.memory_space<vmem>>) dst(%dma_wait3A_558 : memref<10240x128xf32, #tpu.memory_space<vmem_shared>>)
        tpu.yield
      }) : () -> ()
      %add3A_380 = arith.constant 1 : i32
      %add3A_381 = arith.addi %mul3A_268, %add3A_380 : i32
      %add3A_382 = arith.constant 4 : i32
      %add3A_383 = arith.addi %add3A_381, %add3A_382 : i32
      %min3A_384 = arith.constant 124 : i32
      %min3A_385 = arith.minsi %add3A_383, %min3A_384 : i32
      %mul3A_386 = arith.constant 80 : i32
      %mul3A_387 = arith.muli %min3A_385, %mul3A_386 : i32
      %add3A_388 = arith.addi %mul3A_2, %mul3A_387 : i32
      %dma_start3A_389 = arith.constant 0 : i32
      %dma_start3A_390 = arith.constant 0 : i32
      %dma_start3A_391 = tpu.memref_slice %arg7[%dma_start3A_389, %dma_start3A_390] : memref<2x80xi32, #tpu.memory_space<vmem>> -> memref<1x80xi32, #tpu.memory_space<vmem>>
      %dma_start3A_392 = tpu.memref_squeeze %dma_start3A_391 : memref<1x80xi32, #tpu.memory_space<vmem>> -> memref<80xi32, #tpu.memory_space<vmem>>
      %dma_start3A_393 = tpu.memref_slice %arg3[%add3A_388] : memref<320000xi32, #tpu.memory_space<hbm>> -> memref<80xi32, #tpu.memory_space<hbm>>
      %dma_start3A_394 = arith.constant 0 : i32
      %dma_start3A_395 = tpu.memref_slice %arg7[%dma_start3A_389, %dma_start3A_394] : memref<2x80xi32, #tpu.memory_space<vmem>> -> memref<1x80xi32, #tpu.memory_space<vmem>>
      %dma_start3A_396 = tpu.memref_squeeze %dma_start3A_395 : memref<1x80xi32, #tpu.memory_space<vmem>> -> memref<80xi32, #tpu.memory_space<vmem>>
      %dma_start3A_397 = tpu.memref_slice %arg3[%add3A_388] : memref<320000xi32, #tpu.memory_space<hbm>> -> memref<80xi32, #tpu.memory_space<hbm>>
      tpu.enqueue_dma source(%dma_start3A_397 : memref<80xi32, #tpu.memory_space<hbm>>) target(%dma_start3A_396 : memref<80xi32, #tpu.memory_space<vmem>>) target_semaphore(%arg15 : memref<!tpu.dma_semaphore, #tpu.memory_space<semaphore_mem>>)
      %dma_start3A_398 = arith.constant 1 : i32
      %dma_start3A_399 = arith.constant 0 : i32
      %dma_start3A_400 = tpu.memref_slice %arg7[%dma_start3A_398, %dma_start3A_399] : memref<2x80xi32, #tpu.memory_space<vmem>> -> memref<1x80xi32, #tpu.memory_space<vmem>>
      %dma_start3A_401 = tpu.memref_squeeze %dma_start3A_400 : memref<1x80xi32, #tpu.memory_space<vmem>> -> memref<80xi32, #tpu.memory_space<vmem>>
      %dma_start3A_402 = tpu.memref_slice %arg4[%add3A_388] : memref<320000xi32, #tpu.memory_space<hbm>> -> memref<80xi32, #tpu.memory_space<hbm>>
      %dma_start3A_403 = arith.constant 0 : i32
      %dma_start3A_404 = tpu.memref_slice %arg7[%dma_start3A_398, %dma_start3A_403] : memref<2x80xi32, #tpu.memory_space<vmem>> -> memref<1x80xi32, #tpu.memory_space<vmem>>
      %dma_start3A_405 = tpu.memref_squeeze %dma_start3A_404 : memref<1x80xi32, #tpu.memory_space<vmem>> -> memref<80xi32, #tpu.memory_space<vmem>>
      %dma_start3A_406 = tpu.memref_slice %arg4[%add3A_388] : memref<320000xi32, #tpu.memory_space<hbm>> -> memref<80xi32, #tpu.memory_space<hbm>>
      tpu.enqueue_dma source(%dma_start3A_406 : memref<80xi32, #tpu.memory_space<hbm>>) target(%dma_start3A_405 : memref<80xi32, #tpu.memory_space<vmem>>) target_semaphore(%arg15 : memref<!tpu.dma_semaphore, #tpu.memory_space<semaphore_mem>>)
      %add3A_407 = arith.constant 2 : i32
      %add3A_408 = arith.addi %mul3A_268, %add3A_407 : i32
      %add3A_409 = arith.constant 1 : i32
      %add3A_410 = arith.addi %add3A_408, %add3A_409 : i32
      %min3A_411 = arith.constant 124 : i32
      %min3A_412 = arith.minsi %add3A_410, %min3A_411 : i32
      %mul3A_413 = arith.constant 80 : i32
      %mul3A_414 = arith.muli %min3A_412, %mul3A_413 : i32
      %add3A_415 = arith.addi %mul3A_2, %mul3A_414 : i32
      %dma_wait3A_416 = arith.constant 0 : i32
      %dma_wait3A_417 = arith.constant 0 : i32
      %dma_wait3A_418 = tpu.memref_slice %arg9[%dma_wait3A_416, %dma_wait3A_417] : memref<2x80xi32, #tpu.memory_space<vmem>> -> memref<1x80xi32, #tpu.memory_space<vmem>>
      %dma_wait3A_419 = tpu.memref_squeeze %dma_wait3A_418 : memref<1x80xi32, #tpu.memory_space<vmem>> -> memref<80xi32, #tpu.memory_space<vmem>>
      %dma_wait3A_420 = tpu.memref_slice %arg3[%add3A_415] : memref<320000xi32, #tpu.memory_space<hbm>> -> memref<80xi32, #tpu.memory_space<hbm>>
      %dma_wait3A_421 = arith.constant 0 : i32
      %dma_wait3A_422 = tpu.memref_slice %arg9[%dma_wait3A_416, %dma_wait3A_421] : memref<2x80xi32, #tpu.memory_space<vmem>> -> memref<1x80xi32, #tpu.memory_space<vmem>>
      %dma_wait3A_423 = tpu.memref_squeeze %dma_wait3A_422 : memref<1x80xi32, #tpu.memory_space<vmem>> -> memref<80xi32, #tpu.memory_space<vmem>>
      %dma_wait3A_424 = tpu.memref_slice %arg3[%add3A_415] : memref<320000xi32, #tpu.memory_space<hbm>> -> memref<80xi32, #tpu.memory_space<hbm>>
      tpu.wait_dma2 semaphore(%arg17 : memref<!tpu.dma_semaphore, #tpu.memory_space<semaphore_mem>>) src(%dma_wait3A_424 : memref<80xi32, #tpu.memory_space<hbm>>) dst(%dma_wait3A_423 : memref<80xi32, #tpu.memory_space<vmem>>)
      %dma_wait3A_425 = arith.constant 1 : i32
      %dma_wait3A_426 = arith.constant 0 : i32
      %dma_wait3A_427 = tpu.memref_slice %arg9[%dma_wait3A_425, %dma_wait3A_426] : memref<2x80xi32, #tpu.memory_space<vmem>> -> memref<1x80xi32, #tpu.memory_space<vmem>>
      %dma_wait3A_428 = tpu.memref_squeeze %dma_wait3A_427 : memref<1x80xi32, #tpu.memory_space<vmem>> -> memref<80xi32, #tpu.memory_space<vmem>>
      %dma_wait3A_429 = tpu.memref_slice %arg4[%add3A_415] : memref<320000xi32, #tpu.memory_space<hbm>> -> memref<80xi32, #tpu.memory_space<hbm>>
      %dma_wait3A_430 = arith.constant 0 : i32
      %dma_wait3A_431 = tpu.memref_slice %arg9[%dma_wait3A_425, %dma_wait3A_430] : memref<2x80xi32, #tpu.memory_space<vmem>> -> memref<1x80xi32, #tpu.memory_space<vmem>>
      %dma_wait3A_432 = tpu.memref_squeeze %dma_wait3A_431 : memref<1x80xi32, #tpu.memory_space<vmem>> -> memref<80xi32, #tpu.memory_space<vmem>>
      %dma_wait3A_433 = tpu.memref_slice %arg4[%add3A_415] : memref<320000xi32, #tpu.memory_space<hbm>> -> memref<80xi32, #tpu.memory_space<hbm>>
      tpu.wait_dma2 semaphore(%arg17 : memref<!tpu.dma_semaphore, #tpu.memory_space<semaphore_mem>>) src(%dma_wait3A_433 : memref<80xi32, #tpu.memory_space<hbm>>) dst(%dma_wait3A_432 : memref<80xi32, #tpu.memory_space<vmem>>)
      %dma_start3A_434 = arith.constant 0 : i32
      %dma_start3A_435 = arith.constant 0 : i32
      %dma_start3A_436 = tpu.memref_slice %arg9[%dma_start3A_434, %dma_start3A_435] : memref<2x80xi32, #tpu.memory_space<vmem>> -> memref<1x80xi32, #tpu.memory_space<vmem>>
      %dma_start3A_437 = tpu.memref_squeeze %dma_start3A_436 : memref<1x80xi32, #tpu.memory_space<vmem>> -> memref<80xi32, #tpu.memory_space<vmem>>
      %dma_start3A_438 = arith.constant 0 : i32
      %dma_start3A_439 = arith.constant 0 : i32
      %dma_start3A_440 = tpu.memref_slice %arg2[%dma_start3A_438, %dma_start3A_439] : memref<10000x128xf32, #tpu.memory_space<hbm>> -> memref<10000x128xf32, #tpu.memory_space<hbm>>
      tpu.enqueue_indirect_dma source(%dma_start3A_440 : memref<10000x128xf32, #tpu.memory_space<hbm>>) target(%arg11 : memref<80x128xf32, #tpu.memory_space<vmem>>) offsets(%dma_start3A_437 : memref<80xi32, #tpu.memory_space<vmem>>) semaphore(%arg19 : memref<!tpu.dma_semaphore, #tpu.memory_space<semaphore_mem>>)
      %dma_wait3A_441 = arith.constant 0 : i32
      %dma_wait3A_442 = arith.constant 0 : i32
      %dma_wait3A_443 = tpu.memref_slice %arg8[%dma_wait3A_441, %dma_wait3A_442] : memref<2x80xi32, #tpu.memory_space<vmem>> -> memref<1x80xi32, #tpu.memory_space<vmem>>
      %dma_wait3A_444 = tpu.memref_squeeze %dma_wait3A_443 : memref<1x80xi32, #tpu.memory_space<vmem>> -> memref<80xi32, #tpu.memory_space<vmem>>
      %dma_wait3A_445 = arith.constant 0 : i32
      %dma_wait3A_446 = arith.constant 0 : i32
      %dma_wait3A_447 = tpu.memref_slice %arg2[%dma_wait3A_445, %dma_wait3A_446] : memref<10000x128xf32, #tpu.memory_space<hbm>> -> memref<10000x128xf32, #tpu.memory_space<hbm>>
      tpu.wait_indirect_dma semaphore(%arg18 : memref<!tpu.dma_semaphore, #tpu.memory_space<semaphore_mem>>) src(%dma_wait3A_447 : memref<10000x128xf32, #tpu.memory_space<hbm>>) dst(%arg10 : memref<80x128xf32, #tpu.memory_space<vmem>>)
      %run_scoped3A_448 = arith.constant 1 : i32
      "tpu.region"() ({
        %run_scoped3A_546 = tpu.sem_alloc : memref<!tpu.dma_semaphore, #tpu.memory_space<semaphore_mem>>
        %dma_start3A_547 = arith.constant 0 : i32
        %dma_start3A_548 = tpu.memref_slice %arg8[%run_scoped3A_448, %dma_start3A_547] : memref<2x80xi32, #tpu.memory_space<vmem>> -> memref<1x80xi32, #tpu.memory_space<vmem>>
        %dma_start3A_549 = tpu.memref_squeeze %dma_start3A_548 : memref<1x80xi32, #tpu.memory_space<vmem>> -> memref<80xi32, #tpu.memory_space<vmem>>
        %dma_start3A_550 = arith.constant 0 : i32
        %dma_start3A_551 = arith.constant 0 : i32
        %dma_start3A_552 = tpu.memref_slice %arg13[%dma_start3A_550, %dma_start3A_551] : memref<10240x128xf32, #tpu.memory_space<vmem_shared>> -> memref<10240x128xf32, #tpu.memory_space<vmem_shared>>
        tpu.enqueue_indirect_dma source(%arg10 : memref<80x128xf32, #tpu.memory_space<vmem>>) target(%dma_start3A_552 : memref<10240x128xf32, #tpu.memory_space<vmem_shared>>) offsets(%dma_start3A_549 : memref<80xi32, #tpu.memory_space<vmem>>) semaphore(%run_scoped3A_546 : memref<!tpu.dma_semaphore, #tpu.memory_space<semaphore_mem>>) {add = true}
        %dma_wait3A_553 = arith.constant 0 : i32
        %dma_wait3A_554 = tpu.memref_slice %arg8[%run_scoped3A_448, %dma_wait3A_553] : memref<2x80xi32, #tpu.memory_space<vmem>> -> memref<1x80xi32, #tpu.memory_space<vmem>>
        %dma_wait3A_555 = tpu.memref_squeeze %dma_wait3A_554 : memref<1x80xi32, #tpu.memory_space<vmem>> -> memref<80xi32, #tpu.memory_space<vmem>>
        %dma_wait3A_556 = arith.constant 0 : i32
        %dma_wait3A_557 = arith.constant 0 : i32
        %dma_wait3A_558 = tpu.memref_slice %arg13[%dma_wait3A_556, %dma_wait3A_557] : memref<10240x128xf32, #tpu.memory_space<vmem_shared>> -> memref<10240x128xf32, #tpu.memory_space<vmem_shared>>
        tpu.wait_indirect_dma semaphore(%run_scoped3A_546 : memref<!tpu.dma_semaphore, #tpu.memory_space<semaphore_mem>>) src(%arg10 : memref<80x128xf32, #tpu.memory_space<vmem>>) dst(%dma_wait3A_558 : memref<10240x128xf32, #tpu.memory_space<vmem_shared>>)
        tpu.yield
      }) : () -> ()
      %add3A_449 = arith.constant 2 : i32
      %add3A_450 = arith.addi %mul3A_268, %add3A_449 : i32
      %add3A_451 = arith.constant 4 : i32
      %add3A_452 = arith.addi %add3A_450, %add3A_451 : i32
      %min3A_453 = arith.constant 124 : i32
      %min3A_454 = arith.minsi %add3A_452, %min3A_453 : i32
      %mul3A_455 = arith.constant 80 : i32
      %mul3A_456 = arith.muli %min3A_454, %mul3A_455 : i32
      %add3A_457 = arith.addi %mul3A_2, %mul3A_456 : i32
      %dma_start3A_458 = arith.constant 0 : i32
      %dma_start3A_459 = arith.constant 0 : i32
      %dma_start3A_460 = tpu.memref_slice %arg8[%dma_start3A_458, %dma_start3A_459] : memref<2x80xi32, #tpu.memory_space<vmem>> -> memref<1x80xi32, #tpu.memory_space<vmem>>
      %dma_start3A_461 = tpu.memref_squeeze %dma_start3A_460 : memref<1x80xi32, #tpu.memory_space<vmem>> -> memref<80xi32, #tpu.memory_space<vmem>>
      %dma_start3A_462 = tpu.memref_slice %arg3[%add3A_457] : memref<320000xi32, #tpu.memory_space<hbm>> -> memref<80xi32, #tpu.memory_space<hbm>>
      %dma_start3A_463 = arith.constant 0 : i32
      %dma_start3A_464 = tpu.memref_slice %arg8[%dma_start3A_458, %dma_start3A_463] : memref<2x80xi32, #tpu.memory_space<vmem>> -> memref<1x80xi32, #tpu.memory_space<vmem>>
      %dma_start3A_465 = tpu.memref_squeeze %dma_start3A_464 : memref<1x80xi32, #tpu.memory_space<vmem>> -> memref<80xi32, #tpu.memory_space<vmem>>
      %dma_start3A_466 = tpu.memref_slice %arg3[%add3A_457] : memref<320000xi32, #tpu.memory_space<hbm>> -> memref<80xi32, #tpu.memory_space<hbm>>
      tpu.enqueue_dma source(%dma_start3A_466 : memref<80xi32, #tpu.memory_space<hbm>>) target(%dma_start3A_465 : memref<80xi32, #tpu.memory_space<vmem>>) target_semaphore(%arg16 : memref<!tpu.dma_semaphore, #tpu.memory_space<semaphore_mem>>)
      %dma_start3A_467 = arith.constant 1 : i32
      %dma_start3A_468 = arith.constant 0 : i32
      %dma_start3A_469 = tpu.memref_slice %arg8[%dma_start3A_467, %dma_start3A_468] : memref<2x80xi32, #tpu.memory_space<vmem>> -> memref<1x80xi32, #tpu.memory_space<vmem>>
      %dma_start3A_470 = tpu.memref_squeeze %dma_start3A_469 : memref<1x80xi32, #tpu.memory_space<vmem>> -> memref<80xi32, #tpu.memory_space<vmem>>
      %dma_start3A_471 = tpu.memref_slice %arg4[%add3A_457] : memref<320000xi32, #tpu.memory_space<hbm>> -> memref<80xi32, #tpu.memory_space<hbm>>
      %dma_start3A_472 = arith.constant 0 : i32
      %dma_start3A_473 = tpu.memref_slice %arg8[%dma_start3A_467, %dma_start3A_472] : memref<2x80xi32, #tpu.memory_space<vmem>> -> memref<1x80xi32, #tpu.memory_space<vmem>>
      %dma_start3A_474 = tpu.memref_squeeze %dma_start3A_473 : memref<1x80xi32, #tpu.memory_space<vmem>> -> memref<80xi32, #tpu.memory_space<vmem>>
      %dma_start3A_475 = tpu.memref_slice %arg4[%add3A_457] : memref<320000xi32, #tpu.memory_space<hbm>> -> memref<80xi32, #tpu.memory_space<hbm>>
      tpu.enqueue_dma source(%dma_start3A_475 : memref<80xi32, #tpu.memory_space<hbm>>) target(%dma_start3A_474 : memref<80xi32, #tpu.memory_space<vmem>>) target_semaphore(%arg16 : memref<!tpu.dma_semaphore, #tpu.memory_space<semaphore_mem>>)
      %add3A_476 = arith.constant 3 : i32
      %add3A_477 = arith.addi %mul3A_268, %add3A_476 : i32
      %add3A_478 = arith.constant 1 : i32
      %add3A_479 = arith.addi %add3A_477, %add3A_478 : i32
      %min3A_480 = arith.constant 124 : i32
      %min3A_481 = arith.minsi %add3A_479, %min3A_480 : i32
      %mul3A_482 = arith.constant 80 : i32
      %mul3A_483 = arith.muli %min3A_481, %mul3A_482 : i32
      %add3A_484 = arith.addi %mul3A_2, %mul3A_483 : i32
      %dma_wait3A_485 = arith.constant 0 : i32
      %dma_wait3A_486 = arith.constant 0 : i32
      %dma_wait3A_487 = tpu.memref_slice %arg6[%dma_wait3A_485, %dma_wait3A_486] : memref<2x80xi32, #tpu.memory_space<vmem>> -> memref<1x80xi32, #tpu.memory_space<vmem>>
      %dma_wait3A_488 = tpu.memref_squeeze %dma_wait3A_487 : memref<1x80xi32, #tpu.memory_space<vmem>> -> memref<80xi32, #tpu.memory_space<vmem>>
      %dma_wait3A_489 = tpu.memref_slice %arg3[%add3A_484] : memref<320000xi32, #tpu.memory_space<hbm>> -> memref<80xi32, #tpu.memory_space<hbm>>
      %dma_wait3A_490 = arith.constant 0 : i32
      %dma_wait3A_491 = tpu.memref_slice %arg6[%dma_wait3A_485, %dma_wait3A_490] : memref<2x80xi32, #tpu.memory_space<vmem>> -> memref<1x80xi32, #tpu.memory_space<vmem>>
      %dma_wait3A_492 = tpu.memref_squeeze %dma_wait3A_491 : memref<1x80xi32, #tpu.memory_space<vmem>> -> memref<80xi32, #tpu.memory_space<vmem>>
      %dma_wait3A_493 = tpu.memref_slice %arg3[%add3A_484] : memref<320000xi32, #tpu.memory_space<hbm>> -> memref<80xi32, #tpu.memory_space<hbm>>
      tpu.wait_dma2 semaphore(%arg14 : memref<!tpu.dma_semaphore, #tpu.memory_space<semaphore_mem>>) src(%dma_wait3A_493 : memref<80xi32, #tpu.memory_space<hbm>>) dst(%dma_wait3A_492 : memref<80xi32, #tpu.memory_space<vmem>>)
      %dma_wait3A_494 = arith.constant 1 : i32
      %dma_wait3A_495 = arith.constant 0 : i32
      %dma_wait3A_496 = tpu.memref_slice %arg6[%dma_wait3A_494, %dma_wait3A_495] : memref<2x80xi32, #tpu.memory_space<vmem>> -> memref<1x80xi32, #tpu.memory_space<vmem>>
      %dma_wait3A_497 = tpu.memref_squeeze %dma_wait3A_496 : memref<1x80xi32, #tpu.memory_space<vmem>> -> memref<80xi32, #tpu.memory_space<vmem>>
      %dma_wait3A_498 = tpu.memref_slice %arg4[%add3A_484] : memref<320000xi32, #tpu.memory_space<hbm>> -> memref<80xi32, #tpu.memory_space<hbm>>
      %dma_wait3A_499 = arith.constant 0 : i32
      %dma_wait3A_500 = tpu.memref_slice %arg6[%dma_wait3A_494, %dma_wait3A_499] : memref<2x80xi32, #tpu.memory_space<vmem>> -> memref<1x80xi32, #tpu.memory_space<vmem>>
      %dma_wait3A_501 = tpu.memref_squeeze %dma_wait3A_500 : memref<1x80xi32, #tpu.memory_space<vmem>> -> memref<80xi32, #tpu.memory_space<vmem>>
      %dma_wait3A_502 = tpu.memref_slice %arg4[%add3A_484] : memref<320000xi32, #tpu.memory_space<hbm>> -> memref<80xi32, #tpu.memory_space<hbm>>
      tpu.wait_dma2 semaphore(%arg14 : memref<!tpu.dma_semaphore, #tpu.memory_space<semaphore_mem>>) src(%dma_wait3A_502 : memref<80xi32, #tpu.memory_space<hbm>>) dst(%dma_wait3A_501 : memref<80xi32, #tpu.memory_space<vmem>>)
      %dma_start3A_503 = arith.constant 0 : i32
      %dma_start3A_504 = arith.constant 0 : i32
      %dma_start3A_505 = tpu.memref_slice %arg6[%dma_start3A_503, %dma_start3A_504] : memref<2x80xi32, #tpu.memory_space<vmem>> -> memref<1x80xi32, #tpu.memory_space<vmem>>
      %dma_start3A_506 = tpu.memref_squeeze %dma_start3A_505 : memref<1x80xi32, #tpu.memory_space<vmem>> -> memref<80xi32, #tpu.memory_space<vmem>>
      %dma_start3A_507 = arith.constant 0 : i32
      %dma_start3A_508 = arith.constant 0 : i32
      %dma_start3A_509 = tpu.memref_slice %arg2[%dma_start3A_507, %dma_start3A_508] : memref<10000x128xf32, #tpu.memory_space<hbm>> -> memref<10000x128xf32, #tpu.memory_space<hbm>>
      tpu.enqueue_indirect_dma source(%dma_start3A_509 : memref<10000x128xf32, #tpu.memory_space<hbm>>) target(%arg10 : memref<80x128xf32, #tpu.memory_space<vmem>>) offsets(%dma_start3A_506 : memref<80xi32, #tpu.memory_space<vmem>>) semaphore(%arg18 : memref<!tpu.dma_semaphore, #tpu.memory_space<semaphore_mem>>)
      %dma_wait3A_510 = arith.constant 0 : i32
      %dma_wait3A_511 = arith.constant 0 : i32
      %dma_wait3A_512 = tpu.memref_slice %arg9[%dma_wait3A_510, %dma_wait3A_511] : memref<2x80xi32, #tpu.memory_space<vmem>> -> memref<1x80xi32, #tpu.memory_space<vmem>>
      %dma_wait3A_513 = tpu.memref_squeeze %dma_wait3A_512 : memref<1x80xi32, #tpu.memory_space<vmem>> -> memref<80xi32, #tpu.memory_space<vmem>>
      %dma_wait3A_514 = arith.constant 0 : i32
      %dma_wait3A_515 = arith.constant 0 : i32
      %dma_wait3A_516 = tpu.memref_slice %arg2[%dma_wait3A_514, %dma_wait3A_515] : memref<10000x128xf32, #tpu.memory_space<hbm>> -> memref<10000x128xf32, #tpu.memory_space<hbm>>
      tpu.wait_indirect_dma semaphore(%arg19 : memref<!tpu.dma_semaphore, #tpu.memory_space<semaphore_mem>>) src(%dma_wait3A_516 : memref<10000x128xf32, #tpu.memory_space<hbm>>) dst(%arg11 : memref<80x128xf32, #tpu.memory_space<vmem>>)
      %run_scoped3A_517 = arith.constant 1 : i32
      "tpu.region"() ({
        %run_scoped3A_546 = tpu.sem_alloc : memref<!tpu.dma_semaphore, #tpu.memory_space<semaphore_mem>>
        %dma_start3A_547 = arith.constant 0 : i32
        %dma_start3A_548 = tpu.memref_slice %arg9[%run_scoped3A_517, %dma_start3A_547] : memref<2x80xi32, #tpu.memory_space<vmem>> -> memref<1x80xi32, #tpu.memory_space<vmem>>
        %dma_start3A_549 = tpu.memref_squeeze %dma_start3A_548 : memref<1x80xi32, #tpu.memory_space<vmem>> -> memref<80xi32, #tpu.memory_space<vmem>>
        %dma_start3A_550 = arith.constant 0 : i32
        %dma_start3A_551 = arith.constant 0 : i32
        %dma_start3A_552 = tpu.memref_slice %arg13[%dma_start3A_550, %dma_start3A_551] : memref<10240x128xf32, #tpu.memory_space<vmem_shared>> -> memref<10240x128xf32, #tpu.memory_space<vmem_shared>>
        tpu.enqueue_indirect_dma source(%arg11 : memref<80x128xf32, #tpu.memory_space<vmem>>) target(%dma_start3A_552 : memref<10240x128xf32, #tpu.memory_space<vmem_shared>>) offsets(%dma_start3A_549 : memref<80xi32, #tpu.memory_space<vmem>>) semaphore(%run_scoped3A_546 : memref<!tpu.dma_semaphore, #tpu.memory_space<semaphore_mem>>) {add = true}
        %dma_wait3A_553 = arith.constant 0 : i32
        %dma_wait3A_554 = tpu.memref_slice %arg9[%run_scoped3A_517, %dma_wait3A_553] : memref<2x80xi32, #tpu.memory_space<vmem>> -> memref<1x80xi32, #tpu.memory_space<vmem>>
        %dma_wait3A_555 = tpu.memref_squeeze %dma_wait3A_554 : memref<1x80xi32, #tpu.memory_space<vmem>> -> memref<80xi32, #tpu.memory_space<vmem>>
        %dma_wait3A_556 = arith.constant 0 : i32
        %dma_wait3A_557 = arith.constant 0 : i32
        %dma_wait3A_558 = tpu.memref_slice %arg13[%dma_wait3A_556, %dma_wait3A_557] : memref<10240x128xf32, #tpu.memory_space<vmem_shared>> -> memref<10240x128xf32, #tpu.memory_space<vmem_shared>>
        tpu.wait_indirect_dma semaphore(%run_scoped3A_546 : memref<!tpu.dma_semaphore, #tpu.memory_space<semaphore_mem>>) src(%arg11 : memref<80x128xf32, #tpu.memory_space<vmem>>) dst(%dma_wait3A_558 : memref<10240x128xf32, #tpu.memory_space<vmem_shared>>)
        tpu.yield
      }) : () -> ()
      %add3A_518 = arith.constant 3 : i32
      %add3A_519 = arith.addi %mul3A_268, %add3A_518 : i32
      %add3A_520 = arith.constant 4 : i32
      %add3A_521 = arith.addi %add3A_519, %add3A_520 : i32
      %min3A_522 = arith.constant 124 : i32
      %min3A_523 = arith.minsi %add3A_521, %min3A_522 : i32
      %mul3A_524 = arith.constant 80 : i32
      %mul3A_525 = arith.muli %min3A_523, %mul3A_524 : i32
      %add3A_526 = arith.addi %mul3A_2, %mul3A_525 : i32
      %dma_start3A_527 = arith.constant 0 : i32
      %dma_start3A_528 = arith.constant 0 : i32
      %dma_start3A_529 = tpu.memref_slice %arg9[%dma_start3A_527, %dma_start3A_528] : memref<2x80xi32, #tpu.memory_space<vmem>> -> memref<1x80xi32, #tpu.memory_space<vmem>>
      %dma_start3A_530 = tpu.memref_squeeze %dma_start3A_529 : memref<1x80xi32, #tpu.memory_space<vmem>> -> memref<80xi32, #tpu.memory_space<vmem>>
      %dma_start3A_531 = tpu.memref_slice %arg3[%add3A_526] : memref<320000xi32, #tpu.memory_space<hbm>> -> memref<80xi32, #tpu.memory_space<hbm>>
      %dma_start3A_532 = arith.constant 0 : i32
      %dma_start3A_533 = tpu.memref_slice %arg9[%dma_start3A_527, %dma_start3A_532] : memref<2x80xi32, #tpu.memory_space<vmem>> -> memref<1x80xi32, #tpu.memory_space<vmem>>
      %dma_start3A_534 = tpu.memref_squeeze %dma_start3A_533 : memref<1x80xi32, #tpu.memory_space<vmem>> -> memref<80xi32, #tpu.memory_space<vmem>>
      %dma_start3A_535 = tpu.memref_slice %arg3[%add3A_526] : memref<320000xi32, #tpu.memory_space<hbm>> -> memref<80xi32, #tpu.memory_space<hbm>>
      tpu.enqueue_dma source(%dma_start3A_535 : memref<80xi32, #tpu.memory_space<hbm>>) target(%dma_start3A_534 : memref<80xi32, #tpu.memory_space<vmem>>) target_semaphore(%arg17 : memref<!tpu.dma_semaphore, #tpu.memory_space<semaphore_mem>>)
      %dma_start3A_536 = arith.constant 1 : i32
      %dma_start3A_537 = arith.constant 0 : i32
      %dma_start3A_538 = tpu.memref_slice %arg9[%dma_start3A_536, %dma_start3A_537] : memref<2x80xi32, #tpu.memory_space<vmem>> -> memref<1x80xi32, #tpu.memory_space<vmem>>
      %dma_start3A_539 = tpu.memref_squeeze %dma_start3A_538 : memref<1x80xi32, #tpu.memory_space<vmem>> -> memref<80xi32, #tpu.memory_space<vmem>>
      %dma_start3A_540 = tpu.memref_slice %arg4[%add3A_526] : memref<320000xi32, #tpu.memory_space<hbm>> -> memref<80xi32, #tpu.memory_space<hbm>>
      %dma_start3A_541 = arith.constant 0 : i32
      %dma_start3A_542 = tpu.memref_slice %arg9[%dma_start3A_536, %dma_start3A_541] : memref<2x80xi32, #tpu.memory_space<vmem>> -> memref<1x80xi32, #tpu.memory_space<vmem>>
      %dma_start3A_543 = tpu.memref_squeeze %dma_start3A_542 : memref<1x80xi32, #tpu.memory_space<vmem>> -> memref<80xi32, #tpu.memory_space<vmem>>
      %dma_start3A_544 = tpu.memref_slice %arg4[%add3A_526] : memref<320000xi32, #tpu.memory_space<hbm>> -> memref<80xi32, #tpu.memory_space<hbm>>
      tpu.enqueue_dma source(%dma_start3A_544 : memref<80xi32, #tpu.memory_space<hbm>>) target(%dma_start3A_543 : memref<80xi32, #tpu.memory_space<vmem>>) target_semaphore(%arg17 : memref<!tpu.dma_semaphore, #tpu.memory_space<semaphore_mem>>)
      %scan3A_545 = arith.constant 0 : i32
      scf.yield %scan3A_545 : i32
    }
    %scan3A_179 = arith.constant 31 : i32
    %dma_wait3A_180 = arith.constant 0 : i32
    %dma_wait3A_181 = arith.constant 0 : i32
    %dma_wait3A_182 = tpu.memref_slice %arg6[%dma_wait3A_180, %dma_wait3A_181] : memref<2x80xi32, #tpu.memory_space<vmem>> -> memref<1x80xi32, #tpu.memory_space<vmem>>
    %dma_wait3A_183 = tpu.memref_squeeze %dma_wait3A_182 : memref<1x80xi32, #tpu.memory_space<vmem>> -> memref<80xi32, #tpu.memory_space<vmem>>
    %dma_wait3A_184 = arith.constant 0 : i32
    %dma_wait3A_185 = arith.constant 0 : i32
    %dma_wait3A_186 = tpu.memref_slice %arg2[%dma_wait3A_184, %dma_wait3A_185] : memref<10000x128xf32, #tpu.memory_space<hbm>> -> memref<10000x128xf32, #tpu.memory_space<hbm>>
    tpu.wait_indirect_dma semaphore(%arg18 : memref<!tpu.dma_semaphore, #tpu.memory_space<semaphore_mem>>) src(%dma_wait3A_186 : memref<10000x128xf32, #tpu.memory_space<hbm>>) dst(%arg10 : memref<80x128xf32, #tpu.memory_space<vmem>>)
    %run_scoped3A = arith.constant 1 : i32
    "tpu.region"() ({
      %run_scoped3A_265 = tpu.sem_alloc : memref<!tpu.dma_semaphore, #tpu.memory_space<semaphore_mem>>
      %dma_start3A_266 = arith.constant 0 : i32
      %dma_start3A_267 = tpu.memref_slice %arg6[%run_scoped3A, %dma_start3A_266] : memref<2x80xi32, #tpu.memory_space<vmem>> -> memref<1x80xi32, #tpu.memory_space<vmem>>
      %dma_start3A_268 = tpu.memref_squeeze %dma_start3A_267 : memref<1x80xi32, #tpu.memory_space<vmem>> -> memref<80xi32, #tpu.memory_space<vmem>>
      %dma_start3A_269 = arith.constant 0 : i32
      %dma_start3A_270 = arith.constant 0 : i32
      %dma_start3A_271 = tpu.memref_slice %arg13[%dma_start3A_269, %dma_start3A_270] : memref<10240x128xf32, #tpu.memory_space<vmem_shared>> -> memref<10240x128xf32, #tpu.memory_space<vmem_shared>>
      tpu.enqueue_indirect_dma source(%arg10 : memref<80x128xf32, #tpu.memory_space<vmem>>) target(%dma_start3A_271 : memref<10240x128xf32, #tpu.memory_space<vmem_shared>>) offsets(%dma_start3A_268 : memref<80xi32, #tpu.memory_space<vmem>>) semaphore(%run_scoped3A_265 : memref<!tpu.dma_semaphore, #tpu.memory_space<semaphore_mem>>) {add = true}
      %dma_wait3A_272 = arith.constant 0 : i32
      %dma_wait3A_273 = tpu.memref_slice %arg6[%run_scoped3A, %dma_wait3A_272] : memref<2x80xi32, #tpu.memory_space<vmem>> -> memref<1x80xi32, #tpu.memory_space<vmem>>
      %dma_wait3A_274 = tpu.memref_squeeze %dma_wait3A_273 : memref<1x80xi32, #tpu.memory_space<vmem>> -> memref<80xi32, #tpu.memory_space<vmem>>
      %dma_wait3A_275 = arith.constant 0 : i32
      %dma_wait3A_276 = arith.constant 0 : i32
      %dma_wait3A_277 = tpu.memref_slice %arg13[%dma_wait3A_275, %dma_wait3A_276] : memref<10240x128xf32, #tpu.memory_space<vmem_shared>> -> memref<10240x128xf32, #tpu.memory_space<vmem_shared>>
      tpu.wait_indirect_dma semaphore(%run_scoped3A_265 : memref<!tpu.dma_semaphore, #tpu.memory_space<semaphore_mem>>) src(%arg10 : memref<80x128xf32, #tpu.memory_space<vmem>>) dst(%dma_wait3A_277 : memref<10240x128xf32, #tpu.memory_space<vmem_shared>>)
      tpu.yield
    }) : () -> ()
    %min3A_187 = arith.constant 125 : i32
    %min3A_188 = arith.constant 124 : i32
    %min3A_189 = arith.minsi %min3A_187, %min3A_188 : i32
    %mul3A_190 = arith.constant 80 : i32
    %mul3A_191 = arith.muli %min3A_189, %mul3A_190 : i32
    %add3A_192 = arith.addi %mul3A_2, %mul3A_191 : i32
    %dma_wait3A_193 = arith.constant 0 : i32
    %dma_wait3A_194 = arith.constant 0 : i32
    %dma_wait3A_195 = tpu.memref_slice %arg7[%dma_wait3A_193, %dma_wait3A_194] : memref<2x80xi32, #tpu.memory_space<vmem>> -> memref<1x80xi32, #tpu.memory_space<vmem>>
    %dma_wait3A_196 = tpu.memref_squeeze %dma_wait3A_195 : memref<1x80xi32, #tpu.memory_space<vmem>> -> memref<80xi32, #tpu.memory_space<vmem>>
    %dma_wait3A_197 = tpu.memref_slice %arg3[%add3A_192] : memref<320000xi32, #tpu.memory_space<hbm>> -> memref<80xi32, #tpu.memory_space<hbm>>
    %dma_wait3A_198 = arith.constant 0 : i32
    %dma_wait3A_199 = tpu.memref_slice %arg7[%dma_wait3A_193, %dma_wait3A_198] : memref<2x80xi32, #tpu.memory_space<vmem>> -> memref<1x80xi32, #tpu.memory_space<vmem>>
    %dma_wait3A_200 = tpu.memref_squeeze %dma_wait3A_199 : memref<1x80xi32, #tpu.memory_space<vmem>> -> memref<80xi32, #tpu.memory_space<vmem>>
    %dma_wait3A_201 = tpu.memref_slice %arg3[%add3A_192] : memref<320000xi32, #tpu.memory_space<hbm>> -> memref<80xi32, #tpu.memory_space<hbm>>
    tpu.wait_dma2 semaphore(%arg15 : memref<!tpu.dma_semaphore, #tpu.memory_space<semaphore_mem>>) src(%dma_wait3A_201 : memref<80xi32, #tpu.memory_space<hbm>>) dst(%dma_wait3A_200 : memref<80xi32, #tpu.memory_space<vmem>>)
    %dma_wait3A_202 = arith.constant 1 : i32
    %dma_wait3A_203 = arith.constant 0 : i32
    %dma_wait3A_204 = tpu.memref_slice %arg7[%dma_wait3A_202, %dma_wait3A_203] : memref<2x80xi32, #tpu.memory_space<vmem>> -> memref<1x80xi32, #tpu.memory_space<vmem>>
    %dma_wait3A_205 = tpu.memref_squeeze %dma_wait3A_204 : memref<1x80xi32, #tpu.memory_space<vmem>> -> memref<80xi32, #tpu.memory_space<vmem>>
    %dma_wait3A_206 = tpu.memref_slice %arg4[%add3A_192] : memref<320000xi32, #tpu.memory_space<hbm>> -> memref<80xi32, #tpu.memory_space<hbm>>
    %dma_wait3A_207 = arith.constant 0 : i32
    %dma_wait3A_208 = tpu.memref_slice %arg7[%dma_wait3A_202, %dma_wait3A_207] : memref<2x80xi32, #tpu.memory_space<vmem>> -> memref<1x80xi32, #tpu.memory_space<vmem>>
    %dma_wait3A_209 = tpu.memref_squeeze %dma_wait3A_208 : memref<1x80xi32, #tpu.memory_space<vmem>> -> memref<80xi32, #tpu.memory_space<vmem>>
    %dma_wait3A_210 = tpu.memref_slice %arg4[%add3A_192] : memref<320000xi32, #tpu.memory_space<hbm>> -> memref<80xi32, #tpu.memory_space<hbm>>
    tpu.wait_dma2 semaphore(%arg15 : memref<!tpu.dma_semaphore, #tpu.memory_space<semaphore_mem>>) src(%dma_wait3A_210 : memref<80xi32, #tpu.memory_space<hbm>>) dst(%dma_wait3A_209 : memref<80xi32, #tpu.memory_space<vmem>>)
    %min3A_211 = arith.constant 125 : i32
    %min3A_212 = arith.constant 124 : i32
    %min3A_213 = arith.minsi %min3A_211, %min3A_212 : i32
    %mul3A_214 = arith.constant 80 : i32
    %mul3A_215 = arith.muli %min3A_213, %mul3A_214 : i32
    %add3A_216 = arith.addi %mul3A_2, %mul3A_215 : i32
    %dma_wait3A_217 = arith.constant 0 : i32
    %dma_wait3A_218 = arith.constant 0 : i32
    %dma_wait3A_219 = tpu.memref_slice %arg8[%dma_wait3A_217, %dma_wait3A_218] : memref<2x80xi32, #tpu.memory_space<vmem>> -> memref<1x80xi32, #tpu.memory_space<vmem>>
    %dma_wait3A_220 = tpu.memref_squeeze %dma_wait3A_219 : memref<1x80xi32, #tpu.memory_space<vmem>> -> memref<80xi32, #tpu.memory_space<vmem>>
    %dma_wait3A_221 = tpu.memref_slice %arg3[%add3A_216] : memref<320000xi32, #tpu.memory_space<hbm>> -> memref<80xi32, #tpu.memory_space<hbm>>
    %dma_wait3A_222 = arith.constant 0 : i32
    %dma_wait3A_223 = tpu.memref_slice %arg8[%dma_wait3A_217, %dma_wait3A_222] : memref<2x80xi32, #tpu.memory_space<vmem>> -> memref<1x80xi32, #tpu.memory_space<vmem>>
    %dma_wait3A_224 = tpu.memref_squeeze %dma_wait3A_223 : memref<1x80xi32, #tpu.memory_space<vmem>> -> memref<80xi32, #tpu.memory_space<vmem>>
    %dma_wait3A_225 = tpu.memref_slice %arg3[%add3A_216] : memref<320000xi32, #tpu.memory_space<hbm>> -> memref<80xi32, #tpu.memory_space<hbm>>
    tpu.wait_dma2 semaphore(%arg16 : memref<!tpu.dma_semaphore, #tpu.memory_space<semaphore_mem>>) src(%dma_wait3A_225 : memref<80xi32, #tpu.memory_space<hbm>>) dst(%dma_wait3A_224 : memref<80xi32, #tpu.memory_space<vmem>>)
    %dma_wait3A_226 = arith.constant 1 : i32
    %dma_wait3A_227 = arith.constant 0 : i32
    %dma_wait3A_228 = tpu.memref_slice %arg8[%dma_wait3A_226, %dma_wait3A_227] : memref<2x80xi32, #tpu.memory_space<vmem>> -> memref<1x80xi32, #tpu.memory_space<vmem>>
    %dma_wait3A_229 = tpu.memref_squeeze %dma_wait3A_228 : memref<1x80xi32, #tpu.memory_space<vmem>> -> memref<80xi32, #tpu.memory_space<vmem>>
    %dma_wait3A_230 = tpu.memref_slice %arg4[%add3A_216] : memref<320000xi32, #tpu.memory_space<hbm>> -> memref<80xi32, #tpu.memory_space<hbm>>
    %dma_wait3A_231 = arith.constant 0 : i32
    %dma_wait3A_232 = tpu.memref_slice %arg8[%dma_wait3A_226, %dma_wait3A_231] : memref<2x80xi32, #tpu.memory_space<vmem>> -> memref<1x80xi32, #tpu.memory_space<vmem>>
    %dma_wait3A_233 = tpu.memref_squeeze %dma_wait3A_232 : memref<1x80xi32, #tpu.memory_space<vmem>> -> memref<80xi32, #tpu.memory_space<vmem>>
    %dma_wait3A_234 = tpu.memref_slice %arg4[%add3A_216] : memref<320000xi32, #tpu.memory_space<hbm>> -> memref<80xi32, #tpu.memory_space<hbm>>
    tpu.wait_dma2 semaphore(%arg16 : memref<!tpu.dma_semaphore, #tpu.memory_space<semaphore_mem>>) src(%dma_wait3A_234 : memref<80xi32, #tpu.memory_space<hbm>>) dst(%dma_wait3A_233 : memref<80xi32, #tpu.memory_space<vmem>>)
    %min3A_235 = arith.constant 125 : i32
    %min3A_236 = arith.constant 124 : i32
    %min3A_237 = arith.minsi %min3A_235, %min3A_236 : i32
    %mul3A_238 = arith.constant 80 : i32
    %mul3A_239 = arith.muli %min3A_237, %mul3A_238 : i32
    %add3A_240 = arith.addi %mul3A_2, %mul3A_239 : i32
    %dma_wait3A_241 = arith.constant 0 : i32
    %dma_wait3A_242 = arith.constant 0 : i32
    %dma_wait3A_243 = tpu.memref_slice %arg9[%dma_wait3A_241, %dma_wait3A_242] : memref<2x80xi32, #tpu.memory_space<vmem>> -> memref<1x80xi32, #tpu.memory_space<vmem>>
    %dma_wait3A_244 = tpu.memref_squeeze %dma_wait3A_243 : memref<1x80xi32, #tpu.memory_space<vmem>> -> memref<80xi32, #tpu.memory_space<vmem>>
    %dma_wait3A_245 = tpu.memref_slice %arg3[%add3A_240] : memref<320000xi32, #tpu.memory_space<hbm>> -> memref<80xi32, #tpu.memory_space<hbm>>
    %dma_wait3A_246 = arith.constant 0 : i32
    %dma_wait3A_247 = tpu.memref_slice %arg9[%dma_wait3A_241, %dma_wait3A_246] : memref<2x80xi32, #tpu.memory_space<vmem>> -> memref<1x80xi32, #tpu.memory_space<vmem>>
    %dma_wait3A_248 = tpu.memref_squeeze %dma_wait3A_247 : memref<1x80xi32, #tpu.memory_space<vmem>> -> memref<80xi32, #tpu.memory_space<vmem>>
    %dma_wait3A_249 = tpu.memref_slice %arg3[%add3A_240] : memref<320000xi32, #tpu.memory_space<hbm>> -> memref<80xi32, #tpu.memory_space<hbm>>
    tpu.wait_dma2 semaphore(%arg17 : memref<!tpu.dma_semaphore, #tpu.memory_space<semaphore_mem>>) src(%dma_wait3A_249 : memref<80xi32, #tpu.memory_space<hbm>>) dst(%dma_wait3A_248 : memref<80xi32, #tpu.memory_space<vmem>>)
    %dma_wait3A_250 = arith.constant 1 : i32
    %dma_wait3A_251 = arith.constant 0 : i32
    %dma_wait3A_252 = tpu.memref_slice %arg9[%dma_wait3A_250, %dma_wait3A_251] : memref<2x80xi32, #tpu.memory_space<vmem>> -> memref<1x80xi32, #tpu.memory_space<vmem>>
    %dma_wait3A_253 = tpu.memref_squeeze %dma_wait3A_252 : memref<1x80xi32, #tpu.memory_space<vmem>> -> memref<80xi32, #tpu.memory_space<vmem>>
    %dma_wait3A_254 = tpu.memref_slice %arg4[%add3A_240] : memref<320000xi32, #tpu.memory_space<hbm>> -> memref<80xi32, #tpu.memory_space<hbm>>
    %dma_wait3A_255 = arith.constant 0 : i32
    %dma_wait3A_256 = tpu.memref_slice %arg9[%dma_wait3A_250, %dma_wait3A_255] : memref<2x80xi32, #tpu.memory_space<vmem>> -> memref<1x80xi32, #tpu.memory_space<vmem>>
    %dma_wait3A_257 = tpu.memref_squeeze %dma_wait3A_256 : memref<1x80xi32, #tpu.memory_space<vmem>> -> memref<80xi32, #tpu.memory_space<vmem>>
    %dma_wait3A_258 = tpu.memref_slice %arg4[%add3A_240] : memref<320000xi32, #tpu.memory_space<hbm>> -> memref<80xi32, #tpu.memory_space<hbm>>
    tpu.wait_dma2 semaphore(%arg17 : memref<!tpu.dma_semaphore, #tpu.memory_space<semaphore_mem>>) src(%dma_wait3A_258 : memref<80xi32, #tpu.memory_space<hbm>>) dst(%dma_wait3A_257 : memref<80xi32, #tpu.memory_space<vmem>>)
    %barrier3A_259 = arith.constant 0 : index
    tpu.barrier barrier_id(%barrier3A_259)
    %mul3A_260 = arith.constant 640 : i32
    %mul3A_261 = arith.muli %arg1, %mul3A_260 : i32
    %mul3A_262 = arith.constant 10240 : i32
    %mul3A_263 = arith.muli %arg0, %mul3A_262 : i32
    %add3A_264 = arith.addi %mul3A_263, %mul3A_261 : i32
    "tpu.region"() ({
      %run_scoped3A_265 = tpu.sem_alloc : memref<!tpu.dma_semaphore, #tpu.memory_space<semaphore_mem>>
      %dma_start3A_266 = arith.constant 0 : i32
      %dma_start3A_267 = tpu.memref_slice %arg5[%add3A_264, %dma_start3A_266] : memref<20480x128xf32, #tpu.memory_space<hbm>> -> memref<640x128xf32, #tpu.memory_space<hbm>>
      %dma_start3A_268 = arith.constant 0 : i32
      %dma_start3A_269 = tpu.memref_slice %arg13[%mul3A_261, %dma_start3A_268] : memref<10240x128xf32, #tpu.memory_space<vmem_shared>> -> memref<640x128xf32, #tpu.memory_space<vmem_shared>>
      tpu.enqueue_dma source(%dma_start3A_269 : memref<640x128xf32, #tpu.memory_space<vmem_shared>>) target(%dma_start3A_267 : memref<640x128xf32, #tpu.memory_space<hbm>>) target_semaphore(%run_scoped3A_265 : memref<!tpu.dma_semaphore, #tpu.memory_space<semaphore_mem>>)
      %dma_wait3A_270 = arith.constant 0 : i32
      %dma_wait3A_271 = tpu.memref_slice %arg5[%add3A_264, %dma_wait3A_270] : memref<20480x128xf32, #tpu.memory_space<hbm>> -> memref<640x128xf32, #tpu.memory_space<hbm>>
      %dma_wait3A_272 = arith.constant 0 : i32
      %dma_wait3A_273 = tpu.memref_slice %arg13[%mul3A_261, %dma_wait3A_272] : memref<10240x128xf32, #tpu.memory_space<vmem_shared>> -> memref<640x128xf32, #tpu.memory_space<vmem_shared>>
      tpu.wait_dma2 semaphore(%run_scoped3A_265 : memref<!tpu.dma_semaphore, #tpu.memory_space<semaphore_mem>>) src(%dma_wait3A_273 : memref<640x128xf32, #tpu.memory_space<vmem_shared>>) dst(%dma_wait3A_271 : memref<640x128xf32, #tpu.memory_space<hbm>>)
      tpu.yield
    }) : () -> ()
    return
  }
}

module attributes {stable_mosaic.version = 14 : i64} {
  func.func @_tc_comb_body(%arg0: i32, %arg1: memref<1000x128xf32, #tpu.memory_space<vmem>>, %arg2: memref<2x1000x128xf32, #tpu.memory_space<vmem>>, %arg3: memref<2x1000x16xf32, #tpu.memory_space<vmem>>, %arg4: memref<128x128xf32, #tpu.memory_space<vmem>>, %arg5: memref<1000x128xf32, #tpu.memory_space<vmem>>) attributes {dimension_semantics = [#tpu.dimension_semantics<parallel>], iteration_bounds = array<i64: 10>, scalar_prefetch = 0 : i64, scratch_operands = 0 : i64, tpu.core_type = #tpu.core_type<tc>, window_params = [{transform_indices = @transform_0, window_bounds = array<i64: 1000, 128>}, {transform_indices = @transform_1, window_bounds = array<i64: 2, 1000, 128>}, {transform_indices = @transform_2, window_bounds = array<i64: 2, 1000, 16>}, {pipeline_mode = #tpu.pipeline_mode<synchronous>, transform_indices = @transform_3, window_bounds = array<i64: 128, 128>}, {transform_indices = @transform_4, window_bounds = array<i64: 1000, 128>}]} {
    %get3A = arith.constant 0 : index
    %get3A_0 = arith.constant 0 : index
    %get3A_1 = arith.constant 0 : index
    %get3A_2 = vector.load %arg2[%get3A, %get3A_0, %get3A_1] : memref<2x1000x128xf32, #tpu.memory_space<vmem>>, vector<1x1000x128xf32>
    %get3A_3 = vector.shape_cast %get3A_2 : vector<1x1000x128xf32> to vector<1000x128xf32>
    %get3A_4 = arith.constant 1 : index
    %get3A_5 = arith.constant 0 : index
    %get3A_6 = arith.constant 0 : index
    %get3A_7 = vector.load %arg2[%get3A_4, %get3A_5, %get3A_6] : memref<2x1000x128xf32, #tpu.memory_space<vmem>>, vector<1x1000x128xf32>
    %get3A_8 = vector.shape_cast %get3A_7 : vector<1x1000x128xf32> to vector<1000x128xf32>
    %add3A = arith.addf %get3A_3, %get3A_8 : vector<1000x128xf32>
    %get3A_9 = arith.constant 0 : index
    %get3A_10 = arith.constant 0 : index
    %get3A_11 = arith.constant 0 : index
    %get3A_12 = vector.load %arg3[%get3A_9, %get3A_10, %get3A_11] : memref<2x1000x16xf32, #tpu.memory_space<vmem>>, vector<1x1000x16xf32>
    %get3A_13 = vector.shape_cast %get3A_12 : vector<1x1000x16xf32> to vector<1000x16xf32>
    %get3A_14 = arith.constant 1 : index
    %get3A_15 = arith.constant 0 : index
    %get3A_16 = arith.constant 0 : index
    %get3A_17 = vector.load %arg3[%get3A_14, %get3A_15, %get3A_16] : memref<2x1000x16xf32, #tpu.memory_space<vmem>>, vector<1x1000x16xf32>
    %get3A_18 = vector.shape_cast %get3A_17 : vector<1x1000x16xf32> to vector<1000x16xf32>
    %add3A_19 = arith.addf %get3A_13, %get3A_18 : vector<1000x16xf32>
    %slice3A = vector.extract_strided_slice %add3A_19 {offsets = [0, 0], sizes = [1000, 1], strides = [1, 1]} : vector<1000x16xf32> to vector<1000x1xf32>
    %max3A = arith.constant 1.000000e+00 : f32
    %max3A_20 = vector.broadcast %max3A : f32 to vector<1000x1xf32>
    %max3A_21 = arith.maximumf %slice3A, %max3A_20 : vector<1000x1xf32>
    %div3A = vector.broadcast %max3A_21 : vector<1000x1xf32> to vector<1000x128xf32>
    %div3A_22 = arith.divf %add3A, %div3A : vector<1000x128xf32>
    %get3A_23 = arith.constant 0 : index
    %get3A_24 = arith.constant 0 : index
    %get3A_25 = vector.load %arg1[%get3A_23, %get3A_24] : memref<1000x128xf32, #tpu.memory_space<vmem>>, vector<1000x128xf32>
    %get3A_26 = arith.constant 0 : index
    %get3A_27 = arith.constant 0 : index
    %get3A_28 = vector.load %arg4[%get3A_26, %get3A_27] : memref<128x128xf32, #tpu.memory_space<vmem>>, vector<128x128xf32>
    %dot_general3A = arith.constant dense<0.000000e+00> : vector<1000x128xf32>
    %dot_general3A_29 = tpu.matmul %div3A_22, %get3A_28, %dot_general3A {dimension_numbers = #tpu.dot_dimension_numbers<[1], [0], [0], [1], [0, 0, 1, 1], [], []>, transpose_lhs_hint = false} : vector<1000x128xf32>, vector<128x128xf32>, vector<1000x128xf32> -> vector<1000x128xf32>
    %add3A_30 = arith.addf %get3A_25, %dot_general3A_29 : vector<1000x128xf32>
    %max3A_31 = arith.constant 0.000000e+00 : f32
    %max3A_32 = vector.broadcast %max3A_31 : f32 to vector<1000x128xf32>
    %max3A_33 = arith.maximumf %add3A_30, %max3A_32 : vector<1000x128xf32>
    %swap3A = arith.constant 0 : index
    %swap3A_34 = arith.constant 0 : index
    %swap3A_35 = vector.load %arg5[%swap3A, %swap3A_34] : memref<1000x128xf32, #tpu.memory_space<vmem>>, vector<1000x128xf32>
    tpu.vector_store %arg5[%swap3A, %swap3A_34], %max3A_33 {strides = array<i32>} : memref<1000x128xf32, #tpu.memory_space<vmem>>, vector<1000x128xf32>,
    return
  }
  func.func @transform_0(%arg0: i32) -> (i32, i32) {
    %c0_i32 = arith.constant 0 : i32
    %c0_i32_0 = arith.constant 0 : i32
    return %arg0, %c0_i32 : i32, i32
  }
  func.func @transform_1(%arg0: i32) -> (i32, i32, i32) {
    %c0_i32 = arith.constant 0 : i32
    %c0_i32_0 = arith.constant 0 : i32
    %c0_i32_1 = arith.constant 0 : i32
    return %c0_i32, %arg0, %c0_i32_0 : i32, i32, i32
  }
  func.func @transform_2(%arg0: i32) -> (i32, i32, i32) {
    %c0_i32 = arith.constant 0 : i32
    %c0_i32_0 = arith.constant 0 : i32
    %c0_i32_1 = arith.constant 0 : i32
    return %c0_i32, %arg0, %c0_i32_0 : i32, i32, i32
  }
  func.func @transform_3(%arg0: i32) -> (i32, i32) {
    %c0_i32 = arith.constant 0 : i32
    %c0_i32_0 = arith.constant 0 : i32
    %c0_i32_1 = arith.constant 0 : i32
    return %c0_i32, %c0_i32_0 : i32, i32
  }
  func.func @transform_4(%arg0: i32) -> (i32, i32) {
    %c0_i32 = arith.constant 0 : i32
    %c0_i32_0 = arith.constant 0 : i32
    return %arg0, %c0_i32 : i32, i32
  }
}

module attributes {stable_mosaic.version = 14 : i64} {
  func.func @_tc_self_body(%arg0: i32, %arg1: memref<1000x128xf32, #tpu.memory_space<vmem>>, %arg2: memref<128x128xf32, #tpu.memory_space<vmem>>, %arg3: memref<1x128xf32, #tpu.memory_space<vmem>>, %arg4: memref<1000x128xf32, #tpu.memory_space<vmem>>) attributes {dimension_semantics = [#tpu.dimension_semantics<parallel>], iteration_bounds = array<i64: 10>, scalar_prefetch = 0 : i64, scratch_operands = 0 : i64, tpu.core_type = #tpu.core_type<tc>, window_params = [{transform_indices = @transform_0, window_bounds = array<i64: 1000, 128>}, {pipeline_mode = #tpu.pipeline_mode<synchronous>, transform_indices = @transform_1, window_bounds = array<i64: 128, 128>}, {pipeline_mode = #tpu.pipeline_mode<synchronous>, transform_indices = @transform_2, window_bounds = array<i64: 1, 128>}, {transform_indices = @transform_3, window_bounds = array<i64: 1000, 128>}]} {
    %get3A = arith.constant 0 : index
    %get3A_0 = arith.constant 0 : index
    %get3A_1 = vector.load %arg1[%get3A, %get3A_0] : memref<1000x128xf32, #tpu.memory_space<vmem>>, vector<1000x128xf32>
    %get3A_2 = arith.constant 0 : index
    %get3A_3 = arith.constant 0 : index
    %get3A_4 = vector.load %arg2[%get3A_2, %get3A_3] : memref<128x128xf32, #tpu.memory_space<vmem>>, vector<128x128xf32>
    %dot_general3A = arith.constant dense<0.000000e+00> : vector<1000x128xf32>
    %dot_general3A_5 = tpu.matmul %get3A_1, %get3A_4, %dot_general3A {dimension_numbers = #tpu.dot_dimension_numbers<[1], [0], [0], [1], [0, 0, 1, 1], [], []>, transpose_lhs_hint = false} : vector<1000x128xf32>, vector<128x128xf32>, vector<1000x128xf32> -> vector<1000x128xf32>
    %get3A_6 = arith.constant 0 : index
    %get3A_7 = arith.constant 0 : index
    %get3A_8 = vector.load %arg3[%get3A_6, %get3A_7] : memref<1x128xf32, #tpu.memory_space<vmem>>, vector<1x128xf32>
    %add3A = vector.broadcast %get3A_8 : vector<1x128xf32> to vector<1000x128xf32>
    %add3A_9 = arith.addf %dot_general3A_5, %add3A : vector<1000x128xf32>
    %swap3A = arith.constant 0 : index
    %swap3A_10 = arith.constant 0 : index
    %swap3A_11 = vector.load %arg4[%swap3A, %swap3A_10] : memref<1000x128xf32, #tpu.memory_space<vmem>>, vector<1000x128xf32>
    tpu.vector_store %arg4[%swap3A, %swap3A_10], %add3A_9 {strides = array<i32>} : memref<1000x128xf32, #tpu.memory_space<vmem>>, vector<1000x128xf32>,
    return
  }
  func.func @transform_0(%arg0: i32) -> (i32, i32) {
    %c0_i32 = arith.constant 0 : i32
    %c0_i32_0 = arith.constant 0 : i32
    return %arg0, %c0_i32 : i32, i32
  }
  func.func @transform_1(%arg0: i32) -> (i32, i32) {
    %c0_i32 = arith.constant 0 : i32
    %c0_i32_0 = arith.constant 0 : i32
    %c0_i32_1 = arith.constant 0 : i32
    return %c0_i32, %c0_i32_0 : i32, i32
  }
  func.func @transform_2(%arg0: i32) -> (i32, i32) {
    %c0_i32 = arith.constant 0 : i32
    %c0_i32_0 = arith.constant 0 : i32
    %c0_i32_1 = arith.constant 0 : i32
    return %c0_i32, %c0_i32_0 : i32, i32
  }
  func.func @transform_3(%arg0: i32) -> (i32, i32) {
    %c0_i32 = arith.constant 0 : i32
    %c0_i32_0 = arith.constant 0 : i32
    return %arg0, %c0_i32 : i32, i32
  }
}

module attributes {stable_mosaic.version = 14 : i64} {
  func.func @_tc_comb_body(%arg0: i32, %arg1: memref<1000x128xf32, #tpu.memory_space<vmem>>, %arg2: memref<2x1000x128xf32, #tpu.memory_space<vmem>>, %arg3: memref<2x1000x16xf32, #tpu.memory_space<vmem>>, %arg4: memref<128x128xf32, #tpu.memory_space<vmem>>, %arg5: memref<1000x128xf32, #tpu.memory_space<vmem>>) attributes {dimension_semantics = [#tpu.dimension_semantics<parallel>], iteration_bounds = array<i64: 10>, scalar_prefetch = 0 : i64, scratch_operands = 0 : i64, tpu.core_type = #tpu.core_type<tc>, window_params = [{transform_indices = @transform_0, window_bounds = array<i64: 1000, 128>}, {transform_indices = @transform_1, window_bounds = array<i64: 2, 1000, 128>}, {transform_indices = @transform_2, window_bounds = array<i64: 2, 1000, 16>}, {pipeline_mode = #tpu.pipeline_mode<synchronous>, transform_indices = @transform_3, window_bounds = array<i64: 128, 128>}, {transform_indices = @transform_4, window_bounds = array<i64: 1000, 128>}]} {
    %get3A = arith.constant 0 : index
    %get3A_0 = arith.constant 0 : index
    %get3A_1 = arith.constant 0 : index
    %get3A_2 = vector.load %arg2[%get3A, %get3A_0, %get3A_1] : memref<2x1000x128xf32, #tpu.memory_space<vmem>>, vector<1x1000x128xf32>
    %get3A_3 = vector.shape_cast %get3A_2 : vector<1x1000x128xf32> to vector<1000x128xf32>
    %get3A_4 = arith.constant 1 : index
    %get3A_5 = arith.constant 0 : index
    %get3A_6 = arith.constant 0 : index
    %get3A_7 = vector.load %arg2[%get3A_4, %get3A_5, %get3A_6] : memref<2x1000x128xf32, #tpu.memory_space<vmem>>, vector<1x1000x128xf32>
    %get3A_8 = vector.shape_cast %get3A_7 : vector<1x1000x128xf32> to vector<1000x128xf32>
    %add3A = arith.addf %get3A_3, %get3A_8 : vector<1000x128xf32>
    %get3A_9 = arith.constant 0 : index
    %get3A_10 = arith.constant 0 : index
    %get3A_11 = arith.constant 0 : index
    %get3A_12 = vector.load %arg3[%get3A_9, %get3A_10, %get3A_11] : memref<2x1000x16xf32, #tpu.memory_space<vmem>>, vector<1x1000x16xf32>
    %get3A_13 = vector.shape_cast %get3A_12 : vector<1x1000x16xf32> to vector<1000x16xf32>
    %get3A_14 = arith.constant 1 : index
    %get3A_15 = arith.constant 0 : index
    %get3A_16 = arith.constant 0 : index
    %get3A_17 = vector.load %arg3[%get3A_14, %get3A_15, %get3A_16] : memref<2x1000x16xf32, #tpu.memory_space<vmem>>, vector<1x1000x16xf32>
    %get3A_18 = vector.shape_cast %get3A_17 : vector<1x1000x16xf32> to vector<1000x16xf32>
    %add3A_19 = arith.addf %get3A_13, %get3A_18 : vector<1000x16xf32>
    %slice3A = vector.extract_strided_slice %add3A_19 {offsets = [0, 0], sizes = [1000, 1], strides = [1, 1]} : vector<1000x16xf32> to vector<1000x1xf32>
    %max3A = arith.constant 1.000000e+00 : f32
    %max3A_20 = vector.broadcast %max3A : f32 to vector<1000x1xf32>
    %max3A_21 = arith.maximumf %slice3A, %max3A_20 : vector<1000x1xf32>
    %div3A = vector.broadcast %max3A_21 : vector<1000x1xf32> to vector<1000x128xf32>
    %div3A_22 = arith.divf %add3A, %div3A : vector<1000x128xf32>
    %get3A_23 = arith.constant 0 : index
    %get3A_24 = arith.constant 0 : index
    %get3A_25 = vector.load %arg1[%get3A_23, %get3A_24] : memref<1000x128xf32, #tpu.memory_space<vmem>>, vector<1000x128xf32>
    %get3A_26 = arith.constant 0 : index
    %get3A_27 = arith.constant 0 : index
    %get3A_28 = vector.load %arg4[%get3A_26, %get3A_27] : memref<128x128xf32, #tpu.memory_space<vmem>>, vector<128x128xf32>
    %dot_general3A = arith.constant dense<0.000000e+00> : vector<1000x128xf32>
    %dot_general3A_29 = tpu.matmul %div3A_22, %get3A_28, %dot_general3A {dimension_numbers = #tpu.dot_dimension_numbers<[1], [0], [0], [1], [0, 0, 1, 1], [], []>, transpose_lhs_hint = false} : vector<1000x128xf32>, vector<128x128xf32>, vector<1000x128xf32> -> vector<1000x128xf32>
    %add3A_30 = arith.addf %get3A_25, %dot_general3A_29 : vector<1000x128xf32>
    %swap3A = arith.constant 0 : index
    %swap3A_31 = arith.constant 0 : index
    %swap3A_32 = vector.load %arg5[%swap3A, %swap3A_31] : memref<1000x128xf32, #tpu.memory_space<vmem>>, vector<1000x128xf32>
    tpu.vector_store %arg5[%swap3A, %swap3A_31], %add3A_30 {strides = array<i32>} : memref<1000x128xf32, #tpu.memory_space<vmem>>, vector<1000x128xf32>,
    return
  }
  func.func @transform_0(%arg0: i32) -> (i32, i32) {
    %c0_i32 = arith.constant 0 : i32
    %c0_i32_0 = arith.constant 0 : i32
    return %arg0, %c0_i32 : i32, i32
  }
  func.func @transform_1(%arg0: i32) -> (i32, i32, i32) {
    %c0_i32 = arith.constant 0 : i32
    %c0_i32_0 = arith.constant 0 : i32
    %c0_i32_1 = arith.constant 0 : i32
    return %c0_i32, %arg0, %c0_i32_0 : i32, i32, i32
  }
  func.func @transform_2(%arg0: i32) -> (i32, i32, i32) {
    %c0_i32 = arith.constant 0 : i32
    %c0_i32_0 = arith.constant 0 : i32
    %c0_i32_1 = arith.constant 0 : i32
    return %c0_i32, %arg0, %c0_i32_0 : i32, i32, i32
  }
  func.func @transform_3(%arg0: i32) -> (i32, i32) {
    %c0_i32 = arith.constant 0 : i32
    %c0_i32_0 = arith.constant 0 : i32
    %c0_i32_1 = arith.constant 0 : i32
    return %c0_i32, %c0_i32_0 : i32, i32
  }
  func.func @transform_4(%arg0: i32) -> (i32, i32) {
    %c0_i32 = arith.constant 0 : i32
    %c0_i32_0 = arith.constant 0 : i32
    return %arg0, %c0_i32 : i32, i32
  }
}

</mosaic_0001>

<sc_bundles>
// kernel: kernel.11.cloned.1.call-start
scs
__scs_entry_jumppad:
0x0: {  	(pc) =	sbr.rel $0x88, $3  }
0x1: {  	(tag) =	ssettag $0x0;
	lr =	simm.s32 $0x1  }
0x2: {  	[smem:$0x3F99] =	sst lr;
	_ =	strace $0xD0000000  }
0x3: {  	_ = 	snop  }
0x4: {  	_ = 	snop  }
0x5: {  	_ = 	snop  }
0x6: {  	_ = 	snop  }
0x7: {  	_ = 	snop  }
__scs_overlays_trampoline_lowered:
0x8: {  	[smem:$0x3FA8] =	sst s0  }
0x9: {  	[smem:$0x3FA9] =	sst s1  }
0xa: {  	[smem:$0x3FAA] =	sst s2  }
0xb: {  	[smem:$0x3FAB] =	sst s3  }
0xc: {  	[smem:$0x3FAC] =	sst s4  }
0xd: {  	[smem:$0x3FAD] =	sst s5  }
0xe: {  	[smem:$0x3FAE] =	sst s6  }
0xf: {  	[smem:$0x3FAF] =	sst s7  }
0x10: {  	[smem:$0x3FB0] =	sst s8  }
0x11: {  	[smem:$0x3FB1] =	sst s9;
	s0 =	simm.s32 @!p0 $0x0  }
0x12: {  	s1 =	sld [smem:$0x3F97];
	s0 =	simm.s32 @p0 $0x1  }
0x13: {  	[smem:$0x3FB2] =	sst s0;
	s0 =	simm.s32 @!p1 $0x0  }
0x14: {  	s2 =	sld [smem:$0x3F96];
	s0 =	simm.s32 @p1 $0x1  }
0x15: {  	[smem:$0x3FB3] =	sst s0;
	s0 =	simm.s32 @!p2 $0x0  }
0x16: {  	s3 =	sld [smem:$0x3FDB];
	s0 =	simm.s32 @p2 $0x1  }
0x17: {  	s4 =	simm.s32 $0x1BF5;
	[smem:$0x3FB5] =	sst s0  }
0x18: {  	s0 =	sld [smem:$0x3F98];
	_ =	swait.ge [sflag:s4], $0x0  }
0x19: {  	s7 =	sld [smem:$0x3F99]  }
0x1a: {  	s8 =	sadd.s32 $0xFFFFE003, lr  }
0x1b: {  	s9 =	sadd.s32 $0xFFFFFEF7, lr;
	s5 =	simm.s32 $0xFFFFFFFF;
	p2 =	slt.u32 s8, $0xFFFFF086  }
0x1c: {  	p1 =	slt.u32 s9, $0xF7A;
	s5 =	simm.s32 @!p2 $0x0  }
0x1d: {  	s5 =	simm.s32 @p1 $0x1;
	p0 =	seq.s32 s7, s2  }
0x1e: {  	s7 =	smul.u32 @!p0 $0xF7A, s2;
	p2 =	seq.s32 @!p0 s5, $0x0  }
0x1f: {  	s9 =	smul.u32 $0xF7A, s1;
	s8 =	simm.s32 @!p0 $0x1BF5;
	p2 =	por !p2, p0  }
0x20: {  	[sflag:s8] =	ssyncset.s32 @!p0 $0xFFFFF086;
	s6 =	sadd.s32 @!p0 s3, s7;
	s7 =	simm.s32 @!p0 $0x108  }
0x21: {  	s3 =	sadd.s32 s3, s9;
	s6 =	sadd.s32 @!p0 $0x88, s6;
	s7 =	simm.s32 @p2 $0x1082  }
0x22: {  	[simem:s7], [sflag:s8] =	dma.local @!p0 [hbm:s6], $0xF7A  }
0x23: {  	s9 =	sor.u32 $0xD0000000, s2;
	s6 =	simm.s32 $0x108;
	_ =	swait.ge @!p0 [sflag:s8], $0x0  }
0x24: {  	s3 =	sadd.s32 $0x88, s3;
	s6 =	simm.s32 @!p1 $0x1082;
	[sflag:s4] =	ssyncset.s32 $0xFFFFF086  }
0x25: {  	[simem:s6], [sflag:s4] =	dma.local [hbm:s3], $0xF7A  }
0x26: {  	[smem:$0x3F99] =	sst s1;
	(tag) =	ssettag s2;
	_ =	strace s9  }
0x27: {  	s1 =	sld [smem:$0x3FA9]  }
0x28: {  	s2 =	sld [smem:$0x3FAA]  }
0x29: {  	s4 =	sld [smem:$0x3FAC]  }
0x2a: {  	p0 =	seq.s32 s5, $0x0;
	s5 =	sld [smem:$0x3FAD]  }
0x2b: {  	s6 =	sld [smem:$0x3FAE]  }
0x2c: {  	s7 =	sld [smem:$0x3FAF]  }
0x2d: {  	s3 =	simm.s32 $0x108;
	s8 =	sld [smem:$0x3FB0]  }
0x2e: {  	s3 =	simm.s32 @!p0 $0x1082;
	s9 =	sld [smem:$0x3FB1]  }
0x2f: {  	lr =	sadd.s32 s0, s3;
	s0 =	sld [smem:$0x3FA8]  }
0x30: {  	s3 =	sld [smem:$0x3FAB]  }
0x31: {  	[smem:$0x3FB4] =	sst s10  }
0x32: {  	s10 =	sld [smem:$0x3FB2];
	_ =	sdelay $0x3  }
0x33: {  	p0 =	seq.s32 s10, $0x1;
	s10 =	sld [smem:$0x3FB4];
	_ =	sdelay $0x3  }
0x34: {  	[smem:$0x3FB4] =	sst s10  }
0x35: {  	s10 =	sld [smem:$0x3FB3];
	_ =	sdelay $0x3  }
0x36: {  	p1 =	seq.s32 s10, $0x1;
	s10 =	sld [smem:$0x3FB4];
	_ =	sdelay $0x3  }
0x37: {  	[smem:$0x3FB4] =	sst s10  }
0x38: {  	s10 =	sld [smem:$0x3FB5]  }
0x39: {  	_ = 	snop;
	(pc) =	sbr.ind lr, $3  }
0x3a: {  	_ = 	snop  }
0x3b: {  	_ = 	snop  }
0x3c: {  	p2 =	seq.s32 s10, $0x1;
	s10 =	sld [smem:$0x3FB4]  }
0x3d: {  	_ =	shalt  }
0x3e: {  	_ =	shalt  }
0x3f: {  	_ =	shalt  }
0x40: {  	_ =	shalt  }
0x41: {  	_ =	shalt  }
0x42: {  	_ =	shalt  }
0x43: {  	_ =	shalt  }
0x44: {  	_ =	shalt  }
0x45: {  	_ =	shalt  }
0x46: {  	_ =	shalt  }
0x47: {  	_ =	shalt  }
0x48: {  	_ =	shalt  }
0x49: {  	_ =	shalt  }
0x4a: {  	_ =	shalt  }
0x4b: {  	_ =	shalt  }
0x4c: {  	_ =	shalt  }
0x4d: {  	_ =	shalt  }
0x4e: {  	_ =	shalt  }
0x4f: {  	_ =	shalt  }
0x50: {  	_ =	shalt  }
0x51: {  	_ =	shalt  }
0x52: {  	_ =	shalt  }
0x53: {  	_ =	shalt  }
0x54: {  	_ =	shalt  }
0x55: {  	_ =	shalt  }
0x56: {  	_ =	shalt  }
0x57: {  	_ =	shalt  }
0x58: {  	_ =	shalt  }
0x59: {  	_ =	shalt  }
0x5a: {  	_ =	shalt  }
0x5b: {  	_ =	shalt  }
0x5c: {  	_ =	shalt  }
0x5d: {  	_ =	shalt  }
0x5e: {  	_ =	shalt  }
0x5f: {  	_ =	shalt  }
0x60: {  	_ =	shalt  }
0x61: {  	_ =	shalt  }
0x62: {  	_ =	shalt  }
0x63: {  	_ =	shalt  }
0x64: {  	_ =	shalt  }
0x65: {  	_ =	shalt  }
0x66: {  	_ =	shalt  }
0x67: {  	_ =	shalt  }
0x68: {  	_ =	shalt  }
0x69: {  	_ =	shalt  }
0x6a: {  	_ =	shalt  }
0x6b: {  	_ =	shalt  }
0x6c: {  	_ =	shalt  }
0x6d: {  	_ =	shalt  }
0x6e: {  	_ =	shalt  }
0x6f: {  	_ =	shalt  }
0x70: {  	_ =	shalt  }
0x71: {  	_ =	shalt  }
0x72: {  	_ =	shalt  }
0x73: {  	_ =	shalt  }
0x74: {  	_ =	shalt  }
0x75: {  	_ =	shalt  }
0x76: {  	_ =	shalt  }
0x77: {  	_ =	shalt  }
0x78: {  	_ =	shalt  }
0x79: {  	_ =	shalt  }
0x7a: {  	_ =	shalt  }
0x7b: {  	_ =	shalt  }
0x7c: {  	_ =	shalt  }
0x7d: {  	_ =	shalt  }
0x7e: {  	_ =	shalt  }
0x7f: {  	_ =	shalt  }
0x80: {  	_ =	shalt  }
0x81: {  	_ =	shalt  }
0x82: {  	_ =	shalt  }
0x83: {  	_ =	shalt  }
0x84: {  	_ =	shalt  }
0x85: {  	_ =	shalt  }
0x86: {  	_ =	shalt  }
0x87: {  	_ =	shalt  }
.Lfunc_end0:
.L_simem_size_0:
called_computation.1_lowered:
.L_overlay_start_0:
0x88: {  	s2 =	sld [smem:$0x3FD9]  }
0x89: {  	s3 =	sld [smem:$0x3FFE];
	_ =	sdelay $0x1  }
0x8a: {  	s1 =	srdreg.scid  }
0x8b: {  	s0 =	sand.u32 $0x1, s1  }
0x8c: {  	s17 =	sshll.u32 s0, $0xA;
	s2 =	sadd.s32 s3, s2  }
0x8d: {  	s2 =	sadd.s32 s2, s17  }
0x8e: {  	[smem:$0x3FC0] =	sst s2  }
0x8f: {  	_ = 	snop  }
0x90: {  	s2 =	sld [smem:$0x3FD0];
	(tm) =	ssettm $0x1  }
0x91: {  	s18 =	sld [smem:$0x3FFB];
	_ =	sdelay $0x3  }
0x92: {  	_ =	strace s18  }
0x93: {  	s3 =	sld [smem:$0x3FFC];
	_ =	sdelay $0x3  }
0x94: {  	_ =	strace s3  }
0x95: {  	s3 =	sld [smem:$0x3FFD];
	_ =	sdelay $0x3  }
0x96: {  	_ =	strace s3  }
0x97: {  	_ =	strace $0x8FFFFFFF  }
0x98: {  	s19 =	sld [smem:$0x3FDB];
	_ =	sdelay $0x1  }
0x99: {  	s4 =	simm.s32 $_scs_section_size  }
0x9a: {  	s5 =	simm.s32 $_size__tile_overlayer_lowered;
	s6 =	simm.s32 $_tile_overlayer_lowered  }
0x9b: {  	s22 =	simm.s32 $0x1BFF;
	s21 =	sshll.u32 s6, $0x1;
	s3 =	sadd.s32 s4, s19  }
0x9c: {  	s7 =	simm.s32 $0x0;
	s20 =	sshll.u32 s5, $0x1;
	s5 =	sadd.s32 s21, s3  }
0x9d: {  	[timem:s7], [sflag:s22] =	dma.local [hbm:s5], s20  }
0x9e: {  	_ =	swait.ge [sflag:s22], s20  }
0x9f: {  	s4 =	ssub.s32 $0x0, s20;
	[sflag:s22] =	ssyncset.done $0x0  }
0xa0: {  	[sflag:s22] =	ssyncadd.s32 s4;
	_ =	sdelay $0x1  }
0xa1: {  	s23 =	simm.s32 $0x1B8B  }
0xa2: {  	_ =	swait.ge [sflag:s23], $0x1  }
0xa3: {  	[sflag:s23] =	ssyncset.done $0x0  }
0xa4: {  	s25 =	simm.s32 $0x1B8E;
	s24 =	sld [smem:$0x3FFE];
	[sflag:s23] =	ssyncadd.s32 $0xFFFFFFFF  }
0xa5: {  	s26 =	simm.s32 $execute0_lowered;
	[smem:$0x3FD2] =	sst s25  }
0xa6: {  	s5 =	sshll.u32 s26, $0x1;
	_ =	strace $0x80000049;
	[dreg:$0x1] =	wrdreg $0xFFFFFFFF  }
0xa7: {  	s28 =	simm.s32 $_size_execute0_lowered;
	s3 =	sadd.s32 s3, s5;
	[dreg:$0x0] =	wrdreg $0x0  }
0xa8: {  	s5 =	sshll.u32 s28, $0x1;
	[dreg:$0x2] =	wrdreg s3  }
0xa9: {  	[dreg:$0x3] =	wrdreg s5  }
0xaa: {  	[dreg:$0x4] =	wrdreg $0xC0  }
0xab: {  	_ =	task [dreg:s7], $0x5FFFF  }
0xac: {  	[dreg:$0x1] =	wrdreg $0xFFFFFFFF  }
0xad: {  	[dreg:$0x0] =	wrdreg $0x60  }
0xae: {  	[dreg:$0x2] =	wrdreg s2  }
0xaf: {  	[dreg:$0x3] =	wrdreg s24  }
0xb0: {  	[dreg:$0x4] =	wrdreg $0x72800  }
0xb1: {  	[dreg:$0x5] =	wrdreg $0x9  }
0xb2: {  	_ =	task.clear_ibuf [dreg:s7], $0x6FFFF;
	_ =	strace $0x90000049  }
0xb3: {  	s29 =	simm.s32 $0x9;
	_ =	strace $0x8000004B  }
0xb4: {  	_ =	swait.ge [sflag:s29], $0x1  }
0xb5: {  	[sflag:s29] =	ssyncadd.s32 $0xFFFFFFFF  }
0xb6: {  	_ =	strace $0x9000004B  }
0xb7: {  	_ =	sfence  }
0xb8: {  	s30 =	sld [smem:$0x0];
	_ =	sdelay $0x2  }
0xb9: {  	s31 =	sshll.u32 s1, $0xD;
	s1 =	sshrl.u32 s1, $0x2  }
0xba: {  	s3 =	sand.u32 $0x4000, s31;
	s1 =	sadd.s32 s1, s30  }
0xbb: {  	s0 =	sor.u32 s3, s0;
	s1 =	sshll.u32 s1, $0x11  }
0xbc: {  	s0 =	sor.u32 s1, s0  }
0xbd: {  	s0 =	sadd.s32 $0x8F2B, s0  }
0xbe: {  	[sflag:s0] =	ssyncadd.remote.s32 $0x1  }
0xbf: {  	_ =	sfence.sel $0xFFFF  }
0xc0: {  	[dreg:$0x0] =	wrdreg $0xFFFFFFFF;
	(pc) =	sbr.abs _section_cstart, $3  }
0xc1: {  	[dreg:$0x1] =	wrdreg $0xFFFFFFFF  }
0xc2: {  	_ =	task.clear_ibuf [dreg:s7], $0x2FFFF;
	_ =	strace $0x9FFFFFFF  }
0xc3: {  	(tm) =	ssettm $0x7FFFFFFF  }
tec
execute0_lowered:
.L_overlay_start_1:
0x0: {  	(tag) =	ssettag $0x1  }
0x1: {  	s1 =	rddreg [dreg:$0x0]  }
0x2: {  	s0 =	rddreg [dreg:$0x1]  }
0x3: {  	s3 =	rddreg [dreg:$0x2]  }
0x4: {  	s2 =	srdreg.scid;
	s13 =	stileid.u32;
	s4 =	simm.s32 $0x0  }
0x5: {  	s29 =	simm.s32 $0x50;
	s30 =	simm.s32 $0xA0;
	s7 =	smul.u32 $0x2800, s13  }
0x6: {  	s31 =	simm.s32 $0xF0;
	s2 =	sand.u32 $0x1, s2;
	s12 =	smul.u32 $0x50000, s13  }
0x7: {  	[smem:$0x7FF] =	sst s4;
	s5 =	sshll.u32 s2, $0x4;
	s8 =	smul.u32 $0x28000, s2  }
0x8: {  	_ =	strace $0x8000004A;
	s17 =	ssub.s32 $0x2, s2;
	s2 =	smul.u32 $0x27100, s2  }
0x9: {  	s6 =	sor.u32 s13, s5;
	s5 =	sadd.s32 $0xBE00, s0;
	s25 =	sshrl.u32 s12, $0x2  }
0xa: {  	s18 =	sshrl.u32 s17, $0x1;
	s9 =	smul.u32 $0x2710, s6;
	s15 =	sadd.s32 s25, s3  }
0xb: {  	s6 =	sadd.s32 $0x2000, s0;
	s7 =	sadd.s32 s7, s8;
	s12 =	sadd.s32 $0x2000, s15  }
0xc: {  	s0 =	sadd.s32 s7, s0;
	s16 =	sadd.s32 $0x6000, s15;
	[dreg:$0xf] =	wrdreg s12  }
0xd: {  	s7 =	ssub.s32 s17, s18;
	s17 =	sadd.s32 $0x8000, s15;
	[dreg:$0x11] =	wrdreg s16  }
0xe: {  	s28 =	sadd.s32 $0x12000, s15;
	[dreg:$0x12] =	wrdreg s17;
	s18 =	sadd.s32 $0x190, s9  }
0xf: {  	s10 =	sshrl.u32 s9, $0x3;
	s0 =	sadd.s32 $0x15C00, s0;
	[dreg:$0x4] =	wrdreg s18  }
0x10: {  	s25 =	smax.u32 s7, $0x1;
	s7 =	simm.s32 $0x1E0;
	[dreg:$0x16] =	wrdreg s0  }
0x11: {  	s12 =	simm.s32 $0x7;
	s19 =	sadd.s32 s5, s10;
	[dreg:$0x17] =	wrdreg s25  }
0x12: {  	s20 =	sadd.s32 s6, s10;
	s21 =	sadd.s32 $0xA, s10;
	[dreg:$0x7] =	wrdreg s19  }
0x13: {  	s16 =	simm.s32 $0x5;
	[dreg:$0x8] =	wrdreg s20;
	s14 =	sadd.s32 s5, s21  }
0x14: {  	s11 =	sadd.s32 $0x14, s10;
	s8 =	sadd.s32 s6, s21;
	[dreg:$0x9] =	wrdreg s14  }
0x15: {  	s17 =	simm.s32 $0x3;
	s22 =	sadd.s32 s5, s11;
	[dreg:$0xa] =	wrdreg s8  }
0x16: {  	s24 =	sadd.s32 $0x1E, s10;
	s23 =	sadd.s32 s6, s11;
	[dreg:$0xb] =	wrdreg s22  }
0x17: {  	s0 =	simm.s32 $0x140;
	s26 =	sadd.s32 s5, s24;
	[dreg:$0xc] =	wrdreg s23  }
0x18: {  	s10 =	simm.s32 $0x280;
	s19 =	sadd.s32 $0x1E0, s9;
	[dreg:$0xd] =	wrdreg s26  }
0x19: {  	s18 =	simm.s32 $0x6;
	s21 =	sadd.s32 $0xA000, s15;
	[dreg:$0x5] =	wrdreg s19  }
0x1a: {  	s20 =	smul.u32 $0x2710, s13;
	s8 =	sadd.s32 s6, s24;
	[dreg:$0x13] =	wrdreg s21  }
0x1b: {  	s11 =	simm.s32 $0x5280;
	s14 =	sadd.s32 $0x4000, s15;
	[dreg:$0xe] =	wrdreg s8  }
0x1c: {  	s13 =	simm.s32 $0x2;
	s22 =	sadd.s32 $0x230, s9;
	[dreg:$0x10] =	wrdreg s14  }
0x1d: {  	s23 =	sadd.s32 $0xC000, s15;
	s24 =	sadd.s32 $0xE000, s15;
	[dreg:$0x6] =	wrdreg s22  }
0x1e: {  	s26 =	sadd.s32 $0x10000, s15;
	s9 =	simm.s32 $0x1;
	[dreg:$0x14] =	wrdreg s23  }
0x1f: {  	s19 =	simm.s32 $0x4;
	s2 =	sadd.s32 s20, s2;
	[dreg:$0x15] =	wrdreg s24  }
0x20: {  	[dreg:$0x18] =	wrdreg s26;
	s8 =	simm.s32 $0x230;
	s14 =	simm.s32 $0x2A80  }
0x21: {  	v0 =	vimm.f32 $0.0e+00;
	s20 =	simm.s32 $0x0;
	s25 =	sadd.s32 $0x140, s2;
	s2 =	simm.s32 $0x190  }
.LBB2_1:
0x22: {  	s21 =	rddreg [dreg:$0x7]  }
0x23: {  	[tilespmem:s4], [sflag:$0x1] =	stream.linear.gather [hbm4b:s21+s4], $0x50, $0x38;
	[tilespmem:$0x1B280] =	vst v63  }
0x24: {  	s23 =	rddreg [dreg:$0x8]  }
0x25: {  	[tilespmem:s29], [sflag:$0x1] =	stream.linear.gather [hbm4b:s23+s4], $0x50, $0x38;
	[tilespmem:$0x1B280] =	vst v63  }
0x26: {  	s24 =	rddreg [dreg:$0x9]  }
0x27: {  	[tilespmem:s30], [sflag:$0x2] =	stream.linear.gather [hbm4b:s24+s4], $0x50, $0x38;
	[tilespmem:$0x1B280] =	vst v63  }
0x28: {  	s26 =	rddreg [dreg:$0xa]  }
0x29: {  	[tilespmem:s31], [sflag:$0x2] =	stream.linear.gather [hbm4b:s26+s4], $0x50, $0x38;
	[tilespmem:$0x1B280] =	vst v63  }
0x2a: {  	s22 =	rddreg [dreg:$0xb]  }
0x2b: {  	[tilespmem:s0], [sflag:$0x3] =	stream.linear.gather [hbm4b:s22+s4], $0x50, $0x38;
	[tilespmem:$0x1B280] =	vst v63  }
0x2c: {  	s23 =	rddreg [dreg:$0xc]  }
0x2d: {  	[tilespmem:s2], [sflag:$0x3] =	stream.linear.gather [hbm4b:s23+s4], $0x50, $0x38;
	[tilespmem:$0x1B280] =	vst v63  }
0x2e: {  	s24 =	rddreg [dreg:$0xd]  }
0x2f: {  	[tilespmem:s7], [sflag:$0x4] =	stream.linear.gather [hbm4b:s24+s4], $0x50, $0x38;
	[tilespmem:$0x1B280] =	vst v63  }
0x30: {  	s26 =	rddreg [dreg:$0xe]  }
0x31: {  	[tilespmem:s8], [sflag:$0x4] =	stream.linear.gather [hbm4b:s26+s4], $0x50, $0x38;
	[tilespmem:$0x1B280] =	vst v63  }
0x32: {  	_ =	swait.ge [sflag:s9], $0x50  }
0x33: {  	[sflag:s9] =	ssyncset.done $0x0  }
0x34: {  	[sflag:s9] =	ssyncadd.s32 $0xFFFFFFB0  }
0x35: {  	_ =	swait.ge [sflag:s9], $0x50  }
0x36: {  	[sflag:s9] =	ssyncset.done $0x0  }
0x37: {  	s21 =	simm.s32 $0x0;
	s22 =	simm.s32 $0x200;
	[sflag:s9] =	ssyncadd.s32 $0xFFFFFFB0  }
0x38: {  	[tilespmem:s10], [sflag:$0x5] =	stream.indirect.gather [hbm4b:s1+s29], $0x80, s4, s29, $0xb8;
	[tilespmem:$0x1B280] =	vst v63  }
.LBB2_2:
0x39: {  	p0 =	sne.s32 s22, $0x7E00;
	[tilespmem:s21+$0x52F0] =	vst v0  }
0x3a: {  	[tilespmem:s21+$0x5280] =	vst v0  }
0x3b: {  	[tilespmem:s21+$0x5290] =	vst v0  }
.Ltmp0:
0x3c: {  	[tilespmem:s21+$0x52A0] =	vst v0;
	(pc) =	sbr.rel @p0 .LBB2_2-.Ltmp0, $4  }
0x3d: {  	[tilespmem:s21+$0x52B0] =	vst v0  }
0x3e: {  	[tilespmem:s21+$0x52C0] =	vst v0  }
0x3f: {  	[tilespmem:s21+$0x52D0] =	vst v0  }
0x40: {  	[tilespmem:s21+$0x52E0] =	vst v0;
	s21 =	sshra.s32 s22, $0x2;
	s22 =	sadd.s32 $0x200, s22  }
0x41: {  	[tilespmem:s21+$0x52F0] =	vst v0  }
0x42: {  	[tilespmem:s21+$0x5280] =	vst v0  }
0x43: {  	[tilespmem:s21+$0x5290] =	vst v0  }
0x44: {  	[tilespmem:s21+$0x52A0] =	vst v0  }
0x45: {  	[tilespmem:s21+$0x52B0] =	vst v0  }
0x46: {  	[tilespmem:s21+$0x52C0] =	vst v0  }
0x47: {  	[tilespmem:s21+$0x52D0] =	vst v0  }
0x48: {  	[tilespmem:s21+$0x52E0] =	vst v0  }
0x49: {  	[spmem:s15] =	stream.linear.scatter [tilespmem:s11], [sflag:$0x7], $0x2000, $0x38;
	[tilespmem:$0x1B280] =	vst v63  }
0x4a: {  	_ =	swait.ge [sflag:s12], $0x2000  }
0x4b: {  	[sflag:s12] =	ssyncset.done $0x0  }
0x4c: {  	s23 =	rddreg [dreg:$0xf];
	[sflag:s12] =	ssyncadd.s32 $0xFFFFE000  }
0x4d: {  	[spmem:s23] =	stream.linear.scatter [tilespmem:s11], [sflag:$0x7], $0x2000, $0x38;
	[tilespmem:$0x1B280] =	vst v63  }
0x4e: {  	_ =	swait.ge [sflag:s12], $0x2000  }
0x4f: {  	[sflag:s12] =	ssyncset.done $0x0  }
0x50: {  	s24 =	rddreg [dreg:$0x10];
	[sflag:s12] =	ssyncadd.s32 $0xFFFFE000  }
0x51: {  	[spmem:s24] =	stream.linear.scatter [tilespmem:s11], [sflag:$0x7], $0x2000, $0x38;
	[tilespmem:$0x1B280] =	vst v63  }
0x52: {  	_ =	swait.ge [sflag:s12], $0x2000  }
0x53: {  	[sflag:s12] =	ssyncset.done $0x0  }
0x54: {  	s26 =	rddreg [dreg:$0x11];
	[sflag:s12] =	ssyncadd.s32 $0xFFFFE000  }
0x55: {  	[spmem:s26] =	stream.linear.scatter [tilespmem:s11], [sflag:$0x7], $0x2000, $0x38;
	[tilespmem:$0x1B280] =	vst v63  }
0x56: {  	_ =	swait.ge [sflag:s12], $0x2000  }
0x57: {  	[sflag:s12] =	ssyncset.done $0x0  }
0x58: {  	s22 =	rddreg [dreg:$0x12];
	[sflag:s12] =	ssyncadd.s32 $0xFFFFE000  }
0x59: {  	[spmem:s22] =	stream.linear.scatter [tilespmem:s11], [sflag:$0x7], $0x2000, $0x38;
	[tilespmem:$0x1B280] =	vst v63  }
0x5a: {  	_ =	swait.ge [sflag:s12], $0x2000  }
0x5b: {  	[sflag:s12] =	ssyncset.done $0x0  }
0x5c: {  	s23 =	rddreg [dreg:$0x13];
	[sflag:s12] =	ssyncadd.s32 $0xFFFFE000  }
0x5d: {  	[spmem:s23] =	stream.linear.scatter [tilespmem:s11], [sflag:$0x7], $0x2000, $0x38;
	[tilespmem:$0x1B280] =	vst v63  }
0x5e: {  	_ =	swait.ge [sflag:s12], $0x2000  }
0x5f: {  	[sflag:s12] =	ssyncset.done $0x0  }
0x60: {  	s24 =	rddreg [dreg:$0x14];
	[sflag:s12] =	ssyncadd.s32 $0xFFFFE000  }
0x61: {  	[spmem:s24] =	stream.linear.scatter [tilespmem:s11], [sflag:$0x7], $0x2000, $0x38;
	[tilespmem:$0x1B280] =	vst v63  }
0x62: {  	_ =	swait.ge [sflag:s12], $0x2000  }
0x63: {  	[sflag:s12] =	ssyncset.done $0x0  }
0x64: {  	s26 =	rddreg [dreg:$0x15];
	[sflag:s12] =	ssyncadd.s32 $0xFFFFE000  }
0x65: {  	[spmem:s26] =	stream.linear.scatter [tilespmem:s11], [sflag:$0x7], $0x2000, $0x38;
	[tilespmem:$0x1B280] =	vst v63  }
0x66: {  	_ =	swait.ge [sflag:s12], $0x2000  }
0x67: {  	[sflag:s12] =	ssyncset.done $0x0  }
0x68: {  	s22 =	rddreg [dreg:$0x18];
	[sflag:s12] =	ssyncadd.s32 $0xFFFFE000  }
0x69: {  	[spmem:s22] =	stream.linear.scatter [tilespmem:s11], [sflag:$0x7], $0x2000, $0x38;
	[tilespmem:$0x1B280] =	vst v63  }
0x6a: {  	_ =	swait.ge [sflag:s12], $0x2000  }
0x6b: {  	[sflag:s12] =	ssyncset.done $0x0  }
0x6c: {  	[sflag:s12] =	ssyncadd.s32 $0xFFFFE000  }
0x6d: {  	[spmem:s28] =	stream.linear.scatter [tilespmem:s11], [sflag:$0x7], $0x2000, $0x38;
	[tilespmem:$0x1B280] =	vst v63  }
0x6e: {  	_ =	swait.ge [sflag:s12], $0x2000  }
0x6f: {  	[sflag:s12] =	ssyncset.done $0x0  }
0x70: {  	[sflag:s12] =	ssyncadd.s32 $0xFFFFE000  }
0x71: {  	[bflag:$0x0] =	sbarrier.arrive $0xFFFF  }
0x72: {  	_ =	swait.ge [sflag:s13], $0x50  }
0x73: {  	[sflag:s13] =	ssyncset.done $0x0  }
0x74: {  	[sflag:s13] =	ssyncadd.s32 $0xFFFFFFB0  }
0x75: {  	_ =	swait.ge [sflag:s13], $0x50  }
0x76: {  	[sflag:s13] =	ssyncset.done $0x0  }
0x77: {  	[sflag:s13] =	ssyncadd.s32 $0xFFFFFFB0  }
0x78: {  	[tilespmem:s14], [sflag:$0x6] =	stream.indirect.gather [hbm4b:s1+s29], $0x80, s30, s29, $0xb8;
	[tilespmem:$0x1B280] =	vst v63  }
0x79: {  	_ =	swait.ge [sflag:s16], $0x2800  }
0x7a: {  	[sflag:s16] =	ssyncset.done $0x0  }
0x7b: {  	[sflag:s16] =	ssyncadd.s32 $0xFFFFD800  }
0x7c: {  	[spmem:s3] =	stream.indirect.scatter.add.f32 [tilespmem:s10], [sflag:$0x7], $0x80, s29, s29, $0xb8;
	[tilespmem:$0x1B280] =	vst v63  }
0x7d: {  	_ =	swait.ge [sflag:s12], $0x2800  }
0x7e: {  	s23 =	sshrl.u32 s25, $0x3;
	[sflag:s12] =	ssyncset.done $0x0  }
0x7f: {  	s22 =	sadd.s32 s5, s23;
	[sflag:s12] =	ssyncadd.s32 $0xFFFFD800  }
0x80: {  	[tilespmem:s4], [sflag:$0x1] =	stream.linear.gather [hbm4b:s22+s4], $0x50, $0x38;
	[tilespmem:$0x1B280] =	vst v63  }
0x81: {  	s21 =	sadd.s32 s6, s23  }
0x82: {  	[tilespmem:s29], [sflag:$0x1] =	stream.linear.gather [hbm4b:s21+s4], $0x50, $0x38;
	[tilespmem:$0x1B280] =	vst v63  }
0x83: {  	_ =	swait.ge [sflag:s17], $0x50  }
0x84: {  	[sflag:s17] =	ssyncset.done $0x0  }
0x85: {  	[sflag:s17] =	ssyncadd.s32 $0xFFFFFFB0  }
0x86: {  	_ =	swait.ge [sflag:s17], $0x50  }
0x87: {  	[sflag:s17] =	ssyncset.done $0x0  }
0x88: {  	[sflag:s17] =	ssyncadd.s32 $0xFFFFFFB0  }
0x89: {  	[tilespmem:s10], [sflag:$0x5] =	stream.indirect.gather [hbm4b:s1+s29], $0x80, s0, s29, $0xb8;
	[tilespmem:$0x1B280] =	vst v63  }
0x8a: {  	_ =	swait.ge [sflag:s18], $0x2800  }
0x8b: {  	s21 =	simm.s32 $0x0;
	[sflag:s18] =	ssyncset.done $0x0  }
0x8c: {  	s24 =	smin.u32 s21, $0x77;
	[sflag:s18] =	ssyncadd.s32 $0xFFFFD800  }
0x8d: {  	[spmem:s3] =	stream.indirect.scatter.add.f32 [tilespmem:s14], [sflag:$0x7], $0x80, s31, s29, $0xb8;
	[tilespmem:$0x1B280] =	vst v63  }
0x8e: {  	s22 =	smul.u32 $0x50, s24;
	_ =	swait.ge [sflag:s12], $0x2800  }
0x8f: {  	s23 =	rddreg [dreg:$0x4]  }
0x90: {  	s22 =	sadd.s32 s22, s23  }
0x91: {  	[sflag:s12] =	ssyncset.done $0x0;
	s22 =	sshrl.u32 s22, $0x3  }
0x92: {  	[sflag:s12] =	ssyncadd.s32 $0xFFFFD800;
	s26 =	sadd.s32 s5, s22  }
0x93: {  	[tilespmem:s30], [sflag:$0x2] =	stream.linear.gather [hbm4b:s26+s4], $0x50, $0x38;
	[tilespmem:$0x1B280] =	vst v63  }
0x94: {  	s22 =	sadd.s32 s6, s22  }
0x95: {  	[tilespmem:s31], [sflag:$0x2] =	stream.linear.gather [hbm4b:s22+s4], $0x50, $0x38;
	[tilespmem:$0x1B280] =	vst v63  }
0x96: {  	_ =	swait.ge [sflag:s19], $0x50  }
0x97: {  	[sflag:s19] =	ssyncset.done $0x0  }
0x98: {  	[sflag:s19] =	ssyncadd.s32 $0xFFFFFFB0  }
0x99: {  	_ =	swait.ge [sflag:s19], $0x50  }
0x9a: {  	[sflag:s19] =	ssyncset.done $0x0  }
0x9b: {  	[sflag:s19] =	ssyncadd.s32 $0xFFFFFFB0  }
0x9c: {  	[tilespmem:s14], [sflag:$0x6] =	stream.indirect.gather [hbm4b:s1+s29], $0x80, s7, s29, $0xb8;
	[tilespmem:$0x1B280] =	vst v63  }
0x9d: {  	_ =	swait.ge [sflag:s16], $0x2800  }
0x9e: {  	[sflag:s16] =	ssyncset.done $0x0  }
0x9f: {  	s24 =	smin.u32 s21, $0x76;
	[sflag:s16] =	ssyncadd.s32 $0xFFFFD800  }
0xa0: {  	[spmem:s3] =	stream.indirect.scatter.add.f32 [tilespmem:s10], [sflag:$0x7], $0x80, s2, s29, $0xb8;
	[tilespmem:$0x1B280] =	vst v63  }
0xa1: {  	s22 =	smul.u32 $0x50, s24;
	_ =	swait.ge [sflag:s12], $0x2800  }
0xa2: {  	s26 =	rddreg [dreg:$0x5]  }
0xa3: {  	s22 =	sadd.s32 s22, s26  }
0xa4: {  	[sflag:s12] =	ssyncset.done $0x0;
	s22 =	sshrl.u32 s22, $0x3  }
0xa5: {  	[sflag:s12] =	ssyncadd.s32 $0xFFFFD800;
	s24 =	sadd.s32 s5, s22  }
0xa6: {  	[tilespmem:s0], [sflag:$0x3] =	stream.linear.gather [hbm4b:s24+s4], $0x50, $0x38;
	[tilespmem:$0x1B280] =	vst v63  }
0xa7: {  	s22 =	sadd.s32 s6, s22  }
0xa8: {  	[tilespmem:s2], [sflag:$0x3] =	stream.linear.gather [hbm4b:s22+s4], $0x50, $0x38;
	[tilespmem:$0x1B280] =	vst v63  }
0xa9: {  	_ =	swait.ge [sflag:s9], $0x50  }
0xaa: {  	[sflag:s9] =	ssyncset.done $0x0  }
0xab: {  	[sflag:s9] =	ssyncadd.s32 $0xFFFFFFB0  }
0xac: {  	_ =	swait.ge [sflag:s9], $0x50  }
0xad: {  	[sflag:s9] =	ssyncset.done $0x0  }
0xae: {  	[sflag:s9] =	ssyncadd.s32 $0xFFFFFFB0  }
0xaf: {  	[tilespmem:s10], [sflag:$0x5] =	stream.indirect.gather [hbm4b:s1+s29], $0x80, s4, s29, $0xb8;
	[tilespmem:$0x1B280] =	vst v63  }
0xb0: {  	_ =	swait.ge [sflag:s18], $0x2800  }
0xb1: {  	[sflag:s18] =	ssyncset.done $0x0  }
0xb2: {  	s21 =	smin.u32 s21, $0x75;
	[sflag:s18] =	ssyncadd.s32 $0xFFFFD800  }
0xb3: {  	[spmem:s3] =	stream.indirect.scatter.add.f32 [tilespmem:s14], [sflag:$0x7], $0x80, s8, s29, $0xb8;
	[tilespmem:$0x1B280] =	vst v63  }
0xb4: {  	s21 =	smul.u32 $0x50, s21;
	_ =	swait.ge [sflag:s12], $0x2800  }
0xb5: {  	s26 =	rddreg [dreg:$0x6]  }
0xb6: {  	s21 =	sadd.s32 s21, s26  }
0xb7: {  	[sflag:s12] =	ssyncset.done $0x0;
	s22 =	sshrl.u32 s21, $0x3  }
0xb8: {  	[sflag:s12] =	ssyncadd.s32 $0xFFFFD800;
	s21 =	sadd.s32 s5, s22  }
0xb9: {  	[tilespmem:s7], [sflag:$0x4] =	stream.linear.gather [hbm4b:s21+s4], $0x50, $0x38;
	[tilespmem:$0x1B280] =	vst v63  }
0xba: {  	s23 =	sadd.s32 s6, s22;
	s22 =	sadd.s32 $0x140, s25;
	s21 =	simm.s32 $0x4  }
.LBB2_4:
0xbb: {  	[tilespmem:s8], [sflag:$0x4] =	stream.linear.gather [hbm4b:s23+s4], $0x50, $0x38;
	[tilespmem:$0x1B280] =	vst v63  }
0xbc: {  	_ =	swait.ge [sflag:s13], $0x50  }
0xbd: {  	[sflag:s13] =	ssyncset.done $0x0  }
0xbe: {  	[sflag:s13] =	ssyncadd.s32 $0xFFFFFFB0  }
0xbf: {  	_ =	swait.ge [sflag:s13], $0x50  }
0xc0: {  	[sflag:s13] =	ssyncset.done $0x0  }
0xc1: {  	[sflag:s13] =	ssyncadd.s32 $0xFFFFFFB0  }
0xc2: {  	[tilespmem:s14], [sflag:$0x6] =	stream.indirect.gather [hbm4b:s1+s29], $0x80, s30, s29, $0xb8;
	[tilespmem:$0x1B280] =	vst v63  }
0xc3: {  	_ =	swait.ge [sflag:s16], $0x2800  }
0xc4: {  	[sflag:s16] =	ssyncset.done $0x0  }
0xc5: {  	[sflag:s16] =	ssyncadd.s32 $0xFFFFD800  }
0xc6: {  	[spmem:s3] =	stream.indirect.scatter.add.f32 [tilespmem:s10], [sflag:$0x7], $0x80, s29, s29, $0xb8;
	[tilespmem:$0x1B280] =	vst v63  }
0xc7: {  	_ =	swait.ge [sflag:s12], $0x2800  }
0xc8: {  	s24 =	sshrl.u32 s22, $0x3;
	[sflag:s12] =	ssyncset.done $0x0  }
0xc9: {  	s26 =	sadd.s32 s5, s24;
	[sflag:s12] =	ssyncadd.s32 $0xFFFFD800  }
0xca: {  	[tilespmem:s4], [sflag:$0x1] =	stream.linear.gather [hbm4b:s26+s4], $0x50, $0x38;
	[tilespmem:$0x1B280] =	vst v63  }
0xcb: {  	s24 =	sadd.s32 s6, s24  }
0xcc: {  	[tilespmem:s29], [sflag:$0x1] =	stream.linear.gather [hbm4b:s24+s4], $0x50, $0x38;
	[tilespmem:$0x1B280] =	vst v63  }
0xcd: {  	_ =	swait.ge [sflag:s17], $0x50  }
0xce: {  	[sflag:s17] =	ssyncset.done $0x0  }
0xcf: {  	[sflag:s17] =	ssyncadd.s32 $0xFFFFFFB0  }
0xd0: {  	_ =	swait.ge [sflag:s17], $0x50  }
0xd1: {  	[sflag:s17] =	ssyncset.done $0x0  }
0xd2: {  	[sflag:s17] =	ssyncadd.s32 $0xFFFFFFB0  }
0xd3: {  	[tilespmem:s10], [sflag:$0x5] =	stream.indirect.gather [hbm4b:s1+s29], $0x80, s0, s29, $0xb8;
	[tilespmem:$0x1B280] =	vst v63  }
0xd4: {  	_ =	swait.ge [sflag:s18], $0x2800  }
0xd5: {  	s23 =	smov.u32 s21;
	[sflag:s18] =	ssyncset.done $0x0  }
0xd6: {  	s24 =	smin.u32 s23, $0x77;
	[sflag:s18] =	ssyncadd.s32 $0xFFFFD800  }
0xd7: {  	[spmem:s3] =	stream.indirect.scatter.add.f32 [tilespmem:s14], [sflag:$0x7], $0x80, s31, s29, $0xb8;
	[tilespmem:$0x1B280] =	vst v63  }
0xd8: {  	s24 =	smul.u32 $0x50, s24;
	_ =	swait.ge [sflag:s12], $0x2800  }
0xd9: {  	s26 =	rddreg [dreg:$0x4]  }
0xda: {  	s24 =	sadd.s32 s24, s26  }
0xdb: {  	[sflag:s12] =	ssyncset.done $0x0;
	s24 =	sshrl.u32 s24, $0x3  }
0xdc: {  	[sflag:s12] =	ssyncadd.s32 $0xFFFFD800;
	s26 =	sadd.s32 s5, s24  }
0xdd: {  	[tilespmem:s30], [sflag:$0x2] =	stream.linear.gather [hbm4b:s26+s4], $0x50, $0x38;
	[tilespmem:$0x1B280] =	vst v63  }
0xde: {  	s24 =	sadd.s32 s6, s24  }
0xdf: {  	[tilespmem:s31], [sflag:$0x2] =	stream.linear.gather [hbm4b:s24+s4], $0x50, $0x38;
	[tilespmem:$0x1B280] =	vst v63  }
0xe0: {  	_ =	swait.ge [sflag:s19], $0x50  }
0xe1: {  	[sflag:s19] =	ssyncset.done $0x0  }
0xe2: {  	[sflag:s19] =	ssyncadd.s32 $0xFFFFFFB0  }
0xe3: {  	_ =	swait.ge [sflag:s19], $0x50  }
0xe4: {  	[sflag:s19] =	ssyncset.done $0x0  }
0xe5: {  	[sflag:s19] =	ssyncadd.s32 $0xFFFFFFB0  }
0xe6: {  	[tilespmem:s14], [sflag:$0x6] =	stream.indirect.gather [hbm4b:s1+s29], $0x80, s7, s29, $0xb8;
	[tilespmem:$0x1B280] =	vst v63  }
0xe7: {  	_ =	swait.ge [sflag:s16], $0x2800  }
0xe8: {  	[sflag:s16] =	ssyncset.done $0x0  }
0xe9: {  	s24 =	smin.u32 s23, $0x76;
	[sflag:s16] =	ssyncadd.s32 $0xFFFFD800  }
0xea: {  	[spmem:s3] =	stream.indirect.scatter.add.f32 [tilespmem:s10], [sflag:$0x7], $0x80, s2, s29, $0xb8;
	[tilespmem:$0x1B280] =	vst v63  }
0xeb: {  	s24 =	smul.u32 $0x50, s24;
	_ =	swait.ge [sflag:s12], $0x2800  }
0xec: {  	s26 =	rddreg [dreg:$0x5]  }
0xed: {  	s24 =	sadd.s32 s24, s26  }
0xee: {  	[sflag:s12] =	ssyncset.done $0x0;
	s24 =	sshrl.u32 s24, $0x3  }
0xef: {  	[sflag:s12] =	ssyncadd.s32 $0xFFFFD800;
	s26 =	sadd.s32 s5, s24  }
0xf0: {  	[tilespmem:s0], [sflag:$0x3] =	stream.linear.gather [hbm4b:s26+s4], $0x50, $0x38;
	[tilespmem:$0x1B280] =	vst v63  }
0xf1: {  	s24 =	sadd.s32 s6, s24  }
0xf2: {  	[tilespmem:s2], [sflag:$0x3] =	stream.linear.gather [hbm4b:s24+s4], $0x50, $0x38;
	[tilespmem:$0x1B280] =	vst v63  }
0xf3: {  	_ =	swait.ge [sflag:s9], $0x50  }
0xf4: {  	[sflag:s9] =	ssyncset.done $0x0  }
0xf5: {  	[sflag:s9] =	ssyncadd.s32 $0xFFFFFFB0  }
0xf6: {  	_ =	swait.ge [sflag:s9], $0x50  }
0xf7: {  	[sflag:s9] =	ssyncset.done $0x0  }
0xf8: {  	[sflag:s9] =	ssyncadd.s32 $0xFFFFFFB0  }
0xf9: {  	[tilespmem:s10], [sflag:$0x5] =	stream.indirect.gather [hbm4b:s1+s29], $0x80, s4, s29, $0xb8;
	[tilespmem:$0x1B280] =	vst v63  }
0xfa: {  	_ =	swait.ge [sflag:s18], $0x2800  }
0xfb: {  	[sflag:s18] =	ssyncset.done $0x0  }
0xfc: {  	s23 =	smin.u32 s23, $0x75;
	[sflag:s18] =	ssyncadd.s32 $0xFFFFD800  }
0xfd: {  	[spmem:s3] =	stream.indirect.scatter.add.f32 [tilespmem:s14], [sflag:$0x7], $0x80, s8, s29, $0xb8;
	[tilespmem:$0x1B280] =	vst v63  }
0xfe: {  	p0 =	sne.s32 s21, $0x78;
	s23 =	smul.u32 $0x50, s23;
	_ =	swait.ge [sflag:s12], $0x2800  }
.Ltmp1:
0xff: {  	s26 =	rddreg [dreg:$0x6];
	(pc) =	sbr.rel @p0 .LBB2_4-.Ltmp1, $4  }
0x100: {  	s21 =	sadd.s32 $0x4, s21;
	s23 =	sadd.s32 s23, s26  }
0x101: {  	s22 =	sadd.s32 $0x140, s22;
	[sflag:s12] =	ssyncset.done $0x0;
	s23 =	sshrl.u32 s23, $0x3  }
0x102: {  	[sflag:s12] =	ssyncadd.s32 $0xFFFFD800;
	s26 =	sadd.s32 s5, s23;
	s23 =	sadd.s32 s6, s23  }
0x103: {  	[tilespmem:s7], [sflag:$0x4] =	stream.linear.gather [hbm4b:s26+s4], $0x50, $0x38;
	[tilespmem:$0x1B280] =	vst v63  }
0x104: {  	[tilespmem:s8], [sflag:$0x4] =	stream.linear.gather [hbm4b:s23+s4], $0x50, $0x38;
	[tilespmem:$0x1B280] =	vst v63  }
0x105: {  	_ =	swait.ge [sflag:s16], $0x2800  }
0x106: {  	[sflag:s16] =	ssyncset.done $0x0  }
0x107: {  	[sflag:s16] =	ssyncadd.s32 $0xFFFFD800  }
0x108: {  	[spmem:s3] =	stream.indirect.scatter.add.f32 [tilespmem:s10], [sflag:$0x7], $0x80, s29, s29, $0xb8;
	[tilespmem:$0x1B280] =	vst v63  }
0x109: {  	_ =	swait.ge [sflag:s12], $0x2800  }
0x10a: {  	[sflag:s12] =	ssyncset.done $0x0  }
0x10b: {  	[sflag:s12] =	ssyncadd.s32 $0xFFFFD800  }
0x10c: {  	_ =	swait.ge [sflag:s13], $0x50  }
0x10d: {  	[sflag:s13] =	ssyncset.done $0x0  }
0x10e: {  	[sflag:s13] =	ssyncadd.s32 $0xFFFFFFB0  }
0x10f: {  	_ =	swait.ge [sflag:s13], $0x50  }
0x110: {  	[sflag:s13] =	ssyncset.done $0x0  }
0x111: {  	[sflag:s13] =	ssyncadd.s32 $0xFFFFFFB0  }
0x112: {  	_ =	swait.ge [sflag:s17], $0x50  }
0x113: {  	[sflag:s17] =	ssyncset.done $0x0  }
0x114: {  	[sflag:s17] =	ssyncadd.s32 $0xFFFFFFB0  }
0x115: {  	_ =	swait.ge [sflag:s17], $0x50  }
0x116: {  	[sflag:s17] =	ssyncset.done $0x0  }
0x117: {  	[sflag:s17] =	ssyncadd.s32 $0xFFFFFFB0  }
0x118: {  	_ =	swait.ge [sflag:s19], $0x50  }
0x119: {  	[sflag:s19] =	ssyncset.done $0x0  }
0x11a: {  	[sflag:s19] =	ssyncadd.s32 $0xFFFFFFB0  }
0x11b: {  	_ =	swait.ge [sflag:s19], $0x50  }
0x11c: {  	[sflag:s19] =	ssyncset.done $0x0  }
0x11d: {  	s21 =	stileid.u32;
	[sflag:s19] =	ssyncadd.s32 $0xFFFFFFB0  }
0x11e: {  	s21 =	sshll.u32 s21, $0x6;
	[bflag:$0x0] =	sbarrier.arrive $0xFFFF  }
0x11f: {  	s22 =	sshrl.u32 s15, $0x3;
	s21 =	sor.u32 $0x1C07, s21;
	s24 =	rddreg [dreg:$0x16]  }
0x120: {  	[hbm:s24], [sflag:s21] =	dma.local [spmem:s22], $0x2800  }
0x121: {  	_ =	swait.ge [sflag:s12], $0x2800  }
0x122: {  	s20 =	sadd.s32 $0x1, s20;
	s26 =	rddreg [dreg:$0x17]  }
0x123: {  	p0 =	sne.s32 s20, s26  }
.Ltmp2:
0x124: {  	_ = 	snop;
	(pc) =	sbr.rel @p0 .LBB2_1-.Ltmp2, $3  }
0x125: {  	_ =	sdelay $0x1  }
0x126: {  	[sflag:s12] =	ssyncset.done $0x0  }
0x127: {  	[sflag:s12] =	ssyncadd.s32 $0xFFFFD800  }
0x128: {  	_ =	sfence.sel $0x180000  }
0x129: {  	[bflag:$0x0] =	sbarrier.arrive $0xFFFF  }
0x12a: {  	_ =	strace $0x9000004A  }
0x12b: {  	s0 =	stileid.u32;
	[bflag:$0x2] =	sbarrier.arrive $0xFFFF  }
0x12c: {  	p0 =	sne.s32 s0, $0x0;
	s0 =	rddreg [dreg:$0x3]  }
0x12d: {  	s0 =	sadd.s32 @!p0 $0x100000, s0  }
0x12e: {  	[sflag:s0] =	ssyncadd.tile.s32 @!p0 $0x1;
	_ =	shalt  }
.Lfunc_end2:
_tile_overlayer_lowered:
.L_overlay_start_2:
0x12f: {  	(tag) =	ssettag $0x2  }
0x130: {  	s0 =	rddreg [dreg:$0x0];
	s2 =	stileid.u32  }
0x131: {  	s1 =	rddreg [dreg:$0x1];
	p0 =	sne.s32 s2, $0x0  }
0x132: {  	s3 =	rddreg [dreg:$0x2];
	[bflag:$0x3] =	sbarrier.arrive $0xFFFF;
	s2 =	simm.s32 @!p0 $0x1C07  }
0x133: {  	[timem:s3], [sflag:s2] =	dma.local @!p0 [hbm:s0], s1  }
0x134: {  	s0 =	simm.s32 @!p0 $0x7  }
0x135: {  	_ =	swait.ge @!p0 [sflag:s0], s1  }
0x136: {  	s1 =	ssub.s32 @!p0 $0x0, s1;
	[sflag:s0] =	ssyncset.done @!p0 $0x0  }
0x137: {  	[sflag:s0] =	ssyncadd.s32 @!p0 s1  }
0x138: {  	[bflag:$0x3] =	sbarrier.arrive $0xFFFF  }
0x139: {  	_ =	shalt  }

// kernel: kernel.8.cloned.1.call-start
scs
__scs_entry_jumppad:
0x0: {  	(pc) =	sbr.rel $0x88, $3  }
0x1: {  	(tag) =	ssettag $0x0;
	lr =	simm.s32 $0x1  }
0x2: {  	[smem:$0x3F99] =	sst lr;
	_ =	strace $0xD0000000  }
0x3: {  	_ = 	snop  }
0x4: {  	_ = 	snop  }
0x5: {  	_ = 	snop  }
0x6: {  	_ = 	snop  }
0x7: {  	_ = 	snop  }
__scs_overlays_trampoline_lowered:
0x8: {  	[smem:$0x3FA8] =	sst s0  }
0x9: {  	[smem:$0x3FA9] =	sst s1  }
0xa: {  	[smem:$0x3FAA] =	sst s2  }
0xb: {  	[smem:$0x3FAB] =	sst s3  }
0xc: {  	[smem:$0x3FAC] =	sst s4  }
0xd: {  	[smem:$0x3FAD] =	sst s5  }
0xe: {  	[smem:$0x3FAE] =	sst s6  }
0xf: {  	[smem:$0x3FAF] =	sst s7  }
0x10: {  	[smem:$0x3FB0] =	sst s8  }
0x11: {  	[smem:$0x3FB1] =	sst s9;
	s0 =	simm.s32 @!p0 $0x0  }
0x12: {  	s1 =	sld [smem:$0x3F97];
	s0 =	simm.s32 @p0 $0x1  }
0x13: {  	[smem:$0x3FB2] =	sst s0;
	s0 =	simm.s32 @!p1 $0x0  }
0x14: {  	s2 =	sld [smem:$0x3F96];
	s0 =	simm.s32 @p1 $0x1  }
0x15: {  	[smem:$0x3FB3] =	sst s0;
	s0 =	simm.s32 @!p2 $0x0  }
0x16: {  	s3 =	sld [smem:$0x3FDB];
	s0 =	simm.s32 @p2 $0x1  }
0x17: {  	s4 =	simm.s32 $0x1BF5;
	[smem:$0x3FB5] =	sst s0  }
0x18: {  	s0 =	sld [smem:$0x3F98];
	_ =	swait.ge [sflag:s4], $0x0  }
0x19: {  	s7 =	sld [smem:$0x3F99]  }
0x1a: {  	s8 =	sadd.s32 $0xFFFFE003, lr  }
0x1b: {  	s9 =	sadd.s32 $0xFFFFFEF7, lr;
	s5 =	simm.s32 $0xFFFFFFFF;
	p2 =	slt.u32 s8, $0xFFFFF086  }
0x1c: {  	p1 =	slt.u32 s9, $0xF7A;
	s5 =	simm.s32 @!p2 $0x0  }
0x1d: {  	s5 =	simm.s32 @p1 $0x1;
	p0 =	seq.s32 s7, s2  }
0x1e: {  	s7 =	smul.u32 @!p0 $0xF7A, s2;
	p2 =	seq.s32 @!p0 s5, $0x0  }
0x1f: {  	s9 =	smul.u32 $0xF7A, s1;
	s8 =	simm.s32 @!p0 $0x1BF5;
	p2 =	por !p2, p0  }
0x20: {  	[sflag:s8] =	ssyncset.s32 @!p0 $0xFFFFF086;
	s6 =	sadd.s32 @!p0 s3, s7;
	s7 =	simm.s32 @!p0 $0x108  }
0x21: {  	s3 =	sadd.s32 s3, s9;
	s6 =	sadd.s32 @!p0 $0x88, s6;
	s7 =	simm.s32 @p2 $0x1082  }
0x22: {  	[simem:s7], [sflag:s8] =	dma.local @!p0 [hbm:s6], $0xF7A  }
0x23: {  	s9 =	sor.u32 $0xD0000000, s2;
	s6 =	simm.s32 $0x108;
	_ =	swait.ge @!p0 [sflag:s8], $0x0  }
0x24: {  	s3 =	sadd.s32 $0x88, s3;
	s6 =	simm.s32 @!p1 $0x1082;
	[sflag:s4] =	ssyncset.s32 $0xFFFFF086  }
0x25: {  	[simem:s6], [sflag:s4] =	dma.local [hbm:s3], $0xF7A  }
0x26: {  	[smem:$0x3F99] =	sst s1;
	(tag) =	ssettag s2;
	_ =	strace s9  }
0x27: {  	s1 =	sld [smem:$0x3FA9]  }
0x28: {  	s2 =	sld [smem:$0x3FAA]  }
0x29: {  	s4 =	sld [smem:$0x3FAC]  }
0x2a: {  	p0 =	seq.s32 s5, $0x0;
	s5 =	sld [smem:$0x3FAD]  }
0x2b: {  	s6 =	sld [smem:$0x3FAE]  }
0x2c: {  	s7 =	sld [smem:$0x3FAF]  }
0x2d: {  	s3 =	simm.s32 $0x108;
	s8 =	sld [smem:$0x3FB0]  }
0x2e: {  	s3 =	simm.s32 @!p0 $0x1082;
	s9 =	sld [smem:$0x3FB1]  }
0x2f: {  	lr =	sadd.s32 s0, s3;
	s0 =	sld [smem:$0x3FA8]  }
0x30: {  	s3 =	sld [smem:$0x3FAB]  }
0x31: {  	[smem:$0x3FB4] =	sst s10  }
0x32: {  	s10 =	sld [smem:$0x3FB2];
	_ =	sdelay $0x3  }
0x33: {  	p0 =	seq.s32 s10, $0x1;
	s10 =	sld [smem:$0x3FB4];
	_ =	sdelay $0x3  }
0x34: {  	[smem:$0x3FB4] =	sst s10  }
0x35: {  	s10 =	sld [smem:$0x3FB3];
	_ =	sdelay $0x3  }
0x36: {  	p1 =	seq.s32 s10, $0x1;
	s10 =	sld [smem:$0x3FB4];
	_ =	sdelay $0x3  }
0x37: {  	[smem:$0x3FB4] =	sst s10  }
0x38: {  	s10 =	sld [smem:$0x3FB5]  }
0x39: {  	_ = 	snop;
	(pc) =	sbr.ind lr, $3  }
0x3a: {  	_ = 	snop  }
0x3b: {  	_ = 	snop  }
0x3c: {  	p2 =	seq.s32 s10, $0x1;
	s10 =	sld [smem:$0x3FB4]  }
0x3d: {  	_ =	shalt  }
0x3e: {  	_ =	shalt  }
0x3f: {  	_ =	shalt  }
0x40: {  	_ =	shalt  }
0x41: {  	_ =	shalt  }
0x42: {  	_ =	shalt  }
0x43: {  	_ =	shalt  }
0x44: {  	_ =	shalt  }
0x45: {  	_ =	shalt  }
0x46: {  	_ =	shalt  }
0x47: {  	_ =	shalt  }
0x48: {  	_ =	shalt  }
0x49: {  	_ =	shalt  }
0x4a: {  	_ =	shalt  }
0x4b: {  	_ =	shalt  }
0x4c: {  	_ =	shalt  }
0x4d: {  	_ =	shalt  }
0x4e: {  	_ =	shalt  }
0x4f: {  	_ =	shalt  }
0x50: {  	_ =	shalt  }
0x51: {  	_ =	shalt  }
0x52: {  	_ =	shalt  }
0x53: {  	_ =	shalt  }
0x54: {  	_ =	shalt  }
0x55: {  	_ =	shalt  }
0x56: {  	_ =	shalt  }
0x57: {  	_ =	shalt  }
0x58: {  	_ =	shalt  }
0x59: {  	_ =	shalt  }
0x5a: {  	_ =	shalt  }
0x5b: {  	_ =	shalt  }
0x5c: {  	_ =	shalt  }
0x5d: {  	_ =	shalt  }
0x5e: {  	_ =	shalt  }
0x5f: {  	_ =	shalt  }
0x60: {  	_ =	shalt  }
0x61: {  	_ =	shalt  }
0x62: {  	_ =	shalt  }
0x63: {  	_ =	shalt  }
0x64: {  	_ =	shalt  }
0x65: {  	_ =	shalt  }
0x66: {  	_ =	shalt  }
0x67: {  	_ =	shalt  }
0x68: {  	_ =	shalt  }
0x69: {  	_ =	shalt  }
0x6a: {  	_ =	shalt  }
0x6b: {  	_ =	shalt  }
0x6c: {  	_ =	shalt  }
0x6d: {  	_ =	shalt  }
0x6e: {  	_ =	shalt  }
0x6f: {  	_ =	shalt  }
0x70: {  	_ =	shalt  }
0x71: {  	_ =	shalt  }
0x72: {  	_ =	shalt  }
0x73: {  	_ =	shalt  }
0x74: {  	_ =	shalt  }
0x75: {  	_ =	shalt  }
0x76: {  	_ =	shalt  }
0x77: {  	_ =	shalt  }
0x78: {  	_ =	shalt  }
0x79: {  	_ =	shalt  }
0x7a: {  	_ =	shalt  }
0x7b: {  	_ =	shalt  }
0x7c: {  	_ =	shalt  }
0x7d: {  	_ =	shalt  }
0x7e: {  	_ =	shalt  }
0x7f: {  	_ =	shalt  }
0x80: {  	_ =	shalt  }
0x81: {  	_ =	shalt  }
0x82: {  	_ =	shalt  }
0x83: {  	_ =	shalt  }
0x84: {  	_ =	shalt  }
0x85: {  	_ =	shalt  }
0x86: {  	_ =	shalt  }
0x87: {  	_ =	shalt  }
.Lfunc_end0:
.L_simem_size_0:
called_computation_lowered:
.L_overlay_start_0:
0x88: {  	s2 =	sld [smem:$0x3FD9]  }
0x89: {  	s3 =	sld [smem:$0x3FFE];
	_ =	sdelay $0x1  }
0x8a: {  	s1 =	srdreg.scid  }
0x8b: {  	s0 =	sand.u32 $0x1, s1  }
0x8c: {  	s17 =	sshll.u32 s0, $0xA;
	s2 =	sadd.s32 s3, s2  }
0x8d: {  	s2 =	sadd.s32 s2, s17  }
0x8e: {  	[smem:$0x3FC0] =	sst s2  }
0x8f: {  	_ = 	snop  }
0x90: {  	s2 =	sld [smem:$0x3FC9]  }
0x91: {  	s18 =	sld [smem:$0x3FD0];
	(tm) =	ssettm $0x1  }
0x92: {  	s4 =	sld [smem:$0x3FFB];
	_ =	sdelay $0x3  }
0x93: {  	_ =	strace s4  }
0x94: {  	s4 =	sld [smem:$0x3FFC];
	_ =	sdelay $0x3  }
0x95: {  	_ =	strace s4  }
0x96: {  	s4 =	sld [smem:$0x3FFD];
	_ =	sdelay $0x3  }
0x97: {  	_ =	strace s4  }
0x98: {  	_ =	strace $0x8FFFFFFF  }
0x99: {  	s19 =	sld [smem:$0x3FDB];
	_ =	sdelay $0x1  }
0x9a: {  	s5 =	simm.s32 $_scs_section_size  }
0x9b: {  	s6 =	simm.s32 $_size__tile_overlayer_lowered;
	s7 =	simm.s32 $_tile_overlayer_lowered  }
0x9c: {  	s22 =	simm.s32 $0x1BFF;
	s21 =	sshll.u32 s7, $0x1;
	s4 =	sadd.s32 s5, s19  }
0x9d: {  	s8 =	simm.s32 $0x0;
	s20 =	sshll.u32 s6, $0x1;
	s6 =	sadd.s32 s21, s4  }
0x9e: {  	[timem:s8], [sflag:s22] =	dma.local [hbm:s6], s20  }
0x9f: {  	_ =	swait.ge [sflag:s22], s20  }
0xa0: {  	s5 =	ssub.s32 $0x0, s20;
	[sflag:s22] =	ssyncset.done $0x0  }
0xa1: {  	[sflag:s22] =	ssyncadd.s32 s5;
	_ =	sdelay $0x1  }
0xa2: {  	s23 =	simm.s32 $0x1B8B  }
0xa3: {  	_ =	swait.ge [sflag:s23], $0x1  }
0xa4: {  	[sflag:s23] =	ssyncset.done $0x0  }
0xa5: {  	s25 =	simm.s32 $0x1B8E;
	s24 =	sld [smem:$0x3FFE];
	[sflag:s23] =	ssyncadd.s32 $0xFFFFFFFF  }
0xa6: {  	s26 =	simm.s32 $execute0_lowered;
	[smem:$0x3FD2] =	sst s25  }
0xa7: {  	s6 =	sshll.u32 s26, $0x1;
	_ =	strace $0x80000046;
	[dreg:$0x1] =	wrdreg $0xFFFFFFFF  }
0xa8: {  	s28 =	simm.s32 $_size_execute0_lowered;
	s4 =	sadd.s32 s4, s6;
	[dreg:$0x0] =	wrdreg $0x0  }
0xa9: {  	s6 =	sshll.u32 s28, $0x1;
	[dreg:$0x2] =	wrdreg s4  }
0xaa: {  	[dreg:$0x3] =	wrdreg s6  }
0xab: {  	[dreg:$0x4] =	wrdreg $0xC0  }
0xac: {  	_ =	task [dreg:s8], $0x5FFFF  }
0xad: {  	[dreg:$0x1] =	wrdreg $0xFFFFFFFF  }
0xae: {  	[dreg:$0x0] =	wrdreg $0x60  }
0xaf: {  	[dreg:$0x2] =	wrdreg s2  }
0xb0: {  	[dreg:$0x3] =	wrdreg s24  }
0xb1: {  	[dreg:$0x4] =	wrdreg s18  }
0xb2: {  	[dreg:$0x5] =	wrdreg $0x7B800  }
0xb3: {  	[dreg:$0x6] =	wrdreg $0x1BB800  }
0xb4: {  	[dreg:$0x7] =	wrdreg $0x9  }
0xb5: {  	_ =	task.clear_ibuf [dreg:s8], $0x8FFFF;
	_ =	strace $0x90000046  }
0xb6: {  	s29 =	simm.s32 $0x9;
	_ =	strace $0x80000048  }
0xb7: {  	_ =	swait.ge [sflag:s29], $0x1  }
0xb8: {  	[sflag:s29] =	ssyncadd.s32 $0xFFFFFFFF  }
0xb9: {  	_ =	strace $0x90000048  }
0xba: {  	_ =	sfence  }
0xbb: {  	s30 =	sld [smem:$0x0];
	_ =	sdelay $0x2  }
0xbc: {  	s31 =	sshll.u32 s1, $0xD;
	s1 =	sshrl.u32 s1, $0x2  }
0xbd: {  	s3 =	sand.u32 $0x4000, s31;
	s1 =	sadd.s32 s1, s30  }
0xbe: {  	s0 =	sor.u32 s3, s0;
	s1 =	sshll.u32 s1, $0x11  }
0xbf: {  	s0 =	sor.u32 s1, s0  }
0xc0: {  	s0 =	sadd.s32 $0x8F2B, s0  }
0xc1: {  	[sflag:s0] =	ssyncadd.remote.s32 $0x1  }
0xc2: {  	_ =	sfence.sel $0xFFFF  }
0xc3: {  	[dreg:$0x0] =	wrdreg $0xFFFFFFFF;
	(pc) =	sbr.abs _section_cstart, $3  }
0xc4: {  	[dreg:$0x1] =	wrdreg $0xFFFFFFFF  }
0xc5: {  	_ =	task.clear_ibuf [dreg:s8], $0x2FFFF;
	_ =	strace $0x9FFFFFFF  }
0xc6: {  	(tm) =	ssettm $0x7FFFFFFF  }
0xc7: {  	_ =	shalt  }
tec
execute0_lowered:
.L_overlay_start_1:
0x0: {  	(tag) =	ssettag $0x1  }
0x1: {  	s1 =	rddreg [dreg:$0x0]  }
0x2: {  	s0 =	rddreg [dreg:$0x1]  }
0x3: {  	s8 =	rddreg [dreg:$0x2]  }
0x4: {  	s3 =	rddreg [dreg:$0x3]  }
0x5: {  	s4 =	rddreg [dreg:$0x4];
	s2 =	srdreg.scid  }
0x6: {  	s19 =	stileid.u32;
	s5 =	simm.s32 $0x0;
	s29 =	simm.s32 $0x7780  }
0x7: {  	s30 =	simm.s32 $0x2;
	s9 =	sand.u32 $0x1, s2;
	s10 =	smul.u32 $0x280, s19  }
0x8: {  	[smem:$0x7FF] =	sst s5;
	s6 =	sadd.s32 $0xBE00, s0;
	s16 =	smul.u32 $0x50000, s19  }
0x9: {  	s2 =	smul.u32 $0x2800, s9;
	s7 =	sshll.u32 s9, $0x4;
	s21 =	ssub.s32 $0x2, s9  }
0xa: {  	_ =	strace $0x80000047;
	s7 =	sor.u32 s19, s7;
	s14 =	sshrl.u32 s21, $0x1  }
0xb: {  	s11 =	sadd.s32 s10, s2;
	s12 =	smul.u32 $0x2710, s7;
	s7 =	sadd.s32 $0x2000, s0  }
0xc: {  	s2 =	ssub.s32 s21, s14;
	s21 =	sshrl.u32 s16, $0x2;
	s13 =	sshll.u32 s11, $0x4  }
0xd: {  	s28 =	sadd.s32 s21, s3;
	s11 =	sshll.u32 s11, $0x1;
	s0 =	sadd.s32 s13, s0  }
0xe: {  	s22 =	sshrl.u32 s12, $0x3;
	s8 =	sadd.s32 s8, s11;
	[dreg:$0x11] =	wrdreg s28  }
0xf: {  	s23 =	sadd.s32 s6, s22;
	s24 =	sadd.s32 s7, s22;
	[dreg:$0x12] =	wrdreg s8  }
0x10: {  	s25 =	sadd.s32 $0xA, s22;
	s26 =	sadd.s32 $0x14, s22;
	[dreg:$0x9] =	wrdreg s23  }
0x11: {  	s13 =	sadd.s32 $0x1E, s22;
	s22 =	sadd.s32 $0x190, s12;
	[dreg:$0xa] =	wrdreg s24  }
0x12: {  	s31 =	simm.s32 $0x2A80;
	s0 =	sadd.s32 $0x15C00, s0;
	[dreg:$0x6] =	wrdreg s22  }
0x13: {  	s9 =	smul.u32 $0x27100, s9;
	s15 =	sadd.s32 s6, s25;
	[smem:$0x7FB] =	sst s0  }
0x14: {  	s8 =	sadd.s32 $0x80, s10;
	s14 =	sadd.s32 s7, s25;
	[dreg:$0xb] =	wrdreg s15  }
0x15: {  	s17 =	sadd.s32 s6, s26;
	s18 =	sadd.s32 s7, s26;
	[dreg:$0xc] =	wrdreg s14  }
0x16: {  	s20 =	sadd.s32 s6, s13;
	s13 =	sadd.s32 s7, s13;
	[dreg:$0xd] =	wrdreg s17  }
0x17: {  	s23 =	sadd.s32 $0x1E0, s12;
	s12 =	sadd.s32 $0x230, s12;
	[dreg:$0xe] =	wrdreg s18  }
0x18: {  	s24 =	smul.u32 $0x2710, s19;
	s26 =	sshll.u32 s8, $0x7;
	[dreg:$0xf] =	wrdreg s20  }
0x19: {  	s22 =	sadd.s32 $0x1C0, s10;
	s19 =	smul.u32 $0xA000, s19;
	[dreg:$0x10] =	wrdreg s13  }
0x1a: {  	s8 =	sshll.u32 s8, $0x4;
	s0 =	simm.s32 $0x5;
	[dreg:$0x7] =	wrdreg s23  }
0x1b: {  	s14 =	sor.u32 $0x40, s10;
	[dreg:$0x8] =	wrdreg s12;
	s12 =	sadd.s32 $0xC0, s10  }
0x1c: {  	s11 =	sadd.s32 s26, s3;
	s17 =	sadd.s32 $0x180, s10;
	s23 =	sadd.s32 $0x200, s10  }
0x1d: {  	s8 =	sadd.s32 s8, s4;
	s25 =	sshll.u32 s14, $0x7;
	s9 =	sadd.s32 s24, s9  }
0x1e: {  	[dreg:$0x14] =	wrdreg s11;
	s15 =	sshll.u32 s12, $0x7;
	s21 =	sshll.u32 s17, $0x7  }
0x1f: {  	s24 =	sshll.u32 s23, $0x7;
	s26 =	sshrl.u32 s19, $0x2;
	s14 =	sshll.u32 s14, $0x4  }
0x20: {  	[dreg:$0x1e] =	wrdreg s8;
	s12 =	sshll.u32 s12, $0x4;
	s13 =	sadd.s32 s25, s3  }
0x21: {  	s11 =	sadd.s32 s15, s3;
	s14 =	sadd.s32 s14, s4;
	[dreg:$0x13] =	wrdreg s13  }
0x22: {  	s8 =	sadd.s32 s12, s4;
	[dreg:$0x15] =	wrdreg s11;
	s11 =	sadd.s32 $0x100, s10  }
0x23: {  	s13 =	sadd.s32 $0x140, s10;
	s10 =	sadd.s32 $0x240, s10;
	[dreg:$0x1d] =	wrdreg s14  }
0x24: {  	[dreg:$0x1f] =	wrdreg s8;
	s16 =	sshll.u32 s11, $0x7;
	s18 =	sshll.u32 s13, $0x7  }
0x25: {  	s14 =	sshll.u32 s11, $0x4;
	s11 =	simm.s32 $0x0;
	s15 =	sadd.s32 s16, s3  }
0x26: {  	s20 =	sadd.s32 s18, s3;
	s18 =	sshll.u32 s22, $0x7;
	[dreg:$0x16] =	wrdreg s15  }
0x27: {  	s8 =	sadd.s32 s14, s4;
	[dreg:$0x17] =	wrdreg s20;
	s15 =	sadd.s32 s21, s3  }
0x28: {  	s18 =	sadd.s32 s18, s3;
	s20 =	sshll.u32 s10, $0x7;
	[smem:$0x7F5] =	sst s8  }
0x29: {  	s21 =	sshll.u32 s22, $0x4;
	s22 =	sshll.u32 s23, $0x4;
	[dreg:$0x18] =	wrdreg s15  }
0x2a: {  	[dreg:$0x19] =	wrdreg s18;
	s18 =	sadd.s32 s24, s3;
	s25 =	sadd.s32 s20, s3  }
0x2b: {  	s20 =	sshll.u32 s17, $0x4;
	s23 =	sadd.s32 s22, s4;
	s24 =	sshll.u32 s10, $0x4  }
0x2c: {  	s15 =	simm.s32 $0x50;
	s17 =	simm.s32 $0xA0;
	[dreg:$0x1a] =	wrdreg s18  }
0x2d: {  	s22 =	simm.s32 $0x230;
	s10 =	simm.s32 $0x4;
	[dreg:$0x1b] =	wrdreg s25  }
0x2e: {  	s18 =	sadd.s32 s26, s4;
	s8 =	sadd.s32 s20, s4;
	[smem:$0x7F9] =	sst s23  }
0x2f: {  	s25 =	smax.u32 s2, $0x1;
	s26 =	sadd.s32 $0x140, s9;
	[dreg:$0x1c] =	wrdreg s18  }
0x30: {  	s20 =	simm.s32 $0x190;
	s23 =	simm.s32 $0x1;
	[smem:$0x7F7] =	sst s8  }
0x31: {  	s2 =	simm.s32 $0x7280;
	s9 =	simm.s32 $0x6;
	[smem:$0x7FC] =	sst s25  }
0x32: {  	s18 =	sshll.u32 s13, $0x4;
	s8 =	sadd.s32 s21, s4;
	[smem:$0x7FD] =	sst s26  }
0x33: {  	s21 =	simm.s32 $0x1E0;
	s25 =	simm.s32 $0x5280;
	s26 =	simm.s32 $0x7  }
0x34: {  	s19 =	sadd.s32 s18, s4;
	[smem:$0x7F8] =	sst s8;
	s8 =	sadd.s32 s24, s4  }
0x35: {  	s18 =	simm.s32 $0xF0;
	s24 =	simm.s32 $0x280;
	[smem:$0x7F6] =	sst s19  }
0x36: {  	v0 =	vimm.f32 $0.0e+00;
	v1 =	vimm.f32 $1.000000000e+00;
	[smem:$0x7FA] =	sst s8;
	s19 =	simm.s32 $0x140;
	s8 =	simm.s32 $0x3  }
.LBB2_1:
0x37: {  	s12 =	rddreg [dreg:$0x9]  }
0x38: {  	[tilespmem:s5], [sflag:$0x1] =	stream.linear.gather [hbm4b:s12+s5], $0x50, $0x38;
	[tilespmem:$0x1E380] =	vst v63  }
0x39: {  	s16 =	rddreg [dreg:$0xa]  }
0x3a: {  	[tilespmem:s15], [sflag:$0x1] =	stream.linear.gather [hbm4b:s16+s5], $0x50, $0x38;
	[tilespmem:$0x1E380] =	vst v63  }
0x3b: {  	s13 =	rddreg [dreg:$0xb]  }
0x3c: {  	[tilespmem:s17], [sflag:$0x2] =	stream.linear.gather [hbm4b:s13+s5], $0x50, $0x38;
	[tilespmem:$0x1E380] =	vst v63  }
0x3d: {  	s14 =	rddreg [dreg:$0xc]  }
0x3e: {  	[tilespmem:s18], [sflag:$0x2] =	stream.linear.gather [hbm4b:s14+s5], $0x50, $0x38;
	[tilespmem:$0x1E380] =	vst v63  }
0x3f: {  	s16 =	rddreg [dreg:$0xd]  }
0x40: {  	[tilespmem:s19], [sflag:$0x3] =	stream.linear.gather [hbm4b:s16+s5], $0x50, $0x38;
	[tilespmem:$0x1E380] =	vst v63  }
0x41: {  	s13 =	rddreg [dreg:$0xe]  }
0x42: {  	[tilespmem:s20], [sflag:$0x3] =	stream.linear.gather [hbm4b:s13+s5], $0x50, $0x38;
	[tilespmem:$0x1E380] =	vst v63  }
0x43: {  	s14 =	rddreg [dreg:$0xf]  }
0x44: {  	[tilespmem:s21], [sflag:$0x4] =	stream.linear.gather [hbm4b:s14+s5], $0x50, $0x38;
	[tilespmem:$0x1E380] =	vst v63  }
0x45: {  	s16 =	rddreg [dreg:$0x10]  }
0x46: {  	[tilespmem:s22], [sflag:$0x4] =	stream.linear.gather [hbm4b:s16+s5], $0x50, $0x38;
	[tilespmem:$0x1E380] =	vst v63  }
0x47: {  	_ =	swait.ge [sflag:s23], $0x50  }
0x48: {  	[sflag:s23] =	ssyncset.done $0x0  }
0x49: {  	[sflag:s23] =	ssyncadd.s32 $0xFFFFFFB0  }
0x4a: {  	_ =	swait.ge [sflag:s23], $0x50  }
0x4b: {  	[sflag:s23] =	ssyncset.done $0x0  }
0x4c: {  	s12 =	simm.s32 $0x0;
	s13 =	simm.s32 $0x200;
	[sflag:s23] =	ssyncadd.s32 $0xFFFFFFB0  }
0x4d: {  	[tilespmem:s24], [sflag:$0x5] =	stream.indirect.gather [hbm4b:s1+s15], $0x80, s5, s15, $0xb8;
	[tilespmem:$0x1E380] =	vst v63  }
.LBB2_2:
0x4e: {  	p0 =	sne.s32 s13, $0x7E00;
	[tilespmem:s12+$0x52F0] =	vst v0  }
0x4f: {  	[tilespmem:s12+$0x5280] =	vst v0  }
0x50: {  	[tilespmem:s12+$0x5290] =	vst v0  }
.Ltmp0:
0x51: {  	[tilespmem:s12+$0x52A0] =	vst v0;
	(pc) =	sbr.rel @p0 .LBB2_2-.Ltmp0, $4  }
0x52: {  	[tilespmem:s12+$0x52B0] =	vst v0  }
0x53: {  	[tilespmem:s12+$0x52C0] =	vst v0  }
0x54: {  	[tilespmem:s12+$0x52D0] =	vst v0  }
0x55: {  	[tilespmem:s12+$0x52E0] =	vst v0;
	s12 =	sshra.s32 s13, $0x2;
	s13 =	sadd.s32 $0x200, s13  }
0x56: {  	[tilespmem:s12+$0x52F0] =	vst v0  }
0x57: {  	[tilespmem:s12+$0x5280] =	vst v0  }
0x58: {  	[tilespmem:s12+$0x5290] =	vst v0  }
0x59: {  	[tilespmem:s12+$0x52A0] =	vst v0  }
0x5a: {  	[tilespmem:s12+$0x52B0] =	vst v0  }
0x5b: {  	[tilespmem:s12+$0x52C0] =	vst v0  }
0x5c: {  	[tilespmem:s12+$0x52D0] =	vst v0  }
0x5d: {  	[tilespmem:s12+$0x52E0] =	vst v0  }
0x5e: {  	[spmem:s28] =	stream.linear.scatter [tilespmem:s25], [sflag:$0x7], $0x2000, $0x38;
	[tilespmem:$0x1E380] =	vst v63  }
0x5f: {  	_ =	swait.ge [sflag:s26], $0x2000  }
0x60: {  	[sflag:s26] =	ssyncset.done $0x0  }
0x61: {  	s28 =	rddreg [dreg:$0x13];
	[sflag:s26] =	ssyncadd.s32 $0xFFFFE000  }
0x62: {  	[spmem:s28] =	stream.linear.scatter [tilespmem:s25], [sflag:$0x7], $0x2000, $0x38;
	[tilespmem:$0x1E380] =	vst v63  }
0x63: {  	_ =	swait.ge [sflag:s26], $0x2000  }
0x64: {  	[sflag:s26] =	ssyncset.done $0x0  }
0x65: {  	s13 =	rddreg [dreg:$0x14];
	[sflag:s26] =	ssyncadd.s32 $0xFFFFE000  }
0x66: {  	[spmem:s13] =	stream.linear.scatter [tilespmem:s25], [sflag:$0x7], $0x2000, $0x38;
	[tilespmem:$0x1E380] =	vst v63  }
0x67: {  	_ =	swait.ge [sflag:s26], $0x2000  }
0x68: {  	[sflag:s26] =	ssyncset.done $0x0  }
0x69: {  	s14 =	rddreg [dreg:$0x15];
	[sflag:s26] =	ssyncadd.s32 $0xFFFFE000  }
0x6a: {  	[spmem:s14] =	stream.linear.scatter [tilespmem:s25], [sflag:$0x7], $0x2000, $0x38;
	[tilespmem:$0x1E380] =	vst v63  }
0x6b: {  	_ =	swait.ge [sflag:s26], $0x2000  }
0x6c: {  	[sflag:s26] =	ssyncset.done $0x0  }
0x6d: {  	s16 =	rddreg [dreg:$0x16];
	[sflag:s26] =	ssyncadd.s32 $0xFFFFE000  }
0x6e: {  	[spmem:s16] =	stream.linear.scatter [tilespmem:s25], [sflag:$0x7], $0x2000, $0x38;
	[tilespmem:$0x1E380] =	vst v63  }
0x6f: {  	_ =	swait.ge [sflag:s26], $0x2000  }
0x70: {  	[sflag:s26] =	ssyncset.done $0x0  }
0x71: {  	s28 =	rddreg [dreg:$0x17];
	[sflag:s26] =	ssyncadd.s32 $0xFFFFE000  }
0x72: {  	[spmem:s28] =	stream.linear.scatter [tilespmem:s25], [sflag:$0x7], $0x2000, $0x38;
	[tilespmem:$0x1E380] =	vst v63  }
0x73: {  	_ =	swait.ge [sflag:s26], $0x2000  }
0x74: {  	[sflag:s26] =	ssyncset.done $0x0  }
0x75: {  	s13 =	rddreg [dreg:$0x18];
	[sflag:s26] =	ssyncadd.s32 $0xFFFFE000  }
0x76: {  	[spmem:s13] =	stream.linear.scatter [tilespmem:s25], [sflag:$0x7], $0x2000, $0x38;
	[tilespmem:$0x1E380] =	vst v63  }
0x77: {  	_ =	swait.ge [sflag:s26], $0x2000  }
0x78: {  	[sflag:s26] =	ssyncset.done $0x0  }
0x79: {  	s14 =	rddreg [dreg:$0x19];
	[sflag:s26] =	ssyncadd.s32 $0xFFFFE000  }
0x7a: {  	[spmem:s14] =	stream.linear.scatter [tilespmem:s25], [sflag:$0x7], $0x2000, $0x38;
	[tilespmem:$0x1E380] =	vst v63  }
0x7b: {  	_ =	swait.ge [sflag:s26], $0x2000  }
0x7c: {  	[sflag:s26] =	ssyncset.done $0x0  }
0x7d: {  	s16 =	rddreg [dreg:$0x1a];
	[sflag:s26] =	ssyncadd.s32 $0xFFFFE000  }
0x7e: {  	[spmem:s16] =	stream.linear.scatter [tilespmem:s25], [sflag:$0x7], $0x2000, $0x38;
	[tilespmem:$0x1E380] =	vst v63  }
0x7f: {  	_ =	swait.ge [sflag:s26], $0x2000  }
0x80: {  	[sflag:s26] =	ssyncset.done $0x0  }
0x81: {  	s28 =	rddreg [dreg:$0x1b];
	[sflag:s26] =	ssyncadd.s32 $0xFFFFE000  }
0x82: {  	[spmem:s28] =	stream.linear.scatter [tilespmem:s25], [sflag:$0x7], $0x2000, $0x38;
	[tilespmem:$0x1E380] =	vst v63  }
0x83: {  	_ =	swait.ge [sflag:s26], $0x2000  }
0x84: {  	[sflag:s26] =	ssyncset.done $0x0  }
0x85: {  	s12 =	simm.s32 $0x40;
	s13 =	simm.s32 $0x0;
	[sflag:s26] =	ssyncadd.s32 $0xFFFFE000  }
.LBB2_4:
0x86: {  	p0 =	sne.s32 s12, $0x13C0;
	[tilespmem:s13+$0x7280] =	vst v1;
	s13 =	smov.u32 s12;
	s12 =	sadd.s32 $0x40, s12  }
.Ltmp1:
0x87: {  	(pc) =	sbr.rel @p0 .LBB2_4-.Ltmp1, $2  }
0x88: {  	_ =	sdelay $0x2  }
0x89: {  	s13 =	sshra.s32 s13, $0x2  }
0x8a: {  	[tilespmem:s13+$0x7280] =	vst v1;
	s12 =	simm.s32 $0x40;
	s13 =	simm.s32 $0x0  }
.LBB2_6:
0x8b: {  	p0 =	sne.s32 s12, $0xFC0;
	[tilespmem:s13+$0x7780] =	vst v0;
	s13 =	smov.u32 s12;
	s12 =	sadd.s32 $0x40, s12  }
.Ltmp2:
0x8c: {  	(pc) =	sbr.rel @p0 .LBB2_6-.Ltmp2, $2  }
0x8d: {  	_ =	sdelay $0x2  }
0x8e: {  	s13 =	sshra.s32 s13, $0x2  }
0x8f: {  	[tilespmem:s13+$0x7780] =	vst v0;
	s12 =	rddreg [dreg:$0x1c]  }
0x90: {  	[spmem:s12] =	stream.linear.scatter [tilespmem:s29], [sflag:$0x7], $0x400, $0x38;
	[tilespmem:$0x1E380] =	vst v63  }
0x91: {  	_ =	swait.ge [sflag:s26], $0x400  }
0x92: {  	[sflag:s26] =	ssyncset.done $0x0  }
0x93: {  	s16 =	rddreg [dreg:$0x1d];
	[sflag:s26] =	ssyncadd.s32 $0xFFFFFC00  }
0x94: {  	[spmem:s16] =	stream.linear.scatter [tilespmem:s29], [sflag:$0x7], $0x400, $0x38;
	[tilespmem:$0x1E380] =	vst v63  }
0x95: {  	_ =	swait.ge [sflag:s26], $0x400  }
0x96: {  	[sflag:s26] =	ssyncset.done $0x0  }
0x97: {  	s28 =	rddreg [dreg:$0x1e];
	[sflag:s26] =	ssyncadd.s32 $0xFFFFFC00  }
0x98: {  	[spmem:s28] =	stream.linear.scatter [tilespmem:s29], [sflag:$0x7], $0x400, $0x38;
	[tilespmem:$0x1E380] =	vst v63  }
0x99: {  	_ =	swait.ge [sflag:s26], $0x400  }
0x9a: {  	[sflag:s26] =	ssyncset.done $0x0  }
0x9b: {  	s13 =	rddreg [dreg:$0x1f];
	[sflag:s26] =	ssyncadd.s32 $0xFFFFFC00  }
0x9c: {  	[spmem:s13] =	stream.linear.scatter [tilespmem:s29], [sflag:$0x7], $0x400, $0x38;
	[tilespmem:$0x1E380] =	vst v63  }
0x9d: {  	_ =	swait.ge [sflag:s26], $0x400  }
0x9e: {  	s14 =	sld [smem:$0x7F5]  }
0x9f: {  	[sflag:s26] =	ssyncset.done $0x0  }
0xa0: {  	[sflag:s26] =	ssyncadd.s32 $0xFFFFFC00  }
0xa1: {  	[spmem:s14] =	stream.linear.scatter [tilespmem:s29], [sflag:$0x7], $0x400, $0x38;
	[tilespmem:$0x1E380] =	vst v63  }
0xa2: {  	_ =	swait.ge [sflag:s26], $0x400  }
0xa3: {  	s16 =	sld [smem:$0x7F6]  }
0xa4: {  	[sflag:s26] =	ssyncset.done $0x0  }
0xa5: {  	[sflag:s26] =	ssyncadd.s32 $0xFFFFFC00  }
0xa6: {  	[spmem:s16] =	stream.linear.scatter [tilespmem:s29], [sflag:$0x7], $0x400, $0x38;
	[tilespmem:$0x1E380] =	vst v63  }
0xa7: {  	_ =	swait.ge [sflag:s26], $0x400  }
0xa8: {  	s28 =	sld [smem:$0x7F7]  }
0xa9: {  	[sflag:s26] =	ssyncset.done $0x0  }
0xaa: {  	[sflag:s26] =	ssyncadd.s32 $0xFFFFFC00  }
0xab: {  	[spmem:s28] =	stream.linear.scatter [tilespmem:s29], [sflag:$0x7], $0x400, $0x38;
	[tilespmem:$0x1E380] =	vst v63  }
0xac: {  	_ =	swait.ge [sflag:s26], $0x400  }
0xad: {  	s13 =	sld [smem:$0x7F8]  }
0xae: {  	[sflag:s26] =	ssyncset.done $0x0  }
0xaf: {  	[sflag:s26] =	ssyncadd.s32 $0xFFFFFC00  }
0xb0: {  	[spmem:s13] =	stream.linear.scatter [tilespmem:s29], [sflag:$0x7], $0x400, $0x38;
	[tilespmem:$0x1E380] =	vst v63  }
0xb1: {  	_ =	swait.ge [sflag:s26], $0x400  }
0xb2: {  	s14 =	sld [smem:$0x7F9]  }
0xb3: {  	[sflag:s26] =	ssyncset.done $0x0  }
0xb4: {  	[sflag:s26] =	ssyncadd.s32 $0xFFFFFC00  }
0xb5: {  	[spmem:s14] =	stream.linear.scatter [tilespmem:s29], [sflag:$0x7], $0x400, $0x38;
	[tilespmem:$0x1E380] =	vst v63  }
0xb6: {  	_ =	swait.ge [sflag:s26], $0x400  }
0xb7: {  	s16 =	sld [smem:$0x7FA]  }
0xb8: {  	[sflag:s26] =	ssyncset.done $0x0  }
0xb9: {  	[sflag:s26] =	ssyncadd.s32 $0xFFFFFC00  }
0xba: {  	[spmem:s16] =	stream.linear.scatter [tilespmem:s29], [sflag:$0x7], $0x400, $0x38;
	[tilespmem:$0x1E380] =	vst v63  }
0xbb: {  	_ =	swait.ge [sflag:s26], $0x400  }
0xbc: {  	[sflag:s26] =	ssyncset.done $0x0  }
0xbd: {  	[sflag:s26] =	ssyncadd.s32 $0xFFFFFC00  }
0xbe: {  	[bflag:$0x0] =	sbarrier.arrive $0xFFFF  }
0xbf: {  	_ =	swait.ge [sflag:s30], $0x50  }
0xc0: {  	[sflag:s30] =	ssyncset.done $0x0  }
0xc1: {  	[sflag:s30] =	ssyncadd.s32 $0xFFFFFFB0  }
0xc2: {  	_ =	swait.ge [sflag:s30], $0x50  }
0xc3: {  	[sflag:s30] =	ssyncset.done $0x0  }
0xc4: {  	[sflag:s30] =	ssyncadd.s32 $0xFFFFFFB0  }
0xc5: {  	[tilespmem:s31], [sflag:$0x6] =	stream.indirect.gather [hbm4b:s1+s15], $0x80, s17, s15, $0xb8;
	[tilespmem:$0x1E380] =	vst v63  }
0xc6: {  	_ =	swait.ge [sflag:s0], $0x2800  }
0xc7: {  	[sflag:s0] =	ssyncset.done $0x0  }
0xc8: {  	[sflag:s0] =	ssyncadd.s32 $0xFFFFD800  }
0xc9: {  	[spmem:s3] =	stream.indirect.scatter.add.f32 [tilespmem:s24], [sflag:$0x7], $0x80, s15, s15, $0xb8;
	[tilespmem:$0x1E380] =	vst v63  }
0xca: {  	_ =	swait.ge [sflag:s26], $0x2800  }
0xcb: {  	[sflag:s26] =	ssyncset.done $0x0  }
0xcc: {  	[sflag:s26] =	ssyncadd.s32 $0xFFFFD800  }
0xcd: {  	[spmem:s4] =	stream.indirect.scatter.add.f32 [tilespmem:s2], [sflag:$0x7], $0x10, s15, s15, $0xb8;
	[tilespmem:$0x1E380] =	vst v63  }
0xce: {  	_ =	swait.ge [sflag:s26], $0x500  }
0xcf: {  	s14 =	sld [smem:$0x7FD];
	_ =	sdelay $0x2  }
0xd0: {  	[sflag:s26] =	ssyncset.done $0x0;
	s28 =	sshrl.u32 s14, $0x3  }
0xd1: {  	[sflag:s26] =	ssyncadd.s32 $0xFFFFFB00;
	s16 =	sadd.s32 s6, s28  }
0xd2: {  	[tilespmem:s5], [sflag:$0x1] =	stream.linear.gather [hbm4b:s16+s5], $0x50, $0x38;
	[tilespmem:$0x1E380] =	vst v63  }
0xd3: {  	s12 =	sadd.s32 s7, s28  }
0xd4: {  	[tilespmem:s15], [sflag:$0x1] =	stream.linear.gather [hbm4b:s12+s5], $0x50, $0x38;
	[tilespmem:$0x1E380] =	vst v63  }
0xd5: {  	_ =	swait.ge [sflag:s8], $0x50  }
0xd6: {  	[sflag:s8] =	ssyncset.done $0x0  }
0xd7: {  	[sflag:s8] =	ssyncadd.s32 $0xFFFFFFB0  }
0xd8: {  	_ =	swait.ge [sflag:s8], $0x50  }
0xd9: {  	[sflag:s8] =	ssyncset.done $0x0  }
0xda: {  	[sflag:s8] =	ssyncadd.s32 $0xFFFFFFB0  }
0xdb: {  	[tilespmem:s24], [sflag:$0x5] =	stream.indirect.gather [hbm4b:s1+s15], $0x80, s19, s15, $0xb8;
	[tilespmem:$0x1E380] =	vst v63  }
0xdc: {  	_ =	swait.ge [sflag:s9], $0x2800  }
0xdd: {  	[sflag:s9] =	ssyncset.done $0x0  }
0xde: {  	[sflag:s9] =	ssyncadd.s32 $0xFFFFD800  }
0xdf: {  	[spmem:s3] =	stream.indirect.scatter.add.f32 [tilespmem:s31], [sflag:$0x7], $0x80, s18, s15, $0xb8;
	[tilespmem:$0x1E380] =	vst v63  }
0xe0: {  	_ =	swait.ge [sflag:s26], $0x2800  }
0xe1: {  	s12 =	simm.s32 $0x0;
	[sflag:s26] =	ssyncset.done $0x0  }
0xe2: {  	s28 =	smin.u32 s12, $0x77;
	[sflag:s26] =	ssyncadd.s32 $0xFFFFD800  }
0xe3: {  	[spmem:s4] =	stream.indirect.scatter.add.f32 [tilespmem:s2], [sflag:$0x7], $0x10, s18, s15, $0xb8;
	[tilespmem:$0x1E380] =	vst v63  }
0xe4: {  	s13 =	smul.u32 $0x50, s28;
	_ =	swait.ge [sflag:s26], $0x500  }
0xe5: {  	s16 =	rddreg [dreg:$0x6]  }
0xe6: {  	s13 =	sadd.s32 s13, s16  }
0xe7: {  	[sflag:s26] =	ssyncset.done $0x0;
	s13 =	sshrl.u32 s13, $0x3  }
0xe8: {  	[sflag:s26] =	ssyncadd.s32 $0xFFFFFB00;
	s28 =	sadd.s32 s6, s13  }
0xe9: {  	[tilespmem:s17], [sflag:$0x2] =	stream.linear.gather [hbm4b:s28+s5], $0x50, $0x38;
	[tilespmem:$0x1E380] =	vst v63  }
0xea: {  	s13 =	sadd.s32 s7, s13  }
0xeb: {  	[tilespmem:s18], [sflag:$0x2] =	stream.linear.gather [hbm4b:s13+s5], $0x50, $0x38;
	[tilespmem:$0x1E380] =	vst v63  }
0xec: {  	_ =	swait.ge [sflag:s10], $0x50  }
0xed: {  	[sflag:s10] =	ssyncset.done $0x0  }
0xee: {  	[sflag:s10] =	ssyncadd.s32 $0xFFFFFFB0  }
0xef: {  	_ =	swait.ge [sflag:s10], $0x50  }
0xf0: {  	[sflag:s10] =	ssyncset.done $0x0  }
0xf1: {  	[sflag:s10] =	ssyncadd.s32 $0xFFFFFFB0  }
0xf2: {  	[tilespmem:s31], [sflag:$0x6] =	stream.indirect.gather [hbm4b:s1+s15], $0x80, s21, s15, $0xb8;
	[tilespmem:$0x1E380] =	vst v63  }
0xf3: {  	_ =	swait.ge [sflag:s0], $0x2800  }
0xf4: {  	[sflag:s0] =	ssyncset.done $0x0  }
0xf5: {  	[sflag:s0] =	ssyncadd.s32 $0xFFFFD800  }
0xf6: {  	[spmem:s3] =	stream.indirect.scatter.add.f32 [tilespmem:s24], [sflag:$0x7], $0x80, s20, s15, $0xb8;
	[tilespmem:$0x1E380] =	vst v63  }
0xf7: {  	_ =	swait.ge [sflag:s26], $0x2800  }
0xf8: {  	[sflag:s26] =	ssyncset.done $0x0  }
0xf9: {  	s16 =	smin.u32 s12, $0x76;
	[sflag:s26] =	ssyncadd.s32 $0xFFFFD800  }
0xfa: {  	[spmem:s4] =	stream.indirect.scatter.add.f32 [tilespmem:s2], [sflag:$0x7], $0x10, s20, s15, $0xb8;
	[tilespmem:$0x1E380] =	vst v63  }
0xfb: {  	s13 =	smul.u32 $0x50, s16;
	_ =	swait.ge [sflag:s26], $0x500  }
0xfc: {  	s28 =	rddreg [dreg:$0x7]  }
0xfd: {  	s13 =	sadd.s32 s13, s28  }
0xfe: {  	[sflag:s26] =	ssyncset.done $0x0;
	s13 =	sshrl.u32 s13, $0x3  }
0xff: {  	[sflag:s26] =	ssyncadd.s32 $0xFFFFFB00;
	s28 =	sadd.s32 s6, s13  }
0x100: {  	[tilespmem:s19], [sflag:$0x3] =	stream.linear.gather [hbm4b:s28+s5], $0x50, $0x38;
	[tilespmem:$0x1E380] =	vst v63  }
0x101: {  	s13 =	sadd.s32 s7, s13  }
0x102: {  	[tilespmem:s20], [sflag:$0x3] =	stream.linear.gather [hbm4b:s13+s5], $0x50, $0x38;
	[tilespmem:$0x1E380] =	vst v63  }
0x103: {  	_ =	swait.ge [sflag:s23], $0x50  }
0x104: {  	[sflag:s23] =	ssyncset.done $0x0  }
0x105: {  	[sflag:s23] =	ssyncadd.s32 $0xFFFFFFB0  }
0x106: {  	_ =	swait.ge [sflag:s23], $0x50  }
0x107: {  	[sflag:s23] =	ssyncset.done $0x0  }
0x108: {  	[sflag:s23] =	ssyncadd.s32 $0xFFFFFFB0  }
0x109: {  	[tilespmem:s24], [sflag:$0x5] =	stream.indirect.gather [hbm4b:s1+s15], $0x80, s5, s15, $0xb8;
	[tilespmem:$0x1E380] =	vst v63  }
0x10a: {  	_ =	swait.ge [sflag:s9], $0x2800  }
0x10b: {  	[sflag:s9] =	ssyncset.done $0x0  }
0x10c: {  	[sflag:s9] =	ssyncadd.s32 $0xFFFFD800  }
0x10d: {  	[spmem:s3] =	stream.indirect.scatter.add.f32 [tilespmem:s31], [sflag:$0x7], $0x80, s22, s15, $0xb8;
	[tilespmem:$0x1E380] =	vst v63  }
0x10e: {  	_ =	swait.ge [sflag:s26], $0x2800  }
0x10f: {  	[sflag:s26] =	ssyncset.done $0x0  }
0x110: {  	s12 =	smin.u32 s12, $0x75;
	[sflag:s26] =	ssyncadd.s32 $0xFFFFD800  }
0x111: {  	[spmem:s4] =	stream.indirect.scatter.add.f32 [tilespmem:s2], [sflag:$0x7], $0x10, s22, s15, $0xb8;
	[tilespmem:$0x1E380] =	vst v63  }
0x112: {  	s12 =	smul.u32 $0x50, s12;
	_ =	swait.ge [sflag:s26], $0x500  }
0x113: {  	s28 =	rddreg [dreg:$0x8]  }
0x114: {  	s12 =	sadd.s32 s12, s28  }
0x115: {  	[sflag:s26] =	ssyncset.done $0x0;
	s13 =	sshrl.u32 s12, $0x3  }
0x116: {  	[sflag:s26] =	ssyncadd.s32 $0xFFFFFB00;
	s12 =	sadd.s32 s6, s13  }
0x117: {  	[tilespmem:s21], [sflag:$0x4] =	stream.linear.gather [hbm4b:s12+s5], $0x50, $0x38;
	[tilespmem:$0x1E380] =	vst v63  }
0x118: {  	s16 =	sadd.s32 s7, s13;
	s13 =	sadd.s32 $0x140, s14;
	s12 =	simm.s32 $0x4  }
.LBB2_8:
0x119: {  	[tilespmem:s22], [sflag:$0x4] =	stream.linear.gather [hbm4b:s16+s5], $0x50, $0x38;
	[tilespmem:$0x1E380] =	vst v63  }
0x11a: {  	_ =	swait.ge [sflag:s30], $0x50  }
0x11b: {  	[sflag:s30] =	ssyncset.done $0x0  }
0x11c: {  	[sflag:s30] =	ssyncadd.s32 $0xFFFFFFB0  }
0x11d: {  	_ =	swait.ge [sflag:s30], $0x50  }
0x11e: {  	[sflag:s30] =	ssyncset.done $0x0  }
0x11f: {  	[sflag:s30] =	ssyncadd.s32 $0xFFFFFFB0  }
0x120: {  	[tilespmem:s31], [sflag:$0x6] =	stream.indirect.gather [hbm4b:s1+s15], $0x80, s17, s15, $0xb8;
	[tilespmem:$0x1E380] =	vst v63  }
0x121: {  	_ =	swait.ge [sflag:s0], $0x2800  }
0x122: {  	[sflag:s0] =	ssyncset.done $0x0  }
0x123: {  	[sflag:s0] =	ssyncadd.s32 $0xFFFFD800  }
0x124: {  	[spmem:s3] =	stream.indirect.scatter.add.f32 [tilespmem:s24], [sflag:$0x7], $0x80, s15, s15, $0xb8;
	[tilespmem:$0x1E380] =	vst v63  }
0x125: {  	_ =	swait.ge [sflag:s26], $0x2800  }
0x126: {  	[sflag:s26] =	ssyncset.done $0x0  }
0x127: {  	[sflag:s26] =	ssyncadd.s32 $0xFFFFD800  }
0x128: {  	[spmem:s4] =	stream.indirect.scatter.add.f32 [tilespmem:s2], [sflag:$0x7], $0x10, s15, s15, $0xb8;
	[tilespmem:$0x1E380] =	vst v63  }
0x129: {  	_ =	swait.ge [sflag:s26], $0x500  }
0x12a: {  	s28 =	sshrl.u32 s13, $0x3;
	[sflag:s26] =	ssyncset.done $0x0  }
0x12b: {  	s14 =	sadd.s32 s6, s28;
	[sflag:s26] =	ssyncadd.s32 $0xFFFFFB00  }
0x12c: {  	[tilespmem:s5], [sflag:$0x1] =	stream.linear.gather [hbm4b:s14+s5], $0x50, $0x38;
	[tilespmem:$0x1E380] =	vst v63  }
0x12d: {  	s28 =	sadd.s32 s7, s28  }
0x12e: {  	[tilespmem:s15], [sflag:$0x1] =	stream.linear.gather [hbm4b:s28+s5], $0x50, $0x38;
	[tilespmem:$0x1E380] =	vst v63  }
0x12f: {  	_ =	swait.ge [sflag:s8], $0x50  }
0x130: {  	[sflag:s8] =	ssyncset.done $0x0  }
0x131: {  	[sflag:s8] =	ssyncadd.s32 $0xFFFFFFB0  }
0x132: {  	_ =	swait.ge [sflag:s8], $0x50  }
0x133: {  	[sflag:s8] =	ssyncset.done $0x0  }
0x134: {  	[sflag:s8] =	ssyncadd.s32 $0xFFFFFFB0  }
0x135: {  	[tilespmem:s24], [sflag:$0x5] =	stream.indirect.gather [hbm4b:s1+s15], $0x80, s19, s15, $0xb8;
	[tilespmem:$0x1E380] =	vst v63  }
0x136: {  	_ =	swait.ge [sflag:s9], $0x2800  }
0x137: {  	[sflag:s9] =	ssyncset.done $0x0  }
0x138: {  	[sflag:s9] =	ssyncadd.s32 $0xFFFFD800  }
0x139: {  	[spmem:s3] =	stream.indirect.scatter.add.f32 [tilespmem:s31], [sflag:$0x7], $0x80, s18, s15, $0xb8;
	[tilespmem:$0x1E380] =	vst v63  }
0x13a: {  	_ =	swait.ge [sflag:s26], $0x2800  }
0x13b: {  	s16 =	smov.u32 s12;
	[sflag:s26] =	ssyncset.done $0x0  }
0x13c: {  	s14 =	smin.u32 s16, $0x77;
	[sflag:s26] =	ssyncadd.s32 $0xFFFFD800  }
0x13d: {  	[spmem:s4] =	stream.indirect.scatter.add.f32 [tilespmem:s2], [sflag:$0x7], $0x10, s18, s15, $0xb8;
	[tilespmem:$0x1E380] =	vst v63  }
0x13e: {  	s14 =	smul.u32 $0x50, s14;
	_ =	swait.ge [sflag:s26], $0x500  }
0x13f: {  	s28 =	rddreg [dreg:$0x6]  }
0x140: {  	s14 =	sadd.s32 s14, s28  }
0x141: {  	[sflag:s26] =	ssyncset.done $0x0;
	s14 =	sshrl.u32 s14, $0x3  }
0x142: {  	[sflag:s26] =	ssyncadd.s32 $0xFFFFFB00;
	s28 =	sadd.s32 s6, s14  }
0x143: {  	[tilespmem:s17], [sflag:$0x2] =	stream.linear.gather [hbm4b:s28+s5], $0x50, $0x38;
	[tilespmem:$0x1E380] =	vst v63  }
0x144: {  	s14 =	sadd.s32 s7, s14  }
0x145: {  	[tilespmem:s18], [sflag:$0x2] =	stream.linear.gather [hbm4b:s14+s5], $0x50, $0x38;
	[tilespmem:$0x1E380] =	vst v63  }
0x146: {  	_ =	swait.ge [sflag:s10], $0x50  }
0x147: {  	[sflag:s10] =	ssyncset.done $0x0  }
0x148: {  	[sflag:s10] =	ssyncadd.s32 $0xFFFFFFB0  }
0x149: {  	_ =	swait.ge [sflag:s10], $0x50  }
0x14a: {  	[sflag:s10] =	ssyncset.done $0x0  }
0x14b: {  	[sflag:s10] =	ssyncadd.s32 $0xFFFFFFB0  }
0x14c: {  	[tilespmem:s31], [sflag:$0x6] =	stream.indirect.gather [hbm4b:s1+s15], $0x80, s21, s15, $0xb8;
	[tilespmem:$0x1E380] =	vst v63  }
0x14d: {  	_ =	swait.ge [sflag:s0], $0x2800  }
0x14e: {  	[sflag:s0] =	ssyncset.done $0x0  }
0x14f: {  	[sflag:s0] =	ssyncadd.s32 $0xFFFFD800  }
0x150: {  	[spmem:s3] =	stream.indirect.scatter.add.f32 [tilespmem:s24], [sflag:$0x7], $0x80, s20, s15, $0xb8;
	[tilespmem:$0x1E380] =	vst v63  }
0x151: {  	_ =	swait.ge [sflag:s26], $0x2800  }
0x152: {  	[sflag:s26] =	ssyncset.done $0x0  }
0x153: {  	s14 =	smin.u32 s16, $0x76;
	[sflag:s26] =	ssyncadd.s32 $0xFFFFD800  }
0x154: {  	[spmem:s4] =	stream.indirect.scatter.add.f32 [tilespmem:s2], [sflag:$0x7], $0x10, s20, s15, $0xb8;
	[tilespmem:$0x1E380] =	vst v63  }
0x155: {  	s14 =	smul.u32 $0x50, s14;
	_ =	swait.ge [sflag:s26], $0x500  }
0x156: {  	s28 =	rddreg [dreg:$0x7]  }
0x157: {  	s14 =	sadd.s32 s14, s28  }
0x158: {  	[sflag:s26] =	ssyncset.done $0x0;
	s14 =	sshrl.u32 s14, $0x3  }
0x159: {  	[sflag:s26] =	ssyncadd.s32 $0xFFFFFB00;
	s28 =	sadd.s32 s6, s14  }
0x15a: {  	[tilespmem:s19], [sflag:$0x3] =	stream.linear.gather [hbm4b:s28+s5], $0x50, $0x38;
	[tilespmem:$0x1E380] =	vst v63  }
0x15b: {  	s14 =	sadd.s32 s7, s14  }
0x15c: {  	[tilespmem:s20], [sflag:$0x3] =	stream.linear.gather [hbm4b:s14+s5], $0x50, $0x38;
	[tilespmem:$0x1E380] =	vst v63  }
0x15d: {  	_ =	swait.ge [sflag:s23], $0x50  }
0x15e: {  	[sflag:s23] =	ssyncset.done $0x0  }
0x15f: {  	[sflag:s23] =	ssyncadd.s32 $0xFFFFFFB0  }
0x160: {  	_ =	swait.ge [sflag:s23], $0x50  }
0x161: {  	[sflag:s23] =	ssyncset.done $0x0  }
0x162: {  	[sflag:s23] =	ssyncadd.s32 $0xFFFFFFB0  }
0x163: {  	[tilespmem:s24], [sflag:$0x5] =	stream.indirect.gather [hbm4b:s1+s15], $0x80, s5, s15, $0xb8;
	[tilespmem:$0x1E380] =	vst v63  }
0x164: {  	_ =	swait.ge [sflag:s9], $0x2800  }
0x165: {  	[sflag:s9] =	ssyncset.done $0x0  }
0x166: {  	[sflag:s9] =	ssyncadd.s32 $0xFFFFD800  }
0x167: {  	[spmem:s3] =	stream.indirect.scatter.add.f32 [tilespmem:s31], [sflag:$0x7], $0x80, s22, s15, $0xb8;
	[tilespmem:$0x1E380] =	vst v63  }
0x168: {  	_ =	swait.ge [sflag:s26], $0x2800  }
0x169: {  	[sflag:s26] =	ssyncset.done $0x0  }
0x16a: {  	s16 =	smin.u32 s16, $0x75;
	[sflag:s26] =	ssyncadd.s32 $0xFFFFD800  }
0x16b: {  	[spmem:s4] =	stream.indirect.scatter.add.f32 [tilespmem:s2], [sflag:$0x7], $0x10, s22, s15, $0xb8;
	[tilespmem:$0x1E380] =	vst v63  }
0x16c: {  	p0 =	sne.s32 s12, $0x78;
	s14 =	smul.u32 $0x50, s16;
	_ =	swait.ge [sflag:s26], $0x500  }
.Ltmp3:
0x16d: {  	s28 =	rddreg [dreg:$0x8];
	(pc) =	sbr.rel @p0 .LBB2_8-.Ltmp3, $4  }
0x16e: {  	s12 =	sadd.s32 $0x4, s12;
	s14 =	sadd.s32 s14, s28  }
0x16f: {  	s13 =	sadd.s32 $0x140, s13;
	[sflag:s26] =	ssyncset.done $0x0;
	s14 =	sshrl.u32 s14, $0x3  }
0x170: {  	[sflag:s26] =	ssyncadd.s32 $0xFFFFFB00;
	s28 =	sadd.s32 s6, s14;
	s16 =	sadd.s32 s7, s14  }
0x171: {  	[tilespmem:s21], [sflag:$0x4] =	stream.linear.gather [hbm4b:s28+s5], $0x50, $0x38;
	[tilespmem:$0x1E380] =	vst v63  }
0x172: {  	[tilespmem:s22], [sflag:$0x4] =	stream.linear.gather [hbm4b:s16+s5], $0x50, $0x38;
	[tilespmem:$0x1E380] =	vst v63  }
0x173: {  	_ =	swait.ge [sflag:s0], $0x2800  }
0x174: {  	[sflag:s0] =	ssyncset.done $0x0  }
0x175: {  	[sflag:s0] =	ssyncadd.s32 $0xFFFFD800  }
0x176: {  	[spmem:s3] =	stream.indirect.scatter.add.f32 [tilespmem:s24], [sflag:$0x7], $0x80, s15, s15, $0xb8;
	[tilespmem:$0x1E380] =	vst v63  }
0x177: {  	_ =	swait.ge [sflag:s26], $0x2800  }
0x178: {  	[sflag:s26] =	ssyncset.done $0x0  }
0x179: {  	[sflag:s26] =	ssyncadd.s32 $0xFFFFD800  }
0x17a: {  	[spmem:s4] =	stream.indirect.scatter.add.f32 [tilespmem:s2], [sflag:$0x7], $0x10, s15, s15, $0xb8;
	[tilespmem:$0x1E380] =	vst v63  }
0x17b: {  	_ =	swait.ge [sflag:s26], $0x500  }
0x17c: {  	[sflag:s26] =	ssyncset.done $0x0  }
0x17d: {  	[sflag:s26] =	ssyncadd.s32 $0xFFFFFB00  }
0x17e: {  	_ =	swait.ge [sflag:s30], $0x50  }
0x17f: {  	[sflag:s30] =	ssyncset.done $0x0  }
0x180: {  	[sflag:s30] =	ssyncadd.s32 $0xFFFFFFB0  }
0x181: {  	_ =	swait.ge [sflag:s30], $0x50  }
0x182: {  	[sflag:s30] =	ssyncset.done $0x0  }
0x183: {  	[sflag:s30] =	ssyncadd.s32 $0xFFFFFFB0  }
0x184: {  	_ =	swait.ge [sflag:s8], $0x50  }
0x185: {  	[sflag:s8] =	ssyncset.done $0x0  }
0x186: {  	[sflag:s8] =	ssyncadd.s32 $0xFFFFFFB0  }
0x187: {  	_ =	swait.ge [sflag:s8], $0x50  }
0x188: {  	[sflag:s8] =	ssyncset.done $0x0  }
0x189: {  	[sflag:s8] =	ssyncadd.s32 $0xFFFFFFB0  }
0x18a: {  	_ =	swait.ge [sflag:s10], $0x50  }
0x18b: {  	[sflag:s10] =	ssyncset.done $0x0  }
0x18c: {  	[sflag:s10] =	ssyncadd.s32 $0xFFFFFFB0  }
0x18d: {  	_ =	swait.ge [sflag:s10], $0x50  }
0x18e: {  	[sflag:s10] =	ssyncset.done $0x0  }
0x18f: {  	[sflag:s10] =	ssyncadd.s32 $0xFFFFFFB0  }
0x190: {  	[bflag:$0x0] =	sbarrier.arrive $0xFFFF  }
0x191: {  	s12 =	stileid.u32;
	s14 =	sld [smem:$0x7FB]  }
0x192: {  	s12 =	sshll.u32 s12, $0x6;
	s28 =	rddreg [dreg:$0x11]  }
0x193: {  	s12 =	sor.u32 $0x1C07, s12;
	s13 =	sshrl.u32 s28, $0x3  }
0x194: {  	[hbm:s14], [sflag:s12] =	dma.local [spmem:s13], $0x2800  }
0x195: {  	_ =	swait.ge [sflag:s26], $0x2800  }
0x196: {  	[sflag:s26] =	ssyncset.done $0x0;
	s14 =	rddreg [dreg:$0x1c]  }
0x197: {  	s16 =	rddreg [dreg:$0x12];
	[sflag:s26] =	ssyncadd.s32 $0xFFFFD800;
	s13 =	sshrl.u32 s14, $0x3  }
0x198: {  	[hbm:s16], [sflag:s12] =	dma.local [spmem:s13], $0x500  }
0x199: {  	_ =	swait.ge [sflag:s26], $0x500  }
0x19a: {  	s16 =	sld [smem:$0x7FC];
	_ =	sdelay $0x1  }
0x19b: {  	s11 =	sadd.s32 $0x1, s11  }
0x19c: {  	p0 =	sne.s32 s11, s16  }
.Ltmp4:
0x19d: {  	_ = 	snop;
	(pc) =	sbr.rel @p0 .LBB2_1-.Ltmp4, $3  }
0x19e: {  	_ =	sdelay $0x1  }
0x19f: {  	[sflag:s26] =	ssyncset.done $0x0  }
0x1a0: {  	[sflag:s26] =	ssyncadd.s32 $0xFFFFFB00  }
0x1a1: {  	_ =	sfence.sel $0x180000  }
0x1a2: {  	[bflag:$0x0] =	sbarrier.arrive $0xFFFF  }
0x1a3: {  	_ =	strace $0x90000047  }
0x1a4: {  	s0 =	stileid.u32;
	[bflag:$0x2] =	sbarrier.arrive $0xFFFF  }
0x1a5: {  	p0 =	sne.s32 s0, $0x0;
	s0 =	rddreg [dreg:$0x5]  }
0x1a6: {  	s0 =	sadd.s32 @!p0 $0x100000, s0  }
0x1a7: {  	[sflag:s0] =	ssyncadd.tile.s32 @!p0 $0x1;
	_ =	shalt  }
.Lfunc_end2:
_tile_overlayer_lowered:
.L_overlay_start_2:
0x1a8: {  	(tag) =	ssettag $0x2  }
0x1a9: {  	s0 =	rddreg [dreg:$0x0];
	s2 =	stileid.u32  }
0x1aa: {  	s1 =	rddreg [dreg:$0x1];
	p0 =	sne.s32 s2, $0x0  }
0x1ab: {  	s3 =	rddreg [dreg:$0x2];
	[bflag:$0x3] =	sbarrier.arrive $0xFFFF;
	s2 =	simm.s32 @!p0 $0x1C07  }
0x1ac: {  	[timem:s3], [sflag:s2] =	dma.local @!p0 [hbm:s0], s1  }
0x1ad: {  	s0 =	simm.s32 @!p0 $0x7  }
0x1ae: {  	_ =	swait.ge @!p0 [sflag:s0], s1  }
0x1af: {  	s1 =	ssub.s32 @!p0 $0x0, s1;
	[sflag:s0] =	ssyncset.done @!p0 $0x0  }
0x1b0: {  	[sflag:s0] =	ssyncadd.s32 @!p0 s1  }
0x1b1: {  	[bflag:$0x3] =	sbarrier.arrive $0xFFFF  }
0x1b2: {  	_ =	shalt  }

</sc_bundles>
